<compile_context>
chip_gen: v7x
topology: tpu7x:2x2x1
jax: 0.10.2.dev20260603
libtpu: 0.0.44.dev20260713+nightly
codegen_flags: <defaults>
</compile_context>

<pallas_src>
import functools

import jax
import jax.numpy as jnp
from jax import lax
from jax.experimental import pallas as pl
from jax.experimental.pallas import tpu as pltpu
from jax.experimental.pallas import tpu_sc as plsc

N = 10000
E = 320000
H = 128
NUM_GRAPHS = 64

NC = 2
NS = 16
NPC = N // NC
EPT = E // NS
CHUNK = 128
NCHUNK = -(-EPT // CHUNK)
EPT_PAD = NCHUNK * CHUNK

ACC_ROWS = 5120
ROWS_PT = ACC_ROWS // NS

DEG_PAD = 16384
DEG_EPT = DEG_PAD // NS
DEG_OR = DEG_PAD // 128

RB = 200
GRID = N // RB
BPP = NPC // RB

_vmesh = plsc.VectorSubcoreMesh(core_axis_name="c", subcore_axis_name="s")



@functools.partial(
    pl.kernel,
    out_type=jax.ShapeDtypeStruct((DEG_OR, 128), jnp.float32),
    mesh=_vmesh,
    scratch_types=[
        pltpu.VMEM((NCHUNK, CHUNK), jnp.int32),
        pltpu.VMEM((CHUNK,), jnp.float32),
        pltpu.VMEM((DEG_EPT,), jnp.float32),
        pltpu.VMEM((DEG_EPT // 128, 128), jnp.float32),
        pltpu.VMEM_SHARED((DEG_PAD,), jnp.float32),
    ],
)
def _sc_deg(dst_hbm, out_hbm, dst_v, ones_v, bounce_v, out2_v, acc_sh):
    c = lax.axis_index("c")
    s = lax.axis_index("s")
    pltpu.sync_copy(dst_hbm.at[s], dst_v)

    one16 = jnp.ones((16,), jnp.float32)
    zero16 = jnp.zeros((16,), jnp.float32)
    for l in range(CHUNK // 16):
        ones_v[pl.ds(16 * l, 16)] = one16
    for l in range(DEG_EPT // 16):
        bounce_v[pl.ds(16 * l, 16)] = zero16
    pltpu.sync_copy(bounce_v, acc_sh.at[pl.ds(s * DEG_EPT, DEG_EPT)])
    plsc.subcore_barrier()

    def body(j, carry):
        pltpu.sync_copy(ones_v, acc_sh.at[dst_v.at[j]], add=True)
        return carry

    lax.fori_loop(0, NCHUNK, body, 0)
    plsc.subcore_barrier()

    @pl.when(c == 0)
    def _writeout():
        pltpu.sync_copy(acc_sh.at[pl.ds(s * DEG_EPT, DEG_EPT)], bounce_v)
        for r in range(DEG_EPT // 128):
            for l in range(8):
                out2_v[r, pl.ds(16 * l, 16)] = bounce_v[pl.ds((r * 8 + l) * 16, 16)]
        pltpu.sync_copy(out2_v, out_hbm.at[pl.ds(s * (DEG_EPT // 128), DEG_EPT // 128)])


@functools.partial(
    pl.kernel,
    out_type=jax.ShapeDtypeStruct((NC, ACC_ROWS, H), jnp.float32),
    mesh=_vmesh,
    scratch_types=[
        pltpu.VMEM((NCHUNK, CHUNK), jnp.int32),
        pltpu.VMEM((NCHUNK, CHUNK), jnp.int32),
        pltpu.VMEM((CHUNK, H), jnp.float32),
        pltpu.VMEM((CHUNK, H), jnp.float32),
        pltpu.VMEM_SHARED((ACC_ROWS, H), jnp.float32),
        pltpu.SemaphoreType.DMA,
    ],
)
def _sc_scatter(u_hbm, src_hbm, dstloc_hbm, zeros2_hbm, out_hbm,
                src_v, dst_v, rows_v, zero_v, acc_sh, sem):
    c = lax.axis_index("c")
    s = lax.axis_index("s")
    pltpu.sync_copy(src_hbm.at[s], src_v)
    pltpu.sync_copy(dstloc_hbm.at[c].at[s], dst_v)
    pltpu.sync_copy(zeros2_hbm, zero_v)

    z0 = s * ROWS_PT
    pltpu.sync_copy(zero_v, acc_sh.at[pl.ds(z0, CHUNK)])
    pltpu.sync_copy(zero_v, acc_sh.at[pl.ds(z0 + CHUNK, CHUNK)])
    pltpu.sync_copy(zero_v.at[pl.ds(0, ROWS_PT - 2 * CHUNK)],
                    acc_sh.at[pl.ds(z0 + 2 * CHUNK, ROWS_PT - 2 * CHUNK)])
    plsc.subcore_barrier()

    def body(j, carry):
        pltpu.async_copy(u_hbm.at[src_v.at[j]], rows_v, sem).wait()
        pltpu.sync_copy(rows_v, acc_sh.at[dst_v.at[j]], add=True)
        return carry

    lax.fori_loop(0, NCHUNK, body, 0)
    plsc.subcore_barrier()

    for k in range(3):
        sz = CHUNK if k < 2 else ROWS_PT - 2 * CHUNK
        pltpu.sync_copy(acc_sh.at[pl.ds(z0 + k * CHUNK, sz)],
                        zero_v.at[pl.ds(0, sz)])
        pltpu.sync_copy(zero_v.at[pl.ds(0, sz)],
                        out_hbm.at[c].at[pl.ds(z0 + k * CHUNK, sz)])



def _acc_map(i):
    return (i // BPP, i % BPP, 0)


def _dinv_of(deg_ref):
    return lax.rsqrt(deg_ref[...] + 1.0)


def _tc_first_body(deg_ref, x_ref, w_ref, u_ref):
    dinv = _dinv_of(deg_ref)
    z = jnp.dot(x_ref[...], w_ref[...], preferred_element_type=jnp.float32)
    u_ref[...] = z * dinv


def _tc_first(deg2, x, W1):
    return pl.pallas_call(
        _tc_first_body,
        grid=(GRID,),
        in_specs=[
            pl.BlockSpec((RB, 1), lambda i: (i, 0)),
            pl.BlockSpec((RB, H), lambda i: (i, 0)),
            pl.BlockSpec((H, H), lambda i: (0, 0)),
        ],
        out_specs=pl.BlockSpec((RB, H), lambda i: (i, 0)),
        out_shape=jax.ShapeDtypeStruct((N, H), jnp.float32),
    )(deg2, x, W1)


def _relu_conv(acc_ref, u_ref, deg_ref, b_ref):
    dinv = _dinv_of(deg_ref)
    tot = acc_ref[0] + u_ref[...]
    return jnp.maximum(tot * dinv + b_ref[...], 0.0), dinv


def _tc_mid_body(acc_ref, u_ref, deg_ref, b_ref, w_ref, o_ref):
    h, dinv = _relu_conv(acc_ref, u_ref, deg_ref, b_ref)
    z = jnp.dot(h, w_ref[...], preferred_element_type=jnp.float32)
    o_ref[...] = z * dinv


def _tc_mid(acc, u, deg2, b2d, W):
    return pl.pallas_call(
        _tc_mid_body,
        grid=(GRID,),
        in_specs=[
            pl.BlockSpec((1, RB, H), _acc_map),
            pl.BlockSpec((RB, H), lambda i: (i, 0)),
            pl.BlockSpec((RB, 1), lambda i: (i, 0)),
            pl.BlockSpec((1, H), lambda i: (0, 0)),
            pl.BlockSpec((H, H), lambda i: (0, 0)),
        ],
        out_specs=pl.BlockSpec((RB, H), lambda i: (i, 0)),
        out_shape=jax.ShapeDtypeStruct((N, H), jnp.float32),
    )(acc, u, deg2, b2d, W)


def _tc_final_body(acc_ref, u_ref, deg_ref, b_ref, batch_ref,
                   w1_ref, b1_ref, w2_ref, b2_ref, out_ref, sums_s, cnt_s):
    i = pl.program_id(0)

    @pl.when(i == 0)
    def _init():
        sums_s[...] = jnp.zeros_like(sums_s)
        cnt_s[...] = jnp.zeros_like(cnt_s)

    h, _ = _relu_conv(acc_ref, u_ref, deg_ref, b_ref)
    gids = batch_ref[...]
    onehot = (gids == lax.broadcasted_iota(jnp.int32, (1, NUM_GRAPHS), 1)
              ).astype(jnp.float32)
    sums_s[...] += lax.dot_general(onehot, h, (((0,), (0,)), ((), ())),
                                   preferred_element_type=jnp.float32)
    cnt_s[...] += jnp.sum(onehot, axis=0)[:, None]

    @pl.when(i == GRID - 1)
    def _finish():
        pooled = sums_s[...] / jnp.maximum(cnt_s[...], 1.0)
        g = jnp.maximum(
            jnp.dot(pooled, w1_ref[...], preferred_element_type=jnp.float32)
            + b1_ref[...], 0.0)
        out_ref[...] = (
            jnp.dot(g, w2_ref[...], preferred_element_type=jnp.float32)
            + b2_ref[...])


def _tc_final(acc, u, deg2, b2d, batch2d, lin1_W, lin1_b2d, lin2_W, lin2_b2d):
    return pl.pallas_call(
        _tc_final_body,
        grid=(GRID,),
        in_specs=[
            pl.BlockSpec((1, RB, H), _acc_map),
            pl.BlockSpec((RB, H), lambda i: (i, 0)),
            pl.BlockSpec((RB, 1), lambda i: (i, 0)),
            pl.BlockSpec((1, H), lambda i: (0, 0)),
            pl.BlockSpec((RB, 1), lambda i: (i, 0)),
            pl.BlockSpec((H, H), lambda i: (0, 0)),
            pl.BlockSpec((1, H), lambda i: (0, 0)),
            pl.BlockSpec((H, 1), lambda i: (0, 0)),
            pl.BlockSpec((1, 1), lambda i: (0, 0)),
        ],
        out_specs=pl.BlockSpec((NUM_GRAPHS, 1), lambda i: (0, 0)),
        out_shape=jax.ShapeDtypeStruct((NUM_GRAPHS, 1), jnp.float32),
        scratch_shapes=[
            pltpu.VMEM((NUM_GRAPHS, H), jnp.float32),
            pltpu.VMEM((NUM_GRAPHS, 1), jnp.float32),
        ],
    )(acc, u, deg2, b2d, batch2d, lin1_W, lin1_b2d, lin2_W, lin2_b2d)



def kernel(x, edge_index, batch, W1, b1, W2, b2, W3, b3, W4, b4,
           lin1_W, lin1_b, lin2_W, lin2_b):
    src = edge_index[0].reshape(NS, EPT)
    dst = edge_index[1].reshape(NS, EPT)
    pad = ((0, 0), (0, EPT_PAD - EPT))
    src3 = jnp.pad(src, pad, constant_values=0).reshape(NS, NCHUNK, CHUNK)
    dst3 = jnp.pad(dst, pad, constant_values=N).reshape(NS, NCHUNK, CHUNK)
    dst_p = jnp.pad(dst, pad, constant_values=N)
    dst0 = jnp.where(dst_p < NPC, dst_p, NPC)
    dst1 = jnp.where(dst_p >= NPC, jnp.minimum(dst_p - NPC, NPC), NPC)
    dstloc = jnp.stack([dst0, dst1]).reshape(NC, NS, NCHUNK, CHUNK)

    zeros2 = jnp.zeros((CHUNK, H), jnp.float32)

    deg = _sc_deg(dst3)
    deg2 = deg.reshape(DEG_PAD)[:N].reshape(N, 1)

    u = _tc_first(deg2, x, W1)
    acc = _sc_scatter(u, src3, dstloc, zeros2)
    u = _tc_mid(acc, u, deg2, b1.reshape(1, H), W2)
    acc = _sc_scatter(u, src3, dstloc, zeros2)
    u = _tc_mid(acc, u, deg2, b2.reshape(1, H), W3)
    acc = _sc_scatter(u, src3, dstloc, zeros2)
    u = _tc_mid(acc, u, deg2, b3.reshape(1, H), W4)
    acc = _sc_scatter(u, src3, dstloc, zeros2)

    return _tc_final(acc, u, deg2, b4.reshape(1, H), batch.reshape(N, 1),
                     lin1_W, lin1_b.reshape(1, H), lin2_W,
                     lin2_b.reshape(1, 1))

# --- scband reference (transcript-rebuilt; emitter-appended) ---
"""Pipeline reference for scband-variable-depth-gcn-30949534335549 (READ-ONLY COPY).

The authoritative reference and input builder live on the scoring server;
editing this copy changes nothing except your own understanding.
"""

import jax, jax.numpy as jnp
import numpy as np

N = 10000
E = 320000
D_IN = 128
H = 128
D_OUT = 1
NUM_GRAPHS = 64
NUM_LAYERS = 4


def gcn_conv(x, edge_index, W, b):
    n = x.shape[0]
    loop = jnp.arange(n, dtype=edge_index.dtype)
    src = jnp.concatenate([edge_index[0], loop])
    dst = jnp.concatenate([edge_index[1], loop])
    deg = jax.ops.segment_sum(jnp.ones_like(dst, dtype=x.dtype), dst, num_segments=n)
    dinv = jnp.where(deg > 0, 1.0 / jnp.sqrt(deg), 0.0)
    norm = dinv[src] * dinv[dst]
    h = x @ W
    msg = h[src] * norm[:, None]
    out = jax.ops.segment_sum(msg, dst, num_segments=n)
    return out + b


def setup_inputs(seed: int = 0) -> dict:
    key = jax.random.key(seed)
    ks = jax.random.split(key, 16)
    x = jax.random.normal(ks[0], (N, D_IN), dtype=jnp.float32)
    edge_index = jax.random.randint(ks[1], (2, E), 0, N, dtype=jnp.int32)
    batch = jnp.sort(jax.random.randint(ks[2], (N,), 0, NUM_GRAPHS, dtype=jnp.int32))
    s_in = 1.0 / np.sqrt(D_IN)
    s_h = 1.0 / np.sqrt(H)
    W1 = jax.random.normal(ks[3], (D_IN, H), dtype=jnp.float32) * s_in
    b1 = jnp.zeros((H,), dtype=jnp.float32)
    W2 = jax.random.normal(ks[4], (H, H), dtype=jnp.float32) * s_h
    b2 = jnp.zeros((H,), dtype=jnp.float32)
    W3 = jax.random.normal(ks[5], (H, H), dtype=jnp.float32) * s_h
    b3 = jnp.zeros((H,), dtype=jnp.float32)
    W4 = jax.random.normal(ks[6], (H, H), dtype=jnp.float32) * s_h
    b4 = jnp.zeros((H,), dtype=jnp.float32)
    lin1_W = jax.random.normal(ks[7], (H, H), dtype=jnp.float32) * s_h
    lin1_b = jnp.zeros((H,), dtype=jnp.float32)
    lin2_W = jax.random.normal(ks[8], (H, D_OUT), dtype=jnp.float32) * s_h
    lin2_b = jnp.zeros((D_OUT,), dtype=jnp.float32)
    return {"x": x, "edge_index": edge_index, "batch": batch,
            "W1": W1, "b1": b1, "W2": W2, "b2": b2, "W3": W3, "b3": b3,
            "W4": W4, "b4": b4,
            "lin1_W": lin1_W, "lin1_b": lin1_b, "lin2_W": lin2_W, "lin2_b": lin2_b}


def reference(x, edge_index, batch, W1, b1, W2, b2, W3, b3, W4, b4,
              lin1_W, lin1_b, lin2_W, lin2_b):
    h = jax.nn.relu(gcn_conv(x, edge_index, W1, b1))
    for (W, b) in ((W2, b2), (W3, b3), (W4, b4)):
        h = jax.nn.relu(gcn_conv(h, edge_index, W, b))
    # global mean pool over batch segments
    sums = jax.ops.segment_sum(h, batch, num_segments=NUM_GRAPHS)
    cnt = jax.ops.segment_sum(jnp.ones((h.shape[0],), dtype=h.dtype), batch, num_segments=NUM_GRAPHS)
    pooled = sums / jnp.maximum(cnt, 1.0)[:, None]
    g = jax.nn.relu(pooled @ lin1_W + lin1_b)
    out = g @ lin2_W + lin2_b
    return out

if __name__ == "__main__":
    import jax
    _d = setup_inputs()
    print(jax.jit(kernel)(*tuple(_d.values())))

</pallas_src>

<mosaic_0001>
#map = affine_map<(d0, d1) -> (0, 0)>
#map1 = affine_map<(d0, d1) -> (0, 0, 0)>
#map2 = affine_map<(d0, d1) -> (0, 0, 0, 0)>
module attributes {stable_mosaic.version = 14 : i64} {
  func.func @_sc_scatter(%arg0: i32, %arg1: i32, %arg2: memref<10000x128xf32, #tpu.memory_space<hbm>>, %arg3: memref<16x157x128xi32, #tpu.memory_space<hbm>>, %arg4: memref<2x16x157x128xi32, #tpu.memory_space<hbm>>, %arg5: memref<128x128xf32, #tpu.memory_space<hbm>>, %arg6: memref<2x5120x128xf32, #tpu.memory_space<hbm>>, %arg7: memref<157x128xi32, #tpu.memory_space<vmem>>, %arg8: memref<157x128xi32, #tpu.memory_space<vmem>>, %arg9: memref<128x128xf32, #tpu.memory_space<vmem>>, %arg10: memref<128x128xf32, #tpu.memory_space<vmem>>, %arg11: memref<5120x128xf32, #tpu.memory_space<vmem_shared>>, %arg12: memref<!tpu.dma_semaphore, #tpu.memory_space<semaphore_mem>>) attributes {dimension_semantics = [#tpu.dimension_semantics<core_parallel>, #tpu.dimension_semantics<subcore_parallel>], iteration_bounds = array<i64: 2, 16>, scalar_prefetch = 0 : i64, scratch_operands = 6 : i64, tpu.core_type = #tpu.core_type<sc_vector_subcore>, window_params = [{transform_indices = #map}, {transform_indices = #map1}, {transform_indices = #map2}, {transform_indices = #map}, {transform_indices = #map1}]} {
    "tpu.region"() ({
      %run_scoped3A = tpu.sem_alloc : memref<!tpu.dma_semaphore, #tpu.memory_space<semaphore_mem>>
      %dma_start3A = arith.constant 0 : i32
      %dma_start3A_22 = arith.constant 0 : i32
      %dma_start3A_23 = tpu.memref_slice %arg3[%arg1, %dma_start3A, %dma_start3A_22] : memref<16x157x128xi32, #tpu.memory_space<hbm>> -> memref<1x157x128xi32, #tpu.memory_space<hbm>>
      %dma_start3A_24 = tpu.memref_squeeze %dma_start3A_23 : memref<1x157x128xi32, #tpu.memory_space<hbm>> -> memref<157x128xi32, #tpu.memory_space<hbm>>
      %dma_start3A_25 = arith.constant 0 : i32
      %dma_start3A_26 = arith.constant 0 : i32
      %dma_start3A_27 = tpu.memref_slice %arg3[%arg1, %dma_start3A_25, %dma_start3A_26] : memref<16x157x128xi32, #tpu.memory_space<hbm>> -> memref<1x157x128xi32, #tpu.memory_space<hbm>>
      %dma_start3A_28 = tpu.memref_squeeze %dma_start3A_27 : memref<1x157x128xi32, #tpu.memory_space<hbm>> -> memref<157x128xi32, #tpu.memory_space<hbm>>
      tpu.enqueue_dma source(%dma_start3A_28 : memref<157x128xi32, #tpu.memory_space<hbm>>) target(%arg7 : memref<157x128xi32, #tpu.memory_space<vmem>>) target_semaphore(%run_scoped3A : memref<!tpu.dma_semaphore, #tpu.memory_space<semaphore_mem>>)
      %dma_wait3A = arith.constant 0 : i32
      %dma_wait3A_29 = arith.constant 0 : i32
      %dma_wait3A_30 = tpu.memref_slice %arg3[%arg1, %dma_wait3A, %dma_wait3A_29] : memref<16x157x128xi32, #tpu.memory_space<hbm>> -> memref<1x157x128xi32, #tpu.memory_space<hbm>>
      %dma_wait3A_31 = tpu.memref_squeeze %dma_wait3A_30 : memref<1x157x128xi32, #tpu.memory_space<hbm>> -> memref<157x128xi32, #tpu.memory_space<hbm>>
      %dma_wait3A_32 = arith.constant 0 : i32
      %dma_wait3A_33 = arith.constant 0 : i32
      %dma_wait3A_34 = tpu.memref_slice %arg3[%arg1, %dma_wait3A_32, %dma_wait3A_33] : memref<16x157x128xi32, #tpu.memory_space<hbm>> -> memref<1x157x128xi32, #tpu.memory_space<hbm>>
      %dma_wait3A_35 = tpu.memref_squeeze %dma_wait3A_34 : memref<1x157x128xi32, #tpu.memory_space<hbm>> -> memref<157x128xi32, #tpu.memory_space<hbm>>
      tpu.wait_dma2 semaphore(%run_scoped3A : memref<!tpu.dma_semaphore, #tpu.memory_space<semaphore_mem>>) src(%dma_wait3A_35 : memref<157x128xi32, #tpu.memory_space<hbm>>) dst(%arg7 : memref<157x128xi32, #tpu.memory_space<vmem>>)
      tpu.yield
    }) : () -> ()
    "tpu.region"() ({
      %run_scoped3A = tpu.sem_alloc : memref<!tpu.dma_semaphore, #tpu.memory_space<semaphore_mem>>
      %dma_start3A = arith.constant 0 : i32
      %dma_start3A_22 = arith.constant 0 : i32
      %dma_start3A_23 = arith.constant 0 : i32
      %dma_start3A_24 = tpu.memref_slice %arg4[%arg0, %dma_start3A, %dma_start3A_22, %dma_start3A_23] : memref<2x16x157x128xi32, #tpu.memory_space<hbm>> -> memref<1x16x157x128xi32, #tpu.memory_space<hbm>>
      %dma_start3A_25 = tpu.memref_squeeze %dma_start3A_24 : memref<1x16x157x128xi32, #tpu.memory_space<hbm>> -> memref<16x157x128xi32, #tpu.memory_space<hbm>>
      %dma_start3A_26 = arith.constant 0 : i32
      %dma_start3A_27 = arith.constant 0 : i32
      %dma_start3A_28 = tpu.memref_slice %dma_start3A_25[%arg1, %dma_start3A_26, %dma_start3A_27] : memref<16x157x128xi32, #tpu.memory_space<hbm>> -> memref<1x157x128xi32, #tpu.memory_space<hbm>>
      %dma_start3A_29 = tpu.memref_squeeze %dma_start3A_28 : memref<1x157x128xi32, #tpu.memory_space<hbm>> -> memref<157x128xi32, #tpu.memory_space<hbm>>
      %dma_start3A_30 = arith.constant 0 : i32
      %dma_start3A_31 = arith.constant 0 : i32
      %dma_start3A_32 = arith.constant 0 : i32
      %dma_start3A_33 = tpu.memref_slice %arg4[%arg0, %dma_start3A_30, %dma_start3A_31, %dma_start3A_32] : memref<2x16x157x128xi32, #tpu.memory_space<hbm>> -> memref<1x16x157x128xi32, #tpu.memory_space<hbm>>
      %dma_start3A_34 = tpu.memref_squeeze %dma_start3A_33 : memref<1x16x157x128xi32, #tpu.memory_space<hbm>> -> memref<16x157x128xi32, #tpu.memory_space<hbm>>
      %dma_start3A_35 = arith.constant 0 : i32
      %dma_start3A_36 = arith.constant 0 : i32
      %dma_start3A_37 = tpu.memref_slice %dma_start3A_34[%arg1, %dma_start3A_35, %dma_start3A_36] : memref<16x157x128xi32, #tpu.memory_space<hbm>> -> memref<1x157x128xi32, #tpu.memory_space<hbm>>
      %dma_start3A_38 = tpu.memref_squeeze %dma_start3A_37 : memref<1x157x128xi32, #tpu.memory_space<hbm>> -> memref<157x128xi32, #tpu.memory_space<hbm>>
      tpu.enqueue_dma source(%dma_start3A_38 : memref<157x128xi32, #tpu.memory_space<hbm>>) target(%arg8 : memref<157x128xi32, #tpu.memory_space<vmem>>) target_semaphore(%run_scoped3A : memref<!tpu.dma_semaphore, #tpu.memory_space<semaphore_mem>>)
      %dma_wait3A = arith.constant 0 : i32
      %dma_wait3A_39 = arith.constant 0 : i32
      %dma_wait3A_40 = arith.constant 0 : i32
      %dma_wait3A_41 = tpu.memref_slice %arg4[%arg0, %dma_wait3A, %dma_wait3A_39, %dma_wait3A_40] : memref<2x16x157x128xi32, #tpu.memory_space<hbm>> -> memref<1x16x157x128xi32, #tpu.memory_space<hbm>>
      %dma_wait3A_42 = tpu.memref_squeeze %dma_wait3A_41 : memref<1x16x157x128xi32, #tpu.memory_space<hbm>> -> memref<16x157x128xi32, #tpu.memory_space<hbm>>
      %dma_wait3A_43 = arith.constant 0 : i32
      %dma_wait3A_44 = arith.constant 0 : i32
      %dma_wait3A_45 = tpu.memref_slice %dma_wait3A_42[%arg1, %dma_wait3A_43, %dma_wait3A_44] : memref<16x157x128xi32, #tpu.memory_space<hbm>> -> memref<1x157x128xi32, #tpu.memory_space<hbm>>
      %dma_wait3A_46 = tpu.memref_squeeze %dma_wait3A_45 : memref<1x157x128xi32, #tpu.memory_space<hbm>> -> memref<157x128xi32, #tpu.memory_space<hbm>>
      %dma_wait3A_47 = arith.constant 0 : i32
      %dma_wait3A_48 = arith.constant 0 : i32
      %dma_wait3A_49 = arith.constant 0 : i32
      %dma_wait3A_50 = tpu.memref_slice %arg4[%arg0, %dma_wait3A_47, %dma_wait3A_48, %dma_wait3A_49] : memref<2x16x157x128xi32, #tpu.memory_space<hbm>> -> memref<1x16x157x128xi32, #tpu.memory_space<hbm>>
      %dma_wait3A_51 = tpu.memref_squeeze %dma_wait3A_50 : memref<1x16x157x128xi32, #tpu.memory_space<hbm>> -> memref<16x157x128xi32, #tpu.memory_space<hbm>>
      %dma_wait3A_52 = arith.constant 0 : i32
      %dma_wait3A_53 = arith.constant 0 : i32
      %dma_wait3A_54 = tpu.memref_slice %dma_wait3A_51[%arg1, %dma_wait3A_52, %dma_wait3A_53] : memref<16x157x128xi32, #tpu.memory_space<hbm>> -> memref<1x157x128xi32, #tpu.memory_space<hbm>>
      %dma_wait3A_55 = tpu.memref_squeeze %dma_wait3A_54 : memref<1x157x128xi32, #tpu.memory_space<hbm>> -> memref<157x128xi32, #tpu.memory_space<hbm>>
      tpu.wait_dma2 semaphore(%run_scoped3A : memref<!tpu.dma_semaphore, #tpu.memory_space<semaphore_mem>>) src(%dma_wait3A_55 : memref<157x128xi32, #tpu.memory_space<hbm>>) dst(%arg8 : memref<157x128xi32, #tpu.memory_space<vmem>>)
      tpu.yield
    }) : () -> ()
    "tpu.region"() ({
      %run_scoped3A = tpu.sem_alloc : memref<!tpu.dma_semaphore, #tpu.memory_space<semaphore_mem>>
      tpu.enqueue_dma source(%arg5 : memref<128x128xf32, #tpu.memory_space<hbm>>) target(%arg10 : memref<128x128xf32, #tpu.memory_space<vmem>>) target_semaphore(%run_scoped3A : memref<!tpu.dma_semaphore, #tpu.memory_space<semaphore_mem>>)
      tpu.wait_dma2 semaphore(%run_scoped3A : memref<!tpu.dma_semaphore, #tpu.memory_space<semaphore_mem>>) src(%arg5 : memref<128x128xf32, #tpu.memory_space<hbm>>) dst(%arg10 : memref<128x128xf32, #tpu.memory_space<vmem>>)
      tpu.yield
    }) : () -> ()
    %mul3A = arith.constant 320 : i32
    %mul3A_0 = arith.muli %arg1, %mul3A : i32
    "tpu.region"() ({
      %run_scoped3A = tpu.sem_alloc : memref<!tpu.dma_semaphore, #tpu.memory_space<semaphore_mem>>
      %dma_start3A = arith.constant 0 : i32
      %dma_start3A_22 = tpu.memref_slice %arg11[%mul3A_0, %dma_start3A] : memref<5120x128xf32, #tpu.memory_space<vmem_shared>> -> memref<128x128xf32, #tpu.memory_space<vmem_shared>>
      %dma_start3A_23 = arith.constant 0 : i32
      %dma_start3A_24 = tpu.memref_slice %arg11[%mul3A_0, %dma_start3A_23] : memref<5120x128xf32, #tpu.memory_space<vmem_shared>> -> memref<128x128xf32, #tpu.memory_space<vmem_shared>>
      tpu.enqueue_dma source(%arg10 : memref<128x128xf32, #tpu.memory_space<vmem>>) target(%dma_start3A_24 : memref<128x128xf32, #tpu.memory_space<vmem_shared>>) target_semaphore(%run_scoped3A : memref<!tpu.dma_semaphore, #tpu.memory_space<semaphore_mem>>)
      %dma_wait3A = arith.constant 0 : i32
      %dma_wait3A_25 = tpu.memref_slice %arg11[%mul3A_0, %dma_wait3A] : memref<5120x128xf32, #tpu.memory_space<vmem_shared>> -> memref<128x128xf32, #tpu.memory_space<vmem_shared>>
      %dma_wait3A_26 = arith.constant 0 : i32
      %dma_wait3A_27 = tpu.memref_slice %arg11[%mul3A_0, %dma_wait3A_26] : memref<5120x128xf32, #tpu.memory_space<vmem_shared>> -> memref<128x128xf32, #tpu.memory_space<vmem_shared>>
      tpu.wait_dma2 semaphore(%run_scoped3A : memref<!tpu.dma_semaphore, #tpu.memory_space<semaphore_mem>>) src(%arg10 : memref<128x128xf32, #tpu.memory_space<vmem>>) dst(%dma_wait3A_27 : memref<128x128xf32, #tpu.memory_space<vmem_shared>>)
      tpu.yield
    }) : () -> ()
    %add3A = arith.constant 128 : i32
    %add3A_1 = arith.addi %mul3A_0, %add3A : i32
    "tpu.region"() ({
      %run_scoped3A = tpu.sem_alloc : memref<!tpu.dma_semaphore, #tpu.memory_space<semaphore_mem>>
      %dma_start3A = arith.constant 0 : i32
      %dma_start3A_22 = tpu.memref_slice %arg11[%add3A_1, %dma_start3A] : memref<5120x128xf32, #tpu.memory_space<vmem_shared>> -> memref<128x128xf32, #tpu.memory_space<vmem_shared>>
      %dma_start3A_23 = arith.constant 0 : i32
      %dma_start3A_24 = tpu.memref_slice %arg11[%add3A_1, %dma_start3A_23] : memref<5120x128xf32, #tpu.memory_space<vmem_shared>> -> memref<128x128xf32, #tpu.memory_space<vmem_shared>>
      tpu.enqueue_dma source(%arg10 : memref<128x128xf32, #tpu.memory_space<vmem>>) target(%dma_start3A_24 : memref<128x128xf32, #tpu.memory_space<vmem_shared>>) target_semaphore(%run_scoped3A : memref<!tpu.dma_semaphore, #tpu.memory_space<semaphore_mem>>)
      %dma_wait3A = arith.constant 0 : i32
      %dma_wait3A_25 = tpu.memref_slice %arg11[%add3A_1, %dma_wait3A] : memref<5120x128xf32, #tpu.memory_space<vmem_shared>> -> memref<128x128xf32, #tpu.memory_space<vmem_shared>>
      %dma_wait3A_26 = arith.constant 0 : i32
      %dma_wait3A_27 = tpu.memref_slice %arg11[%add3A_1, %dma_wait3A_26] : memref<5120x128xf32, #tpu.memory_space<vmem_shared>> -> memref<128x128xf32, #tpu.memory_space<vmem_shared>>
      tpu.wait_dma2 semaphore(%run_scoped3A : memref<!tpu.dma_semaphore, #tpu.memory_space<semaphore_mem>>) src(%arg10 : memref<128x128xf32, #tpu.memory_space<vmem>>) dst(%dma_wait3A_27 : memref<128x128xf32, #tpu.memory_space<vmem_shared>>)
      tpu.yield
    }) : () -> ()
    %add3A_2 = arith.constant 256 : i32
    %add3A_3 = arith.addi %mul3A_0, %add3A_2 : i32
    "tpu.region"() ({
      %run_scoped3A = tpu.sem_alloc : memref<!tpu.dma_semaphore, #tpu.memory_space<semaphore_mem>>
      %dma_start3A = arith.constant 0 : i32
      %dma_start3A_22 = arith.constant 0 : i32
      %dma_start3A_23 = tpu.memref_slice %arg10[%dma_start3A, %dma_start3A_22] : memref<128x128xf32, #tpu.memory_space<vmem>> -> memref<64x128xf32, #tpu.memory_space<vmem>>
      %dma_start3A_24 = arith.constant 0 : i32
      %dma_start3A_25 = tpu.memref_slice %arg11[%add3A_3, %dma_start3A_24] : memref<5120x128xf32, #tpu.memory_space<vmem_shared>> -> memref<64x128xf32, #tpu.memory_space<vmem_shared>>
      %dma_start3A_26 = arith.constant 0 : i32
      %dma_start3A_27 = tpu.memref_slice %arg11[%add3A_3, %dma_start3A_26] : memref<5120x128xf32, #tpu.memory_space<vmem_shared>> -> memref<64x128xf32, #tpu.memory_space<vmem_shared>>
      %dma_start3A_28 = arith.constant 0 : i32
      %dma_start3A_29 = arith.constant 0 : i32
      %dma_start3A_30 = tpu.memref_slice %arg10[%dma_start3A_28, %dma_start3A_29] : memref<128x128xf32, #tpu.memory_space<vmem>> -> memref<64x128xf32, #tpu.memory_space<vmem>>
      tpu.enqueue_dma source(%dma_start3A_30 : memref<64x128xf32, #tpu.memory_space<vmem>>) target(%dma_start3A_27 : memref<64x128xf32, #tpu.memory_space<vmem_shared>>) target_semaphore(%run_scoped3A : memref<!tpu.dma_semaphore, #tpu.memory_space<semaphore_mem>>)
      %dma_wait3A = arith.constant 0 : i32
      %dma_wait3A_31 = arith.constant 0 : i32
      %dma_wait3A_32 = tpu.memref_slice %arg10[%dma_wait3A, %dma_wait3A_31] : memref<128x128xf32, #tpu.memory_space<vmem>> -> memref<64x128xf32, #tpu.memory_space<vmem>>
      %dma_wait3A_33 = arith.constant 0 : i32
      %dma_wait3A_34 = tpu.memref_slice %arg11[%add3A_3, %dma_wait3A_33] : memref<5120x128xf32, #tpu.memory_space<vmem_shared>> -> memref<64x128xf32, #tpu.memory_space<vmem_shared>>
      %dma_wait3A_35 = arith.constant 0 : i32
      %dma_wait3A_36 = tpu.memref_slice %arg11[%add3A_3, %dma_wait3A_35] : memref<5120x128xf32, #tpu.memory_space<vmem_shared>> -> memref<64x128xf32, #tpu.memory_space<vmem_shared>>
      %dma_wait3A_37 = arith.constant 0 : i32
      %dma_wait3A_38 = arith.constant 0 : i32
      %dma_wait3A_39 = tpu.memref_slice %arg10[%dma_wait3A_37, %dma_wait3A_38] : memref<128x128xf32, #tpu.memory_space<vmem>> -> memref<64x128xf32, #tpu.memory_space<vmem>>
      tpu.wait_dma2 semaphore(%run_scoped3A : memref<!tpu.dma_semaphore, #tpu.memory_space<semaphore_mem>>) src(%dma_wait3A_39 : memref<64x128xf32, #tpu.memory_space<vmem>>) dst(%dma_wait3A_36 : memref<64x128xf32, #tpu.memory_space<vmem_shared>>)
      tpu.yield
    }) : () -> ()
    %barrier3A = arith.constant 0 : index
    tpu.barrier barrier_id(%barrier3A)
    %scan3A = arith.constant 0 : i32
    %scan3A_4 = arith.constant 0 : i32
    %scan3A_5 = arith.constant 157 : i32
    %scan3A_6 = arith.addi %scan3A_4, %scan3A_5 : i32
    %scan3A_7 = arith.constant 1 : i32
    scf.for %scan3A_22 = %scan3A_4 to %scan3A_6 step %scan3A_7  : i32 {
      %dma_start3A = arith.constant 0 : i32
      %dma_start3A_23 = tpu.memref_slice %arg7[%scan3A_22, %dma_start3A] : memref<157x128xi32, #tpu.memory_space<vmem>> -> memref<1x128xi32, #tpu.memory_space<vmem>>
      %dma_start3A_24 = tpu.memref_squeeze %dma_start3A_23 : memref<1x128xi32, #tpu.memory_space<vmem>> -> memref<128xi32, #tpu.memory_space<vmem>>
      %dma_start3A_25 = arith.constant 0 : i32
      %dma_start3A_26 = arith.constant 0 : i32
      %dma_start3A_27 = tpu.memref_slice %arg2[%dma_start3A_25, %dma_start3A_26] : memref<10000x128xf32, #tpu.memory_space<hbm>> -> memref<10000x128xf32, #tpu.memory_space<hbm>>
      tpu.enqueue_indirect_dma source(%dma_start3A_27 : memref<10000x128xf32, #tpu.memory_space<hbm>>) target(%arg9 : memref<128x128xf32, #tpu.memory_space<vmem>>) offsets(%dma_start3A_24 : memref<128xi32, #tpu.memory_space<vmem>>) semaphore(%arg12 : memref<!tpu.dma_semaphore, #tpu.memory_space<semaphore_mem>>)
      %dma_wait3A = arith.constant 0 : i32
      %dma_wait3A_28 = tpu.memref_slice %arg7[%scan3A_22, %dma_wait3A] : memref<157x128xi32, #tpu.memory_space<vmem>> -> memref<1x128xi32, #tpu.memory_space<vmem>>
      %dma_wait3A_29 = tpu.memref_squeeze %dma_wait3A_28 : memref<1x128xi32, #tpu.memory_space<vmem>> -> memref<128xi32, #tpu.memory_space<vmem>>
      %dma_wait3A_30 = arith.constant 0 : i32
      %dma_wait3A_31 = arith.constant 0 : i32
      %dma_wait3A_32 = tpu.memref_slice %arg2[%dma_wait3A_30, %dma_wait3A_31] : memref<10000x128xf32, #tpu.memory_space<hbm>> -> memref<10000x128xf32, #tpu.memory_space<hbm>>
      tpu.wait_indirect_dma semaphore(%arg12 : memref<!tpu.dma_semaphore, #tpu.memory_space<semaphore_mem>>) src(%dma_wait3A_32 : memref<10000x128xf32, #tpu.memory_space<hbm>>) dst(%arg9 : memref<128x128xf32, #tpu.memory_space<vmem>>)
      "tpu.region"() ({
        %run_scoped3A = tpu.sem_alloc : memref<!tpu.dma_semaphore, #tpu.memory_space<semaphore_mem>>
        %dma_start3A_33 = arith.constant 0 : i32
        %dma_start3A_34 = tpu.memref_slice %arg8[%scan3A_22, %dma_start3A_33] : memref<157x128xi32, #tpu.memory_space<vmem>> -> memref<1x128xi32, #tpu.memory_space<vmem>>
        %dma_start3A_35 = tpu.memref_squeeze %dma_start3A_34 : memref<1x128xi32, #tpu.memory_space<vmem>> -> memref<128xi32, #tpu.memory_space<vmem>>
        %dma_start3A_36 = arith.constant 0 : i32
        %dma_start3A_37 = arith.constant 0 : i32
        %dma_start3A_38 = tpu.memref_slice %arg11[%dma_start3A_36, %dma_start3A_37] : memref<5120x128xf32, #tpu.memory_space<vmem_shared>> -> memref<5120x128xf32, #tpu.memory_space<vmem_shared>>
        tpu.enqueue_indirect_dma source(%arg9 : memref<128x128xf32, #tpu.memory_space<vmem>>) target(%dma_start3A_38 : memref<5120x128xf32, #tpu.memory_space<vmem_shared>>) offsets(%dma_start3A_35 : memref<128xi32, #tpu.memory_space<vmem>>) semaphore(%run_scoped3A : memref<!tpu.dma_semaphore, #tpu.memory_space<semaphore_mem>>) {add = true}
        %dma_wait3A_39 = arith.constant 0 : i32
        %dma_wait3A_40 = tpu.memref_slice %arg8[%scan3A_22, %dma_wait3A_39] : memref<157x128xi32, #tpu.memory_space<vmem>> -> memref<1x128xi32, #tpu.memory_space<vmem>>
        %dma_wait3A_41 = tpu.memref_squeeze %dma_wait3A_40 : memref<1x128xi32, #tpu.memory_space<vmem>> -> memref<128xi32, #tpu.memory_space<vmem>>
        %dma_wait3A_42 = arith.constant 0 : i32
        %dma_wait3A_43 = arith.constant 0 : i32
        %dma_wait3A_44 = tpu.memref_slice %arg11[%dma_wait3A_42, %dma_wait3A_43] : memref<5120x128xf32, #tpu.memory_space<vmem_shared>> -> memref<5120x128xf32, #tpu.memory_space<vmem_shared>>
        tpu.wait_indirect_dma semaphore(%run_scoped3A : memref<!tpu.dma_semaphore, #tpu.memory_space<semaphore_mem>>) src(%arg9 : memref<128x128xf32, #tpu.memory_space<vmem>>) dst(%dma_wait3A_44 : memref<5120x128xf32, #tpu.memory_space<vmem_shared>>)
        tpu.yield
      }) : () -> ()
    }
    %scan3A_8 = arith.constant 157 : i32
    %barrier3A_9 = arith.constant 0 : index
    tpu.barrier barrier_id(%barrier3A_9)
    %add3A_10 = arith.constant 0 : i32
    %add3A_11 = arith.addi %mul3A_0, %add3A_10 : i32
    "tpu.region"() ({
      %run_scoped3A = tpu.sem_alloc : memref<!tpu.dma_semaphore, #tpu.memory_space<semaphore_mem>>
      %dma_start3A = arith.constant 0 : i32
      %dma_start3A_22 = arith.constant 0 : i32
      %dma_start3A_23 = tpu.memref_slice %arg10[%dma_start3A, %dma_start3A_22] : memref<128x128xf32, #tpu.memory_space<vmem>> -> memref<128x128xf32, #tpu.memory_space<vmem>>
      %dma_start3A_24 = arith.constant 0 : i32
      %dma_start3A_25 = tpu.memref_slice %arg11[%add3A_11, %dma_start3A_24] : memref<5120x128xf32, #tpu.memory_space<vmem_shared>> -> memref<128x128xf32, #tpu.memory_space<vmem_shared>>
      %dma_start3A_26 = arith.constant 0 : i32
      %dma_start3A_27 = arith.constant 0 : i32
      %dma_start3A_28 = tpu.memref_slice %arg10[%dma_start3A_26, %dma_start3A_27] : memref<128x128xf32, #tpu.memory_space<vmem>> -> memref<128x128xf32, #tpu.memory_space<vmem>>
      %dma_start3A_29 = arith.constant 0 : i32
      %dma_start3A_30 = tpu.memref_slice %arg11[%add3A_11, %dma_start3A_29] : memref<5120x128xf32, #tpu.memory_space<vmem_shared>> -> memref<128x128xf32, #tpu.memory_space<vmem_shared>>
      tpu.enqueue_dma source(%dma_start3A_30 : memref<128x128xf32, #tpu.memory_space<vmem_shared>>) target(%dma_start3A_28 : memref<128x128xf32, #tpu.memory_space<vmem>>) target_semaphore(%run_scoped3A : memref<!tpu.dma_semaphore, #tpu.memory_space<semaphore_mem>>)
      %dma_wait3A = arith.constant 0 : i32
      %dma_wait3A_31 = arith.constant 0 : i32
      %dma_wait3A_32 = tpu.memref_slice %arg10[%dma_wait3A, %dma_wait3A_31] : memref<128x128xf32, #tpu.memory_space<vmem>> -> memref<128x128xf32, #tpu.memory_space<vmem>>
      %dma_wait3A_33 = arith.constant 0 : i32
      %dma_wait3A_34 = tpu.memref_slice %arg11[%add3A_11, %dma_wait3A_33] : memref<5120x128xf32, #tpu.memory_space<vmem_shared>> -> memref<128x128xf32, #tpu.memory_space<vmem_shared>>
      %dma_wait3A_35 = arith.constant 0 : i32
      %dma_wait3A_36 = arith.constant 0 : i32
      %dma_wait3A_37 = tpu.memref_slice %arg10[%dma_wait3A_35, %dma_wait3A_36] : memref<128x128xf32, #tpu.memory_space<vmem>> -> memref<128x128xf32, #tpu.memory_space<vmem>>
      %dma_wait3A_38 = arith.constant 0 : i32
      %dma_wait3A_39 = tpu.memref_slice %arg11[%add3A_11, %dma_wait3A_38] : memref<5120x128xf32, #tpu.memory_space<vmem_shared>> -> memref<128x128xf32, #tpu.memory_space<vmem_shared>>
      tpu.wait_dma2 semaphore(%run_scoped3A : memref<!tpu.dma_semaphore, #tpu.memory_space<semaphore_mem>>) src(%dma_wait3A_39 : memref<128x128xf32, #tpu.memory_space<vmem_shared>>) dst(%dma_wait3A_37 : memref<128x128xf32, #tpu.memory_space<vmem>>)
      tpu.yield
    }) : () -> ()
    %add3A_12 = arith.constant 0 : i32
    %add3A_13 = arith.addi %mul3A_0, %add3A_12 : i32
    "tpu.region"() ({
      %run_scoped3A = tpu.sem_alloc : memref<!tpu.dma_semaphore, #tpu.memory_space<semaphore_mem>>
      %dma_start3A = arith.constant 0 : i32
      %dma_start3A_22 = arith.constant 0 : i32
      %dma_start3A_23 = tpu.memref_slice %arg10[%dma_start3A, %dma_start3A_22] : memref<128x128xf32, #tpu.memory_space<vmem>> -> memref<128x128xf32, #tpu.memory_space<vmem>>
      %dma_start3A_24 = arith.constant 0 : i32
      %dma_start3A_25 = arith.constant 0 : i32
      %dma_start3A_26 = tpu.memref_slice %arg6[%arg0, %dma_start3A_24, %dma_start3A_25] : memref<2x5120x128xf32, #tpu.memory_space<hbm>> -> memref<1x5120x128xf32, #tpu.memory_space<hbm>>
      %dma_start3A_27 = tpu.memref_squeeze %dma_start3A_26 : memref<1x5120x128xf32, #tpu.memory_space<hbm>> -> memref<5120x128xf32, #tpu.memory_space<hbm>>
      %dma_start3A_28 = arith.constant 0 : i32
      %dma_start3A_29 = tpu.memref_slice %dma_start3A_27[%add3A_13, %dma_start3A_28] : memref<5120x128xf32, #tpu.memory_space<hbm>> -> memref<128x128xf32, #tpu.memory_space<hbm>>
      %dma_start3A_30 = arith.constant 0 : i32
      %dma_start3A_31 = arith.constant 0 : i32
      %dma_start3A_32 = tpu.memref_slice %arg6[%arg0, %dma_start3A_30, %dma_start3A_31] : memref<2x5120x128xf32, #tpu.memory_space<hbm>> -> memref<1x5120x128xf32, #tpu.memory_space<hbm>>
      %dma_start3A_33 = tpu.memref_squeeze %dma_start3A_32 : memref<1x5120x128xf32, #tpu.memory_space<hbm>> -> memref<5120x128xf32, #tpu.memory_space<hbm>>
      %dma_start3A_34 = arith.constant 0 : i32
      %dma_start3A_35 = tpu.memref_slice %dma_start3A_33[%add3A_13, %dma_start3A_34] : memref<5120x128xf32, #tpu.memory_space<hbm>> -> memref<128x128xf32, #tpu.memory_space<hbm>>
      %dma_start3A_36 = arith.constant 0 : i32
      %dma_start3A_37 = arith.constant 0 : i32
      %dma_start3A_38 = tpu.memref_slice %arg10[%dma_start3A_36, %dma_start3A_37] : memref<128x128xf32, #tpu.memory_space<vmem>> -> memref<128x128xf32, #tpu.memory_space<vmem>>
      tpu.enqueue_dma source(%dma_start3A_38 : memref<128x128xf32, #tpu.memory_space<vmem>>) target(%dma_start3A_35 : memref<128x128xf32, #tpu.memory_space<hbm>>) target_semaphore(%run_scoped3A : memref<!tpu.dma_semaphore, #tpu.memory_space<semaphore_mem>>)
      %dma_wait3A = arith.constant 0 : i32
      %dma_wait3A_39 = arith.constant 0 : i32
      %dma_wait3A_40 = tpu.memref_slice %arg10[%dma_wait3A, %dma_wait3A_39] : memref<128x128xf32, #tpu.memory_space<vmem>> -> memref<128x128xf32, #tpu.memory_space<vmem>>
      %dma_wait3A_41 = arith.constant 0 : i32
      %dma_wait3A_42 = arith.constant 0 : i32
      %dma_wait3A_43 = tpu.memref_slice %arg6[%arg0, %dma_wait3A_41, %dma_wait3A_42] : memref<2x5120x128xf32, #tpu.memory_space<hbm>> -> memref<1x5120x128xf32, #tpu.memory_space<hbm>>
      %dma_wait3A_44 = tpu.memref_squeeze %dma_wait3A_43 : memref<1x5120x128xf32, #tpu.memory_space<hbm>> -> memref<5120x128xf32, #tpu.memory_space<hbm>>
      %dma_wait3A_45 = arith.constant 0 : i32
      %dma_wait3A_46 = tpu.memref_slice %dma_wait3A_44[%add3A_13, %dma_wait3A_45] : memref<5120x128xf32, #tpu.memory_space<hbm>> -> memref<128x128xf32, #tpu.memory_space<hbm>>
      %dma_wait3A_47 = arith.constant 0 : i32
      %dma_wait3A_48 = arith.constant 0 : i32
      %dma_wait3A_49 = tpu.memref_slice %arg6[%arg0, %dma_wait3A_47, %dma_wait3A_48] : memref<2x5120x128xf32, #tpu.memory_space<hbm>> -> memref<1x5120x128xf32, #tpu.memory_space<hbm>>
      %dma_wait3A_50 = tpu.memref_squeeze %dma_wait3A_49 : memref<1x5120x128xf32, #tpu.memory_space<hbm>> -> memref<5120x128xf32, #tpu.memory_space<hbm>>
      %dma_wait3A_51 = arith.constant 0 : i32
      %dma_wait3A_52 = tpu.memref_slice %dma_wait3A_50[%add3A_13, %dma_wait3A_51] : memref<5120x128xf32, #tpu.memory_space<hbm>> -> memref<128x128xf32, #tpu.memory_space<hbm>>
      %dma_wait3A_53 = arith.constant 0 : i32
      %dma_wait3A_54 = arith.constant 0 : i32
      %dma_wait3A_55 = tpu.memref_slice %arg10[%dma_wait3A_53, %dma_wait3A_54] : memref<128x128xf32, #tpu.memory_space<vmem>> -> memref<128x128xf32, #tpu.memory_space<vmem>>
      tpu.wait_dma2 semaphore(%run_scoped3A : memref<!tpu.dma_semaphore, #tpu.memory_space<semaphore_mem>>) src(%dma_wait3A_55 : memref<128x128xf32, #tpu.memory_space<vmem>>) dst(%dma_wait3A_52 : memref<128x128xf32, #tpu.memory_space<hbm>>)
      tpu.yield
    }) : () -> ()
    %add3A_14 = arith.constant 128 : i32
    %add3A_15 = arith.addi %mul3A_0, %add3A_14 : i32
    "tpu.region"() ({
      %run_scoped3A = tpu.sem_alloc : memref<!tpu.dma_semaphore, #tpu.memory_space<semaphore_mem>>
      %dma_start3A = arith.constant 0 : i32
      %dma_start3A_22 = arith.constant 0 : i32
      %dma_start3A_23 = tpu.memref_slice %arg10[%dma_start3A, %dma_start3A_22] : memref<128x128xf32, #tpu.memory_space<vmem>> -> memref<128x128xf32, #tpu.memory_space<vmem>>
      %dma_start3A_24 = arith.constant 0 : i32
      %dma_start3A_25 = tpu.memref_slice %arg11[%add3A_15, %dma_start3A_24] : memref<5120x128xf32, #tpu.memory_space<vmem_shared>> -> memref<128x128xf32, #tpu.memory_space<vmem_shared>>
      %dma_start3A_26 = arith.constant 0 : i32
      %dma_start3A_27 = arith.constant 0 : i32
      %dma_start3A_28 = tpu.memref_slice %arg10[%dma_start3A_26, %dma_start3A_27] : memref<128x128xf32, #tpu.memory_space<vmem>> -> memref<128x128xf32, #tpu.memory_space<vmem>>
      %dma_start3A_29 = arith.constant 0 : i32
      %dma_start3A_30 = tpu.memref_slice %arg11[%add3A_15, %dma_start3A_29] : memref<5120x128xf32, #tpu.memory_space<vmem_shared>> -> memref<128x128xf32, #tpu.memory_space<vmem_shared>>
      tpu.enqueue_dma source(%dma_start3A_30 : memref<128x128xf32, #tpu.memory_space<vmem_shared>>) target(%dma_start3A_28 : memref<128x128xf32, #tpu.memory_space<vmem>>) target_semaphore(%run_scoped3A : memref<!tpu.dma_semaphore, #tpu.memory_space<semaphore_mem>>)
      %dma_wait3A = arith.constant 0 : i32
      %dma_wait3A_31 = arith.constant 0 : i32
      %dma_wait3A_32 = tpu.memref_slice %arg10[%dma_wait3A, %dma_wait3A_31] : memref<128x128xf32, #tpu.memory_space<vmem>> -> memref<128x128xf32, #tpu.memory_space<vmem>>
      %dma_wait3A_33 = arith.constant 0 : i32
      %dma_wait3A_34 = tpu.memref_slice %arg11[%add3A_15, %dma_wait3A_33] : memref<5120x128xf32, #tpu.memory_space<vmem_shared>> -> memref<128x128xf32, #tpu.memory_space<vmem_shared>>
      %dma_wait3A_35 = arith.constant 0 : i32
      %dma_wait3A_36 = arith.constant 0 : i32
      %dma_wait3A_37 = tpu.memref_slice %arg10[%dma_wait3A_35, %dma_wait3A_36] : memref<128x128xf32, #tpu.memory_space<vmem>> -> memref<128x128xf32, #tpu.memory_space<vmem>>
      %dma_wait3A_38 = arith.constant 0 : i32
      %dma_wait3A_39 = tpu.memref_slice %arg11[%add3A_15, %dma_wait3A_38] : memref<5120x128xf32, #tpu.memory_space<vmem_shared>> -> memref<128x128xf32, #tpu.memory_space<vmem_shared>>
      tpu.wait_dma2 semaphore(%run_scoped3A : memref<!tpu.dma_semaphore, #tpu.memory_space<semaphore_mem>>) src(%dma_wait3A_39 : memref<128x128xf32, #tpu.memory_space<vmem_shared>>) dst(%dma_wait3A_37 : memref<128x128xf32, #tpu.memory_space<vmem>>)
      tpu.yield
    }) : () -> ()
    %add3A_16 = arith.constant 128 : i32
    %add3A_17 = arith.addi %mul3A_0, %add3A_16 : i32
    "tpu.region"() ({
      %run_scoped3A = tpu.sem_alloc : memref<!tpu.dma_semaphore, #tpu.memory_space<semaphore_mem>>
      %dma_start3A = arith.constant 0 : i32
      %dma_start3A_22 = arith.constant 0 : i32
      %dma_start3A_23 = tpu.memref_slice %arg10[%dma_start3A, %dma_start3A_22] : memref<128x128xf32, #tpu.memory_space<vmem>> -> memref<128x128xf32, #tpu.memory_space<vmem>>
      %dma_start3A_24 = arith.constant 0 : i32
      %dma_start3A_25 = arith.constant 0 : i32
      %dma_start3A_26 = tpu.memref_slice %arg6[%arg0, %dma_start3A_24, %dma_start3A_25] : memref<2x5120x128xf32, #tpu.memory_space<hbm>> -> memref<1x5120x128xf32, #tpu.memory_space<hbm>>
      %dma_start3A_27 = tpu.memref_squeeze %dma_start3A_26 : memref<1x5120x128xf32, #tpu.memory_space<hbm>> -> memref<5120x128xf32, #tpu.memory_space<hbm>>
      %dma_start3A_28 = arith.constant 0 : i32
      %dma_start3A_29 = tpu.memref_slice %dma_start3A_27[%add3A_17, %dma_start3A_28] : memref<5120x128xf32, #tpu.memory_space<hbm>> -> memref<128x128xf32, #tpu.memory_space<hbm>>
      %dma_start3A_30 = arith.constant 0 : i32
      %dma_start3A_31 = arith.constant 0 : i32
      %dma_start3A_32 = tpu.memref_slice %arg6[%arg0, %dma_start3A_30, %dma_start3A_31] : memref<2x5120x128xf32, #tpu.memory_space<hbm>> -> memref<1x5120x128xf32, #tpu.memory_space<hbm>>
      %dma_start3A_33 = tpu.memref_squeeze %dma_start3A_32 : memref<1x5120x128xf32, #tpu.memory_space<hbm>> -> memref<5120x128xf32, #tpu.memory_space<hbm>>
      %dma_start3A_34 = arith.constant 0 : i32
      %dma_start3A_35 = tpu.memref_slice %dma_start3A_33[%add3A_17, %dma_start3A_34] : memref<5120x128xf32, #tpu.memory_space<hbm>> -> memref<128x128xf32, #tpu.memory_space<hbm>>
      %dma_start3A_36 = arith.constant 0 : i32
      %dma_start3A_37 = arith.constant 0 : i32
      %dma_start3A_38 = tpu.memref_slice %arg10[%dma_start3A_36, %dma_start3A_37] : memref<128x128xf32, #tpu.memory_space<vmem>> -> memref<128x128xf32, #tpu.memory_space<vmem>>
      tpu.enqueue_dma source(%dma_start3A_38 : memref<128x128xf32, #tpu.memory_space<vmem>>) target(%dma_start3A_35 : memref<128x128xf32, #tpu.memory_space<hbm>>) target_semaphore(%run_scoped3A : memref<!tpu.dma_semaphore, #tpu.memory_space<semaphore_mem>>)
      %dma_wait3A = arith.constant 0 : i32
      %dma_wait3A_39 = arith.constant 0 : i32
      %dma_wait3A_40 = tpu.memref_slice %arg10[%dma_wait3A, %dma_wait3A_39] : memref<128x128xf32, #tpu.memory_space<vmem>> -> memref<128x128xf32, #tpu.memory_space<vmem>>
      %dma_wait3A_41 = arith.constant 0 : i32
      %dma_wait3A_42 = arith.constant 0 : i32
      %dma_wait3A_43 = tpu.memref_slice %arg6[%arg0, %dma_wait3A_41, %dma_wait3A_42] : memref<2x5120x128xf32, #tpu.memory_space<hbm>> -> memref<1x5120x128xf32, #tpu.memory_space<hbm>>
      %dma_wait3A_44 = tpu.memref_squeeze %dma_wait3A_43 : memref<1x5120x128xf32, #tpu.memory_space<hbm>> -> memref<5120x128xf32, #tpu.memory_space<hbm>>
      %dma_wait3A_45 = arith.constant 0 : i32
      %dma_wait3A_46 = tpu.memref_slice %dma_wait3A_44[%add3A_17, %dma_wait3A_45] : memref<5120x128xf32, #tpu.memory_space<hbm>> -> memref<128x128xf32, #tpu.memory_space<hbm>>
      %dma_wait3A_47 = arith.constant 0 : i32
      %dma_wait3A_48 = arith.constant 0 : i32
      %dma_wait3A_49 = tpu.memref_slice %arg6[%arg0, %dma_wait3A_47, %dma_wait3A_48] : memref<2x5120x128xf32, #tpu.memory_space<hbm>> -> memref<1x5120x128xf32, #tpu.memory_space<hbm>>
      %dma_wait3A_50 = tpu.memref_squeeze %dma_wait3A_49 : memref<1x5120x128xf32, #tpu.memory_space<hbm>> -> memref<5120x128xf32, #tpu.memory_space<hbm>>
      %dma_wait3A_51 = arith.constant 0 : i32
      %dma_wait3A_52 = tpu.memref_slice %dma_wait3A_50[%add3A_17, %dma_wait3A_51] : memref<5120x128xf32, #tpu.memory_space<hbm>> -> memref<128x128xf32, #tpu.memory_space<hbm>>
      %dma_wait3A_53 = arith.constant 0 : i32
      %dma_wait3A_54 = arith.constant 0 : i32
      %dma_wait3A_55 = tpu.memref_slice %arg10[%dma_wait3A_53, %dma_wait3A_54] : memref<128x128xf32, #tpu.memory_space<vmem>> -> memref<128x128xf32, #tpu.memory_space<vmem>>
      tpu.wait_dma2 semaphore(%run_scoped3A : memref<!tpu.dma_semaphore, #tpu.memory_space<semaphore_mem>>) src(%dma_wait3A_55 : memref<128x128xf32, #tpu.memory_space<vmem>>) dst(%dma_wait3A_52 : memref<128x128xf32, #tpu.memory_space<hbm>>)
      tpu.yield
    }) : () -> ()
    %add3A_18 = arith.constant 256 : i32
    %add3A_19 = arith.addi %mul3A_0, %add3A_18 : i32
    "tpu.region"() ({
      %run_scoped3A = tpu.sem_alloc : memref<!tpu.dma_semaphore, #tpu.memory_space<semaphore_mem>>
      %dma_start3A = arith.constant 0 : i32
      %dma_start3A_22 = arith.constant 0 : i32
      %dma_start3A_23 = tpu.memref_slice %arg10[%dma_start3A, %dma_start3A_22] : memref<128x128xf32, #tpu.memory_space<vmem>> -> memref<64x128xf32, #tpu.memory_space<vmem>>
      %dma_start3A_24 = arith.constant 0 : i32
      %dma_start3A_25 = tpu.memref_slice %arg11[%add3A_19, %dma_start3A_24] : memref<5120x128xf32, #tpu.memory_space<vmem_shared>> -> memref<64x128xf32, #tpu.memory_space<vmem_shared>>
      %dma_start3A_26 = arith.constant 0 : i32
      %dma_start3A_27 = arith.constant 0 : i32
      %dma_start3A_28 = tpu.memref_slice %arg10[%dma_start3A_26, %dma_start3A_27] : memref<128x128xf32, #tpu.memory_space<vmem>> -> memref<64x128xf32, #tpu.memory_space<vmem>>
      %dma_start3A_29 = arith.constant 0 : i32
      %dma_start3A_30 = tpu.memref_slice %arg11[%add3A_19, %dma_start3A_29] : memref<5120x128xf32, #tpu.memory_space<vmem_shared>> -> memref<64x128xf32, #tpu.memory_space<vmem_shared>>
      tpu.enqueue_dma source(%dma_start3A_30 : memref<64x128xf32, #tpu.memory_space<vmem_shared>>) target(%dma_start3A_28 : memref<64x128xf32, #tpu.memory_space<vmem>>) target_semaphore(%run_scoped3A : memref<!tpu.dma_semaphore, #tpu.memory_space<semaphore_mem>>)
      %dma_wait3A = arith.constant 0 : i32
      %dma_wait3A_31 = arith.constant 0 : i32
      %dma_wait3A_32 = tpu.memref_slice %arg10[%dma_wait3A, %dma_wait3A_31] : memref<128x128xf32, #tpu.memory_space<vmem>> -> memref<64x128xf32, #tpu.memory_space<vmem>>
      %dma_wait3A_33 = arith.constant 0 : i32
      %dma_wait3A_34 = tpu.memref_slice %arg11[%add3A_19, %dma_wait3A_33] : memref<5120x128xf32, #tpu.memory_space<vmem_shared>> -> memref<64x128xf32, #tpu.memory_space<vmem_shared>>
      %dma_wait3A_35 = arith.constant 0 : i32
      %dma_wait3A_36 = arith.constant 0 : i32
      %dma_wait3A_37 = tpu.memref_slice %arg10[%dma_wait3A_35, %dma_wait3A_36] : memref<128x128xf32, #tpu.memory_space<vmem>> -> memref<64x128xf32, #tpu.memory_space<vmem>>
      %dma_wait3A_38 = arith.constant 0 : i32
      %dma_wait3A_39 = tpu.memref_slice %arg11[%add3A_19, %dma_wait3A_38] : memref<5120x128xf32, #tpu.memory_space<vmem_shared>> -> memref<64x128xf32, #tpu.memory_space<vmem_shared>>
      tpu.wait_dma2 semaphore(%run_scoped3A : memref<!tpu.dma_semaphore, #tpu.memory_space<semaphore_mem>>) src(%dma_wait3A_39 : memref<64x128xf32, #tpu.memory_space<vmem_shared>>) dst(%dma_wait3A_37 : memref<64x128xf32, #tpu.memory_space<vmem>>)
      tpu.yield
    }) : () -> ()
    %add3A_20 = arith.constant 256 : i32
    %add3A_21 = arith.addi %mul3A_0, %add3A_20 : i32
    "tpu.region"() ({
      %run_scoped3A = tpu.sem_alloc : memref<!tpu.dma_semaphore, #tpu.memory_space<semaphore_mem>>
      %dma_start3A = arith.constant 0 : i32
      %dma_start3A_22 = arith.constant 0 : i32
      %dma_start3A_23 = tpu.memref_slice %arg10[%dma_start3A, %dma_start3A_22] : memref<128x128xf32, #tpu.memory_space<vmem>> -> memref<64x128xf32, #tpu.memory_space<vmem>>
      %dma_start3A_24 = arith.constant 0 : i32
      %dma_start3A_25 = arith.constant 0 : i32
      %dma_start3A_26 = tpu.memref_slice %arg6[%arg0, %dma_start3A_24, %dma_start3A_25] : memref<2x5120x128xf32, #tpu.memory_space<hbm>> -> memref<1x5120x128xf32, #tpu.memory_space<hbm>>
      %dma_start3A_27 = tpu.memref_squeeze %dma_start3A_26 : memref<1x5120x128xf32, #tpu.memory_space<hbm>> -> memref<5120x128xf32, #tpu.memory_space<hbm>>
      %dma_start3A_28 = arith.constant 0 : i32
      %dma_start3A_29 = tpu.memref_slice %dma_start3A_27[%add3A_21, %dma_start3A_28] : memref<5120x128xf32, #tpu.memory_space<hbm>> -> memref<64x128xf32, #tpu.memory_space<hbm>>
      %dma_start3A_30 = arith.constant 0 : i32
      %dma_start3A_31 = arith.constant 0 : i32
      %dma_start3A_32 = tpu.memref_slice %arg6[%arg0, %dma_start3A_30, %dma_start3A_31] : memref<2x5120x128xf32, #tpu.memory_space<hbm>> -> memref<1x5120x128xf32, #tpu.memory_space<hbm>>
      %dma_start3A_33 = tpu.memref_squeeze %dma_start3A_32 : memref<1x5120x128xf32, #tpu.memory_space<hbm>> -> memref<5120x128xf32, #tpu.memory_space<hbm>>
      %dma_start3A_34 = arith.constant 0 : i32
      %dma_start3A_35 = tpu.memref_slice %dma_start3A_33[%add3A_21, %dma_start3A_34] : memref<5120x128xf32, #tpu.memory_space<hbm>> -> memref<64x128xf32, #tpu.memory_space<hbm>>
      %dma_start3A_36 = arith.constant 0 : i32
      %dma_start3A_37 = arith.constant 0 : i32
      %dma_start3A_38 = tpu.memref_slice %arg10[%dma_start3A_36, %dma_start3A_37] : memref<128x128xf32, #tpu.memory_space<vmem>> -> memref<64x128xf32, #tpu.memory_space<vmem>>
      tpu.enqueue_dma source(%dma_start3A_38 : memref<64x128xf32, #tpu.memory_space<vmem>>) target(%dma_start3A_35 : memref<64x128xf32, #tpu.memory_space<hbm>>) target_semaphore(%run_scoped3A : memref<!tpu.dma_semaphore, #tpu.memory_space<semaphore_mem>>)
      %dma_wait3A = arith.constant 0 : i32
      %dma_wait3A_39 = arith.constant 0 : i32
      %dma_wait3A_40 = tpu.memref_slice %arg10[%dma_wait3A, %dma_wait3A_39] : memref<128x128xf32, #tpu.memory_space<vmem>> -> memref<64x128xf32, #tpu.memory_space<vmem>>
      %dma_wait3A_41 = arith.constant 0 : i32
      %dma_wait3A_42 = arith.constant 0 : i32
      %dma_wait3A_43 = tpu.memref_slice %arg6[%arg0, %dma_wait3A_41, %dma_wait3A_42] : memref<2x5120x128xf32, #tpu.memory_space<hbm>> -> memref<1x5120x128xf32, #tpu.memory_space<hbm>>
      %dma_wait3A_44 = tpu.memref_squeeze %dma_wait3A_43 : memref<1x5120x128xf32, #tpu.memory_space<hbm>> -> memref<5120x128xf32, #tpu.memory_space<hbm>>
      %dma_wait3A_45 = arith.constant 0 : i32
      %dma_wait3A_46 = tpu.memref_slice %dma_wait3A_44[%add3A_21, %dma_wait3A_45] : memref<5120x128xf32, #tpu.memory_space<hbm>> -> memref<64x128xf32, #tpu.memory_space<hbm>>
      %dma_wait3A_47 = arith.constant 0 : i32
      %dma_wait3A_48 = arith.constant 0 : i32
      %dma_wait3A_49 = tpu.memref_slice %arg6[%arg0, %dma_wait3A_47, %dma_wait3A_48] : memref<2x5120x128xf32, #tpu.memory_space<hbm>> -> memref<1x5120x128xf32, #tpu.memory_space<hbm>>
      %dma_wait3A_50 = tpu.memref_squeeze %dma_wait3A_49 : memref<1x5120x128xf32, #tpu.memory_space<hbm>> -> memref<5120x128xf32, #tpu.memory_space<hbm>>
      %dma_wait3A_51 = arith.constant 0 : i32
      %dma_wait3A_52 = tpu.memref_slice %dma_wait3A_50[%add3A_21, %dma_wait3A_51] : memref<5120x128xf32, #tpu.memory_space<hbm>> -> memref<64x128xf32, #tpu.memory_space<hbm>>
      %dma_wait3A_53 = arith.constant 0 : i32
      %dma_wait3A_54 = arith.constant 0 : i32
      %dma_wait3A_55 = tpu.memref_slice %arg10[%dma_wait3A_53, %dma_wait3A_54] : memref<128x128xf32, #tpu.memory_space<vmem>> -> memref<64x128xf32, #tpu.memory_space<vmem>>
      tpu.wait_dma2 semaphore(%run_scoped3A : memref<!tpu.dma_semaphore, #tpu.memory_space<semaphore_mem>>) src(%dma_wait3A_55 : memref<64x128xf32, #tpu.memory_space<vmem>>) dst(%dma_wait3A_52 : memref<64x128xf32, #tpu.memory_space<hbm>>)
      tpu.yield
    }) : () -> ()
    return
  }
}

#map = affine_map<(d0, d1) -> (0, 0, 0)>
#map1 = affine_map<(d0, d1) -> (0, 0)>
module attributes {stable_mosaic.version = 14 : i64} {
  func.func @_sc_deg(%arg0: i32, %arg1: i32, %arg2: memref<16x157x128xi32, #tpu.memory_space<hbm>>, %arg3: memref<128x128xf32, #tpu.memory_space<hbm>>, %arg4: memref<157x128xi32, #tpu.memory_space<vmem>>, %arg5: memref<128xf32, #tpu.memory_space<vmem>>, %arg6: memref<1024xf32, #tpu.memory_space<vmem>>, %arg7: memref<8x128xf32, #tpu.memory_space<vmem>>, %arg8: memref<16384xf32, #tpu.memory_space<vmem_shared>>) attributes {dimension_semantics = [#tpu.dimension_semantics<core_parallel>, #tpu.dimension_semantics<subcore_parallel>], iteration_bounds = array<i64: 2, 16>, scalar_prefetch = 0 : i64, scratch_operands = 5 : i64, tpu.core_type = #tpu.core_type<sc_vector_subcore>, window_params = [{transform_indices = #map}, {transform_indices = #map1}]} {
    "tpu.region"() ({
      %run_scoped3A = tpu.sem_alloc : memref<!tpu.dma_semaphore, #tpu.memory_space<semaphore_mem>>
      %dma_start3A = arith.constant 0 : i32
      %dma_start3A_299 = arith.constant 0 : i32
      %dma_start3A_300 = tpu.memref_slice %arg2[%arg1, %dma_start3A, %dma_start3A_299] : memref<16x157x128xi32, #tpu.memory_space<hbm>> -> memref<1x157x128xi32, #tpu.memory_space<hbm>>
      %dma_start3A_301 = tpu.memref_squeeze %dma_start3A_300 : memref<1x157x128xi32, #tpu.memory_space<hbm>> -> memref<157x128xi32, #tpu.memory_space<hbm>>
      %dma_start3A_302 = arith.constant 0 : i32
      %dma_start3A_303 = arith.constant 0 : i32
      %dma_start3A_304 = tpu.memref_slice %arg2[%arg1, %dma_start3A_302, %dma_start3A_303] : memref<16x157x128xi32, #tpu.memory_space<hbm>> -> memref<1x157x128xi32, #tpu.memory_space<hbm>>
      %dma_start3A_305 = tpu.memref_squeeze %dma_start3A_304 : memref<1x157x128xi32, #tpu.memory_space<hbm>> -> memref<157x128xi32, #tpu.memory_space<hbm>>
      tpu.enqueue_dma source(%dma_start3A_305 : memref<157x128xi32, #tpu.memory_space<hbm>>) target(%arg4 : memref<157x128xi32, #tpu.memory_space<vmem>>) target_semaphore(%run_scoped3A : memref<!tpu.dma_semaphore, #tpu.memory_space<semaphore_mem>>)
      %dma_wait3A = arith.constant 0 : i32
      %dma_wait3A_306 = arith.constant 0 : i32
      %dma_wait3A_307 = tpu.memref_slice %arg2[%arg1, %dma_wait3A, %dma_wait3A_306] : memref<16x157x128xi32, #tpu.memory_space<hbm>> -> memref<1x157x128xi32, #tpu.memory_space<hbm>>
      %dma_wait3A_308 = tpu.memref_squeeze %dma_wait3A_307 : memref<1x157x128xi32, #tpu.memory_space<hbm>> -> memref<157x128xi32, #tpu.memory_space<hbm>>
      %dma_wait3A_309 = arith.constant 0 : i32
      %dma_wait3A_310 = arith.constant 0 : i32
      %dma_wait3A_311 = tpu.memref_slice %arg2[%arg1, %dma_wait3A_309, %dma_wait3A_310] : memref<16x157x128xi32, #tpu.memory_space<hbm>> -> memref<1x157x128xi32, #tpu.memory_space<hbm>>
      %dma_wait3A_312 = tpu.memref_squeeze %dma_wait3A_311 : memref<1x157x128xi32, #tpu.memory_space<hbm>> -> memref<157x128xi32, #tpu.memory_space<hbm>>
      tpu.wait_dma2 semaphore(%run_scoped3A : memref<!tpu.dma_semaphore, #tpu.memory_space<semaphore_mem>>) src(%dma_wait3A_312 : memref<157x128xi32, #tpu.memory_space<hbm>>) dst(%arg4 : memref<157x128xi32, #tpu.memory_space<vmem>>)
      tpu.yield
    }) : () -> ()
    %broadcast_in_dim3A = arith.constant 1.000000e+00 : f32
    %broadcast_in_dim3A_0 = vector.broadcast %broadcast_in_dim3A : f32 to vector<16xf32>
    %broadcast_in_dim3A_1 = arith.constant 0.000000e+00 : f32
    %broadcast_in_dim3A_2 = vector.broadcast %broadcast_in_dim3A_1 : f32 to vector<16xf32>
    %swap3A = arith.constant 0 : index
    %swap3A_3 = tpu.vector_load %arg5[%swap3A] {strides = array<i32>} : memref<128xf32, #tpu.memory_space<vmem>>, vector<16xf32>,
    %swap3A_4 = vector.shape_cast %swap3A_3 : vector<16xf32> to vector<16xf32>
    %swap3A_5 = vector.shape_cast %broadcast_in_dim3A_0 : vector<16xf32> to vector<16xf32>
    tpu.vector_store %arg5[%swap3A], %swap3A_5 {strides = array<i32>} : memref<128xf32, #tpu.memory_space<vmem>>, vector<16xf32>,
    %swap3A_6 = arith.constant 16 : index
    %swap3A_7 = tpu.vector_load %arg5[%swap3A_6] {strides = array<i32>} : memref<128xf32, #tpu.memory_space<vmem>>, vector<16xf32>,
    %swap3A_8 = vector.shape_cast %swap3A_7 : vector<16xf32> to vector<16xf32>
    %swap3A_9 = vector.shape_cast %broadcast_in_dim3A_0 : vector<16xf32> to vector<16xf32>
    tpu.vector_store %arg5[%swap3A_6], %swap3A_9 {strides = array<i32>} : memref<128xf32, #tpu.memory_space<vmem>>, vector<16xf32>,
    %swap3A_10 = arith.constant 32 : index
    %swap3A_11 = tpu.vector_load %arg5[%swap3A_10] {strides = array<i32>} : memref<128xf32, #tpu.memory_space<vmem>>, vector<16xf32>,
    %swap3A_12 = vector.shape_cast %swap3A_11 : vector<16xf32> to vector<16xf32>
    %swap3A_13 = vector.shape_cast %broadcast_in_dim3A_0 : vector<16xf32> to vector<16xf32>
    tpu.vector_store %arg5[%swap3A_10], %swap3A_13 {strides = array<i32>} : memref<128xf32, #tpu.memory_space<vmem>>, vector<16xf32>,
    %swap3A_14 = arith.constant 48 : index
    %swap3A_15 = tpu.vector_load %arg5[%swap3A_14] {strides = array<i32>} : memref<128xf32, #tpu.memory_space<vmem>>, vector<16xf32>,
    %swap3A_16 = vector.shape_cast %swap3A_15 : vector<16xf32> to vector<16xf32>
    %swap3A_17 = vector.shape_cast %broadcast_in_dim3A_0 : vector<16xf32> to vector<16xf32>
    tpu.vector_store %arg5[%swap3A_14], %swap3A_17 {strides = array<i32>} : memref<128xf32, #tpu.memory_space<vmem>>, vector<16xf32>,
    %swap3A_18 = arith.constant 64 : index
    %swap3A_19 = tpu.vector_load %arg5[%swap3A_18] {strides = array<i32>} : memref<128xf32, #tpu.memory_space<vmem>>, vector<16xf32>,
    %swap3A_20 = vector.shape_cast %swap3A_19 : vector<16xf32> to vector<16xf32>
    %swap3A_21 = vector.shape_cast %broadcast_in_dim3A_0 : vector<16xf32> to vector<16xf32>
    tpu.vector_store %arg5[%swap3A_18], %swap3A_21 {strides = array<i32>} : memref<128xf32, #tpu.memory_space<vmem>>, vector<16xf32>,
    %swap3A_22 = arith.constant 80 : index
    %swap3A_23 = tpu.vector_load %arg5[%swap3A_22] {strides = array<i32>} : memref<128xf32, #tpu.memory_space<vmem>>, vector<16xf32>,
    %swap3A_24 = vector.shape_cast %swap3A_23 : vector<16xf32> to vector<16xf32>
    %swap3A_25 = vector.shape_cast %broadcast_in_dim3A_0 : vector<16xf32> to vector<16xf32>
    tpu.vector_store %arg5[%swap3A_22], %swap3A_25 {strides = array<i32>} : memref<128xf32, #tpu.memory_space<vmem>>, vector<16xf32>,
    %swap3A_26 = arith.constant 96 : index
    %swap3A_27 = tpu.vector_load %arg5[%swap3A_26] {strides = array<i32>} : memref<128xf32, #tpu.memory_space<vmem>>, vector<16xf32>,
    %swap3A_28 = vector.shape_cast %swap3A_27 : vector<16xf32> to vector<16xf32>
    %swap3A_29 = vector.shape_cast %broadcast_in_dim3A_0 : vector<16xf32> to vector<16xf32>
    tpu.vector_store %arg5[%swap3A_26], %swap3A_29 {strides = array<i32>} : memref<128xf32, #tpu.memory_space<vmem>>, vector<16xf32>,
    %swap3A_30 = arith.constant 112 : index
    %swap3A_31 = tpu.vector_load %arg5[%swap3A_30] {strides = array<i32>} : memref<128xf32, #tpu.memory_space<vmem>>, vector<16xf32>,
    %swap3A_32 = vector.shape_cast %swap3A_31 : vector<16xf32> to vector<16xf32>
    %swap3A_33 = vector.shape_cast %broadcast_in_dim3A_0 : vector<16xf32> to vector<16xf32>
    tpu.vector_store %arg5[%swap3A_30], %swap3A_33 {strides = array<i32>} : memref<128xf32, #tpu.memory_space<vmem>>, vector<16xf32>,
    %swap3A_34 = arith.constant 0 : index
    %swap3A_35 = tpu.vector_load %arg6[%swap3A_34] {strides = array<i32>} : memref<1024xf32, #tpu.memory_space<vmem>>, vector<16xf32>,
    %swap3A_36 = vector.shape_cast %swap3A_35 : vector<16xf32> to vector<16xf32>
    %swap3A_37 = vector.shape_cast %broadcast_in_dim3A_2 : vector<16xf32> to vector<16xf32>
    tpu.vector_store %arg6[%swap3A_34], %swap3A_37 {strides = array<i32>} : memref<1024xf32, #tpu.memory_space<vmem>>, vector<16xf32>,
    %swap3A_38 = arith.constant 16 : index
    %swap3A_39 = tpu.vector_load %arg6[%swap3A_38] {strides = array<i32>} : memref<1024xf32, #tpu.memory_space<vmem>>, vector<16xf32>,
    %swap3A_40 = vector.shape_cast %swap3A_39 : vector<16xf32> to vector<16xf32>
    %swap3A_41 = vector.shape_cast %broadcast_in_dim3A_2 : vector<16xf32> to vector<16xf32>
    tpu.vector_store %arg6[%swap3A_38], %swap3A_41 {strides = array<i32>} : memref<1024xf32, #tpu.memory_space<vmem>>, vector<16xf32>,
    %swap3A_42 = arith.constant 32 : index
    %swap3A_43 = tpu.vector_load %arg6[%swap3A_42] {strides = array<i32>} : memref<1024xf32, #tpu.memory_space<vmem>>, vector<16xf32>,
    %swap3A_44 = vector.shape_cast %swap3A_43 : vector<16xf32> to vector<16xf32>
    %swap3A_45 = vector.shape_cast %broadcast_in_dim3A_2 : vector<16xf32> to vector<16xf32>
    tpu.vector_store %arg6[%swap3A_42], %swap3A_45 {strides = array<i32>} : memref<1024xf32, #tpu.memory_space<vmem>>, vector<16xf32>,
    %swap3A_46 = arith.constant 48 : index
    %swap3A_47 = tpu.vector_load %arg6[%swap3A_46] {strides = array<i32>} : memref<1024xf32, #tpu.memory_space<vmem>>, vector<16xf32>,
    %swap3A_48 = vector.shape_cast %swap3A_47 : vector<16xf32> to vector<16xf32>
    %swap3A_49 = vector.shape_cast %broadcast_in_dim3A_2 : vector<16xf32> to vector<16xf32>
    tpu.vector_store %arg6[%swap3A_46], %swap3A_49 {strides = array<i32>} : memref<1024xf32, #tpu.memory_space<vmem>>, vector<16xf32>,
    %swap3A_50 = arith.constant 64 : index
    %swap3A_51 = tpu.vector_load %arg6[%swap3A_50] {strides = array<i32>} : memref<1024xf32, #tpu.memory_space<vmem>>, vector<16xf32>,
    %swap3A_52 = vector.shape_cast %swap3A_51 : vector<16xf32> to vector<16xf32>
    %swap3A_53 = vector.shape_cast %broadcast_in_dim3A_2 : vector<16xf32> to vector<16xf32>
    tpu.vector_store %arg6[%swap3A_50], %swap3A_53 {strides = array<i32>} : memref<1024xf32, #tpu.memory_space<vmem>>, vector<16xf32>,
    %swap3A_54 = arith.constant 80 : index
    %swap3A_55 = tpu.vector_load %arg6[%swap3A_54] {strides = array<i32>} : memref<1024xf32, #tpu.memory_space<vmem>>, vector<16xf32>,
    %swap3A_56 = vector.shape_cast %swap3A_55 : vector<16xf32> to vector<16xf32>
    %swap3A_57 = vector.shape_cast %broadcast_in_dim3A_2 : vector<16xf32> to vector<16xf32>
    tpu.vector_store %arg6[%swap3A_54], %swap3A_57 {strides = array<i32>} : memref<1024xf32, #tpu.memory_space<vmem>>, vector<16xf32>,
    %swap3A_58 = arith.constant 96 : index
    %swap3A_59 = tpu.vector_load %arg6[%swap3A_58] {strides = array<i32>} : memref<1024xf32, #tpu.memory_space<vmem>>, vector<16xf32>,
    %swap3A_60 = vector.shape_cast %swap3A_59 : vector<16xf32> to vector<16xf32>
    %swap3A_61 = vector.shape_cast %broadcast_in_dim3A_2 : vector<16xf32> to vector<16xf32>
    tpu.vector_store %arg6[%swap3A_58], %swap3A_61 {strides = array<i32>} : memref<1024xf32, #tpu.memory_space<vmem>>, vector<16xf32>,
    %swap3A_62 = arith.constant 112 : index
    %swap3A_63 = tpu.vector_load %arg6[%swap3A_62] {strides = array<i32>} : memref<1024xf32, #tpu.memory_space<vmem>>, vector<16xf32>,
    %swap3A_64 = vector.shape_cast %swap3A_63 : vector<16xf32> to vector<16xf32>
    %swap3A_65 = vector.shape_cast %broadcast_in_dim3A_2 : vector<16xf32> to vector<16xf32>
    tpu.vector_store %arg6[%swap3A_62], %swap3A_65 {strides = array<i32>} : memref<1024xf32, #tpu.memory_space<vmem>>, vector<16xf32>,
    %swap3A_66 = arith.constant 128 : index
    %swap3A_67 = tpu.vector_load %arg6[%swap3A_66] {strides = array<i32>} : memref<1024xf32, #tpu.memory_space<vmem>>, vector<16xf32>,
    %swap3A_68 = vector.shape_cast %swap3A_67 : vector<16xf32> to vector<16xf32>
    %swap3A_69 = vector.shape_cast %broadcast_in_dim3A_2 : vector<16xf32> to vector<16xf32>
    tpu.vector_store %arg6[%swap3A_66], %swap3A_69 {strides = array<i32>} : memref<1024xf32, #tpu.memory_space<vmem>>, vector<16xf32>,
    %swap3A_70 = arith.constant 144 : index
    %swap3A_71 = tpu.vector_load %arg6[%swap3A_70] {strides = array<i32>} : memref<1024xf32, #tpu.memory_space<vmem>>, vector<16xf32>,
    %swap3A_72 = vector.shape_cast %swap3A_71 : vector<16xf32> to vector<16xf32>
    %swap3A_73 = vector.shape_cast %broadcast_in_dim3A_2 : vector<16xf32> to vector<16xf32>
    tpu.vector_store %arg6[%swap3A_70], %swap3A_73 {strides = array<i32>} : memref<1024xf32, #tpu.memory_space<vmem>>, vector<16xf32>,
    %swap3A_74 = arith.constant 160 : index
    %swap3A_75 = tpu.vector_load %arg6[%swap3A_74] {strides = array<i32>} : memref<1024xf32, #tpu.memory_space<vmem>>, vector<16xf32>,
    %swap3A_76 = vector.shape_cast %swap3A_75 : vector<16xf32> to vector<16xf32>
    %swap3A_77 = vector.shape_cast %broadcast_in_dim3A_2 : vector<16xf32> to vector<16xf32>
    tpu.vector_store %arg6[%swap3A_74], %swap3A_77 {strides = array<i32>} : memref<1024xf32, #tpu.memory_space<vmem>>, vector<16xf32>,
    %swap3A_78 = arith.constant 176 : index
    %swap3A_79 = tpu.vector_load %arg6[%swap3A_78] {strides = array<i32>} : memref<1024xf32, #tpu.memory_space<vmem>>, vector<16xf32>,
    %swap3A_80 = vector.shape_cast %swap3A_79 : vector<16xf32> to vector<16xf32>
    %swap3A_81 = vector.shape_cast %broadcast_in_dim3A_2 : vector<16xf32> to vector<16xf32>
    tpu.vector_store %arg6[%swap3A_78], %swap3A_81 {strides = array<i32>} : memref<1024xf32, #tpu.memory_space<vmem>>, vector<16xf32>,
    %swap3A_82 = arith.constant 192 : index
    %swap3A_83 = tpu.vector_load %arg6[%swap3A_82] {strides = array<i32>} : memref<1024xf32, #tpu.memory_space<vmem>>, vector<16xf32>,
    %swap3A_84 = vector.shape_cast %swap3A_83 : vector<16xf32> to vector<16xf32>
    %swap3A_85 = vector.shape_cast %broadcast_in_dim3A_2 : vector<16xf32> to vector<16xf32>
    tpu.vector_store %arg6[%swap3A_82], %swap3A_85 {strides = array<i32>} : memref<1024xf32, #tpu.memory_space<vmem>>, vector<16xf32>,
    %swap3A_86 = arith.constant 208 : index
    %swap3A_87 = tpu.vector_load %arg6[%swap3A_86] {strides = array<i32>} : memref<1024xf32, #tpu.memory_space<vmem>>, vector<16xf32>,
    %swap3A_88 = vector.shape_cast %swap3A_87 : vector<16xf32> to vector<16xf32>
    %swap3A_89 = vector.shape_cast %broadcast_in_dim3A_2 : vector<16xf32> to vector<16xf32>
    tpu.vector_store %arg6[%swap3A_86], %swap3A_89 {strides = array<i32>} : memref<1024xf32, #tpu.memory_space<vmem>>, vector<16xf32>,
    %swap3A_90 = arith.constant 224 : index
    %swap3A_91 = tpu.vector_load %arg6[%swap3A_90] {strides = array<i32>} : memref<1024xf32, #tpu.memory_space<vmem>>, vector<16xf32>,
    %swap3A_92 = vector.shape_cast %swap3A_91 : vector<16xf32> to vector<16xf32>
    %swap3A_93 = vector.shape_cast %broadcast_in_dim3A_2 : vector<16xf32> to vector<16xf32>
    tpu.vector_store %arg6[%swap3A_90], %swap3A_93 {strides = array<i32>} : memref<1024xf32, #tpu.memory_space<vmem>>, vector<16xf32>,
    %swap3A_94 = arith.constant 240 : index
    %swap3A_95 = tpu.vector_load %arg6[%swap3A_94] {strides = array<i32>} : memref<1024xf32, #tpu.memory_space<vmem>>, vector<16xf32>,
    %swap3A_96 = vector.shape_cast %swap3A_95 : vector<16xf32> to vector<16xf32>
    %swap3A_97 = vector.shape_cast %broadcast_in_dim3A_2 : vector<16xf32> to vector<16xf32>
    tpu.vector_store %arg6[%swap3A_94], %swap3A_97 {strides = array<i32>} : memref<1024xf32, #tpu.memory_space<vmem>>, vector<16xf32>,
    %swap3A_98 = arith.constant 256 : index
    %swap3A_99 = tpu.vector_load %arg6[%swap3A_98] {strides = array<i32>} : memref<1024xf32, #tpu.memory_space<vmem>>, vector<16xf32>,
    %swap3A_100 = vector.shape_cast %swap3A_99 : vector<16xf32> to vector<16xf32>
    %swap3A_101 = vector.shape_cast %broadcast_in_dim3A_2 : vector<16xf32> to vector<16xf32>
    tpu.vector_store %arg6[%swap3A_98], %swap3A_101 {strides = array<i32>} : memref<1024xf32, #tpu.memory_space<vmem>>, vector<16xf32>,
    %swap3A_102 = arith.constant 272 : index
    %swap3A_103 = tpu.vector_load %arg6[%swap3A_102] {strides = array<i32>} : memref<1024xf32, #tpu.memory_space<vmem>>, vector<16xf32>,
    %swap3A_104 = vector.shape_cast %swap3A_103 : vector<16xf32> to vector<16xf32>
    %swap3A_105 = vector.shape_cast %broadcast_in_dim3A_2 : vector<16xf32> to vector<16xf32>
    tpu.vector_store %arg6[%swap3A_102], %swap3A_105 {strides = array<i32>} : memref<1024xf32, #tpu.memory_space<vmem>>, vector<16xf32>,
    %swap3A_106 = arith.constant 288 : index
    %swap3A_107 = tpu.vector_load %arg6[%swap3A_106] {strides = array<i32>} : memref<1024xf32, #tpu.memory_space<vmem>>, vector<16xf32>,
    %swap3A_108 = vector.shape_cast %swap3A_107 : vector<16xf32> to vector<16xf32>
    %swap3A_109 = vector.shape_cast %broadcast_in_dim3A_2 : vector<16xf32> to vector<16xf32>
    tpu.vector_store %arg6[%swap3A_106], %swap3A_109 {strides = array<i32>} : memref<1024xf32, #tpu.memory_space<vmem>>, vector<16xf32>,
    %swap3A_110 = arith.constant 304 : index
    %swap3A_111 = tpu.vector_load %arg6[%swap3A_110] {strides = array<i32>} : memref<1024xf32, #tpu.memory_space<vmem>>, vector<16xf32>,
    %swap3A_112 = vector.shape_cast %swap3A_111 : vector<16xf32> to vector<16xf32>
    %swap3A_113 = vector.shape_cast %broadcast_in_dim3A_2 : vector<16xf32> to vector<16xf32>
    tpu.vector_store %arg6[%swap3A_110], %swap3A_113 {strides = array<i32>} : memref<1024xf32, #tpu.memory_space<vmem>>, vector<16xf32>,
    %swap3A_114 = arith.constant 320 : index
    %swap3A_115 = tpu.vector_load %arg6[%swap3A_114] {strides = array<i32>} : memref<1024xf32, #tpu.memory_space<vmem>>, vector<16xf32>,
    %swap3A_116 = vector.shape_cast %swap3A_115 : vector<16xf32> to vector<16xf32>
    %swap3A_117 = vector.shape_cast %broadcast_in_dim3A_2 : vector<16xf32> to vector<16xf32>
    tpu.vector_store %arg6[%swap3A_114], %swap3A_117 {strides = array<i32>} : memref<1024xf32, #tpu.memory_space<vmem>>, vector<16xf32>,
    %swap3A_118 = arith.constant 336 : index
    %swap3A_119 = tpu.vector_load %arg6[%swap3A_118] {strides = array<i32>} : memref<1024xf32, #tpu.memory_space<vmem>>, vector<16xf32>,
    %swap3A_120 = vector.shape_cast %swap3A_119 : vector<16xf32> to vector<16xf32>
    %swap3A_121 = vector.shape_cast %broadcast_in_dim3A_2 : vector<16xf32> to vector<16xf32>
    tpu.vector_store %arg6[%swap3A_118], %swap3A_121 {strides = array<i32>} : memref<1024xf32, #tpu.memory_space<vmem>>, vector<16xf32>,
    %swap3A_122 = arith.constant 352 : index
    %swap3A_123 = tpu.vector_load %arg6[%swap3A_122] {strides = array<i32>} : memref<1024xf32, #tpu.memory_space<vmem>>, vector<16xf32>,
    %swap3A_124 = vector.shape_cast %swap3A_123 : vector<16xf32> to vector<16xf32>
    %swap3A_125 = vector.shape_cast %broadcast_in_dim3A_2 : vector<16xf32> to vector<16xf32>
    tpu.vector_store %arg6[%swap3A_122], %swap3A_125 {strides = array<i32>} : memref<1024xf32, #tpu.memory_space<vmem>>, vector<16xf32>,
    %swap3A_126 = arith.constant 368 : index
    %swap3A_127 = tpu.vector_load %arg6[%swap3A_126] {strides = array<i32>} : memref<1024xf32, #tpu.memory_space<vmem>>, vector<16xf32>,
    %swap3A_128 = vector.shape_cast %swap3A_127 : vector<16xf32> to vector<16xf32>
    %swap3A_129 = vector.shape_cast %broadcast_in_dim3A_2 : vector<16xf32> to vector<16xf32>
    tpu.vector_store %arg6[%swap3A_126], %swap3A_129 {strides = array<i32>} : memref<1024xf32, #tpu.memory_space<vmem>>, vector<16xf32>,
    %swap3A_130 = arith.constant 384 : index
    %swap3A_131 = tpu.vector_load %arg6[%swap3A_130] {strides = array<i32>} : memref<1024xf32, #tpu.memory_space<vmem>>, vector<16xf32>,
    %swap3A_132 = vector.shape_cast %swap3A_131 : vector<16xf32> to vector<16xf32>
    %swap3A_133 = vector.shape_cast %broadcast_in_dim3A_2 : vector<16xf32> to vector<16xf32>
    tpu.vector_store %arg6[%swap3A_130], %swap3A_133 {strides = array<i32>} : memref<1024xf32, #tpu.memory_space<vmem>>, vector<16xf32>,
    %swap3A_134 = arith.constant 400 : index
    %swap3A_135 = tpu.vector_load %arg6[%swap3A_134] {strides = array<i32>} : memref<1024xf32, #tpu.memory_space<vmem>>, vector<16xf32>,
    %swap3A_136 = vector.shape_cast %swap3A_135 : vector<16xf32> to vector<16xf32>
    %swap3A_137 = vector.shape_cast %broadcast_in_dim3A_2 : vector<16xf32> to vector<16xf32>
    tpu.vector_store %arg6[%swap3A_134], %swap3A_137 {strides = array<i32>} : memref<1024xf32, #tpu.memory_space<vmem>>, vector<16xf32>,
    %swap3A_138 = arith.constant 416 : index
    %swap3A_139 = tpu.vector_load %arg6[%swap3A_138] {strides = array<i32>} : memref<1024xf32, #tpu.memory_space<vmem>>, vector<16xf32>,
    %swap3A_140 = vector.shape_cast %swap3A_139 : vector<16xf32> to vector<16xf32>
    %swap3A_141 = vector.shape_cast %broadcast_in_dim3A_2 : vector<16xf32> to vector<16xf32>
    tpu.vector_store %arg6[%swap3A_138], %swap3A_141 {strides = array<i32>} : memref<1024xf32, #tpu.memory_space<vmem>>, vector<16xf32>,
    %swap3A_142 = arith.constant 432 : index
    %swap3A_143 = tpu.vector_load %arg6[%swap3A_142] {strides = array<i32>} : memref<1024xf32, #tpu.memory_space<vmem>>, vector<16xf32>,
    %swap3A_144 = vector.shape_cast %swap3A_143 : vector<16xf32> to vector<16xf32>
    %swap3A_145 = vector.shape_cast %broadcast_in_dim3A_2 : vector<16xf32> to vector<16xf32>
    tpu.vector_store %arg6[%swap3A_142], %swap3A_145 {strides = array<i32>} : memref<1024xf32, #tpu.memory_space<vmem>>, vector<16xf32>,
    %swap3A_146 = arith.constant 448 : index
    %swap3A_147 = tpu.vector_load %arg6[%swap3A_146] {strides = array<i32>} : memref<1024xf32, #tpu.memory_space<vmem>>, vector<16xf32>,
    %swap3A_148 = vector.shape_cast %swap3A_147 : vector<16xf32> to vector<16xf32>
    %swap3A_149 = vector.shape_cast %broadcast_in_dim3A_2 : vector<16xf32> to vector<16xf32>
    tpu.vector_store %arg6[%swap3A_146], %swap3A_149 {strides = array<i32>} : memref<1024xf32, #tpu.memory_space<vmem>>, vector<16xf32>,
    %swap3A_150 = arith.constant 464 : index
    %swap3A_151 = tpu.vector_load %arg6[%swap3A_150] {strides = array<i32>} : memref<1024xf32, #tpu.memory_space<vmem>>, vector<16xf32>,
    %swap3A_152 = vector.shape_cast %swap3A_151 : vector<16xf32> to vector<16xf32>
    %swap3A_153 = vector.shape_cast %broadcast_in_dim3A_2 : vector<16xf32> to vector<16xf32>
    tpu.vector_store %arg6[%swap3A_150], %swap3A_153 {strides = array<i32>} : memref<1024xf32, #tpu.memory_space<vmem>>, vector<16xf32>,
    %swap3A_154 = arith.constant 480 : index
    %swap3A_155 = tpu.vector_load %arg6[%swap3A_154] {strides = array<i32>} : memref<1024xf32, #tpu.memory_space<vmem>>, vector<16xf32>,
    %swap3A_156 = vector.shape_cast %swap3A_155 : vector<16xf32> to vector<16xf32>
    %swap3A_157 = vector.shape_cast %broadcast_in_dim3A_2 : vector<16xf32> to vector<16xf32>
    tpu.vector_store %arg6[%swap3A_154], %swap3A_157 {strides = array<i32>} : memref<1024xf32, #tpu.memory_space<vmem>>, vector<16xf32>,
    %swap3A_158 = arith.constant 496 : index
    %swap3A_159 = tpu.vector_load %arg6[%swap3A_158] {strides = array<i32>} : memref<1024xf32, #tpu.memory_space<vmem>>, vector<16xf32>,
    %swap3A_160 = vector.shape_cast %swap3A_159 : vector<16xf32> to vector<16xf32>
    %swap3A_161 = vector.shape_cast %broadcast_in_dim3A_2 : vector<16xf32> to vector<16xf32>
    tpu.vector_store %arg6[%swap3A_158], %swap3A_161 {strides = array<i32>} : memref<1024xf32, #tpu.memory_space<vmem>>, vector<16xf32>,
    %swap3A_162 = arith.constant 512 : index
    %swap3A_163 = tpu.vector_load %arg6[%swap3A_162] {strides = array<i32>} : memref<1024xf32, #tpu.memory_space<vmem>>, vector<16xf32>,
    %swap3A_164 = vector.shape_cast %swap3A_163 : vector<16xf32> to vector<16xf32>
    %swap3A_165 = vector.shape_cast %broadcast_in_dim3A_2 : vector<16xf32> to vector<16xf32>
    tpu.vector_store %arg6[%swap3A_162], %swap3A_165 {strides = array<i32>} : memref<1024xf32, #tpu.memory_space<vmem>>, vector<16xf32>,
    %swap3A_166 = arith.constant 528 : index
    %swap3A_167 = tpu.vector_load %arg6[%swap3A_166] {strides = array<i32>} : memref<1024xf32, #tpu.memory_space<vmem>>, vector<16xf32>,
    %swap3A_168 = vector.shape_cast %swap3A_167 : vector<16xf32> to vector<16xf32>
    %swap3A_169 = vector.shape_cast %broadcast_in_dim3A_2 : vector<16xf32> to vector<16xf32>
    tpu.vector_store %arg6[%swap3A_166], %swap3A_169 {strides = array<i32>} : memref<1024xf32, #tpu.memory_space<vmem>>, vector<16xf32>,
    %swap3A_170 = arith.constant 544 : index
    %swap3A_171 = tpu.vector_load %arg6[%swap3A_170] {strides = array<i32>} : memref<1024xf32, #tpu.memory_space<vmem>>, vector<16xf32>,
    %swap3A_172 = vector.shape_cast %swap3A_171 : vector<16xf32> to vector<16xf32>
    %swap3A_173 = vector.shape_cast %broadcast_in_dim3A_2 : vector<16xf32> to vector<16xf32>
    tpu.vector_store %arg6[%swap3A_170], %swap3A_173 {strides = array<i32>} : memref<1024xf32, #tpu.memory_space<vmem>>, vector<16xf32>,
    %swap3A_174 = arith.constant 560 : index
    %swap3A_175 = tpu.vector_load %arg6[%swap3A_174] {strides = array<i32>} : memref<1024xf32, #tpu.memory_space<vmem>>, vector<16xf32>,
    %swap3A_176 = vector.shape_cast %swap3A_175 : vector<16xf32> to vector<16xf32>
    %swap3A_177 = vector.shape_cast %broadcast_in_dim3A_2 : vector<16xf32> to vector<16xf32>
    tpu.vector_store %arg6[%swap3A_174], %swap3A_177 {strides = array<i32>} : memref<1024xf32, #tpu.memory_space<vmem>>, vector<16xf32>,
    %swap3A_178 = arith.constant 576 : index
    %swap3A_179 = tpu.vector_load %arg6[%swap3A_178] {strides = array<i32>} : memref<1024xf32, #tpu.memory_space<vmem>>, vector<16xf32>,
    %swap3A_180 = vector.shape_cast %swap3A_179 : vector<16xf32> to vector<16xf32>
    %swap3A_181 = vector.shape_cast %broadcast_in_dim3A_2 : vector<16xf32> to vector<16xf32>
    tpu.vector_store %arg6[%swap3A_178], %swap3A_181 {strides = array<i32>} : memref<1024xf32, #tpu.memory_space<vmem>>, vector<16xf32>,
    %swap3A_182 = arith.constant 592 : index
    %swap3A_183 = tpu.vector_load %arg6[%swap3A_182] {strides = array<i32>} : memref<1024xf32, #tpu.memory_space<vmem>>, vector<16xf32>,
    %swap3A_184 = vector.shape_cast %swap3A_183 : vector<16xf32> to vector<16xf32>
    %swap3A_185 = vector.shape_cast %broadcast_in_dim3A_2 : vector<16xf32> to vector<16xf32>
    tpu.vector_store %arg6[%swap3A_182], %swap3A_185 {strides = array<i32>} : memref<1024xf32, #tpu.memory_space<vmem>>, vector<16xf32>,
    %swap3A_186 = arith.constant 608 : index
    %swap3A_187 = tpu.vector_load %arg6[%swap3A_186] {strides = array<i32>} : memref<1024xf32, #tpu.memory_space<vmem>>, vector<16xf32>,
    %swap3A_188 = vector.shape_cast %swap3A_187 : vector<16xf32> to vector<16xf32>
    %swap3A_189 = vector.shape_cast %broadcast_in_dim3A_2 : vector<16xf32> to vector<16xf32>
    tpu.vector_store %arg6[%swap3A_186], %swap3A_189 {strides = array<i32>} : memref<1024xf32, #tpu.memory_space<vmem>>, vector<16xf32>,
    %swap3A_190 = arith.constant 624 : index
    %swap3A_191 = tpu.vector_load %arg6[%swap3A_190] {strides = array<i32>} : memref<1024xf32, #tpu.memory_space<vmem>>, vector<16xf32>,
    %swap3A_192 = vector.shape_cast %swap3A_191 : vector<16xf32> to vector<16xf32>
    %swap3A_193 = vector.shape_cast %broadcast_in_dim3A_2 : vector<16xf32> to vector<16xf32>
    tpu.vector_store %arg6[%swap3A_190], %swap3A_193 {strides = array<i32>} : memref<1024xf32, #tpu.memory_space<vmem>>, vector<16xf32>,
    %swap3A_194 = arith.constant 640 : index
    %swap3A_195 = tpu.vector_load %arg6[%swap3A_194] {strides = array<i32>} : memref<1024xf32, #tpu.memory_space<vmem>>, vector<16xf32>,
    %swap3A_196 = vector.shape_cast %swap3A_195 : vector<16xf32> to vector<16xf32>
    %swap3A_197 = vector.shape_cast %broadcast_in_dim3A_2 : vector<16xf32> to vector<16xf32>
    tpu.vector_store %arg6[%swap3A_194], %swap3A_197 {strides = array<i32>} : memref<1024xf32, #tpu.memory_space<vmem>>, vector<16xf32>,
    %swap3A_198 = arith.constant 656 : index
    %swap3A_199 = tpu.vector_load %arg6[%swap3A_198] {strides = array<i32>} : memref<1024xf32, #tpu.memory_space<vmem>>, vector<16xf32>,
    %swap3A_200 = vector.shape_cast %swap3A_199 : vector<16xf32> to vector<16xf32>
    %swap3A_201 = vector.shape_cast %broadcast_in_dim3A_2 : vector<16xf32> to vector<16xf32>
    tpu.vector_store %arg6[%swap3A_198], %swap3A_201 {strides = array<i32>} : memref<1024xf32, #tpu.memory_space<vmem>>, vector<16xf32>,
    %swap3A_202 = arith.constant 672 : index
    %swap3A_203 = tpu.vector_load %arg6[%swap3A_202] {strides = array<i32>} : memref<1024xf32, #tpu.memory_space<vmem>>, vector<16xf32>,
    %swap3A_204 = vector.shape_cast %swap3A_203 : vector<16xf32> to vector<16xf32>
    %swap3A_205 = vector.shape_cast %broadcast_in_dim3A_2 : vector<16xf32> to vector<16xf32>
    tpu.vector_store %arg6[%swap3A_202], %swap3A_205 {strides = array<i32>} : memref<1024xf32, #tpu.memory_space<vmem>>, vector<16xf32>,
    %swap3A_206 = arith.constant 688 : index
    %swap3A_207 = tpu.vector_load %arg6[%swap3A_206] {strides = array<i32>} : memref<1024xf32, #tpu.memory_space<vmem>>, vector<16xf32>,
    %swap3A_208 = vector.shape_cast %swap3A_207 : vector<16xf32> to vector<16xf32>
    %swap3A_209 = vector.shape_cast %broadcast_in_dim3A_2 : vector<16xf32> to vector<16xf32>
    tpu.vector_store %arg6[%swap3A_206], %swap3A_209 {strides = array<i32>} : memref<1024xf32, #tpu.memory_space<vmem>>, vector<16xf32>,
    %swap3A_210 = arith.constant 704 : index
    %swap3A_211 = tpu.vector_load %arg6[%swap3A_210] {strides = array<i32>} : memref<1024xf32, #tpu.memory_space<vmem>>, vector<16xf32>,
    %swap3A_212 = vector.shape_cast %swap3A_211 : vector<16xf32> to vector<16xf32>
    %swap3A_213 = vector.shape_cast %broadcast_in_dim3A_2 : vector<16xf32> to vector<16xf32>
    tpu.vector_store %arg6[%swap3A_210], %swap3A_213 {strides = array<i32>} : memref<1024xf32, #tpu.memory_space<vmem>>, vector<16xf32>,
    %swap3A_214 = arith.constant 720 : index
    %swap3A_215 = tpu.vector_load %arg6[%swap3A_214] {strides = array<i32>} : memref<1024xf32, #tpu.memory_space<vmem>>, vector<16xf32>,
    %swap3A_216 = vector.shape_cast %swap3A_215 : vector<16xf32> to vector<16xf32>
    %swap3A_217 = vector.shape_cast %broadcast_in_dim3A_2 : vector<16xf32> to vector<16xf32>
    tpu.vector_store %arg6[%swap3A_214], %swap3A_217 {strides = array<i32>} : memref<1024xf32, #tpu.memory_space<vmem>>, vector<16xf32>,
    %swap3A_218 = arith.constant 736 : index
    %swap3A_219 = tpu.vector_load %arg6[%swap3A_218] {strides = array<i32>} : memref<1024xf32, #tpu.memory_space<vmem>>, vector<16xf32>,
    %swap3A_220 = vector.shape_cast %swap3A_219 : vector<16xf32> to vector<16xf32>
    %swap3A_221 = vector.shape_cast %broadcast_in_dim3A_2 : vector<16xf32> to vector<16xf32>
    tpu.vector_store %arg6[%swap3A_218], %swap3A_221 {strides = array<i32>} : memref<1024xf32, #tpu.memory_space<vmem>>, vector<16xf32>,
    %swap3A_222 = arith.constant 752 : index
    %swap3A_223 = tpu.vector_load %arg6[%swap3A_222] {strides = array<i32>} : memref<1024xf32, #tpu.memory_space<vmem>>, vector<16xf32>,
    %swap3A_224 = vector.shape_cast %swap3A_223 : vector<16xf32> to vector<16xf32>
    %swap3A_225 = vector.shape_cast %broadcast_in_dim3A_2 : vector<16xf32> to vector<16xf32>
    tpu.vector_store %arg6[%swap3A_222], %swap3A_225 {strides = array<i32>} : memref<1024xf32, #tpu.memory_space<vmem>>, vector<16xf32>,
    %swap3A_226 = arith.constant 768 : index
    %swap3A_227 = tpu.vector_load %arg6[%swap3A_226] {strides = array<i32>} : memref<1024xf32, #tpu.memory_space<vmem>>, vector<16xf32>,
    %swap3A_228 = vector.shape_cast %swap3A_227 : vector<16xf32> to vector<16xf32>
    %swap3A_229 = vector.shape_cast %broadcast_in_dim3A_2 : vector<16xf32> to vector<16xf32>
    tpu.vector_store %arg6[%swap3A_226], %swap3A_229 {strides = array<i32>} : memref<1024xf32, #tpu.memory_space<vmem>>, vector<16xf32>,
    %swap3A_230 = arith.constant 784 : index
    %swap3A_231 = tpu.vector_load %arg6[%swap3A_230] {strides = array<i32>} : memref<1024xf32, #tpu.memory_space<vmem>>, vector<16xf32>,
    %swap3A_232 = vector.shape_cast %swap3A_231 : vector<16xf32> to vector<16xf32>
    %swap3A_233 = vector.shape_cast %broadcast_in_dim3A_2 : vector<16xf32> to vector<16xf32>
    tpu.vector_store %arg6[%swap3A_230], %swap3A_233 {strides = array<i32>} : memref<1024xf32, #tpu.memory_space<vmem>>, vector<16xf32>,
    %swap3A_234 = arith.constant 800 : index
    %swap3A_235 = tpu.vector_load %arg6[%swap3A_234] {strides = array<i32>} : memref<1024xf32, #tpu.memory_space<vmem>>, vector<16xf32>,
    %swap3A_236 = vector.shape_cast %swap3A_235 : vector<16xf32> to vector<16xf32>
    %swap3A_237 = vector.shape_cast %broadcast_in_dim3A_2 : vector<16xf32> to vector<16xf32>
    tpu.vector_store %arg6[%swap3A_234], %swap3A_237 {strides = array<i32>} : memref<1024xf32, #tpu.memory_space<vmem>>, vector<16xf32>,
    %swap3A_238 = arith.constant 816 : index
    %swap3A_239 = tpu.vector_load %arg6[%swap3A_238] {strides = array<i32>} : memref<1024xf32, #tpu.memory_space<vmem>>, vector<16xf32>,
    %swap3A_240 = vector.shape_cast %swap3A_239 : vector<16xf32> to vector<16xf32>
    %swap3A_241 = vector.shape_cast %broadcast_in_dim3A_2 : vector<16xf32> to vector<16xf32>
    tpu.vector_store %arg6[%swap3A_238], %swap3A_241 {strides = array<i32>} : memref<1024xf32, #tpu.memory_space<vmem>>, vector<16xf32>,
    %swap3A_242 = arith.constant 832 : index
    %swap3A_243 = tpu.vector_load %arg6[%swap3A_242] {strides = array<i32>} : memref<1024xf32, #tpu.memory_space<vmem>>, vector<16xf32>,
    %swap3A_244 = vector.shape_cast %swap3A_243 : vector<16xf32> to vector<16xf32>
    %swap3A_245 = vector.shape_cast %broadcast_in_dim3A_2 : vector<16xf32> to vector<16xf32>
    tpu.vector_store %arg6[%swap3A_242], %swap3A_245 {strides = array<i32>} : memref<1024xf32, #tpu.memory_space<vmem>>, vector<16xf32>,
    %swap3A_246 = arith.constant 848 : index
    %swap3A_247 = tpu.vector_load %arg6[%swap3A_246] {strides = array<i32>} : memref<1024xf32, #tpu.memory_space<vmem>>, vector<16xf32>,
    %swap3A_248 = vector.shape_cast %swap3A_247 : vector<16xf32> to vector<16xf32>
    %swap3A_249 = vector.shape_cast %broadcast_in_dim3A_2 : vector<16xf32> to vector<16xf32>
    tpu.vector_store %arg6[%swap3A_246], %swap3A_249 {strides = array<i32>} : memref<1024xf32, #tpu.memory_space<vmem>>, vector<16xf32>,
    %swap3A_250 = arith.constant 864 : index
    %swap3A_251 = tpu.vector_load %arg6[%swap3A_250] {strides = array<i32>} : memref<1024xf32, #tpu.memory_space<vmem>>, vector<16xf32>,
    %swap3A_252 = vector.shape_cast %swap3A_251 : vector<16xf32> to vector<16xf32>
    %swap3A_253 = vector.shape_cast %broadcast_in_dim3A_2 : vector<16xf32> to vector<16xf32>
    tpu.vector_store %arg6[%swap3A_250], %swap3A_253 {strides = array<i32>} : memref<1024xf32, #tpu.memory_space<vmem>>, vector<16xf32>,
    %swap3A_254 = arith.constant 880 : index
    %swap3A_255 = tpu.vector_load %arg6[%swap3A_254] {strides = array<i32>} : memref<1024xf32, #tpu.memory_space<vmem>>, vector<16xf32>,
    %swap3A_256 = vector.shape_cast %swap3A_255 : vector<16xf32> to vector<16xf32>
    %swap3A_257 = vector.shape_cast %broadcast_in_dim3A_2 : vector<16xf32> to vector<16xf32>
    tpu.vector_store %arg6[%swap3A_254], %swap3A_257 {strides = array<i32>} : memref<1024xf32, #tpu.memory_space<vmem>>, vector<16xf32>,
    %swap3A_258 = arith.constant 896 : index
    %swap3A_259 = tpu.vector_load %arg6[%swap3A_258] {strides = array<i32>} : memref<1024xf32, #tpu.memory_space<vmem>>, vector<16xf32>,
    %swap3A_260 = vector.shape_cast %swap3A_259 : vector<16xf32> to vector<16xf32>
    %swap3A_261 = vector.shape_cast %broadcast_in_dim3A_2 : vector<16xf32> to vector<16xf32>
    tpu.vector_store %arg6[%swap3A_258], %swap3A_261 {strides = array<i32>} : memref<1024xf32, #tpu.memory_space<vmem>>, vector<16xf32>,
    %swap3A_262 = arith.constant 912 : index
    %swap3A_263 = tpu.vector_load %arg6[%swap3A_262] {strides = array<i32>} : memref<1024xf32, #tpu.memory_space<vmem>>, vector<16xf32>,
    %swap3A_264 = vector.shape_cast %swap3A_263 : vector<16xf32> to vector<16xf32>
    %swap3A_265 = vector.shape_cast %broadcast_in_dim3A_2 : vector<16xf32> to vector<16xf32>
    tpu.vector_store %arg6[%swap3A_262], %swap3A_265 {strides = array<i32>} : memref<1024xf32, #tpu.memory_space<vmem>>, vector<16xf32>,
    %swap3A_266 = arith.constant 928 : index
    %swap3A_267 = tpu.vector_load %arg6[%swap3A_266] {strides = array<i32>} : memref<1024xf32, #tpu.memory_space<vmem>>, vector<16xf32>,
    %swap3A_268 = vector.shape_cast %swap3A_267 : vector<16xf32> to vector<16xf32>
    %swap3A_269 = vector.shape_cast %broadcast_in_dim3A_2 : vector<16xf32> to vector<16xf32>
    tpu.vector_store %arg6[%swap3A_266], %swap3A_269 {strides = array<i32>} : memref<1024xf32, #tpu.memory_space<vmem>>, vector<16xf32>,
    %swap3A_270 = arith.constant 944 : index
    %swap3A_271 = tpu.vector_load %arg6[%swap3A_270] {strides = array<i32>} : memref<1024xf32, #tpu.memory_space<vmem>>, vector<16xf32>,
    %swap3A_272 = vector.shape_cast %swap3A_271 : vector<16xf32> to vector<16xf32>
    %swap3A_273 = vector.shape_cast %broadcast_in_dim3A_2 : vector<16xf32> to vector<16xf32>
    tpu.vector_store %arg6[%swap3A_270], %swap3A_273 {strides = array<i32>} : memref<1024xf32, #tpu.memory_space<vmem>>, vector<16xf32>,
    %swap3A_274 = arith.constant 960 : index
    %swap3A_275 = tpu.vector_load %arg6[%swap3A_274] {strides = array<i32>} : memref<1024xf32, #tpu.memory_space<vmem>>, vector<16xf32>,
    %swap3A_276 = vector.shape_cast %swap3A_275 : vector<16xf32> to vector<16xf32>
    %swap3A_277 = vector.shape_cast %broadcast_in_dim3A_2 : vector<16xf32> to vector<16xf32>
    tpu.vector_store %arg6[%swap3A_274], %swap3A_277 {strides = array<i32>} : memref<1024xf32, #tpu.memory_space<vmem>>, vector<16xf32>,
    %swap3A_278 = arith.constant 976 : index
    %swap3A_279 = tpu.vector_load %arg6[%swap3A_278] {strides = array<i32>} : memref<1024xf32, #tpu.memory_space<vmem>>, vector<16xf32>,
    %swap3A_280 = vector.shape_cast %swap3A_279 : vector<16xf32> to vector<16xf32>
    %swap3A_281 = vector.shape_cast %broadcast_in_dim3A_2 : vector<16xf32> to vector<16xf32>
    tpu.vector_store %arg6[%swap3A_278], %swap3A_281 {strides = array<i32>} : memref<1024xf32, #tpu.memory_space<vmem>>, vector<16xf32>,
    %swap3A_282 = arith.constant 992 : index
    %swap3A_283 = tpu.vector_load %arg6[%swap3A_282] {strides = array<i32>} : memref<1024xf32, #tpu.memory_space<vmem>>, vector<16xf32>,
    %swap3A_284 = vector.shape_cast %swap3A_283 : vector<16xf32> to vector<16xf32>
    %swap3A_285 = vector.shape_cast %broadcast_in_dim3A_2 : vector<16xf32> to vector<16xf32>
    tpu.vector_store %arg6[%swap3A_282], %swap3A_285 {strides = array<i32>} : memref<1024xf32, #tpu.memory_space<vmem>>, vector<16xf32>,
    %swap3A_286 = arith.constant 1008 : index
    %swap3A_287 = tpu.vector_load %arg6[%swap3A_286] {strides = array<i32>} : memref<1024xf32, #tpu.memory_space<vmem>>, vector<16xf32>,
    %swap3A_288 = vector.shape_cast %swap3A_287 : vector<16xf32> to vector<16xf32>
    %swap3A_289 = vector.shape_cast %broadcast_in_dim3A_2 : vector<16xf32> to vector<16xf32>
    tpu.vector_store %arg6[%swap3A_286], %swap3A_289 {strides = array<i32>} : memref<1024xf32, #tpu.memory_space<vmem>>, vector<16xf32>,
    %mul3A = arith.constant 1024 : i32
    %mul3A_290 = arith.muli %arg1, %mul3A : i32
    "tpu.region"() ({
      %run_scoped3A = tpu.sem_alloc : memref<!tpu.dma_semaphore, #tpu.memory_space<semaphore_mem>>
      %dma_start3A = tpu.memref_slice %arg8[%mul3A_290] : memref<16384xf32, #tpu.memory_space<vmem_shared>> -> memref<1024xf32, #tpu.memory_space<vmem_shared>>
      %dma_start3A_299 = tpu.memref_slice %arg8[%mul3A_290] : memref<16384xf32, #tpu.memory_space<vmem_shared>> -> memref<1024xf32, #tpu.memory_space<vmem_shared>>
      tpu.enqueue_dma source(%arg6 : memref<1024xf32, #tpu.memory_space<vmem>>) target(%dma_start3A_299 : memref<1024xf32, #tpu.memory_space<vmem_shared>>) target_semaphore(%run_scoped3A : memref<!tpu.dma_semaphore, #tpu.memory_space<semaphore_mem>>)
      %dma_wait3A = tpu.memref_slice %arg8[%mul3A_290] : memref<16384xf32, #tpu.memory_space<vmem_shared>> -> memref<1024xf32, #tpu.memory_space<vmem_shared>>
      %dma_wait3A_300 = tpu.memref_slice %arg8[%mul3A_290] : memref<16384xf32, #tpu.memory_space<vmem_shared>> -> memref<1024xf32, #tpu.memory_space<vmem_shared>>
      tpu.wait_dma2 semaphore(%run_scoped3A : memref<!tpu.dma_semaphore, #tpu.memory_space<semaphore_mem>>) src(%arg6 : memref<1024xf32, #tpu.memory_space<vmem>>) dst(%dma_wait3A_300 : memref<1024xf32, #tpu.memory_space<vmem_shared>>)
      tpu.yield
    }) : () -> ()
    %barrier3A = arith.constant 0 : index
    tpu.barrier barrier_id(%barrier3A)
    %scan3A = arith.constant 0 : i32
    %scan3A_291 = arith.constant 0 : i32
    %scan3A_292 = arith.constant 157 : i32
    %scan3A_293 = arith.addi %scan3A_291, %scan3A_292 : i32
    %scan3A_294 = arith.constant 1 : i32
    scf.for %scan3A_299 = %scan3A_291 to %scan3A_293 step %scan3A_294  : i32 {
      "tpu.region"() ({
        %run_scoped3A = tpu.sem_alloc : memref<!tpu.dma_semaphore, #tpu.memory_space<semaphore_mem>>
        %dma_start3A = arith.constant 0 : i32
        %dma_start3A_300 = tpu.memref_slice %arg4[%scan3A_299, %dma_start3A] : memref<157x128xi32, #tpu.memory_space<vmem>> -> memref<1x128xi32, #tpu.memory_space<vmem>>
        %dma_start3A_301 = tpu.memref_squeeze %dma_start3A_300 : memref<1x128xi32, #tpu.memory_space<vmem>> -> memref<128xi32, #tpu.memory_space<vmem>>
        %dma_start3A_302 = arith.constant 0 : i32
        %dma_start3A_303 = tpu.memref_slice %arg8[%dma_start3A_302] : memref<16384xf32, #tpu.memory_space<vmem_shared>> -> memref<16384xf32, #tpu.memory_space<vmem_shared>>
        tpu.enqueue_indirect_dma source(%arg5 : memref<128xf32, #tpu.memory_space<vmem>>) target(%dma_start3A_303 : memref<16384xf32, #tpu.memory_space<vmem_shared>>) offsets(%dma_start3A_301 : memref<128xi32, #tpu.memory_space<vmem>>) semaphore(%run_scoped3A : memref<!tpu.dma_semaphore, #tpu.memory_space<semaphore_mem>>) {add = true}
        %dma_wait3A = arith.constant 0 : i32
        %dma_wait3A_304 = tpu.memref_slice %arg4[%scan3A_299, %dma_wait3A] : memref<157x128xi32, #tpu.memory_space<vmem>> -> memref<1x128xi32, #tpu.memory_space<vmem>>
        %dma_wait3A_305 = tpu.memref_squeeze %dma_wait3A_304 : memref<1x128xi32, #tpu.memory_space<vmem>> -> memref<128xi32, #tpu.memory_space<vmem>>
        %dma_wait3A_306 = arith.constant 0 : i32
        %dma_wait3A_307 = tpu.memref_slice %arg8[%dma_wait3A_306] : memref<16384xf32, #tpu.memory_space<vmem_shared>> -> memref<16384xf32, #tpu.memory_space<vmem_shared>>
        tpu.wait_indirect_dma semaphore(%run_scoped3A : memref<!tpu.dma_semaphore, #tpu.memory_space<semaphore_mem>>) src(%arg5 : memref<128xf32, #tpu.memory_space<vmem>>) dst(%dma_wait3A_307 : memref<16384xf32, #tpu.memory_space<vmem_shared>>)
        tpu.yield
      }) : () -> ()
    }
    %scan3A_295 = arith.constant 157 : i32
    %barrier3A_296 = arith.constant 0 : index
    tpu.barrier barrier_id(%barrier3A_296)
    %eq3A = arith.constant 0 : i32
    %eq3A_297 = arith.cmpi eq, %arg0, %eq3A : i32
    %convert_element_type3A = arith.extui %eq3A_297 : i1 to i32
    %cond3A = arith.constant 0 : i32
    %cond3A_298 = arith.cmpi ne, %convert_element_type3A, %cond3A : i32
    scf.if %cond3A_298 {
      %mul3A_299 = arith.constant 1024 : i32
      %mul3A_300 = arith.muli %arg1, %mul3A_299 : i32
      "tpu.region"() ({
        %run_scoped3A = tpu.sem_alloc : memref<!tpu.dma_semaphore, #tpu.memory_space<semaphore_mem>>
        %dma_start3A = tpu.memref_slice %arg8[%mul3A_300] : memref<16384xf32, #tpu.memory_space<vmem_shared>> -> memref<1024xf32, #tpu.memory_space<vmem_shared>>
        %dma_start3A_878 = tpu.memref_slice %arg8[%mul3A_300] : memref<16384xf32, #tpu.memory_space<vmem_shared>> -> memref<1024xf32, #tpu.memory_space<vmem_shared>>
        tpu.enqueue_dma source(%dma_start3A_878 : memref<1024xf32, #tpu.memory_space<vmem_shared>>) target(%arg6 : memref<1024xf32, #tpu.memory_space<vmem>>) target_semaphore(%run_scoped3A : memref<!tpu.dma_semaphore, #tpu.memory_space<semaphore_mem>>)
        %dma_wait3A = tpu.memref_slice %arg8[%mul3A_300] : memref<16384xf32, #tpu.memory_space<vmem_shared>> -> memref<1024xf32, #tpu.memory_space<vmem_shared>>
        %dma_wait3A_879 = tpu.memref_slice %arg8[%mul3A_300] : memref<16384xf32, #tpu.memory_space<vmem_shared>> -> memref<1024xf32, #tpu.memory_space<vmem_shared>>
        tpu.wait_dma2 semaphore(%run_scoped3A : memref<!tpu.dma_semaphore, #tpu.memory_space<semaphore_mem>>) src(%dma_wait3A_879 : memref<1024xf32, #tpu.memory_space<vmem_shared>>) dst(%arg6 : memref<1024xf32, #tpu.memory_space<vmem>>)
        tpu.yield
      }) : () -> ()
      %get3A = arith.constant 0 : index
      %get3A_301 = tpu.vector_load %arg6[%get3A] {strides = array<i32>} : memref<1024xf32, #tpu.memory_space<vmem>>, vector<16xf32>,
      %get3A_302 = vector.shape_cast %get3A_301 : vector<16xf32> to vector<16xf32>
      %swap3A_303 = arith.constant 0 : i32
      %swap3A_304 = arith.index_cast %swap3A_303 : i32 to index
      %swap3A_305 = arith.constant 0 : index
      %swap3A_306 = tpu.vector_load %arg7[%swap3A_304, %swap3A_305] {strides = array<i32>} : memref<8x128xf32, #tpu.memory_space<vmem>>, vector<1x16xf32>,
      %swap3A_307 = vector.shape_cast %swap3A_306 : vector<1x16xf32> to vector<16xf32>
      %swap3A_308 = vector.shape_cast %get3A_302 : vector<16xf32> to vector<1x16xf32>
      tpu.vector_store %arg7[%swap3A_304, %swap3A_305], %swap3A_308 {strides = array<i32>} : memref<8x128xf32, #tpu.memory_space<vmem>>, vector<1x16xf32>,
      %get3A_309 = arith.constant 16 : index
      %get3A_310 = tpu.vector_load %arg6[%get3A_309] {strides = array<i32>} : memref<1024xf32, #tpu.memory_space<vmem>>, vector<16xf32>,
      %get3A_311 = vector.shape_cast %get3A_310 : vector<16xf32> to vector<16xf32>
      %swap3A_312 = arith.constant 0 : i32
      %swap3A_313 = arith.index_cast %swap3A_312 : i32 to index
      %swap3A_314 = arith.constant 16 : index
      %swap3A_315 = tpu.vector_load %arg7[%swap3A_313, %swap3A_314] {strides = array<i32>} : memref<8x128xf32, #tpu.memory_space<vmem>>, vector<1x16xf32>,
      %swap3A_316 = vector.shape_cast %swap3A_315 : vector<1x16xf32> to vector<16xf32>
      %swap3A_317 = vector.shape_cast %get3A_311 : vector<16xf32> to vector<1x16xf32>
      tpu.vector_store %arg7[%swap3A_313, %swap3A_314], %swap3A_317 {strides = array<i32>} : memref<8x128xf32, #tpu.memory_space<vmem>>, vector<1x16xf32>,
      %get3A_318 = arith.constant 32 : index
      %get3A_319 = tpu.vector_load %arg6[%get3A_318] {strides = array<i32>} : memref<1024xf32, #tpu.memory_space<vmem>>, vector<16xf32>,
      %get3A_320 = vector.shape_cast %get3A_319 : vector<16xf32> to vector<16xf32>
      %swap3A_321 = arith.constant 0 : i32
      %swap3A_322 = arith.index_cast %swap3A_321 : i32 to index
      %swap3A_323 = arith.constant 32 : index
      %swap3A_324 = tpu.vector_load %arg7[%swap3A_322, %swap3A_323] {strides = array<i32>} : memref<8x128xf32, #tpu.memory_space<vmem>>, vector<1x16xf32>,
      %swap3A_325 = vector.shape_cast %swap3A_324 : vector<1x16xf32> to vector<16xf32>
      %swap3A_326 = vector.shape_cast %get3A_320 : vector<16xf32> to vector<1x16xf32>
      tpu.vector_store %arg7[%swap3A_322, %swap3A_323], %swap3A_326 {strides = array<i32>} : memref<8x128xf32, #tpu.memory_space<vmem>>, vector<1x16xf32>,
      %get3A_327 = arith.constant 48 : index
      %get3A_328 = tpu.vector_load %arg6[%get3A_327] {strides = array<i32>} : memref<1024xf32, #tpu.memory_space<vmem>>, vector<16xf32>,
      %get3A_329 = vector.shape_cast %get3A_328 : vector<16xf32> to vector<16xf32>
      %swap3A_330 = arith.constant 0 : i32
      %swap3A_331 = arith.index_cast %swap3A_330 : i32 to index
      %swap3A_332 = arith.constant 48 : index
      %swap3A_333 = tpu.vector_load %arg7[%swap3A_331, %swap3A_332] {strides = array<i32>} : memref<8x128xf32, #tpu.memory_space<vmem>>, vector<1x16xf32>,
      %swap3A_334 = vector.shape_cast %swap3A_333 : vector<1x16xf32> to vector<16xf32>
      %swap3A_335 = vector.shape_cast %get3A_329 : vector<16xf32> to vector<1x16xf32>
      tpu.vector_store %arg7[%swap3A_331, %swap3A_332], %swap3A_335 {strides = array<i32>} : memref<8x128xf32, #tpu.memory_space<vmem>>, vector<1x16xf32>,
      %get3A_336 = arith.constant 64 : index
      %get3A_337 = tpu.vector_load %arg6[%get3A_336] {strides = array<i32>} : memref<1024xf32, #tpu.memory_space<vmem>>, vector<16xf32>,
      %get3A_338 = vector.shape_cast %get3A_337 : vector<16xf32> to vector<16xf32>
      %swap3A_339 = arith.constant 0 : i32
      %swap3A_340 = arith.index_cast %swap3A_339 : i32 to index
      %swap3A_341 = arith.constant 64 : index
      %swap3A_342 = tpu.vector_load %arg7[%swap3A_340, %swap3A_341] {strides = array<i32>} : memref<8x128xf32, #tpu.memory_space<vmem>>, vector<1x16xf32>,
      %swap3A_343 = vector.shape_cast %swap3A_342 : vector<1x16xf32> to vector<16xf32>
      %swap3A_344 = vector.shape_cast %get3A_338 : vector<16xf32> to vector<1x16xf32>
      tpu.vector_store %arg7[%swap3A_340, %swap3A_341], %swap3A_344 {strides = array<i32>} : memref<8x128xf32, #tpu.memory_space<vmem>>, vector<1x16xf32>,
      %get3A_345 = arith.constant 80 : index
      %get3A_346 = tpu.vector_load %arg6[%get3A_345] {strides = array<i32>} : memref<1024xf32, #tpu.memory_space<vmem>>, vector<16xf32>,
      %get3A_347 = vector.shape_cast %get3A_346 : vector<16xf32> to vector<16xf32>
      %swap3A_348 = arith.constant 0 : i32
      %swap3A_349 = arith.index_cast %swap3A_348 : i32 to index
      %swap3A_350 = arith.constant 80 : index
      %swap3A_351 = tpu.vector_load %arg7[%swap3A_349, %swap3A_350] {strides = array<i32>} : memref<8x128xf32, #tpu.memory_space<vmem>>, vector<1x16xf32>,
      %swap3A_352 = vector.shape_cast %swap3A_351 : vector<1x16xf32> to vector<16xf32>
      %swap3A_353 = vector.shape_cast %get3A_347 : vector<16xf32> to vector<1x16xf32>
      tpu.vector_store %arg7[%swap3A_349, %swap3A_350], %swap3A_353 {strides = array<i32>} : memref<8x128xf32, #tpu.memory_space<vmem>>, vector<1x16xf32>,
      %get3A_354 = arith.constant 96 : index
      %get3A_355 = tpu.vector_load %arg6[%get3A_354] {strides = array<i32>} : memref<1024xf32, #tpu.memory_space<vmem>>, vector<16xf32>,
      %get3A_356 = vector.shape_cast %get3A_355 : vector<16xf32> to vector<16xf32>
      %swap3A_357 = arith.constant 0 : i32
      %swap3A_358 = arith.index_cast %swap3A_357 : i32 to index
      %swap3A_359 = arith.constant 96 : index
      %swap3A_360 = tpu.vector_load %arg7[%swap3A_358, %swap3A_359] {strides = array<i32>} : memref<8x128xf32, #tpu.memory_space<vmem>>, vector<1x16xf32>,
      %swap3A_361 = vector.shape_cast %swap3A_360 : vector<1x16xf32> to vector<16xf32>
      %swap3A_362 = vector.shape_cast %get3A_356 : vector<16xf32> to vector<1x16xf32>
      tpu.vector_store %arg7[%swap3A_358, %swap3A_359], %swap3A_362 {strides = array<i32>} : memref<8x128xf32, #tpu.memory_space<vmem>>, vector<1x16xf32>,
      %get3A_363 = arith.constant 112 : index
      %get3A_364 = tpu.vector_load %arg6[%get3A_363] {strides = array<i32>} : memref<1024xf32, #tpu.memory_space<vmem>>, vector<16xf32>,
      %get3A_365 = vector.shape_cast %get3A_364 : vector<16xf32> to vector<16xf32>
      %swap3A_366 = arith.constant 0 : i32
      %swap3A_367 = arith.index_cast %swap3A_366 : i32 to index
      %swap3A_368 = arith.constant 112 : index
      %swap3A_369 = tpu.vector_load %arg7[%swap3A_367, %swap3A_368] {strides = array<i32>} : memref<8x128xf32, #tpu.memory_space<vmem>>, vector<1x16xf32>,
      %swap3A_370 = vector.shape_cast %swap3A_369 : vector<1x16xf32> to vector<16xf32>
      %swap3A_371 = vector.shape_cast %get3A_365 : vector<16xf32> to vector<1x16xf32>
      tpu.vector_store %arg7[%swap3A_367, %swap3A_368], %swap3A_371 {strides = array<i32>} : memref<8x128xf32, #tpu.memory_space<vmem>>, vector<1x16xf32>,
      %get3A_372 = arith.constant 128 : index
      %get3A_373 = tpu.vector_load %arg6[%get3A_372] {strides = array<i32>} : memref<1024xf32, #tpu.memory_space<vmem>>, vector<16xf32>,
      %get3A_374 = vector.shape_cast %get3A_373 : vector<16xf32> to vector<16xf32>
      %swap3A_375 = arith.constant 1 : i32
      %swap3A_376 = arith.index_cast %swap3A_375 : i32 to index
      %swap3A_377 = arith.constant 0 : index
      %swap3A_378 = tpu.vector_load %arg7[%swap3A_376, %swap3A_377] {strides = array<i32>} : memref<8x128xf32, #tpu.memory_space<vmem>>, vector<1x16xf32>,
      %swap3A_379 = vector.shape_cast %swap3A_378 : vector<1x16xf32> to vector<16xf32>
      %swap3A_380 = vector.shape_cast %get3A_374 : vector<16xf32> to vector<1x16xf32>
      tpu.vector_store %arg7[%swap3A_376, %swap3A_377], %swap3A_380 {strides = array<i32>} : memref<8x128xf32, #tpu.memory_space<vmem>>, vector<1x16xf32>,
      %get3A_381 = arith.constant 144 : index
      %get3A_382 = tpu.vector_load %arg6[%get3A_381] {strides = array<i32>} : memref<1024xf32, #tpu.memory_space<vmem>>, vector<16xf32>,
      %get3A_383 = vector.shape_cast %get3A_382 : vector<16xf32> to vector<16xf32>
      %swap3A_384 = arith.constant 1 : i32
      %swap3A_385 = arith.index_cast %swap3A_384 : i32 to index
      %swap3A_386 = arith.constant 16 : index
      %swap3A_387 = tpu.vector_load %arg7[%swap3A_385, %swap3A_386] {strides = array<i32>} : memref<8x128xf32, #tpu.memory_space<vmem>>, vector<1x16xf32>,
      %swap3A_388 = vector.shape_cast %swap3A_387 : vector<1x16xf32> to vector<16xf32>
      %swap3A_389 = vector.shape_cast %get3A_383 : vector<16xf32> to vector<1x16xf32>
      tpu.vector_store %arg7[%swap3A_385, %swap3A_386], %swap3A_389 {strides = array<i32>} : memref<8x128xf32, #tpu.memory_space<vmem>>, vector<1x16xf32>,
      %get3A_390 = arith.constant 160 : index
      %get3A_391 = tpu.vector_load %arg6[%get3A_390] {strides = array<i32>} : memref<1024xf32, #tpu.memory_space<vmem>>, vector<16xf32>,
      %get3A_392 = vector.shape_cast %get3A_391 : vector<16xf32> to vector<16xf32>
      %swap3A_393 = arith.constant 1 : i32
      %swap3A_394 = arith.index_cast %swap3A_393 : i32 to index
      %swap3A_395 = arith.constant 32 : index
      %swap3A_396 = tpu.vector_load %arg7[%swap3A_394, %swap3A_395] {strides = array<i32>} : memref<8x128xf32, #tpu.memory_space<vmem>>, vector<1x16xf32>,
      %swap3A_397 = vector.shape_cast %swap3A_396 : vector<1x16xf32> to vector<16xf32>
      %swap3A_398 = vector.shape_cast %get3A_392 : vector<16xf32> to vector<1x16xf32>
      tpu.vector_store %arg7[%swap3A_394, %swap3A_395], %swap3A_398 {strides = array<i32>} : memref<8x128xf32, #tpu.memory_space<vmem>>, vector<1x16xf32>,
      %get3A_399 = arith.constant 176 : index
      %get3A_400 = tpu.vector_load %arg6[%get3A_399] {strides = array<i32>} : memref<1024xf32, #tpu.memory_space<vmem>>, vector<16xf32>,
      %get3A_401 = vector.shape_cast %get3A_400 : vector<16xf32> to vector<16xf32>
      %swap3A_402 = arith.constant 1 : i32
      %swap3A_403 = arith.index_cast %swap3A_402 : i32 to index
      %swap3A_404 = arith.constant 48 : index
      %swap3A_405 = tpu.vector_load %arg7[%swap3A_403, %swap3A_404] {strides = array<i32>} : memref<8x128xf32, #tpu.memory_space<vmem>>, vector<1x16xf32>,
      %swap3A_406 = vector.shape_cast %swap3A_405 : vector<1x16xf32> to vector<16xf32>
      %swap3A_407 = vector.shape_cast %get3A_401 : vector<16xf32> to vector<1x16xf32>
      tpu.vector_store %arg7[%swap3A_403, %swap3A_404], %swap3A_407 {strides = array<i32>} : memref<8x128xf32, #tpu.memory_space<vmem>>, vector<1x16xf32>,
      %get3A_408 = arith.constant 192 : index
      %get3A_409 = tpu.vector_load %arg6[%get3A_408] {strides = array<i32>} : memref<1024xf32, #tpu.memory_space<vmem>>, vector<16xf32>,
      %get3A_410 = vector.shape_cast %get3A_409 : vector<16xf32> to vector<16xf32>
      %swap3A_411 = arith.constant 1 : i32
      %swap3A_412 = arith.index_cast %swap3A_411 : i32 to index
      %swap3A_413 = arith.constant 64 : index
      %swap3A_414 = tpu.vector_load %arg7[%swap3A_412, %swap3A_413] {strides = array<i32>} : memref<8x128xf32, #tpu.memory_space<vmem>>, vector<1x16xf32>,
      %swap3A_415 = vector.shape_cast %swap3A_414 : vector<1x16xf32> to vector<16xf32>
      %swap3A_416 = vector.shape_cast %get3A_410 : vector<16xf32> to vector<1x16xf32>
      tpu.vector_store %arg7[%swap3A_412, %swap3A_413], %swap3A_416 {strides = array<i32>} : memref<8x128xf32, #tpu.memory_space<vmem>>, vector<1x16xf32>,
      %get3A_417 = arith.constant 208 : index
      %get3A_418 = tpu.vector_load %arg6[%get3A_417] {strides = array<i32>} : memref<1024xf32, #tpu.memory_space<vmem>>, vector<16xf32>,
      %get3A_419 = vector.shape_cast %get3A_418 : vector<16xf32> to vector<16xf32>
      %swap3A_420 = arith.constant 1 : i32
      %swap3A_421 = arith.index_cast %swap3A_420 : i32 to index
      %swap3A_422 = arith.constant 80 : index
      %swap3A_423 = tpu.vector_load %arg7[%swap3A_421, %swap3A_422] {strides = array<i32>} : memref<8x128xf32, #tpu.memory_space<vmem>>, vector<1x16xf32>,
      %swap3A_424 = vector.shape_cast %swap3A_423 : vector<1x16xf32> to vector<16xf32>
      %swap3A_425 = vector.shape_cast %get3A_419 : vector<16xf32> to vector<1x16xf32>
      tpu.vector_store %arg7[%swap3A_421, %swap3A_422], %swap3A_425 {strides = array<i32>} : memref<8x128xf32, #tpu.memory_space<vmem>>, vector<1x16xf32>,
      %get3A_426 = arith.constant 224 : index
      %get3A_427 = tpu.vector_load %arg6[%get3A_426] {strides = array<i32>} : memref<1024xf32, #tpu.memory_space<vmem>>, vector<16xf32>,
      %get3A_428 = vector.shape_cast %get3A_427 : vector<16xf32> to vector<16xf32>
      %swap3A_429 = arith.constant 1 : i32
      %swap3A_430 = arith.index_cast %swap3A_429 : i32 to index
      %swap3A_431 = arith.constant 96 : index
      %swap3A_432 = tpu.vector_load %arg7[%swap3A_430, %swap3A_431] {strides = array<i32>} : memref<8x128xf32, #tpu.memory_space<vmem>>, vector<1x16xf32>,
      %swap3A_433 = vector.shape_cast %swap3A_432 : vector<1x16xf32> to vector<16xf32>
      %swap3A_434 = vector.shape_cast %get3A_428 : vector<16xf32> to vector<1x16xf32>
      tpu.vector_store %arg7[%swap3A_430, %swap3A_431], %swap3A_434 {strides = array<i32>} : memref<8x128xf32, #tpu.memory_space<vmem>>, vector<1x16xf32>,
      %get3A_435 = arith.constant 240 : index
      %get3A_436 = tpu.vector_load %arg6[%get3A_435] {strides = array<i32>} : memref<1024xf32, #tpu.memory_space<vmem>>, vector<16xf32>,
      %get3A_437 = vector.shape_cast %get3A_436 : vector<16xf32> to vector<16xf32>
      %swap3A_438 = arith.constant 1 : i32
      %swap3A_439 = arith.index_cast %swap3A_438 : i32 to index
      %swap3A_440 = arith.constant 112 : index
      %swap3A_441 = tpu.vector_load %arg7[%swap3A_439, %swap3A_440] {strides = array<i32>} : memref<8x128xf32, #tpu.memory_space<vmem>>, vector<1x16xf32>,
      %swap3A_442 = vector.shape_cast %swap3A_441 : vector<1x16xf32> to vector<16xf32>
      %swap3A_443 = vector.shape_cast %get3A_437 : vector<16xf32> to vector<1x16xf32>
      tpu.vector_store %arg7[%swap3A_439, %swap3A_440], %swap3A_443 {strides = array<i32>} : memref<8x128xf32, #tpu.memory_space<vmem>>, vector<1x16xf32>,
      %get3A_444 = arith.constant 256 : index
      %get3A_445 = tpu.vector_load %arg6[%get3A_444] {strides = array<i32>} : memref<1024xf32, #tpu.memory_space<vmem>>, vector<16xf32>,
      %get3A_446 = vector.shape_cast %get3A_445 : vector<16xf32> to vector<16xf32>
      %swap3A_447 = arith.constant 2 : i32
      %swap3A_448 = arith.index_cast %swap3A_447 : i32 to index
      %swap3A_449 = arith.constant 0 : index
      %swap3A_450 = tpu.vector_load %arg7[%swap3A_448, %swap3A_449] {strides = array<i32>} : memref<8x128xf32, #tpu.memory_space<vmem>>, vector<1x16xf32>,
      %swap3A_451 = vector.shape_cast %swap3A_450 : vector<1x16xf32> to vector<16xf32>
      %swap3A_452 = vector.shape_cast %get3A_446 : vector<16xf32> to vector<1x16xf32>
      tpu.vector_store %arg7[%swap3A_448, %swap3A_449], %swap3A_452 {strides = array<i32>} : memref<8x128xf32, #tpu.memory_space<vmem>>, vector<1x16xf32>,
      %get3A_453 = arith.constant 272 : index
      %get3A_454 = tpu.vector_load %arg6[%get3A_453] {strides = array<i32>} : memref<1024xf32, #tpu.memory_space<vmem>>, vector<16xf32>,
      %get3A_455 = vector.shape_cast %get3A_454 : vector<16xf32> to vector<16xf32>
      %swap3A_456 = arith.constant 2 : i32
      %swap3A_457 = arith.index_cast %swap3A_456 : i32 to index
      %swap3A_458 = arith.constant 16 : index
      %swap3A_459 = tpu.vector_load %arg7[%swap3A_457, %swap3A_458] {strides = array<i32>} : memref<8x128xf32, #tpu.memory_space<vmem>>, vector<1x16xf32>,
      %swap3A_460 = vector.shape_cast %swap3A_459 : vector<1x16xf32> to vector<16xf32>
      %swap3A_461 = vector.shape_cast %get3A_455 : vector<16xf32> to vector<1x16xf32>
      tpu.vector_store %arg7[%swap3A_457, %swap3A_458], %swap3A_461 {strides = array<i32>} : memref<8x128xf32, #tpu.memory_space<vmem>>, vector<1x16xf32>,
      %get3A_462 = arith.constant 288 : index
      %get3A_463 = tpu.vector_load %arg6[%get3A_462] {strides = array<i32>} : memref<1024xf32, #tpu.memory_space<vmem>>, vector<16xf32>,
      %get3A_464 = vector.shape_cast %get3A_463 : vector<16xf32> to vector<16xf32>
      %swap3A_465 = arith.constant 2 : i32
      %swap3A_466 = arith.index_cast %swap3A_465 : i32 to index
      %swap3A_467 = arith.constant 32 : index
      %swap3A_468 = tpu.vector_load %arg7[%swap3A_466, %swap3A_467] {strides = array<i32>} : memref<8x128xf32, #tpu.memory_space<vmem>>, vector<1x16xf32>,
      %swap3A_469 = vector.shape_cast %swap3A_468 : vector<1x16xf32> to vector<16xf32>
      %swap3A_470 = vector.shape_cast %get3A_464 : vector<16xf32> to vector<1x16xf32>
      tpu.vector_store %arg7[%swap3A_466, %swap3A_467], %swap3A_470 {strides = array<i32>} : memref<8x128xf32, #tpu.memory_space<vmem>>, vector<1x16xf32>,
      %get3A_471 = arith.constant 304 : index
      %get3A_472 = tpu.vector_load %arg6[%get3A_471] {strides = array<i32>} : memref<1024xf32, #tpu.memory_space<vmem>>, vector<16xf32>,
      %get3A_473 = vector.shape_cast %get3A_472 : vector<16xf32> to vector<16xf32>
      %swap3A_474 = arith.constant 2 : i32
      %swap3A_475 = arith.index_cast %swap3A_474 : i32 to index
      %swap3A_476 = arith.constant 48 : index
      %swap3A_477 = tpu.vector_load %arg7[%swap3A_475, %swap3A_476] {strides = array<i32>} : memref<8x128xf32, #tpu.memory_space<vmem>>, vector<1x16xf32>,
      %swap3A_478 = vector.shape_cast %swap3A_477 : vector<1x16xf32> to vector<16xf32>
      %swap3A_479 = vector.shape_cast %get3A_473 : vector<16xf32> to vector<1x16xf32>
      tpu.vector_store %arg7[%swap3A_475, %swap3A_476], %swap3A_479 {strides = array<i32>} : memref<8x128xf32, #tpu.memory_space<vmem>>, vector<1x16xf32>,
      %get3A_480 = arith.constant 320 : index
      %get3A_481 = tpu.vector_load %arg6[%get3A_480] {strides = array<i32>} : memref<1024xf32, #tpu.memory_space<vmem>>, vector<16xf32>,
      %get3A_482 = vector.shape_cast %get3A_481 : vector<16xf32> to vector<16xf32>
      %swap3A_483 = arith.constant 2 : i32
      %swap3A_484 = arith.index_cast %swap3A_483 : i32 to index
      %swap3A_485 = arith.constant 64 : index
      %swap3A_486 = tpu.vector_load %arg7[%swap3A_484, %swap3A_485] {strides = array<i32>} : memref<8x128xf32, #tpu.memory_space<vmem>>, vector<1x16xf32>,
      %swap3A_487 = vector.shape_cast %swap3A_486 : vector<1x16xf32> to vector<16xf32>
      %swap3A_488 = vector.shape_cast %get3A_482 : vector<16xf32> to vector<1x16xf32>
      tpu.vector_store %arg7[%swap3A_484, %swap3A_485], %swap3A_488 {strides = array<i32>} : memref<8x128xf32, #tpu.memory_space<vmem>>, vector<1x16xf32>,
      %get3A_489 = arith.constant 336 : index
      %get3A_490 = tpu.vector_load %arg6[%get3A_489] {strides = array<i32>} : memref<1024xf32, #tpu.memory_space<vmem>>, vector<16xf32>,
      %get3A_491 = vector.shape_cast %get3A_490 : vector<16xf32> to vector<16xf32>
      %swap3A_492 = arith.constant 2 : i32
      %swap3A_493 = arith.index_cast %swap3A_492 : i32 to index
      %swap3A_494 = arith.constant 80 : index
      %swap3A_495 = tpu.vector_load %arg7[%swap3A_493, %swap3A_494] {strides = array<i32>} : memref<8x128xf32, #tpu.memory_space<vmem>>, vector<1x16xf32>,
      %swap3A_496 = vector.shape_cast %swap3A_495 : vector<1x16xf32> to vector<16xf32>
      %swap3A_497 = vector.shape_cast %get3A_491 : vector<16xf32> to vector<1x16xf32>
      tpu.vector_store %arg7[%swap3A_493, %swap3A_494], %swap3A_497 {strides = array<i32>} : memref<8x128xf32, #tpu.memory_space<vmem>>, vector<1x16xf32>,
      %get3A_498 = arith.constant 352 : index
      %get3A_499 = tpu.vector_load %arg6[%get3A_498] {strides = array<i32>} : memref<1024xf32, #tpu.memory_space<vmem>>, vector<16xf32>,
      %get3A_500 = vector.shape_cast %get3A_499 : vector<16xf32> to vector<16xf32>
      %swap3A_501 = arith.constant 2 : i32
      %swap3A_502 = arith.index_cast %swap3A_501 : i32 to index
      %swap3A_503 = arith.constant 96 : index
      %swap3A_504 = tpu.vector_load %arg7[%swap3A_502, %swap3A_503] {strides = array<i32>} : memref<8x128xf32, #tpu.memory_space<vmem>>, vector<1x16xf32>,
      %swap3A_505 = vector.shape_cast %swap3A_504 : vector<1x16xf32> to vector<16xf32>
      %swap3A_506 = vector.shape_cast %get3A_500 : vector<16xf32> to vector<1x16xf32>
      tpu.vector_store %arg7[%swap3A_502, %swap3A_503], %swap3A_506 {strides = array<i32>} : memref<8x128xf32, #tpu.memory_space<vmem>>, vector<1x16xf32>,
      %get3A_507 = arith.constant 368 : index
      %get3A_508 = tpu.vector_load %arg6[%get3A_507] {strides = array<i32>} : memref<1024xf32, #tpu.memory_space<vmem>>, vector<16xf32>,
      %get3A_509 = vector.shape_cast %get3A_508 : vector<16xf32> to vector<16xf32>
      %swap3A_510 = arith.constant 2 : i32
      %swap3A_511 = arith.index_cast %swap3A_510 : i32 to index
      %swap3A_512 = arith.constant 112 : index
      %swap3A_513 = tpu.vector_load %arg7[%swap3A_511, %swap3A_512] {strides = array<i32>} : memref<8x128xf32, #tpu.memory_space<vmem>>, vector<1x16xf32>,
      %swap3A_514 = vector.shape_cast %swap3A_513 : vector<1x16xf32> to vector<16xf32>
      %swap3A_515 = vector.shape_cast %get3A_509 : vector<16xf32> to vector<1x16xf32>
      tpu.vector_store %arg7[%swap3A_511, %swap3A_512], %swap3A_515 {strides = array<i32>} : memref<8x128xf32, #tpu.memory_space<vmem>>, vector<1x16xf32>,
      %get3A_516 = arith.constant 384 : index
      %get3A_517 = tpu.vector_load %arg6[%get3A_516] {strides = array<i32>} : memref<1024xf32, #tpu.memory_space<vmem>>, vector<16xf32>,
      %get3A_518 = vector.shape_cast %get3A_517 : vector<16xf32> to vector<16xf32>
      %swap3A_519 = arith.constant 3 : i32
      %swap3A_520 = arith.index_cast %swap3A_519 : i32 to index
      %swap3A_521 = arith.constant 0 : index
      %swap3A_522 = tpu.vector_load %arg7[%swap3A_520, %swap3A_521] {strides = array<i32>} : memref<8x128xf32, #tpu.memory_space<vmem>>, vector<1x16xf32>,
      %swap3A_523 = vector.shape_cast %swap3A_522 : vector<1x16xf32> to vector<16xf32>
      %swap3A_524 = vector.shape_cast %get3A_518 : vector<16xf32> to vector<1x16xf32>
      tpu.vector_store %arg7[%swap3A_520, %swap3A_521], %swap3A_524 {strides = array<i32>} : memref<8x128xf32, #tpu.memory_space<vmem>>, vector<1x16xf32>,
      %get3A_525 = arith.constant 400 : index
      %get3A_526 = tpu.vector_load %arg6[%get3A_525] {strides = array<i32>} : memref<1024xf32, #tpu.memory_space<vmem>>, vector<16xf32>,
      %get3A_527 = vector.shape_cast %get3A_526 : vector<16xf32> to vector<16xf32>
      %swap3A_528 = arith.constant 3 : i32
      %swap3A_529 = arith.index_cast %swap3A_528 : i32 to index
      %swap3A_530 = arith.constant 16 : index
      %swap3A_531 = tpu.vector_load %arg7[%swap3A_529, %swap3A_530] {strides = array<i32>} : memref<8x128xf32, #tpu.memory_space<vmem>>, vector<1x16xf32>,
      %swap3A_532 = vector.shape_cast %swap3A_531 : vector<1x16xf32> to vector<16xf32>
      %swap3A_533 = vector.shape_cast %get3A_527 : vector<16xf32> to vector<1x16xf32>
      tpu.vector_store %arg7[%swap3A_529, %swap3A_530], %swap3A_533 {strides = array<i32>} : memref<8x128xf32, #tpu.memory_space<vmem>>, vector<1x16xf32>,
      %get3A_534 = arith.constant 416 : index
      %get3A_535 = tpu.vector_load %arg6[%get3A_534] {strides = array<i32>} : memref<1024xf32, #tpu.memory_space<vmem>>, vector<16xf32>,
      %get3A_536 = vector.shape_cast %get3A_535 : vector<16xf32> to vector<16xf32>
      %swap3A_537 = arith.constant 3 : i32
      %swap3A_538 = arith.index_cast %swap3A_537 : i32 to index
      %swap3A_539 = arith.constant 32 : index
      %swap3A_540 = tpu.vector_load %arg7[%swap3A_538, %swap3A_539] {strides = array<i32>} : memref<8x128xf32, #tpu.memory_space<vmem>>, vector<1x16xf32>,
      %swap3A_541 = vector.shape_cast %swap3A_540 : vector<1x16xf32> to vector<16xf32>
      %swap3A_542 = vector.shape_cast %get3A_536 : vector<16xf32> to vector<1x16xf32>
      tpu.vector_store %arg7[%swap3A_538, %swap3A_539], %swap3A_542 {strides = array<i32>} : memref<8x128xf32, #tpu.memory_space<vmem>>, vector<1x16xf32>,
      %get3A_543 = arith.constant 432 : index
      %get3A_544 = tpu.vector_load %arg6[%get3A_543] {strides = array<i32>} : memref<1024xf32, #tpu.memory_space<vmem>>, vector<16xf32>,
      %get3A_545 = vector.shape_cast %get3A_544 : vector<16xf32> to vector<16xf32>
      %swap3A_546 = arith.constant 3 : i32
      %swap3A_547 = arith.index_cast %swap3A_546 : i32 to index
      %swap3A_548 = arith.constant 48 : index
      %swap3A_549 = tpu.vector_load %arg7[%swap3A_547, %swap3A_548] {strides = array<i32>} : memref<8x128xf32, #tpu.memory_space<vmem>>, vector<1x16xf32>,
      %swap3A_550 = vector.shape_cast %swap3A_549 : vector<1x16xf32> to vector<16xf32>
      %swap3A_551 = vector.shape_cast %get3A_545 : vector<16xf32> to vector<1x16xf32>
      tpu.vector_store %arg7[%swap3A_547, %swap3A_548], %swap3A_551 {strides = array<i32>} : memref<8x128xf32, #tpu.memory_space<vmem>>, vector<1x16xf32>,
      %get3A_552 = arith.constant 448 : index
      %get3A_553 = tpu.vector_load %arg6[%get3A_552] {strides = array<i32>} : memref<1024xf32, #tpu.memory_space<vmem>>, vector<16xf32>,
      %get3A_554 = vector.shape_cast %get3A_553 : vector<16xf32> to vector<16xf32>
      %swap3A_555 = arith.constant 3 : i32
      %swap3A_556 = arith.index_cast %swap3A_555 : i32 to index
      %swap3A_557 = arith.constant 64 : index
      %swap3A_558 = tpu.vector_load %arg7[%swap3A_556, %swap3A_557] {strides = array<i32>} : memref<8x128xf32, #tpu.memory_space<vmem>>, vector<1x16xf32>,
      %swap3A_559 = vector.shape_cast %swap3A_558 : vector<1x16xf32> to vector<16xf32>
      %swap3A_560 = vector.shape_cast %get3A_554 : vector<16xf32> to vector<1x16xf32>
      tpu.vector_store %arg7[%swap3A_556, %swap3A_557], %swap3A_560 {strides = array<i32>} : memref<8x128xf32, #tpu.memory_space<vmem>>, vector<1x16xf32>,
      %get3A_561 = arith.constant 464 : index
      %get3A_562 = tpu.vector_load %arg6[%get3A_561] {strides = array<i32>} : memref<1024xf32, #tpu.memory_space<vmem>>, vector<16xf32>,
      %get3A_563 = vector.shape_cast %get3A_562 : vector<16xf32> to vector<16xf32>
      %swap3A_564 = arith.constant 3 : i32
      %swap3A_565 = arith.index_cast %swap3A_564 : i32 to index
      %swap3A_566 = arith.constant 80 : index
      %swap3A_567 = tpu.vector_load %arg7[%swap3A_565, %swap3A_566] {strides = array<i32>} : memref<8x128xf32, #tpu.memory_space<vmem>>, vector<1x16xf32>,
      %swap3A_568 = vector.shape_cast %swap3A_567 : vector<1x16xf32> to vector<16xf32>
      %swap3A_569 = vector.shape_cast %get3A_563 : vector<16xf32> to vector<1x16xf32>
      tpu.vector_store %arg7[%swap3A_565, %swap3A_566], %swap3A_569 {strides = array<i32>} : memref<8x128xf32, #tpu.memory_space<vmem>>, vector<1x16xf32>,
      %get3A_570 = arith.constant 480 : index
      %get3A_571 = tpu.vector_load %arg6[%get3A_570] {strides = array<i32>} : memref<1024xf32, #tpu.memory_space<vmem>>, vector<16xf32>,
      %get3A_572 = vector.shape_cast %get3A_571 : vector<16xf32> to vector<16xf32>
      %swap3A_573 = arith.constant 3 : i32
      %swap3A_574 = arith.index_cast %swap3A_573 : i32 to index
      %swap3A_575 = arith.constant 96 : index
      %swap3A_576 = tpu.vector_load %arg7[%swap3A_574, %swap3A_575] {strides = array<i32>} : memref<8x128xf32, #tpu.memory_space<vmem>>, vector<1x16xf32>,
      %swap3A_577 = vector.shape_cast %swap3A_576 : vector<1x16xf32> to vector<16xf32>
      %swap3A_578 = vector.shape_cast %get3A_572 : vector<16xf32> to vector<1x16xf32>
      tpu.vector_store %arg7[%swap3A_574, %swap3A_575], %swap3A_578 {strides = array<i32>} : memref<8x128xf32, #tpu.memory_space<vmem>>, vector<1x16xf32>,
      %get3A_579 = arith.constant 496 : index
      %get3A_580 = tpu.vector_load %arg6[%get3A_579] {strides = array<i32>} : memref<1024xf32, #tpu.memory_space<vmem>>, vector<16xf32>,
      %get3A_581 = vector.shape_cast %get3A_580 : vector<16xf32> to vector<16xf32>
      %swap3A_582 = arith.constant 3 : i32
      %swap3A_583 = arith.index_cast %swap3A_582 : i32 to index
      %swap3A_584 = arith.constant 112 : index
      %swap3A_585 = tpu.vector_load %arg7[%swap3A_583, %swap3A_584] {strides = array<i32>} : memref<8x128xf32, #tpu.memory_space<vmem>>, vector<1x16xf32>,
      %swap3A_586 = vector.shape_cast %swap3A_585 : vector<1x16xf32> to vector<16xf32>
      %swap3A_587 = vector.shape_cast %get3A_581 : vector<16xf32> to vector<1x16xf32>
      tpu.vector_store %arg7[%swap3A_583, %swap3A_584], %swap3A_587 {strides = array<i32>} : memref<8x128xf32, #tpu.memory_space<vmem>>, vector<1x16xf32>,
      %get3A_588 = arith.constant 512 : index
      %get3A_589 = tpu.vector_load %arg6[%get3A_588] {strides = array<i32>} : memref<1024xf32, #tpu.memory_space<vmem>>, vector<16xf32>,
      %get3A_590 = vector.shape_cast %get3A_589 : vector<16xf32> to vector<16xf32>
      %swap3A_591 = arith.constant 4 : i32
      %swap3A_592 = arith.index_cast %swap3A_591 : i32 to index
      %swap3A_593 = arith.constant 0 : index
      %swap3A_594 = tpu.vector_load %arg7[%swap3A_592, %swap3A_593] {strides = array<i32>} : memref<8x128xf32, #tpu.memory_space<vmem>>, vector<1x16xf32>,
      %swap3A_595 = vector.shape_cast %swap3A_594 : vector<1x16xf32> to vector<16xf32>
      %swap3A_596 = vector.shape_cast %get3A_590 : vector<16xf32> to vector<1x16xf32>
      tpu.vector_store %arg7[%swap3A_592, %swap3A_593], %swap3A_596 {strides = array<i32>} : memref<8x128xf32, #tpu.memory_space<vmem>>, vector<1x16xf32>,
      %get3A_597 = arith.constant 528 : index
      %get3A_598 = tpu.vector_load %arg6[%get3A_597] {strides = array<i32>} : memref<1024xf32, #tpu.memory_space<vmem>>, vector<16xf32>,
      %get3A_599 = vector.shape_cast %get3A_598 : vector<16xf32> to vector<16xf32>
      %swap3A_600 = arith.constant 4 : i32
      %swap3A_601 = arith.index_cast %swap3A_600 : i32 to index
      %swap3A_602 = arith.constant 16 : index
      %swap3A_603 = tpu.vector_load %arg7[%swap3A_601, %swap3A_602] {strides = array<i32>} : memref<8x128xf32, #tpu.memory_space<vmem>>, vector<1x16xf32>,
      %swap3A_604 = vector.shape_cast %swap3A_603 : vector<1x16xf32> to vector<16xf32>
      %swap3A_605 = vector.shape_cast %get3A_599 : vector<16xf32> to vector<1x16xf32>
      tpu.vector_store %arg7[%swap3A_601, %swap3A_602], %swap3A_605 {strides = array<i32>} : memref<8x128xf32, #tpu.memory_space<vmem>>, vector<1x16xf32>,
      %get3A_606 = arith.constant 544 : index
      %get3A_607 = tpu.vector_load %arg6[%get3A_606] {strides = array<i32>} : memref<1024xf32, #tpu.memory_space<vmem>>, vector<16xf32>,
      %get3A_608 = vector.shape_cast %get3A_607 : vector<16xf32> to vector<16xf32>
      %swap3A_609 = arith.constant 4 : i32
      %swap3A_610 = arith.index_cast %swap3A_609 : i32 to index
      %swap3A_611 = arith.constant 32 : index
      %swap3A_612 = tpu.vector_load %arg7[%swap3A_610, %swap3A_611] {strides = array<i32>} : memref<8x128xf32, #tpu.memory_space<vmem>>, vector<1x16xf32>,
      %swap3A_613 = vector.shape_cast %swap3A_612 : vector<1x16xf32> to vector<16xf32>
      %swap3A_614 = vector.shape_cast %get3A_608 : vector<16xf32> to vector<1x16xf32>
      tpu.vector_store %arg7[%swap3A_610, %swap3A_611], %swap3A_614 {strides = array<i32>} : memref<8x128xf32, #tpu.memory_space<vmem>>, vector<1x16xf32>,
      %get3A_615 = arith.constant 560 : index
      %get3A_616 = tpu.vector_load %arg6[%get3A_615] {strides = array<i32>} : memref<1024xf32, #tpu.memory_space<vmem>>, vector<16xf32>,
      %get3A_617 = vector.shape_cast %get3A_616 : vector<16xf32> to vector<16xf32>
      %swap3A_618 = arith.constant 4 : i32
      %swap3A_619 = arith.index_cast %swap3A_618 : i32 to index
      %swap3A_620 = arith.constant 48 : index
      %swap3A_621 = tpu.vector_load %arg7[%swap3A_619, %swap3A_620] {strides = array<i32>} : memref<8x128xf32, #tpu.memory_space<vmem>>, vector<1x16xf32>,
      %swap3A_622 = vector.shape_cast %swap3A_621 : vector<1x16xf32> to vector<16xf32>
      %swap3A_623 = vector.shape_cast %get3A_617 : vector<16xf32> to vector<1x16xf32>
      tpu.vector_store %arg7[%swap3A_619, %swap3A_620], %swap3A_623 {strides = array<i32>} : memref<8x128xf32, #tpu.memory_space<vmem>>, vector<1x16xf32>,
      %get3A_624 = arith.constant 576 : index
      %get3A_625 = tpu.vector_load %arg6[%get3A_624] {strides = array<i32>} : memref<1024xf32, #tpu.memory_space<vmem>>, vector<16xf32>,
      %get3A_626 = vector.shape_cast %get3A_625 : vector<16xf32> to vector<16xf32>
      %swap3A_627 = arith.constant 4 : i32
      %swap3A_628 = arith.index_cast %swap3A_627 : i32 to index
      %swap3A_629 = arith.constant 64 : index
      %swap3A_630 = tpu.vector_load %arg7[%swap3A_628, %swap3A_629] {strides = array<i32>} : memref<8x128xf32, #tpu.memory_space<vmem>>, vector<1x16xf32>,
      %swap3A_631 = vector.shape_cast %swap3A_630 : vector<1x16xf32> to vector<16xf32>
      %swap3A_632 = vector.shape_cast %get3A_626 : vector<16xf32> to vector<1x16xf32>
      tpu.vector_store %arg7[%swap3A_628, %swap3A_629], %swap3A_632 {strides = array<i32>} : memref<8x128xf32, #tpu.memory_space<vmem>>, vector<1x16xf32>,
      %get3A_633 = arith.constant 592 : index
      %get3A_634 = tpu.vector_load %arg6[%get3A_633] {strides = array<i32>} : memref<1024xf32, #tpu.memory_space<vmem>>, vector<16xf32>,
      %get3A_635 = vector.shape_cast %get3A_634 : vector<16xf32> to vector<16xf32>
      %swap3A_636 = arith.constant 4 : i32
      %swap3A_637 = arith.index_cast %swap3A_636 : i32 to index
      %swap3A_638 = arith.constant 80 : index
      %swap3A_639 = tpu.vector_load %arg7[%swap3A_637, %swap3A_638] {strides = array<i32>} : memref<8x128xf32, #tpu.memory_space<vmem>>, vector<1x16xf32>,
      %swap3A_640 = vector.shape_cast %swap3A_639 : vector<1x16xf32> to vector<16xf32>
      %swap3A_641 = vector.shape_cast %get3A_635 : vector<16xf32> to vector<1x16xf32>
      tpu.vector_store %arg7[%swap3A_637, %swap3A_638], %swap3A_641 {strides = array<i32>} : memref<8x128xf32, #tpu.memory_space<vmem>>, vector<1x16xf32>,
      %get3A_642 = arith.constant 608 : index
      %get3A_643 = tpu.vector_load %arg6[%get3A_642] {strides = array<i32>} : memref<1024xf32, #tpu.memory_space<vmem>>, vector<16xf32>,
      %get3A_644 = vector.shape_cast %get3A_643 : vector<16xf32> to vector<16xf32>
      %swap3A_645 = arith.constant 4 : i32
      %swap3A_646 = arith.index_cast %swap3A_645 : i32 to index
      %swap3A_647 = arith.constant 96 : index
      %swap3A_648 = tpu.vector_load %arg7[%swap3A_646, %swap3A_647] {strides = array<i32>} : memref<8x128xf32, #tpu.memory_space<vmem>>, vector<1x16xf32>,
      %swap3A_649 = vector.shape_cast %swap3A_648 : vector<1x16xf32> to vector<16xf32>
      %swap3A_650 = vector.shape_cast %get3A_644 : vector<16xf32> to vector<1x16xf32>
      tpu.vector_store %arg7[%swap3A_646, %swap3A_647], %swap3A_650 {strides = array<i32>} : memref<8x128xf32, #tpu.memory_space<vmem>>, vector<1x16xf32>,
      %get3A_651 = arith.constant 624 : index
      %get3A_652 = tpu.vector_load %arg6[%get3A_651] {strides = array<i32>} : memref<1024xf32, #tpu.memory_space<vmem>>, vector<16xf32>,
      %get3A_653 = vector.shape_cast %get3A_652 : vector<16xf32> to vector<16xf32>
      %swap3A_654 = arith.constant 4 : i32
      %swap3A_655 = arith.index_cast %swap3A_654 : i32 to index
      %swap3A_656 = arith.constant 112 : index
      %swap3A_657 = tpu.vector_load %arg7[%swap3A_655, %swap3A_656] {strides = array<i32>} : memref<8x128xf32, #tpu.memory_space<vmem>>, vector<1x16xf32>,
      %swap3A_658 = vector.shape_cast %swap3A_657 : vector<1x16xf32> to vector<16xf32>
      %swap3A_659 = vector.shape_cast %get3A_653 : vector<16xf32> to vector<1x16xf32>
      tpu.vector_store %arg7[%swap3A_655, %swap3A_656], %swap3A_659 {strides = array<i32>} : memref<8x128xf32, #tpu.memory_space<vmem>>, vector<1x16xf32>,
      %get3A_660 = arith.constant 640 : index
      %get3A_661 = tpu.vector_load %arg6[%get3A_660] {strides = array<i32>} : memref<1024xf32, #tpu.memory_space<vmem>>, vector<16xf32>,
      %get3A_662 = vector.shape_cast %get3A_661 : vector<16xf32> to vector<16xf32>
      %swap3A_663 = arith.constant 5 : i32
      %swap3A_664 = arith.index_cast %swap3A_663 : i32 to index
      %swap3A_665 = arith.constant 0 : index
      %swap3A_666 = tpu.vector_load %arg7[%swap3A_664, %swap3A_665] {strides = array<i32>} : memref<8x128xf32, #tpu.memory_space<vmem>>, vector<1x16xf32>,
      %swap3A_667 = vector.shape_cast %swap3A_666 : vector<1x16xf32> to vector<16xf32>
      %swap3A_668 = vector.shape_cast %get3A_662 : vector<16xf32> to vector<1x16xf32>
      tpu.vector_store %arg7[%swap3A_664, %swap3A_665], %swap3A_668 {strides = array<i32>} : memref<8x128xf32, #tpu.memory_space<vmem>>, vector<1x16xf32>,
      %get3A_669 = arith.constant 656 : index
      %get3A_670 = tpu.vector_load %arg6[%get3A_669] {strides = array<i32>} : memref<1024xf32, #tpu.memory_space<vmem>>, vector<16xf32>,
      %get3A_671 = vector.shape_cast %get3A_670 : vector<16xf32> to vector<16xf32>
      %swap3A_672 = arith.constant 5 : i32
      %swap3A_673 = arith.index_cast %swap3A_672 : i32 to index
      %swap3A_674 = arith.constant 16 : index
      %swap3A_675 = tpu.vector_load %arg7[%swap3A_673, %swap3A_674] {strides = array<i32>} : memref<8x128xf32, #tpu.memory_space<vmem>>, vector<1x16xf32>,
      %swap3A_676 = vector.shape_cast %swap3A_675 : vector<1x16xf32> to vector<16xf32>
      %swap3A_677 = vector.shape_cast %get3A_671 : vector<16xf32> to vector<1x16xf32>
      tpu.vector_store %arg7[%swap3A_673, %swap3A_674], %swap3A_677 {strides = array<i32>} : memref<8x128xf32, #tpu.memory_space<vmem>>, vector<1x16xf32>,
      %get3A_678 = arith.constant 672 : index
      %get3A_679 = tpu.vector_load %arg6[%get3A_678] {strides = array<i32>} : memref<1024xf32, #tpu.memory_space<vmem>>, vector<16xf32>,
      %get3A_680 = vector.shape_cast %get3A_679 : vector<16xf32> to vector<16xf32>
      %swap3A_681 = arith.constant 5 : i32
      %swap3A_682 = arith.index_cast %swap3A_681 : i32 to index
      %swap3A_683 = arith.constant 32 : index
      %swap3A_684 = tpu.vector_load %arg7[%swap3A_682, %swap3A_683] {strides = array<i32>} : memref<8x128xf32, #tpu.memory_space<vmem>>, vector<1x16xf32>,
      %swap3A_685 = vector.shape_cast %swap3A_684 : vector<1x16xf32> to vector<16xf32>
      %swap3A_686 = vector.shape_cast %get3A_680 : vector<16xf32> to vector<1x16xf32>
      tpu.vector_store %arg7[%swap3A_682, %swap3A_683], %swap3A_686 {strides = array<i32>} : memref<8x128xf32, #tpu.memory_space<vmem>>, vector<1x16xf32>,
      %get3A_687 = arith.constant 688 : index
      %get3A_688 = tpu.vector_load %arg6[%get3A_687] {strides = array<i32>} : memref<1024xf32, #tpu.memory_space<vmem>>, vector<16xf32>,
      %get3A_689 = vector.shape_cast %get3A_688 : vector<16xf32> to vector<16xf32>
      %swap3A_690 = arith.constant 5 : i32
      %swap3A_691 = arith.index_cast %swap3A_690 : i32 to index
      %swap3A_692 = arith.constant 48 : index
      %swap3A_693 = tpu.vector_load %arg7[%swap3A_691, %swap3A_692] {strides = array<i32>} : memref<8x128xf32, #tpu.memory_space<vmem>>, vector<1x16xf32>,
      %swap3A_694 = vector.shape_cast %swap3A_693 : vector<1x16xf32> to vector<16xf32>
      %swap3A_695 = vector.shape_cast %get3A_689 : vector<16xf32> to vector<1x16xf32>
      tpu.vector_store %arg7[%swap3A_691, %swap3A_692], %swap3A_695 {strides = array<i32>} : memref<8x128xf32, #tpu.memory_space<vmem>>, vector<1x16xf32>,
      %get3A_696 = arith.constant 704 : index
      %get3A_697 = tpu.vector_load %arg6[%get3A_696] {strides = array<i32>} : memref<1024xf32, #tpu.memory_space<vmem>>, vector<16xf32>,
      %get3A_698 = vector.shape_cast %get3A_697 : vector<16xf32> to vector<16xf32>
      %swap3A_699 = arith.constant 5 : i32
      %swap3A_700 = arith.index_cast %swap3A_699 : i32 to index
      %swap3A_701 = arith.constant 64 : index
      %swap3A_702 = tpu.vector_load %arg7[%swap3A_700, %swap3A_701] {strides = array<i32>} : memref<8x128xf32, #tpu.memory_space<vmem>>, vector<1x16xf32>,
      %swap3A_703 = vector.shape_cast %swap3A_702 : vector<1x16xf32> to vector<16xf32>
      %swap3A_704 = vector.shape_cast %get3A_698 : vector<16xf32> to vector<1x16xf32>
      tpu.vector_store %arg7[%swap3A_700, %swap3A_701], %swap3A_704 {strides = array<i32>} : memref<8x128xf32, #tpu.memory_space<vmem>>, vector<1x16xf32>,
      %get3A_705 = arith.constant 720 : index
      %get3A_706 = tpu.vector_load %arg6[%get3A_705] {strides = array<i32>} : memref<1024xf32, #tpu.memory_space<vmem>>, vector<16xf32>,
      %get3A_707 = vector.shape_cast %get3A_706 : vector<16xf32> to vector<16xf32>
      %swap3A_708 = arith.constant 5 : i32
      %swap3A_709 = arith.index_cast %swap3A_708 : i32 to index
      %swap3A_710 = arith.constant 80 : index
      %swap3A_711 = tpu.vector_load %arg7[%swap3A_709, %swap3A_710] {strides = array<i32>} : memref<8x128xf32, #tpu.memory_space<vmem>>, vector<1x16xf32>,
      %swap3A_712 = vector.shape_cast %swap3A_711 : vector<1x16xf32> to vector<16xf32>
      %swap3A_713 = vector.shape_cast %get3A_707 : vector<16xf32> to vector<1x16xf32>
      tpu.vector_store %arg7[%swap3A_709, %swap3A_710], %swap3A_713 {strides = array<i32>} : memref<8x128xf32, #tpu.memory_space<vmem>>, vector<1x16xf32>,
      %get3A_714 = arith.constant 736 : index
      %get3A_715 = tpu.vector_load %arg6[%get3A_714] {strides = array<i32>} : memref<1024xf32, #tpu.memory_space<vmem>>, vector<16xf32>,
      %get3A_716 = vector.shape_cast %get3A_715 : vector<16xf32> to vector<16xf32>
      %swap3A_717 = arith.constant 5 : i32
      %swap3A_718 = arith.index_cast %swap3A_717 : i32 to index
      %swap3A_719 = arith.constant 96 : index
      %swap3A_720 = tpu.vector_load %arg7[%swap3A_718, %swap3A_719] {strides = array<i32>} : memref<8x128xf32, #tpu.memory_space<vmem>>, vector<1x16xf32>,
      %swap3A_721 = vector.shape_cast %swap3A_720 : vector<1x16xf32> to vector<16xf32>
      %swap3A_722 = vector.shape_cast %get3A_716 : vector<16xf32> to vector<1x16xf32>
      tpu.vector_store %arg7[%swap3A_718, %swap3A_719], %swap3A_722 {strides = array<i32>} : memref<8x128xf32, #tpu.memory_space<vmem>>, vector<1x16xf32>,
      %get3A_723 = arith.constant 752 : index
      %get3A_724 = tpu.vector_load %arg6[%get3A_723] {strides = array<i32>} : memref<1024xf32, #tpu.memory_space<vmem>>, vector<16xf32>,
      %get3A_725 = vector.shape_cast %get3A_724 : vector<16xf32> to vector<16xf32>
      %swap3A_726 = arith.constant 5 : i32
      %swap3A_727 = arith.index_cast %swap3A_726 : i32 to index
      %swap3A_728 = arith.constant 112 : index
      %swap3A_729 = tpu.vector_load %arg7[%swap3A_727, %swap3A_728] {strides = array<i32>} : memref<8x128xf32, #tpu.memory_space<vmem>>, vector<1x16xf32>,
      %swap3A_730 = vector.shape_cast %swap3A_729 : vector<1x16xf32> to vector<16xf32>
      %swap3A_731 = vector.shape_cast %get3A_725 : vector<16xf32> to vector<1x16xf32>
      tpu.vector_store %arg7[%swap3A_727, %swap3A_728], %swap3A_731 {strides = array<i32>} : memref<8x128xf32, #tpu.memory_space<vmem>>, vector<1x16xf32>,
      %get3A_732 = arith.constant 768 : index
      %get3A_733 = tpu.vector_load %arg6[%get3A_732] {strides = array<i32>} : memref<1024xf32, #tpu.memory_space<vmem>>, vector<16xf32>,
      %get3A_734 = vector.shape_cast %get3A_733 : vector<16xf32> to vector<16xf32>
      %swap3A_735 = arith.constant 6 : i32
      %swap3A_736 = arith.index_cast %swap3A_735 : i32 to index
      %swap3A_737 = arith.constant 0 : index
      %swap3A_738 = tpu.vector_load %arg7[%swap3A_736, %swap3A_737] {strides = array<i32>} : memref<8x128xf32, #tpu.memory_space<vmem>>, vector<1x16xf32>,
      %swap3A_739 = vector.shape_cast %swap3A_738 : vector<1x16xf32> to vector<16xf32>
      %swap3A_740 = vector.shape_cast %get3A_734 : vector<16xf32> to vector<1x16xf32>
      tpu.vector_store %arg7[%swap3A_736, %swap3A_737], %swap3A_740 {strides = array<i32>} : memref<8x128xf32, #tpu.memory_space<vmem>>, vector<1x16xf32>,
      %get3A_741 = arith.constant 784 : index
      %get3A_742 = tpu.vector_load %arg6[%get3A_741] {strides = array<i32>} : memref<1024xf32, #tpu.memory_space<vmem>>, vector<16xf32>,
      %get3A_743 = vector.shape_cast %get3A_742 : vector<16xf32> to vector<16xf32>
      %swap3A_744 = arith.constant 6 : i32
      %swap3A_745 = arith.index_cast %swap3A_744 : i32 to index
      %swap3A_746 = arith.constant 16 : index
      %swap3A_747 = tpu.vector_load %arg7[%swap3A_745, %swap3A_746] {strides = array<i32>} : memref<8x128xf32, #tpu.memory_space<vmem>>, vector<1x16xf32>,
      %swap3A_748 = vector.shape_cast %swap3A_747 : vector<1x16xf32> to vector<16xf32>
      %swap3A_749 = vector.shape_cast %get3A_743 : vector<16xf32> to vector<1x16xf32>
      tpu.vector_store %arg7[%swap3A_745, %swap3A_746], %swap3A_749 {strides = array<i32>} : memref<8x128xf32, #tpu.memory_space<vmem>>, vector<1x16xf32>,
      %get3A_750 = arith.constant 800 : index
      %get3A_751 = tpu.vector_load %arg6[%get3A_750] {strides = array<i32>} : memref<1024xf32, #tpu.memory_space<vmem>>, vector<16xf32>,
      %get3A_752 = vector.shape_cast %get3A_751 : vector<16xf32> to vector<16xf32>
      %swap3A_753 = arith.constant 6 : i32
      %swap3A_754 = arith.index_cast %swap3A_753 : i32 to index
      %swap3A_755 = arith.constant 32 : index
      %swap3A_756 = tpu.vector_load %arg7[%swap3A_754, %swap3A_755] {strides = array<i32>} : memref<8x128xf32, #tpu.memory_space<vmem>>, vector<1x16xf32>,
      %swap3A_757 = vector.shape_cast %swap3A_756 : vector<1x16xf32> to vector<16xf32>
      %swap3A_758 = vector.shape_cast %get3A_752 : vector<16xf32> to vector<1x16xf32>
      tpu.vector_store %arg7[%swap3A_754, %swap3A_755], %swap3A_758 {strides = array<i32>} : memref<8x128xf32, #tpu.memory_space<vmem>>, vector<1x16xf32>,
      %get3A_759 = arith.constant 816 : index
      %get3A_760 = tpu.vector_load %arg6[%get3A_759] {strides = array<i32>} : memref<1024xf32, #tpu.memory_space<vmem>>, vector<16xf32>,
      %get3A_761 = vector.shape_cast %get3A_760 : vector<16xf32> to vector<16xf32>
      %swap3A_762 = arith.constant 6 : i32
      %swap3A_763 = arith.index_cast %swap3A_762 : i32 to index
      %swap3A_764 = arith.constant 48 : index
      %swap3A_765 = tpu.vector_load %arg7[%swap3A_763, %swap3A_764] {strides = array<i32>} : memref<8x128xf32, #tpu.memory_space<vmem>>, vector<1x16xf32>,
      %swap3A_766 = vector.shape_cast %swap3A_765 : vector<1x16xf32> to vector<16xf32>
      %swap3A_767 = vector.shape_cast %get3A_761 : vector<16xf32> to vector<1x16xf32>
      tpu.vector_store %arg7[%swap3A_763, %swap3A_764], %swap3A_767 {strides = array<i32>} : memref<8x128xf32, #tpu.memory_space<vmem>>, vector<1x16xf32>,
      %get3A_768 = arith.constant 832 : index
      %get3A_769 = tpu.vector_load %arg6[%get3A_768] {strides = array<i32>} : memref<1024xf32, #tpu.memory_space<vmem>>, vector<16xf32>,
      %get3A_770 = vector.shape_cast %get3A_769 : vector<16xf32> to vector<16xf32>
      %swap3A_771 = arith.constant 6 : i32
      %swap3A_772 = arith.index_cast %swap3A_771 : i32 to index
      %swap3A_773 = arith.constant 64 : index
      %swap3A_774 = tpu.vector_load %arg7[%swap3A_772, %swap3A_773] {strides = array<i32>} : memref<8x128xf32, #tpu.memory_space<vmem>>, vector<1x16xf32>,
      %swap3A_775 = vector.shape_cast %swap3A_774 : vector<1x16xf32> to vector<16xf32>
      %swap3A_776 = vector.shape_cast %get3A_770 : vector<16xf32> to vector<1x16xf32>
      tpu.vector_store %arg7[%swap3A_772, %swap3A_773], %swap3A_776 {strides = array<i32>} : memref<8x128xf32, #tpu.memory_space<vmem>>, vector<1x16xf32>,
      %get3A_777 = arith.constant 848 : index
      %get3A_778 = tpu.vector_load %arg6[%get3A_777] {strides = array<i32>} : memref<1024xf32, #tpu.memory_space<vmem>>, vector<16xf32>,
      %get3A_779 = vector.shape_cast %get3A_778 : vector<16xf32> to vector<16xf32>
      %swap3A_780 = arith.constant 6 : i32
      %swap3A_781 = arith.index_cast %swap3A_780 : i32 to index
      %swap3A_782 = arith.constant 80 : index
      %swap3A_783 = tpu.vector_load %arg7[%swap3A_781, %swap3A_782] {strides = array<i32>} : memref<8x128xf32, #tpu.memory_space<vmem>>, vector<1x16xf32>,
      %swap3A_784 = vector.shape_cast %swap3A_783 : vector<1x16xf32> to vector<16xf32>
      %swap3A_785 = vector.shape_cast %get3A_779 : vector<16xf32> to vector<1x16xf32>
      tpu.vector_store %arg7[%swap3A_781, %swap3A_782], %swap3A_785 {strides = array<i32>} : memref<8x128xf32, #tpu.memory_space<vmem>>, vector<1x16xf32>,
      %get3A_786 = arith.constant 864 : index
      %get3A_787 = tpu.vector_load %arg6[%get3A_786] {strides = array<i32>} : memref<1024xf32, #tpu.memory_space<vmem>>, vector<16xf32>,
      %get3A_788 = vector.shape_cast %get3A_787 : vector<16xf32> to vector<16xf32>
      %swap3A_789 = arith.constant 6 : i32
      %swap3A_790 = arith.index_cast %swap3A_789 : i32 to index
      %swap3A_791 = arith.constant 96 : index
      %swap3A_792 = tpu.vector_load %arg7[%swap3A_790, %swap3A_791] {strides = array<i32>} : memref<8x128xf32, #tpu.memory_space<vmem>>, vector<1x16xf32>,
      %swap3A_793 = vector.shape_cast %swap3A_792 : vector<1x16xf32> to vector<16xf32>
      %swap3A_794 = vector.shape_cast %get3A_788 : vector<16xf32> to vector<1x16xf32>
      tpu.vector_store %arg7[%swap3A_790, %swap3A_791], %swap3A_794 {strides = array<i32>} : memref<8x128xf32, #tpu.memory_space<vmem>>, vector<1x16xf32>,
      %get3A_795 = arith.constant 880 : index
      %get3A_796 = tpu.vector_load %arg6[%get3A_795] {strides = array<i32>} : memref<1024xf32, #tpu.memory_space<vmem>>, vector<16xf32>,
      %get3A_797 = vector.shape_cast %get3A_796 : vector<16xf32> to vector<16xf32>
      %swap3A_798 = arith.constant 6 : i32
      %swap3A_799 = arith.index_cast %swap3A_798 : i32 to index
      %swap3A_800 = arith.constant 112 : index
      %swap3A_801 = tpu.vector_load %arg7[%swap3A_799, %swap3A_800] {strides = array<i32>} : memref<8x128xf32, #tpu.memory_space<vmem>>, vector<1x16xf32>,
      %swap3A_802 = vector.shape_cast %swap3A_801 : vector<1x16xf32> to vector<16xf32>
      %swap3A_803 = vector.shape_cast %get3A_797 : vector<16xf32> to vector<1x16xf32>
      tpu.vector_store %arg7[%swap3A_799, %swap3A_800], %swap3A_803 {strides = array<i32>} : memref<8x128xf32, #tpu.memory_space<vmem>>, vector<1x16xf32>,
      %get3A_804 = arith.constant 896 : index
      %get3A_805 = tpu.vector_load %arg6[%get3A_804] {strides = array<i32>} : memref<1024xf32, #tpu.memory_space<vmem>>, vector<16xf32>,
      %get3A_806 = vector.shape_cast %get3A_805 : vector<16xf32> to vector<16xf32>
      %swap3A_807 = arith.constant 7 : i32
      %swap3A_808 = arith.index_cast %swap3A_807 : i32 to index
      %swap3A_809 = arith.constant 0 : index
      %swap3A_810 = tpu.vector_load %arg7[%swap3A_808, %swap3A_809] {strides = array<i32>} : memref<8x128xf32, #tpu.memory_space<vmem>>, vector<1x16xf32>,
      %swap3A_811 = vector.shape_cast %swap3A_810 : vector<1x16xf32> to vector<16xf32>
      %swap3A_812 = vector.shape_cast %get3A_806 : vector<16xf32> to vector<1x16xf32>
      tpu.vector_store %arg7[%swap3A_808, %swap3A_809], %swap3A_812 {strides = array<i32>} : memref<8x128xf32, #tpu.memory_space<vmem>>, vector<1x16xf32>,
      %get3A_813 = arith.constant 912 : index
      %get3A_814 = tpu.vector_load %arg6[%get3A_813] {strides = array<i32>} : memref<1024xf32, #tpu.memory_space<vmem>>, vector<16xf32>,
      %get3A_815 = vector.shape_cast %get3A_814 : vector<16xf32> to vector<16xf32>
      %swap3A_816 = arith.constant 7 : i32
      %swap3A_817 = arith.index_cast %swap3A_816 : i32 to index
      %swap3A_818 = arith.constant 16 : index
      %swap3A_819 = tpu.vector_load %arg7[%swap3A_817, %swap3A_818] {strides = array<i32>} : memref<8x128xf32, #tpu.memory_space<vmem>>, vector<1x16xf32>,
      %swap3A_820 = vector.shape_cast %swap3A_819 : vector<1x16xf32> to vector<16xf32>
      %swap3A_821 = vector.shape_cast %get3A_815 : vector<16xf32> to vector<1x16xf32>
      tpu.vector_store %arg7[%swap3A_817, %swap3A_818], %swap3A_821 {strides = array<i32>} : memref<8x128xf32, #tpu.memory_space<vmem>>, vector<1x16xf32>,
      %get3A_822 = arith.constant 928 : index
      %get3A_823 = tpu.vector_load %arg6[%get3A_822] {strides = array<i32>} : memref<1024xf32, #tpu.memory_space<vmem>>, vector<16xf32>,
      %get3A_824 = vector.shape_cast %get3A_823 : vector<16xf32> to vector<16xf32>
      %swap3A_825 = arith.constant 7 : i32
      %swap3A_826 = arith.index_cast %swap3A_825 : i32 to index
      %swap3A_827 = arith.constant 32 : index
      %swap3A_828 = tpu.vector_load %arg7[%swap3A_826, %swap3A_827] {strides = array<i32>} : memref<8x128xf32, #tpu.memory_space<vmem>>, vector<1x16xf32>,
      %swap3A_829 = vector.shape_cast %swap3A_828 : vector<1x16xf32> to vector<16xf32>
      %swap3A_830 = vector.shape_cast %get3A_824 : vector<16xf32> to vector<1x16xf32>
      tpu.vector_store %arg7[%swap3A_826, %swap3A_827], %swap3A_830 {strides = array<i32>} : memref<8x128xf32, #tpu.memory_space<vmem>>, vector<1x16xf32>,
      %get3A_831 = arith.constant 944 : index
      %get3A_832 = tpu.vector_load %arg6[%get3A_831] {strides = array<i32>} : memref<1024xf32, #tpu.memory_space<vmem>>, vector<16xf32>,
      %get3A_833 = vector.shape_cast %get3A_832 : vector<16xf32> to vector<16xf32>
      %swap3A_834 = arith.constant 7 : i32
      %swap3A_835 = arith.index_cast %swap3A_834 : i32 to index
      %swap3A_836 = arith.constant 48 : index
      %swap3A_837 = tpu.vector_load %arg7[%swap3A_835, %swap3A_836] {strides = array<i32>} : memref<8x128xf32, #tpu.memory_space<vmem>>, vector<1x16xf32>,
      %swap3A_838 = vector.shape_cast %swap3A_837 : vector<1x16xf32> to vector<16xf32>
      %swap3A_839 = vector.shape_cast %get3A_833 : vector<16xf32> to vector<1x16xf32>
      tpu.vector_store %arg7[%swap3A_835, %swap3A_836], %swap3A_839 {strides = array<i32>} : memref<8x128xf32, #tpu.memory_space<vmem>>, vector<1x16xf32>,
      %get3A_840 = arith.constant 960 : index
      %get3A_841 = tpu.vector_load %arg6[%get3A_840] {strides = array<i32>} : memref<1024xf32, #tpu.memory_space<vmem>>, vector<16xf32>,
      %get3A_842 = vector.shape_cast %get3A_841 : vector<16xf32> to vector<16xf32>
      %swap3A_843 = arith.constant 7 : i32
      %swap3A_844 = arith.index_cast %swap3A_843 : i32 to index
      %swap3A_845 = arith.constant 64 : index
      %swap3A_846 = tpu.vector_load %arg7[%swap3A_844, %swap3A_845] {strides = array<i32>} : memref<8x128xf32, #tpu.memory_space<vmem>>, vector<1x16xf32>,
      %swap3A_847 = vector.shape_cast %swap3A_846 : vector<1x16xf32> to vector<16xf32>
      %swap3A_848 = vector.shape_cast %get3A_842 : vector<16xf32> to vector<1x16xf32>
      tpu.vector_store %arg7[%swap3A_844, %swap3A_845], %swap3A_848 {strides = array<i32>} : memref<8x128xf32, #tpu.memory_space<vmem>>, vector<1x16xf32>,
      %get3A_849 = arith.constant 976 : index
      %get3A_850 = tpu.vector_load %arg6[%get3A_849] {strides = array<i32>} : memref<1024xf32, #tpu.memory_space<vmem>>, vector<16xf32>,
      %get3A_851 = vector.shape_cast %get3A_850 : vector<16xf32> to vector<16xf32>
      %swap3A_852 = arith.constant 7 : i32
      %swap3A_853 = arith.index_cast %swap3A_852 : i32 to index
      %swap3A_854 = arith.constant 80 : index
      %swap3A_855 = tpu.vector_load %arg7[%swap3A_853, %swap3A_854] {strides = array<i32>} : memref<8x128xf32, #tpu.memory_space<vmem>>, vector<1x16xf32>,
      %swap3A_856 = vector.shape_cast %swap3A_855 : vector<1x16xf32> to vector<16xf32>
      %swap3A_857 = vector.shape_cast %get3A_851 : vector<16xf32> to vector<1x16xf32>
      tpu.vector_store %arg7[%swap3A_853, %swap3A_854], %swap3A_857 {strides = array<i32>} : memref<8x128xf32, #tpu.memory_space<vmem>>, vector<1x16xf32>,
      %get3A_858 = arith.constant 992 : index
      %get3A_859 = tpu.vector_load %arg6[%get3A_858] {strides = array<i32>} : memref<1024xf32, #tpu.memory_space<vmem>>, vector<16xf32>,
      %get3A_860 = vector.shape_cast %get3A_859 : vector<16xf32> to vector<16xf32>
      %swap3A_861 = arith.constant 7 : i32
      %swap3A_862 = arith.index_cast %swap3A_861 : i32 to index
      %swap3A_863 = arith.constant 96 : index
      %swap3A_864 = tpu.vector_load %arg7[%swap3A_862, %swap3A_863] {strides = array<i32>} : memref<8x128xf32, #tpu.memory_space<vmem>>, vector<1x16xf32>,
      %swap3A_865 = vector.shape_cast %swap3A_864 : vector<1x16xf32> to vector<16xf32>
      %swap3A_866 = vector.shape_cast %get3A_860 : vector<16xf32> to vector<1x16xf32>
      tpu.vector_store %arg7[%swap3A_862, %swap3A_863], %swap3A_866 {strides = array<i32>} : memref<8x128xf32, #tpu.memory_space<vmem>>, vector<1x16xf32>,
      %get3A_867 = arith.constant 1008 : index
      %get3A_868 = tpu.vector_load %arg6[%get3A_867] {strides = array<i32>} : memref<1024xf32, #tpu.memory_space<vmem>>, vector<16xf32>,
      %get3A_869 = vector.shape_cast %get3A_868 : vector<16xf32> to vector<16xf32>
      %swap3A_870 = arith.constant 7 : i32
      %swap3A_871 = arith.index_cast %swap3A_870 : i32 to index
      %swap3A_872 = arith.constant 112 : index
      %swap3A_873 = tpu.vector_load %arg7[%swap3A_871, %swap3A_872] {strides = array<i32>} : memref<8x128xf32, #tpu.memory_space<vmem>>, vector<1x16xf32>,
      %swap3A_874 = vector.shape_cast %swap3A_873 : vector<1x16xf32> to vector<16xf32>
      %swap3A_875 = vector.shape_cast %get3A_869 : vector<16xf32> to vector<1x16xf32>
      tpu.vector_store %arg7[%swap3A_871, %swap3A_872], %swap3A_875 {strides = array<i32>} : memref<8x128xf32, #tpu.memory_space<vmem>>, vector<1x16xf32>,
      %mul3A_876 = arith.constant 8 : i32
      %mul3A_877 = arith.muli %arg1, %mul3A_876 : i32
      "tpu.region"() ({
        %run_scoped3A = tpu.sem_alloc : memref<!tpu.dma_semaphore, #tpu.memory_space<semaphore_mem>>
        %dma_start3A = arith.constant 0 : i32
        %dma_start3A_878 = tpu.memref_slice %arg3[%mul3A_877, %dma_start3A] : memref<128x128xf32, #tpu.memory_space<hbm>> -> memref<8x128xf32, #tpu.memory_space<hbm>>
        %dma_start3A_879 = arith.constant 0 : i32
        %dma_start3A_880 = tpu.memref_slice %arg3[%mul3A_877, %dma_start3A_879] : memref<128x128xf32, #tpu.memory_space<hbm>> -> memref<8x128xf32, #tpu.memory_space<hbm>>
        tpu.enqueue_dma source(%arg7 : memref<8x128xf32, #tpu.memory_space<vmem>>) target(%dma_start3A_880 : memref<8x128xf32, #tpu.memory_space<hbm>>) target_semaphore(%run_scoped3A : memref<!tpu.dma_semaphore, #tpu.memory_space<semaphore_mem>>)
        %dma_wait3A = arith.constant 0 : i32
        %dma_wait3A_881 = tpu.memref_slice %arg3[%mul3A_877, %dma_wait3A] : memref<128x128xf32, #tpu.memory_space<hbm>> -> memref<8x128xf32, #tpu.memory_space<hbm>>
        %dma_wait3A_882 = arith.constant 0 : i32
        %dma_wait3A_883 = tpu.memref_slice %arg3[%mul3A_877, %dma_wait3A_882] : memref<128x128xf32, #tpu.memory_space<hbm>> -> memref<8x128xf32, #tpu.memory_space<hbm>>
        tpu.wait_dma2 semaphore(%run_scoped3A : memref<!tpu.dma_semaphore, #tpu.memory_space<semaphore_mem>>) src(%arg7 : memref<8x128xf32, #tpu.memory_space<vmem>>) dst(%dma_wait3A_883 : memref<8x128xf32, #tpu.memory_space<hbm>>)
        tpu.yield
      }) : () -> ()
    } else {
    }
    return
  }
}

#map = affine_map<(d0, d1) -> (0, 0)>
#map1 = affine_map<(d0, d1) -> (0, 0, 0)>
#map2 = affine_map<(d0, d1) -> (0, 0, 0, 0)>
module attributes {stable_mosaic.version = 14 : i64} {
  func.func @_sc_scatter(%arg0: i32, %arg1: i32, %arg2: memref<10000x128xf32, #tpu.memory_space<hbm>>, %arg3: memref<16x157x128xi32, #tpu.memory_space<hbm>>, %arg4: memref<2x16x157x128xi32, #tpu.memory_space<hbm>>, %arg5: memref<128x128xf32, #tpu.memory_space<hbm>>, %arg6: memref<2x5120x128xf32, #tpu.memory_space<hbm>>, %arg7: memref<157x128xi32, #tpu.memory_space<vmem>>, %arg8: memref<157x128xi32, #tpu.memory_space<vmem>>, %arg9: memref<128x128xf32, #tpu.memory_space<vmem>>, %arg10: memref<128x128xf32, #tpu.memory_space<vmem>>, %arg11: memref<5120x128xf32, #tpu.memory_space<vmem_shared>>, %arg12: memref<!tpu.dma_semaphore, #tpu.memory_space<semaphore_mem>>) attributes {dimension_semantics = [#tpu.dimension_semantics<core_parallel>, #tpu.dimension_semantics<subcore_parallel>], iteration_bounds = array<i64: 2, 16>, scalar_prefetch = 0 : i64, scratch_operands = 6 : i64, tpu.core_type = #tpu.core_type<sc_vector_subcore>, window_params = [{transform_indices = #map}, {transform_indices = #map1}, {transform_indices = #map2}, {transform_indices = #map}, {transform_indices = #map1}]} {
    "tpu.region"() ({
      %run_scoped3A = tpu.sem_alloc : memref<!tpu.dma_semaphore, #tpu.memory_space<semaphore_mem>>
      %dma_start3A = arith.constant 0 : i32
      %dma_start3A_22 = arith.constant 0 : i32
      %dma_start3A_23 = tpu.memref_slice %arg3[%arg1, %dma_start3A, %dma_start3A_22] : memref<16x157x128xi32, #tpu.memory_space<hbm>> -> memref<1x157x128xi32, #tpu.memory_space<hbm>>
      %dma_start3A_24 = tpu.memref_squeeze %dma_start3A_23 : memref<1x157x128xi32, #tpu.memory_space<hbm>> -> memref<157x128xi32, #tpu.memory_space<hbm>>
      %dma_start3A_25 = arith.constant 0 : i32
      %dma_start3A_26 = arith.constant 0 : i32
      %dma_start3A_27 = tpu.memref_slice %arg3[%arg1, %dma_start3A_25, %dma_start3A_26] : memref<16x157x128xi32, #tpu.memory_space<hbm>> -> memref<1x157x128xi32, #tpu.memory_space<hbm>>
      %dma_start3A_28 = tpu.memref_squeeze %dma_start3A_27 : memref<1x157x128xi32, #tpu.memory_space<hbm>> -> memref<157x128xi32, #tpu.memory_space<hbm>>
      tpu.enqueue_dma source(%dma_start3A_28 : memref<157x128xi32, #tpu.memory_space<hbm>>) target(%arg7 : memref<157x128xi32, #tpu.memory_space<vmem>>) target_semaphore(%run_scoped3A : memref<!tpu.dma_semaphore, #tpu.memory_space<semaphore_mem>>)
      %dma_wait3A = arith.constant 0 : i32
      %dma_wait3A_29 = arith.constant 0 : i32
      %dma_wait3A_30 = tpu.memref_slice %arg3[%arg1, %dma_wait3A, %dma_wait3A_29] : memref<16x157x128xi32, #tpu.memory_space<hbm>> -> memref<1x157x128xi32, #tpu.memory_space<hbm>>
      %dma_wait3A_31 = tpu.memref_squeeze %dma_wait3A_30 : memref<1x157x128xi32, #tpu.memory_space<hbm>> -> memref<157x128xi32, #tpu.memory_space<hbm>>
      %dma_wait3A_32 = arith.constant 0 : i32
      %dma_wait3A_33 = arith.constant 0 : i32
      %dma_wait3A_34 = tpu.memref_slice %arg3[%arg1, %dma_wait3A_32, %dma_wait3A_33] : memref<16x157x128xi32, #tpu.memory_space<hbm>> -> memref<1x157x128xi32, #tpu.memory_space<hbm>>
      %dma_wait3A_35 = tpu.memref_squeeze %dma_wait3A_34 : memref<1x157x128xi32, #tpu.memory_space<hbm>> -> memref<157x128xi32, #tpu.memory_space<hbm>>
      tpu.wait_dma2 semaphore(%run_scoped3A : memref<!tpu.dma_semaphore, #tpu.memory_space<semaphore_mem>>) src(%dma_wait3A_35 : memref<157x128xi32, #tpu.memory_space<hbm>>) dst(%arg7 : memref<157x128xi32, #tpu.memory_space<vmem>>)
      tpu.yield
    }) : () -> ()
    "tpu.region"() ({
      %run_scoped3A = tpu.sem_alloc : memref<!tpu.dma_semaphore, #tpu.memory_space<semaphore_mem>>
      %dma_start3A = arith.constant 0 : i32
      %dma_start3A_22 = arith.constant 0 : i32
      %dma_start3A_23 = arith.constant 0 : i32
      %dma_start3A_24 = tpu.memref_slice %arg4[%arg0, %dma_start3A, %dma_start3A_22, %dma_start3A_23] : memref<2x16x157x128xi32, #tpu.memory_space<hbm>> -> memref<1x16x157x128xi32, #tpu.memory_space<hbm>>
      %dma_start3A_25 = tpu.memref_squeeze %dma_start3A_24 : memref<1x16x157x128xi32, #tpu.memory_space<hbm>> -> memref<16x157x128xi32, #tpu.memory_space<hbm>>
      %dma_start3A_26 = arith.constant 0 : i32
      %dma_start3A_27 = arith.constant 0 : i32
      %dma_start3A_28 = tpu.memref_slice %dma_start3A_25[%arg1, %dma_start3A_26, %dma_start3A_27] : memref<16x157x128xi32, #tpu.memory_space<hbm>> -> memref<1x157x128xi32, #tpu.memory_space<hbm>>
      %dma_start3A_29 = tpu.memref_squeeze %dma_start3A_28 : memref<1x157x128xi32, #tpu.memory_space<hbm>> -> memref<157x128xi32, #tpu.memory_space<hbm>>
      %dma_start3A_30 = arith.constant 0 : i32
      %dma_start3A_31 = arith.constant 0 : i32
      %dma_start3A_32 = arith.constant 0 : i32
      %dma_start3A_33 = tpu.memref_slice %arg4[%arg0, %dma_start3A_30, %dma_start3A_31, %dma_start3A_32] : memref<2x16x157x128xi32, #tpu.memory_space<hbm>> -> memref<1x16x157x128xi32, #tpu.memory_space<hbm>>
      %dma_start3A_34 = tpu.memref_squeeze %dma_start3A_33 : memref<1x16x157x128xi32, #tpu.memory_space<hbm>> -> memref<16x157x128xi32, #tpu.memory_space<hbm>>
      %dma_start3A_35 = arith.constant 0 : i32
      %dma_start3A_36 = arith.constant 0 : i32
      %dma_start3A_37 = tpu.memref_slice %dma_start3A_34[%arg1, %dma_start3A_35, %dma_start3A_36] : memref<16x157x128xi32, #tpu.memory_space<hbm>> -> memref<1x157x128xi32, #tpu.memory_space<hbm>>
      %dma_start3A_38 = tpu.memref_squeeze %dma_start3A_37 : memref<1x157x128xi32, #tpu.memory_space<hbm>> -> memref<157x128xi32, #tpu.memory_space<hbm>>
      tpu.enqueue_dma source(%dma_start3A_38 : memref<157x128xi32, #tpu.memory_space<hbm>>) target(%arg8 : memref<157x128xi32, #tpu.memory_space<vmem>>) target_semaphore(%run_scoped3A : memref<!tpu.dma_semaphore, #tpu.memory_space<semaphore_mem>>)
      %dma_wait3A = arith.constant 0 : i32
      %dma_wait3A_39 = arith.constant 0 : i32
      %dma_wait3A_40 = arith.constant 0 : i32
      %dma_wait3A_41 = tpu.memref_slice %arg4[%arg0, %dma_wait3A, %dma_wait3A_39, %dma_wait3A_40] : memref<2x16x157x128xi32, #tpu.memory_space<hbm>> -> memref<1x16x157x128xi32, #tpu.memory_space<hbm>>
      %dma_wait3A_42 = tpu.memref_squeeze %dma_wait3A_41 : memref<1x16x157x128xi32, #tpu.memory_space<hbm>> -> memref<16x157x128xi32, #tpu.memory_space<hbm>>
      %dma_wait3A_43 = arith.constant 0 : i32
      %dma_wait3A_44 = arith.constant 0 : i32
      %dma_wait3A_45 = tpu.memref_slice %dma_wait3A_42[%arg1, %dma_wait3A_43, %dma_wait3A_44] : memref<16x157x128xi32, #tpu.memory_space<hbm>> -> memref<1x157x128xi32, #tpu.memory_space<hbm>>
      %dma_wait3A_46 = tpu.memref_squeeze %dma_wait3A_45 : memref<1x157x128xi32, #tpu.memory_space<hbm>> -> memref<157x128xi32, #tpu.memory_space<hbm>>
      %dma_wait3A_47 = arith.constant 0 : i32
      %dma_wait3A_48 = arith.constant 0 : i32
      %dma_wait3A_49 = arith.constant 0 : i32
      %dma_wait3A_50 = tpu.memref_slice %arg4[%arg0, %dma_wait3A_47, %dma_wait3A_48, %dma_wait3A_49] : memref<2x16x157x128xi32, #tpu.memory_space<hbm>> -> memref<1x16x157x128xi32, #tpu.memory_space<hbm>>
      %dma_wait3A_51 = tpu.memref_squeeze %dma_wait3A_50 : memref<1x16x157x128xi32, #tpu.memory_space<hbm>> -> memref<16x157x128xi32, #tpu.memory_space<hbm>>
      %dma_wait3A_52 = arith.constant 0 : i32
      %dma_wait3A_53 = arith.constant 0 : i32
      %dma_wait3A_54 = tpu.memref_slice %dma_wait3A_51[%arg1, %dma_wait3A_52, %dma_wait3A_53] : memref<16x157x128xi32, #tpu.memory_space<hbm>> -> memref<1x157x128xi32, #tpu.memory_space<hbm>>
      %dma_wait3A_55 = tpu.memref_squeeze %dma_wait3A_54 : memref<1x157x128xi32, #tpu.memory_space<hbm>> -> memref<157x128xi32, #tpu.memory_space<hbm>>
      tpu.wait_dma2 semaphore(%run_scoped3A : memref<!tpu.dma_semaphore, #tpu.memory_space<semaphore_mem>>) src(%dma_wait3A_55 : memref<157x128xi32, #tpu.memory_space<hbm>>) dst(%arg8 : memref<157x128xi32, #tpu.memory_space<vmem>>)
      tpu.yield
    }) : () -> ()
    "tpu.region"() ({
      %run_scoped3A = tpu.sem_alloc : memref<!tpu.dma_semaphore, #tpu.memory_space<semaphore_mem>>
      tpu.enqueue_dma source(%arg5 : memref<128x128xf32, #tpu.memory_space<hbm>>) target(%arg10 : memref<128x128xf32, #tpu.memory_space<vmem>>) target_semaphore(%run_scoped3A : memref<!tpu.dma_semaphore, #tpu.memory_space<semaphore_mem>>)
      tpu.wait_dma2 semaphore(%run_scoped3A : memref<!tpu.dma_semaphore, #tpu.memory_space<semaphore_mem>>) src(%arg5 : memref<128x128xf32, #tpu.memory_space<hbm>>) dst(%arg10 : memref<128x128xf32, #tpu.memory_space<vmem>>)
      tpu.yield
    }) : () -> ()
    %mul3A = arith.constant 320 : i32
    %mul3A_0 = arith.muli %arg1, %mul3A : i32
    "tpu.region"() ({
      %run_scoped3A = tpu.sem_alloc : memref<!tpu.dma_semaphore, #tpu.memory_space<semaphore_mem>>
      %dma_start3A = arith.constant 0 : i32
      %dma_start3A_22 = tpu.memref_slice %arg11[%mul3A_0, %dma_start3A] : memref<5120x128xf32, #tpu.memory_space<vmem_shared>> -> memref<128x128xf32, #tpu.memory_space<vmem_shared>>
      %dma_start3A_23 = arith.constant 0 : i32
      %dma_start3A_24 = tpu.memref_slice %arg11[%mul3A_0, %dma_start3A_23] : memref<5120x128xf32, #tpu.memory_space<vmem_shared>> -> memref<128x128xf32, #tpu.memory_space<vmem_shared>>
      tpu.enqueue_dma source(%arg10 : memref<128x128xf32, #tpu.memory_space<vmem>>) target(%dma_start3A_24 : memref<128x128xf32, #tpu.memory_space<vmem_shared>>) target_semaphore(%run_scoped3A : memref<!tpu.dma_semaphore, #tpu.memory_space<semaphore_mem>>)
      %dma_wait3A = arith.constant 0 : i32
      %dma_wait3A_25 = tpu.memref_slice %arg11[%mul3A_0, %dma_wait3A] : memref<5120x128xf32, #tpu.memory_space<vmem_shared>> -> memref<128x128xf32, #tpu.memory_space<vmem_shared>>
      %dma_wait3A_26 = arith.constant 0 : i32
      %dma_wait3A_27 = tpu.memref_slice %arg11[%mul3A_0, %dma_wait3A_26] : memref<5120x128xf32, #tpu.memory_space<vmem_shared>> -> memref<128x128xf32, #tpu.memory_space<vmem_shared>>
      tpu.wait_dma2 semaphore(%run_scoped3A : memref<!tpu.dma_semaphore, #tpu.memory_space<semaphore_mem>>) src(%arg10 : memref<128x128xf32, #tpu.memory_space<vmem>>) dst(%dma_wait3A_27 : memref<128x128xf32, #tpu.memory_space<vmem_shared>>)
      tpu.yield
    }) : () -> ()
    %add3A = arith.constant 128 : i32
    %add3A_1 = arith.addi %mul3A_0, %add3A : i32
    "tpu.region"() ({
      %run_scoped3A = tpu.sem_alloc : memref<!tpu.dma_semaphore, #tpu.memory_space<semaphore_mem>>
      %dma_start3A = arith.constant 0 : i32
      %dma_start3A_22 = tpu.memref_slice %arg11[%add3A_1, %dma_start3A] : memref<5120x128xf32, #tpu.memory_space<vmem_shared>> -> memref<128x128xf32, #tpu.memory_space<vmem_shared>>
      %dma_start3A_23 = arith.constant 0 : i32
      %dma_start3A_24 = tpu.memref_slice %arg11[%add3A_1, %dma_start3A_23] : memref<5120x128xf32, #tpu.memory_space<vmem_shared>> -> memref<128x128xf32, #tpu.memory_space<vmem_shared>>
      tpu.enqueue_dma source(%arg10 : memref<128x128xf32, #tpu.memory_space<vmem>>) target(%dma_start3A_24 : memref<128x128xf32, #tpu.memory_space<vmem_shared>>) target_semaphore(%run_scoped3A : memref<!tpu.dma_semaphore, #tpu.memory_space<semaphore_mem>>)
      %dma_wait3A = arith.constant 0 : i32
      %dma_wait3A_25 = tpu.memref_slice %arg11[%add3A_1, %dma_wait3A] : memref<5120x128xf32, #tpu.memory_space<vmem_shared>> -> memref<128x128xf32, #tpu.memory_space<vmem_shared>>
      %dma_wait3A_26 = arith.constant 0 : i32
      %dma_wait3A_27 = tpu.memref_slice %arg11[%add3A_1, %dma_wait3A_26] : memref<5120x128xf32, #tpu.memory_space<vmem_shared>> -> memref<128x128xf32, #tpu.memory_space<vmem_shared>>
      tpu.wait_dma2 semaphore(%run_scoped3A : memref<!tpu.dma_semaphore, #tpu.memory_space<semaphore_mem>>) src(%arg10 : memref<128x128xf32, #tpu.memory_space<vmem>>) dst(%dma_wait3A_27 : memref<128x128xf32, #tpu.memory_space<vmem_shared>>)
      tpu.yield
    }) : () -> ()
    %add3A_2 = arith.constant 256 : i32
    %add3A_3 = arith.addi %mul3A_0, %add3A_2 : i32
    "tpu.region"() ({
      %run_scoped3A = tpu.sem_alloc : memref<!tpu.dma_semaphore, #tpu.memory_space<semaphore_mem>>
      %dma_start3A = arith.constant 0 : i32
      %dma_start3A_22 = arith.constant 0 : i32
      %dma_start3A_23 = tpu.memref_slice %arg10[%dma_start3A, %dma_start3A_22] : memref<128x128xf32, #tpu.memory_space<vmem>> -> memref<64x128xf32, #tpu.memory_space<vmem>>
      %dma_start3A_24 = arith.constant 0 : i32
      %dma_start3A_25 = tpu.memref_slice %arg11[%add3A_3, %dma_start3A_24] : memref<5120x128xf32, #tpu.memory_space<vmem_shared>> -> memref<64x128xf32, #tpu.memory_space<vmem_shared>>
      %dma_start3A_26 = arith.constant 0 : i32
      %dma_start3A_27 = tpu.memref_slice %arg11[%add3A_3, %dma_start3A_26] : memref<5120x128xf32, #tpu.memory_space<vmem_shared>> -> memref<64x128xf32, #tpu.memory_space<vmem_shared>>
      %dma_start3A_28 = arith.constant 0 : i32
      %dma_start3A_29 = arith.constant 0 : i32
      %dma_start3A_30 = tpu.memref_slice %arg10[%dma_start3A_28, %dma_start3A_29] : memref<128x128xf32, #tpu.memory_space<vmem>> -> memref<64x128xf32, #tpu.memory_space<vmem>>
      tpu.enqueue_dma source(%dma_start3A_30 : memref<64x128xf32, #tpu.memory_space<vmem>>) target(%dma_start3A_27 : memref<64x128xf32, #tpu.memory_space<vmem_shared>>) target_semaphore(%run_scoped3A : memref<!tpu.dma_semaphore, #tpu.memory_space<semaphore_mem>>)
      %dma_wait3A = arith.constant 0 : i32
      %dma_wait3A_31 = arith.constant 0 : i32
      %dma_wait3A_32 = tpu.memref_slice %arg10[%dma_wait3A, %dma_wait3A_31] : memref<128x128xf32, #tpu.memory_space<vmem>> -> memref<64x128xf32, #tpu.memory_space<vmem>>
      %dma_wait3A_33 = arith.constant 0 : i32
      %dma_wait3A_34 = tpu.memref_slice %arg11[%add3A_3, %dma_wait3A_33] : memref<5120x128xf32, #tpu.memory_space<vmem_shared>> -> memref<64x128xf32, #tpu.memory_space<vmem_shared>>
      %dma_wait3A_35 = arith.constant 0 : i32
      %dma_wait3A_36 = tpu.memref_slice %arg11[%add3A_3, %dma_wait3A_35] : memref<5120x128xf32, #tpu.memory_space<vmem_shared>> -> memref<64x128xf32, #tpu.memory_space<vmem_shared>>
      %dma_wait3A_37 = arith.constant 0 : i32
      %dma_wait3A_38 = arith.constant 0 : i32
      %dma_wait3A_39 = tpu.memref_slice %arg10[%dma_wait3A_37, %dma_wait3A_38] : memref<128x128xf32, #tpu.memory_space<vmem>> -> memref<64x128xf32, #tpu.memory_space<vmem>>
      tpu.wait_dma2 semaphore(%run_scoped3A : memref<!tpu.dma_semaphore, #tpu.memory_space<semaphore_mem>>) src(%dma_wait3A_39 : memref<64x128xf32, #tpu.memory_space<vmem>>) dst(%dma_wait3A_36 : memref<64x128xf32, #tpu.memory_space<vmem_shared>>)
      tpu.yield
    }) : () -> ()
    %barrier3A = arith.constant 0 : index
    tpu.barrier barrier_id(%barrier3A)
    %scan3A = arith.constant 0 : i32
    %scan3A_4 = arith.constant 0 : i32
    %scan3A_5 = arith.constant 157 : i32
    %scan3A_6 = arith.addi %scan3A_4, %scan3A_5 : i32
    %scan3A_7 = arith.constant 1 : i32
    scf.for %scan3A_22 = %scan3A_4 to %scan3A_6 step %scan3A_7  : i32 {
      %dma_start3A = arith.constant 0 : i32
      %dma_start3A_23 = tpu.memref_slice %arg7[%scan3A_22, %dma_start3A] : memref<157x128xi32, #tpu.memory_space<vmem>> -> memref<1x128xi32, #tpu.memory_space<vmem>>
      %dma_start3A_24 = tpu.memref_squeeze %dma_start3A_23 : memref<1x128xi32, #tpu.memory_space<vmem>> -> memref<128xi32, #tpu.memory_space<vmem>>
      %dma_start3A_25 = arith.constant 0 : i32
      %dma_start3A_26 = arith.constant 0 : i32
      %dma_start3A_27 = tpu.memref_slice %arg2[%dma_start3A_25, %dma_start3A_26] : memref<10000x128xf32, #tpu.memory_space<hbm>> -> memref<10000x128xf32, #tpu.memory_space<hbm>>
      tpu.enqueue_indirect_dma source(%dma_start3A_27 : memref<10000x128xf32, #tpu.memory_space<hbm>>) target(%arg9 : memref<128x128xf32, #tpu.memory_space<vmem>>) offsets(%dma_start3A_24 : memref<128xi32, #tpu.memory_space<vmem>>) semaphore(%arg12 : memref<!tpu.dma_semaphore, #tpu.memory_space<semaphore_mem>>)
      %dma_wait3A = arith.constant 0 : i32
      %dma_wait3A_28 = tpu.memref_slice %arg7[%scan3A_22, %dma_wait3A] : memref<157x128xi32, #tpu.memory_space<vmem>> -> memref<1x128xi32, #tpu.memory_space<vmem>>
      %dma_wait3A_29 = tpu.memref_squeeze %dma_wait3A_28 : memref<1x128xi32, #tpu.memory_space<vmem>> -> memref<128xi32, #tpu.memory_space<vmem>>
      %dma_wait3A_30 = arith.constant 0 : i32
      %dma_wait3A_31 = arith.constant 0 : i32
      %dma_wait3A_32 = tpu.memref_slice %arg2[%dma_wait3A_30, %dma_wait3A_31] : memref<10000x128xf32, #tpu.memory_space<hbm>> -> memref<10000x128xf32, #tpu.memory_space<hbm>>
      tpu.wait_indirect_dma semaphore(%arg12 : memref<!tpu.dma_semaphore, #tpu.memory_space<semaphore_mem>>) src(%dma_wait3A_32 : memref<10000x128xf32, #tpu.memory_space<hbm>>) dst(%arg9 : memref<128x128xf32, #tpu.memory_space<vmem>>)
      "tpu.region"() ({
        %run_scoped3A = tpu.sem_alloc : memref<!tpu.dma_semaphore, #tpu.memory_space<semaphore_mem>>
        %dma_start3A_33 = arith.constant 0 : i32
        %dma_start3A_34 = tpu.memref_slice %arg8[%scan3A_22, %dma_start3A_33] : memref<157x128xi32, #tpu.memory_space<vmem>> -> memref<1x128xi32, #tpu.memory_space<vmem>>
        %dma_start3A_35 = tpu.memref_squeeze %dma_start3A_34 : memref<1x128xi32, #tpu.memory_space<vmem>> -> memref<128xi32, #tpu.memory_space<vmem>>
        %dma_start3A_36 = arith.constant 0 : i32
        %dma_start3A_37 = arith.constant 0 : i32
        %dma_start3A_38 = tpu.memref_slice %arg11[%dma_start3A_36, %dma_start3A_37] : memref<5120x128xf32, #tpu.memory_space<vmem_shared>> -> memref<5120x128xf32, #tpu.memory_space<vmem_shared>>
        tpu.enqueue_indirect_dma source(%arg9 : memref<128x128xf32, #tpu.memory_space<vmem>>) target(%dma_start3A_38 : memref<5120x128xf32, #tpu.memory_space<vmem_shared>>) offsets(%dma_start3A_35 : memref<128xi32, #tpu.memory_space<vmem>>) semaphore(%run_scoped3A : memref<!tpu.dma_semaphore, #tpu.memory_space<semaphore_mem>>) {add = true}
        %dma_wait3A_39 = arith.constant 0 : i32
        %dma_wait3A_40 = tpu.memref_slice %arg8[%scan3A_22, %dma_wait3A_39] : memref<157x128xi32, #tpu.memory_space<vmem>> -> memref<1x128xi32, #tpu.memory_space<vmem>>
        %dma_wait3A_41 = tpu.memref_squeeze %dma_wait3A_40 : memref<1x128xi32, #tpu.memory_space<vmem>> -> memref<128xi32, #tpu.memory_space<vmem>>
        %dma_wait3A_42 = arith.constant 0 : i32
        %dma_wait3A_43 = arith.constant 0 : i32
        %dma_wait3A_44 = tpu.memref_slice %arg11[%dma_wait3A_42, %dma_wait3A_43] : memref<5120x128xf32, #tpu.memory_space<vmem_shared>> -> memref<5120x128xf32, #tpu.memory_space<vmem_shared>>
        tpu.wait_indirect_dma semaphore(%run_scoped3A : memref<!tpu.dma_semaphore, #tpu.memory_space<semaphore_mem>>) src(%arg9 : memref<128x128xf32, #tpu.memory_space<vmem>>) dst(%dma_wait3A_44 : memref<5120x128xf32, #tpu.memory_space<vmem_shared>>)
        tpu.yield
      }) : () -> ()
    }
    %scan3A_8 = arith.constant 157 : i32
    %barrier3A_9 = arith.constant 0 : index
    tpu.barrier barrier_id(%barrier3A_9)
    %add3A_10 = arith.constant 0 : i32
    %add3A_11 = arith.addi %mul3A_0, %add3A_10 : i32
    "tpu.region"() ({
      %run_scoped3A = tpu.sem_alloc : memref<!tpu.dma_semaphore, #tpu.memory_space<semaphore_mem>>
      %dma_start3A = arith.constant 0 : i32
      %dma_start3A_22 = arith.constant 0 : i32
      %dma_start3A_23 = tpu.memref_slice %arg10[%dma_start3A, %dma_start3A_22] : memref<128x128xf32, #tpu.memory_space<vmem>> -> memref<128x128xf32, #tpu.memory_space<vmem>>
      %dma_start3A_24 = arith.constant 0 : i32
      %dma_start3A_25 = tpu.memref_slice %arg11[%add3A_11, %dma_start3A_24] : memref<5120x128xf32, #tpu.memory_space<vmem_shared>> -> memref<128x128xf32, #tpu.memory_space<vmem_shared>>
      %dma_start3A_26 = arith.constant 0 : i32
      %dma_start3A_27 = arith.constant 0 : i32
      %dma_start3A_28 = tpu.memref_slice %arg10[%dma_start3A_26, %dma_start3A_27] : memref<128x128xf32, #tpu.memory_space<vmem>> -> memref<128x128xf32, #tpu.memory_space<vmem>>
      %dma_start3A_29 = arith.constant 0 : i32
      %dma_start3A_30 = tpu.memref_slice %arg11[%add3A_11, %dma_start3A_29] : memref<5120x128xf32, #tpu.memory_space<vmem_shared>> -> memref<128x128xf32, #tpu.memory_space<vmem_shared>>
      tpu.enqueue_dma source(%dma_start3A_30 : memref<128x128xf32, #tpu.memory_space<vmem_shared>>) target(%dma_start3A_28 : memref<128x128xf32, #tpu.memory_space<vmem>>) target_semaphore(%run_scoped3A : memref<!tpu.dma_semaphore, #tpu.memory_space<semaphore_mem>>)
      %dma_wait3A = arith.constant 0 : i32
      %dma_wait3A_31 = arith.constant 0 : i32
      %dma_wait3A_32 = tpu.memref_slice %arg10[%dma_wait3A, %dma_wait3A_31] : memref<128x128xf32, #tpu.memory_space<vmem>> -> memref<128x128xf32, #tpu.memory_space<vmem>>
      %dma_wait3A_33 = arith.constant 0 : i32
      %dma_wait3A_34 = tpu.memref_slice %arg11[%add3A_11, %dma_wait3A_33] : memref<5120x128xf32, #tpu.memory_space<vmem_shared>> -> memref<128x128xf32, #tpu.memory_space<vmem_shared>>
      %dma_wait3A_35 = arith.constant 0 : i32
      %dma_wait3A_36 = arith.constant 0 : i32
      %dma_wait3A_37 = tpu.memref_slice %arg10[%dma_wait3A_35, %dma_wait3A_36] : memref<128x128xf32, #tpu.memory_space<vmem>> -> memref<128x128xf32, #tpu.memory_space<vmem>>
      %dma_wait3A_38 = arith.constant 0 : i32
      %dma_wait3A_39 = tpu.memref_slice %arg11[%add3A_11, %dma_wait3A_38] : memref<5120x128xf32, #tpu.memory_space<vmem_shared>> -> memref<128x128xf32, #tpu.memory_space<vmem_shared>>
      tpu.wait_dma2 semaphore(%run_scoped3A : memref<!tpu.dma_semaphore, #tpu.memory_space<semaphore_mem>>) src(%dma_wait3A_39 : memref<128x128xf32, #tpu.memory_space<vmem_shared>>) dst(%dma_wait3A_37 : memref<128x128xf32, #tpu.memory_space<vmem>>)
      tpu.yield
    }) : () -> ()
    %add3A_12 = arith.constant 0 : i32
    %add3A_13 = arith.addi %mul3A_0, %add3A_12 : i32
    "tpu.region"() ({
      %run_scoped3A = tpu.sem_alloc : memref<!tpu.dma_semaphore, #tpu.memory_space<semaphore_mem>>
      %dma_start3A = arith.constant 0 : i32
      %dma_start3A_22 = arith.constant 0 : i32
      %dma_start3A_23 = tpu.memref_slice %arg10[%dma_start3A, %dma_start3A_22] : memref<128x128xf32, #tpu.memory_space<vmem>> -> memref<128x128xf32, #tpu.memory_space<vmem>>
      %dma_start3A_24 = arith.constant 0 : i32
      %dma_start3A_25 = arith.constant 0 : i32
      %dma_start3A_26 = tpu.memref_slice %arg6[%arg0, %dma_start3A_24, %dma_start3A_25] : memref<2x5120x128xf32, #tpu.memory_space<hbm>> -> memref<1x5120x128xf32, #tpu.memory_space<hbm>>
      %dma_start3A_27 = tpu.memref_squeeze %dma_start3A_26 : memref<1x5120x128xf32, #tpu.memory_space<hbm>> -> memref<5120x128xf32, #tpu.memory_space<hbm>>
      %dma_start3A_28 = arith.constant 0 : i32
      %dma_start3A_29 = tpu.memref_slice %dma_start3A_27[%add3A_13, %dma_start3A_28] : memref<5120x128xf32, #tpu.memory_space<hbm>> -> memref<128x128xf32, #tpu.memory_space<hbm>>
      %dma_start3A_30 = arith.constant 0 : i32
      %dma_start3A_31 = arith.constant 0 : i32
      %dma_start3A_32 = tpu.memref_slice %arg6[%arg0, %dma_start3A_30, %dma_start3A_31] : memref<2x5120x128xf32, #tpu.memory_space<hbm>> -> memref<1x5120x128xf32, #tpu.memory_space<hbm>>
      %dma_start3A_33 = tpu.memref_squeeze %dma_start3A_32 : memref<1x5120x128xf32, #tpu.memory_space<hbm>> -> memref<5120x128xf32, #tpu.memory_space<hbm>>
      %dma_start3A_34 = arith.constant 0 : i32
      %dma_start3A_35 = tpu.memref_slice %dma_start3A_33[%add3A_13, %dma_start3A_34] : memref<5120x128xf32, #tpu.memory_space<hbm>> -> memref<128x128xf32, #tpu.memory_space<hbm>>
      %dma_start3A_36 = arith.constant 0 : i32
      %dma_start3A_37 = arith.constant 0 : i32
      %dma_start3A_38 = tpu.memref_slice %arg10[%dma_start3A_36, %dma_start3A_37] : memref<128x128xf32, #tpu.memory_space<vmem>> -> memref<128x128xf32, #tpu.memory_space<vmem>>
      tpu.enqueue_dma source(%dma_start3A_38 : memref<128x128xf32, #tpu.memory_space<vmem>>) target(%dma_start3A_35 : memref<128x128xf32, #tpu.memory_space<hbm>>) target_semaphore(%run_scoped3A : memref<!tpu.dma_semaphore, #tpu.memory_space<semaphore_mem>>)
      %dma_wait3A = arith.constant 0 : i32
      %dma_wait3A_39 = arith.constant 0 : i32
      %dma_wait3A_40 = tpu.memref_slice %arg10[%dma_wait3A, %dma_wait3A_39] : memref<128x128xf32, #tpu.memory_space<vmem>> -> memref<128x128xf32, #tpu.memory_space<vmem>>
      %dma_wait3A_41 = arith.constant 0 : i32
      %dma_wait3A_42 = arith.constant 0 : i32
      %dma_wait3A_43 = tpu.memref_slice %arg6[%arg0, %dma_wait3A_41, %dma_wait3A_42] : memref<2x5120x128xf32, #tpu.memory_space<hbm>> -> memref<1x5120x128xf32, #tpu.memory_space<hbm>>
      %dma_wait3A_44 = tpu.memref_squeeze %dma_wait3A_43 : memref<1x5120x128xf32, #tpu.memory_space<hbm>> -> memref<5120x128xf32, #tpu.memory_space<hbm>>
      %dma_wait3A_45 = arith.constant 0 : i32
      %dma_wait3A_46 = tpu.memref_slice %dma_wait3A_44[%add3A_13, %dma_wait3A_45] : memref<5120x128xf32, #tpu.memory_space<hbm>> -> memref<128x128xf32, #tpu.memory_space<hbm>>
      %dma_wait3A_47 = arith.constant 0 : i32
      %dma_wait3A_48 = arith.constant 0 : i32
      %dma_wait3A_49 = tpu.memref_slice %arg6[%arg0, %dma_wait3A_47, %dma_wait3A_48] : memref<2x5120x128xf32, #tpu.memory_space<hbm>> -> memref<1x5120x128xf32, #tpu.memory_space<hbm>>
      %dma_wait3A_50 = tpu.memref_squeeze %dma_wait3A_49 : memref<1x5120x128xf32, #tpu.memory_space<hbm>> -> memref<5120x128xf32, #tpu.memory_space<hbm>>
      %dma_wait3A_51 = arith.constant 0 : i32
      %dma_wait3A_52 = tpu.memref_slice %dma_wait3A_50[%add3A_13, %dma_wait3A_51] : memref<5120x128xf32, #tpu.memory_space<hbm>> -> memref<128x128xf32, #tpu.memory_space<hbm>>
      %dma_wait3A_53 = arith.constant 0 : i32
      %dma_wait3A_54 = arith.constant 0 : i32
      %dma_wait3A_55 = tpu.memref_slice %arg10[%dma_wait3A_53, %dma_wait3A_54] : memref<128x128xf32, #tpu.memory_space<vmem>> -> memref<128x128xf32, #tpu.memory_space<vmem>>
      tpu.wait_dma2 semaphore(%run_scoped3A : memref<!tpu.dma_semaphore, #tpu.memory_space<semaphore_mem>>) src(%dma_wait3A_55 : memref<128x128xf32, #tpu.memory_space<vmem>>) dst(%dma_wait3A_52 : memref<128x128xf32, #tpu.memory_space<hbm>>)
      tpu.yield
    }) : () -> ()
    %add3A_14 = arith.constant 128 : i32
    %add3A_15 = arith.addi %mul3A_0, %add3A_14 : i32
    "tpu.region"() ({
      %run_scoped3A = tpu.sem_alloc : memref<!tpu.dma_semaphore, #tpu.memory_space<semaphore_mem>>
      %dma_start3A = arith.constant 0 : i32
      %dma_start3A_22 = arith.constant 0 : i32
      %dma_start3A_23 = tpu.memref_slice %arg10[%dma_start3A, %dma_start3A_22] : memref<128x128xf32, #tpu.memory_space<vmem>> -> memref<128x128xf32, #tpu.memory_space<vmem>>
      %dma_start3A_24 = arith.constant 0 : i32
      %dma_start3A_25 = tpu.memref_slice %arg11[%add3A_15, %dma_start3A_24] : memref<5120x128xf32, #tpu.memory_space<vmem_shared>> -> memref<128x128xf32, #tpu.memory_space<vmem_shared>>
      %dma_start3A_26 = arith.constant 0 : i32
      %dma_start3A_27 = arith.constant 0 : i32
      %dma_start3A_28 = tpu.memref_slice %arg10[%dma_start3A_26, %dma_start3A_27] : memref<128x128xf32, #tpu.memory_space<vmem>> -> memref<128x128xf32, #tpu.memory_space<vmem>>
      %dma_start3A_29 = arith.constant 0 : i32
      %dma_start3A_30 = tpu.memref_slice %arg11[%add3A_15, %dma_start3A_29] : memref<5120x128xf32, #tpu.memory_space<vmem_shared>> -> memref<128x128xf32, #tpu.memory_space<vmem_shared>>
      tpu.enqueue_dma source(%dma_start3A_30 : memref<128x128xf32, #tpu.memory_space<vmem_shared>>) target(%dma_start3A_28 : memref<128x128xf32, #tpu.memory_space<vmem>>) target_semaphore(%run_scoped3A : memref<!tpu.dma_semaphore, #tpu.memory_space<semaphore_mem>>)
      %dma_wait3A = arith.constant 0 : i32
      %dma_wait3A_31 = arith.constant 0 : i32
      %dma_wait3A_32 = tpu.memref_slice %arg10[%dma_wait3A, %dma_wait3A_31] : memref<128x128xf32, #tpu.memory_space<vmem>> -> memref<128x128xf32, #tpu.memory_space<vmem>>
      %dma_wait3A_33 = arith.constant 0 : i32
      %dma_wait3A_34 = tpu.memref_slice %arg11[%add3A_15, %dma_wait3A_33] : memref<5120x128xf32, #tpu.memory_space<vmem_shared>> -> memref<128x128xf32, #tpu.memory_space<vmem_shared>>
      %dma_wait3A_35 = arith.constant 0 : i32
      %dma_wait3A_36 = arith.constant 0 : i32
      %dma_wait3A_37 = tpu.memref_slice %arg10[%dma_wait3A_35, %dma_wait3A_36] : memref<128x128xf32, #tpu.memory_space<vmem>> -> memref<128x128xf32, #tpu.memory_space<vmem>>
      %dma_wait3A_38 = arith.constant 0 : i32
      %dma_wait3A_39 = tpu.memref_slice %arg11[%add3A_15, %dma_wait3A_38] : memref<5120x128xf32, #tpu.memory_space<vmem_shared>> -> memref<128x128xf32, #tpu.memory_space<vmem_shared>>
      tpu.wait_dma2 semaphore(%run_scoped3A : memref<!tpu.dma_semaphore, #tpu.memory_space<semaphore_mem>>) src(%dma_wait3A_39 : memref<128x128xf32, #tpu.memory_space<vmem_shared>>) dst(%dma_wait3A_37 : memref<128x128xf32, #tpu.memory_space<vmem>>)
      tpu.yield
    }) : () -> ()
    %add3A_16 = arith.constant 128 : i32
    %add3A_17 = arith.addi %mul3A_0, %add3A_16 : i32
    "tpu.region"() ({
      %run_scoped3A = tpu.sem_alloc : memref<!tpu.dma_semaphore, #tpu.memory_space<semaphore_mem>>
      %dma_start3A = arith.constant 0 : i32
      %dma_start3A_22 = arith.constant 0 : i32
      %dma_start3A_23 = tpu.memref_slice %arg10[%dma_start3A, %dma_start3A_22] : memref<128x128xf32, #tpu.memory_space<vmem>> -> memref<128x128xf32, #tpu.memory_space<vmem>>
      %dma_start3A_24 = arith.constant 0 : i32
      %dma_start3A_25 = arith.constant 0 : i32
      %dma_start3A_26 = tpu.memref_slice %arg6[%arg0, %dma_start3A_24, %dma_start3A_25] : memref<2x5120x128xf32, #tpu.memory_space<hbm>> -> memref<1x5120x128xf32, #tpu.memory_space<hbm>>
      %dma_start3A_27 = tpu.memref_squeeze %dma_start3A_26 : memref<1x5120x128xf32, #tpu.memory_space<hbm>> -> memref<5120x128xf32, #tpu.memory_space<hbm>>
      %dma_start3A_28 = arith.constant 0 : i32
      %dma_start3A_29 = tpu.memref_slice %dma_start3A_27[%add3A_17, %dma_start3A_28] : memref<5120x128xf32, #tpu.memory_space<hbm>> -> memref<128x128xf32, #tpu.memory_space<hbm>>
      %dma_start3A_30 = arith.constant 0 : i32
      %dma_start3A_31 = arith.constant 0 : i32
      %dma_start3A_32 = tpu.memref_slice %arg6[%arg0, %dma_start3A_30, %dma_start3A_31] : memref<2x5120x128xf32, #tpu.memory_space<hbm>> -> memref<1x5120x128xf32, #tpu.memory_space<hbm>>
      %dma_start3A_33 = tpu.memref_squeeze %dma_start3A_32 : memref<1x5120x128xf32, #tpu.memory_space<hbm>> -> memref<5120x128xf32, #tpu.memory_space<hbm>>
      %dma_start3A_34 = arith.constant 0 : i32
      %dma_start3A_35 = tpu.memref_slice %dma_start3A_33[%add3A_17, %dma_start3A_34] : memref<5120x128xf32, #tpu.memory_space<hbm>> -> memref<128x128xf32, #tpu.memory_space<hbm>>
      %dma_start3A_36 = arith.constant 0 : i32
      %dma_start3A_37 = arith.constant 0 : i32
      %dma_start3A_38 = tpu.memref_slice %arg10[%dma_start3A_36, %dma_start3A_37] : memref<128x128xf32, #tpu.memory_space<vmem>> -> memref<128x128xf32, #tpu.memory_space<vmem>>
      tpu.enqueue_dma source(%dma_start3A_38 : memref<128x128xf32, #tpu.memory_space<vmem>>) target(%dma_start3A_35 : memref<128x128xf32, #tpu.memory_space<hbm>>) target_semaphore(%run_scoped3A : memref<!tpu.dma_semaphore, #tpu.memory_space<semaphore_mem>>)
      %dma_wait3A = arith.constant 0 : i32
      %dma_wait3A_39 = arith.constant 0 : i32
      %dma_wait3A_40 = tpu.memref_slice %arg10[%dma_wait3A, %dma_wait3A_39] : memref<128x128xf32, #tpu.memory_space<vmem>> -> memref<128x128xf32, #tpu.memory_space<vmem>>
      %dma_wait3A_41 = arith.constant 0 : i32
      %dma_wait3A_42 = arith.constant 0 : i32
      %dma_wait3A_43 = tpu.memref_slice %arg6[%arg0, %dma_wait3A_41, %dma_wait3A_42] : memref<2x5120x128xf32, #tpu.memory_space<hbm>> -> memref<1x5120x128xf32, #tpu.memory_space<hbm>>
      %dma_wait3A_44 = tpu.memref_squeeze %dma_wait3A_43 : memref<1x5120x128xf32, #tpu.memory_space<hbm>> -> memref<5120x128xf32, #tpu.memory_space<hbm>>
      %dma_wait3A_45 = arith.constant 0 : i32
      %dma_wait3A_46 = tpu.memref_slice %dma_wait3A_44[%add3A_17, %dma_wait3A_45] : memref<5120x128xf32, #tpu.memory_space<hbm>> -> memref<128x128xf32, #tpu.memory_space<hbm>>
      %dma_wait3A_47 = arith.constant 0 : i32
      %dma_wait3A_48 = arith.constant 0 : i32
      %dma_wait3A_49 = tpu.memref_slice %arg6[%arg0, %dma_wait3A_47, %dma_wait3A_48] : memref<2x5120x128xf32, #tpu.memory_space<hbm>> -> memref<1x5120x128xf32, #tpu.memory_space<hbm>>
      %dma_wait3A_50 = tpu.memref_squeeze %dma_wait3A_49 : memref<1x5120x128xf32, #tpu.memory_space<hbm>> -> memref<5120x128xf32, #tpu.memory_space<hbm>>
      %dma_wait3A_51 = arith.constant 0 : i32
      %dma_wait3A_52 = tpu.memref_slice %dma_wait3A_50[%add3A_17, %dma_wait3A_51] : memref<5120x128xf32, #tpu.memory_space<hbm>> -> memref<128x128xf32, #tpu.memory_space<hbm>>
      %dma_wait3A_53 = arith.constant 0 : i32
      %dma_wait3A_54 = arith.constant 0 : i32
      %dma_wait3A_55 = tpu.memref_slice %arg10[%dma_wait3A_53, %dma_wait3A_54] : memref<128x128xf32, #tpu.memory_space<vmem>> -> memref<128x128xf32, #tpu.memory_space<vmem>>
      tpu.wait_dma2 semaphore(%run_scoped3A : memref<!tpu.dma_semaphore, #tpu.memory_space<semaphore_mem>>) src(%dma_wait3A_55 : memref<128x128xf32, #tpu.memory_space<vmem>>) dst(%dma_wait3A_52 : memref<128x128xf32, #tpu.memory_space<hbm>>)
      tpu.yield
    }) : () -> ()
    %add3A_18 = arith.constant 256 : i32
    %add3A_19 = arith.addi %mul3A_0, %add3A_18 : i32
    "tpu.region"() ({
      %run_scoped3A = tpu.sem_alloc : memref<!tpu.dma_semaphore, #tpu.memory_space<semaphore_mem>>
      %dma_start3A = arith.constant 0 : i32
      %dma_start3A_22 = arith.constant 0 : i32
      %dma_start3A_23 = tpu.memref_slice %arg10[%dma_start3A, %dma_start3A_22] : memref<128x128xf32, #tpu.memory_space<vmem>> -> memref<64x128xf32, #tpu.memory_space<vmem>>
      %dma_start3A_24 = arith.constant 0 : i32
      %dma_start3A_25 = tpu.memref_slice %arg11[%add3A_19, %dma_start3A_24] : memref<5120x128xf32, #tpu.memory_space<vmem_shared>> -> memref<64x128xf32, #tpu.memory_space<vmem_shared>>
      %dma_start3A_26 = arith.constant 0 : i32
      %dma_start3A_27 = arith.constant 0 : i32
      %dma_start3A_28 = tpu.memref_slice %arg10[%dma_start3A_26, %dma_start3A_27] : memref<128x128xf32, #tpu.memory_space<vmem>> -> memref<64x128xf32, #tpu.memory_space<vmem>>
      %dma_start3A_29 = arith.constant 0 : i32
      %dma_start3A_30 = tpu.memref_slice %arg11[%add3A_19, %dma_start3A_29] : memref<5120x128xf32, #tpu.memory_space<vmem_shared>> -> memref<64x128xf32, #tpu.memory_space<vmem_shared>>
      tpu.enqueue_dma source(%dma_start3A_30 : memref<64x128xf32, #tpu.memory_space<vmem_shared>>) target(%dma_start3A_28 : memref<64x128xf32, #tpu.memory_space<vmem>>) target_semaphore(%run_scoped3A : memref<!tpu.dma_semaphore, #tpu.memory_space<semaphore_mem>>)
      %dma_wait3A = arith.constant 0 : i32
      %dma_wait3A_31 = arith.constant 0 : i32
      %dma_wait3A_32 = tpu.memref_slice %arg10[%dma_wait3A, %dma_wait3A_31] : memref<128x128xf32, #tpu.memory_space<vmem>> -> memref<64x128xf32, #tpu.memory_space<vmem>>
      %dma_wait3A_33 = arith.constant 0 : i32
      %dma_wait3A_34 = tpu.memref_slice %arg11[%add3A_19, %dma_wait3A_33] : memref<5120x128xf32, #tpu.memory_space<vmem_shared>> -> memref<64x128xf32, #tpu.memory_space<vmem_shared>>
      %dma_wait3A_35 = arith.constant 0 : i32
      %dma_wait3A_36 = arith.constant 0 : i32
      %dma_wait3A_37 = tpu.memref_slice %arg10[%dma_wait3A_35, %dma_wait3A_36] : memref<128x128xf32, #tpu.memory_space<vmem>> -> memref<64x128xf32, #tpu.memory_space<vmem>>
      %dma_wait3A_38 = arith.constant 0 : i32
      %dma_wait3A_39 = tpu.memref_slice %arg11[%add3A_19, %dma_wait3A_38] : memref<5120x128xf32, #tpu.memory_space<vmem_shared>> -> memref<64x128xf32, #tpu.memory_space<vmem_shared>>
      tpu.wait_dma2 semaphore(%run_scoped3A : memref<!tpu.dma_semaphore, #tpu.memory_space<semaphore_mem>>) src(%dma_wait3A_39 : memref<64x128xf32, #tpu.memory_space<vmem_shared>>) dst(%dma_wait3A_37 : memref<64x128xf32, #tpu.memory_space<vmem>>)
      tpu.yield
    }) : () -> ()
    %add3A_20 = arith.constant 256 : i32
    %add3A_21 = arith.addi %mul3A_0, %add3A_20 : i32
    "tpu.region"() ({
      %run_scoped3A = tpu.sem_alloc : memref<!tpu.dma_semaphore, #tpu.memory_space<semaphore_mem>>
      %dma_start3A = arith.constant 0 : i32
      %dma_start3A_22 = arith.constant 0 : i32
      %dma_start3A_23 = tpu.memref_slice %arg10[%dma_start3A, %dma_start3A_22] : memref<128x128xf32, #tpu.memory_space<vmem>> -> memref<64x128xf32, #tpu.memory_space<vmem>>
      %dma_start3A_24 = arith.constant 0 : i32
      %dma_start3A_25 = arith.constant 0 : i32
      %dma_start3A_26 = tpu.memref_slice %arg6[%arg0, %dma_start3A_24, %dma_start3A_25] : memref<2x5120x128xf32, #tpu.memory_space<hbm>> -> memref<1x5120x128xf32, #tpu.memory_space<hbm>>
      %dma_start3A_27 = tpu.memref_squeeze %dma_start3A_26 : memref<1x5120x128xf32, #tpu.memory_space<hbm>> -> memref<5120x128xf32, #tpu.memory_space<hbm>>
      %dma_start3A_28 = arith.constant 0 : i32
      %dma_start3A_29 = tpu.memref_slice %dma_start3A_27[%add3A_21, %dma_start3A_28] : memref<5120x128xf32, #tpu.memory_space<hbm>> -> memref<64x128xf32, #tpu.memory_space<hbm>>
      %dma_start3A_30 = arith.constant 0 : i32
      %dma_start3A_31 = arith.constant 0 : i32
      %dma_start3A_32 = tpu.memref_slice %arg6[%arg0, %dma_start3A_30, %dma_start3A_31] : memref<2x5120x128xf32, #tpu.memory_space<hbm>> -> memref<1x5120x128xf32, #tpu.memory_space<hbm>>
      %dma_start3A_33 = tpu.memref_squeeze %dma_start3A_32 : memref<1x5120x128xf32, #tpu.memory_space<hbm>> -> memref<5120x128xf32, #tpu.memory_space<hbm>>
      %dma_start3A_34 = arith.constant 0 : i32
      %dma_start3A_35 = tpu.memref_slice %dma_start3A_33[%add3A_21, %dma_start3A_34] : memref<5120x128xf32, #tpu.memory_space<hbm>> -> memref<64x128xf32, #tpu.memory_space<hbm>>
      %dma_start3A_36 = arith.constant 0 : i32
      %dma_start3A_37 = arith.constant 0 : i32
      %dma_start3A_38 = tpu.memref_slice %arg10[%dma_start3A_36, %dma_start3A_37] : memref<128x128xf32, #tpu.memory_space<vmem>> -> memref<64x128xf32, #tpu.memory_space<vmem>>
      tpu.enqueue_dma source(%dma_start3A_38 : memref<64x128xf32, #tpu.memory_space<vmem>>) target(%dma_start3A_35 : memref<64x128xf32, #tpu.memory_space<hbm>>) target_semaphore(%run_scoped3A : memref<!tpu.dma_semaphore, #tpu.memory_space<semaphore_mem>>)
      %dma_wait3A = arith.constant 0 : i32
      %dma_wait3A_39 = arith.constant 0 : i32
      %dma_wait3A_40 = tpu.memref_slice %arg10[%dma_wait3A, %dma_wait3A_39] : memref<128x128xf32, #tpu.memory_space<vmem>> -> memref<64x128xf32, #tpu.memory_space<vmem>>
      %dma_wait3A_41 = arith.constant 0 : i32
      %dma_wait3A_42 = arith.constant 0 : i32
      %dma_wait3A_43 = tpu.memref_slice %arg6[%arg0, %dma_wait3A_41, %dma_wait3A_42] : memref<2x5120x128xf32, #tpu.memory_space<hbm>> -> memref<1x5120x128xf32, #tpu.memory_space<hbm>>
      %dma_wait3A_44 = tpu.memref_squeeze %dma_wait3A_43 : memref<1x5120x128xf32, #tpu.memory_space<hbm>> -> memref<5120x128xf32, #tpu.memory_space<hbm>>
      %dma_wait3A_45 = arith.constant 0 : i32
      %dma_wait3A_46 = tpu.memref_slice %dma_wait3A_44[%add3A_21, %dma_wait3A_45] : memref<5120x128xf32, #tpu.memory_space<hbm>> -> memref<64x128xf32, #tpu.memory_space<hbm>>
      %dma_wait3A_47 = arith.constant 0 : i32
      %dma_wait3A_48 = arith.constant 0 : i32
      %dma_wait3A_49 = tpu.memref_slice %arg6[%arg0, %dma_wait3A_47, %dma_wait3A_48] : memref<2x5120x128xf32, #tpu.memory_space<hbm>> -> memref<1x5120x128xf32, #tpu.memory_space<hbm>>
      %dma_wait3A_50 = tpu.memref_squeeze %dma_wait3A_49 : memref<1x5120x128xf32, #tpu.memory_space<hbm>> -> memref<5120x128xf32, #tpu.memory_space<hbm>>
      %dma_wait3A_51 = arith.constant 0 : i32
      %dma_wait3A_52 = tpu.memref_slice %dma_wait3A_50[%add3A_21, %dma_wait3A_51] : memref<5120x128xf32, #tpu.memory_space<hbm>> -> memref<64x128xf32, #tpu.memory_space<hbm>>
      %dma_wait3A_53 = arith.constant 0 : i32
      %dma_wait3A_54 = arith.constant 0 : i32
      %dma_wait3A_55 = tpu.memref_slice %arg10[%dma_wait3A_53, %dma_wait3A_54] : memref<128x128xf32, #tpu.memory_space<vmem>> -> memref<64x128xf32, #tpu.memory_space<vmem>>
      tpu.wait_dma2 semaphore(%run_scoped3A : memref<!tpu.dma_semaphore, #tpu.memory_space<semaphore_mem>>) src(%dma_wait3A_55 : memref<64x128xf32, #tpu.memory_space<vmem>>) dst(%dma_wait3A_52 : memref<64x128xf32, #tpu.memory_space<hbm>>)
      tpu.yield
    }) : () -> ()
    return
  }
}

#map = affine_map<(d0, d1) -> (0, 0)>
#map1 = affine_map<(d0, d1) -> (0, 0, 0)>
#map2 = affine_map<(d0, d1) -> (0, 0, 0, 0)>
module attributes {stable_mosaic.version = 14 : i64} {
  func.func @_sc_scatter(%arg0: i32, %arg1: i32, %arg2: memref<10000x128xf32, #tpu.memory_space<hbm>>, %arg3: memref<16x157x128xi32, #tpu.memory_space<hbm>>, %arg4: memref<2x16x157x128xi32, #tpu.memory_space<hbm>>, %arg5: memref<128x128xf32, #tpu.memory_space<hbm>>, %arg6: memref<2x5120x128xf32, #tpu.memory_space<hbm>>, %arg7: memref<157x128xi32, #tpu.memory_space<vmem>>, %arg8: memref<157x128xi32, #tpu.memory_space<vmem>>, %arg9: memref<128x128xf32, #tpu.memory_space<vmem>>, %arg10: memref<128x128xf32, #tpu.memory_space<vmem>>, %arg11: memref<5120x128xf32, #tpu.memory_space<vmem_shared>>, %arg12: memref<!tpu.dma_semaphore, #tpu.memory_space<semaphore_mem>>) attributes {dimension_semantics = [#tpu.dimension_semantics<core_parallel>, #tpu.dimension_semantics<subcore_parallel>], iteration_bounds = array<i64: 2, 16>, scalar_prefetch = 0 : i64, scratch_operands = 6 : i64, tpu.core_type = #tpu.core_type<sc_vector_subcore>, window_params = [{transform_indices = #map}, {transform_indices = #map1}, {transform_indices = #map2}, {transform_indices = #map}, {transform_indices = #map1}]} {
    "tpu.region"() ({
      %run_scoped3A = tpu.sem_alloc : memref<!tpu.dma_semaphore, #tpu.memory_space<semaphore_mem>>
      %dma_start3A = arith.constant 0 : i32
      %dma_start3A_22 = arith.constant 0 : i32
      %dma_start3A_23 = tpu.memref_slice %arg3[%arg1, %dma_start3A, %dma_start3A_22] : memref<16x157x128xi32, #tpu.memory_space<hbm>> -> memref<1x157x128xi32, #tpu.memory_space<hbm>>
      %dma_start3A_24 = tpu.memref_squeeze %dma_start3A_23 : memref<1x157x128xi32, #tpu.memory_space<hbm>> -> memref<157x128xi32, #tpu.memory_space<hbm>>
      %dma_start3A_25 = arith.constant 0 : i32
      %dma_start3A_26 = arith.constant 0 : i32
      %dma_start3A_27 = tpu.memref_slice %arg3[%arg1, %dma_start3A_25, %dma_start3A_26] : memref<16x157x128xi32, #tpu.memory_space<hbm>> -> memref<1x157x128xi32, #tpu.memory_space<hbm>>
      %dma_start3A_28 = tpu.memref_squeeze %dma_start3A_27 : memref<1x157x128xi32, #tpu.memory_space<hbm>> -> memref<157x128xi32, #tpu.memory_space<hbm>>
      tpu.enqueue_dma source(%dma_start3A_28 : memref<157x128xi32, #tpu.memory_space<hbm>>) target(%arg7 : memref<157x128xi32, #tpu.memory_space<vmem>>) target_semaphore(%run_scoped3A : memref<!tpu.dma_semaphore, #tpu.memory_space<semaphore_mem>>)
      %dma_wait3A = arith.constant 0 : i32
      %dma_wait3A_29 = arith.constant 0 : i32
      %dma_wait3A_30 = tpu.memref_slice %arg3[%arg1, %dma_wait3A, %dma_wait3A_29] : memref<16x157x128xi32, #tpu.memory_space<hbm>> -> memref<1x157x128xi32, #tpu.memory_space<hbm>>
      %dma_wait3A_31 = tpu.memref_squeeze %dma_wait3A_30 : memref<1x157x128xi32, #tpu.memory_space<hbm>> -> memref<157x128xi32, #tpu.memory_space<hbm>>
      %dma_wait3A_32 = arith.constant 0 : i32
      %dma_wait3A_33 = arith.constant 0 : i32
      %dma_wait3A_34 = tpu.memref_slice %arg3[%arg1, %dma_wait3A_32, %dma_wait3A_33] : memref<16x157x128xi32, #tpu.memory_space<hbm>> -> memref<1x157x128xi32, #tpu.memory_space<hbm>>
      %dma_wait3A_35 = tpu.memref_squeeze %dma_wait3A_34 : memref<1x157x128xi32, #tpu.memory_space<hbm>> -> memref<157x128xi32, #tpu.memory_space<hbm>>
      tpu.wait_dma2 semaphore(%run_scoped3A : memref<!tpu.dma_semaphore, #tpu.memory_space<semaphore_mem>>) src(%dma_wait3A_35 : memref<157x128xi32, #tpu.memory_space<hbm>>) dst(%arg7 : memref<157x128xi32, #tpu.memory_space<vmem>>)
      tpu.yield
    }) : () -> ()
    "tpu.region"() ({
      %run_scoped3A = tpu.sem_alloc : memref<!tpu.dma_semaphore, #tpu.memory_space<semaphore_mem>>
      %dma_start3A = arith.constant 0 : i32
      %dma_start3A_22 = arith.constant 0 : i32
      %dma_start3A_23 = arith.constant 0 : i32
      %dma_start3A_24 = tpu.memref_slice %arg4[%arg0, %dma_start3A, %dma_start3A_22, %dma_start3A_23] : memref<2x16x157x128xi32, #tpu.memory_space<hbm>> -> memref<1x16x157x128xi32, #tpu.memory_space<hbm>>
      %dma_start3A_25 = tpu.memref_squeeze %dma_start3A_24 : memref<1x16x157x128xi32, #tpu.memory_space<hbm>> -> memref<16x157x128xi32, #tpu.memory_space<hbm>>
      %dma_start3A_26 = arith.constant 0 : i32
      %dma_start3A_27 = arith.constant 0 : i32
      %dma_start3A_28 = tpu.memref_slice %dma_start3A_25[%arg1, %dma_start3A_26, %dma_start3A_27] : memref<16x157x128xi32, #tpu.memory_space<hbm>> -> memref<1x157x128xi32, #tpu.memory_space<hbm>>
      %dma_start3A_29 = tpu.memref_squeeze %dma_start3A_28 : memref<1x157x128xi32, #tpu.memory_space<hbm>> -> memref<157x128xi32, #tpu.memory_space<hbm>>
      %dma_start3A_30 = arith.constant 0 : i32
      %dma_start3A_31 = arith.constant 0 : i32
      %dma_start3A_32 = arith.constant 0 : i32
      %dma_start3A_33 = tpu.memref_slice %arg4[%arg0, %dma_start3A_30, %dma_start3A_31, %dma_start3A_32] : memref<2x16x157x128xi32, #tpu.memory_space<hbm>> -> memref<1x16x157x128xi32, #tpu.memory_space<hbm>>
      %dma_start3A_34 = tpu.memref_squeeze %dma_start3A_33 : memref<1x16x157x128xi32, #tpu.memory_space<hbm>> -> memref<16x157x128xi32, #tpu.memory_space<hbm>>
      %dma_start3A_35 = arith.constant 0 : i32
      %dma_start3A_36 = arith.constant 0 : i32
      %dma_start3A_37 = tpu.memref_slice %dma_start3A_34[%arg1, %dma_start3A_35, %dma_start3A_36] : memref<16x157x128xi32, #tpu.memory_space<hbm>> -> memref<1x157x128xi32, #tpu.memory_space<hbm>>
      %dma_start3A_38 = tpu.memref_squeeze %dma_start3A_37 : memref<1x157x128xi32, #tpu.memory_space<hbm>> -> memref<157x128xi32, #tpu.memory_space<hbm>>
      tpu.enqueue_dma source(%dma_start3A_38 : memref<157x128xi32, #tpu.memory_space<hbm>>) target(%arg8 : memref<157x128xi32, #tpu.memory_space<vmem>>) target_semaphore(%run_scoped3A : memref<!tpu.dma_semaphore, #tpu.memory_space<semaphore_mem>>)
      %dma_wait3A = arith.constant 0 : i32
      %dma_wait3A_39 = arith.constant 0 : i32
      %dma_wait3A_40 = arith.constant 0 : i32
      %dma_wait3A_41 = tpu.memref_slice %arg4[%arg0, %dma_wait3A, %dma_wait3A_39, %dma_wait3A_40] : memref<2x16x157x128xi32, #tpu.memory_space<hbm>> -> memref<1x16x157x128xi32, #tpu.memory_space<hbm>>
      %dma_wait3A_42 = tpu.memref_squeeze %dma_wait3A_41 : memref<1x16x157x128xi32, #tpu.memory_space<hbm>> -> memref<16x157x128xi32, #tpu.memory_space<hbm>>
      %dma_wait3A_43 = arith.constant 0 : i32
      %dma_wait3A_44 = arith.constant 0 : i32
      %dma_wait3A_45 = tpu.memref_slice %dma_wait3A_42[%arg1, %dma_wait3A_43, %dma_wait3A_44] : memref<16x157x128xi32, #tpu.memory_space<hbm>> -> memref<1x157x128xi32, #tpu.memory_space<hbm>>
      %dma_wait3A_46 = tpu.memref_squeeze %dma_wait3A_45 : memref<1x157x128xi32, #tpu.memory_space<hbm>> -> memref<157x128xi32, #tpu.memory_space<hbm>>
      %dma_wait3A_47 = arith.constant 0 : i32
      %dma_wait3A_48 = arith.constant 0 : i32
      %dma_wait3A_49 = arith.constant 0 : i32
      %dma_wait3A_50 = tpu.memref_slice %arg4[%arg0, %dma_wait3A_47, %dma_wait3A_48, %dma_wait3A_49] : memref<2x16x157x128xi32, #tpu.memory_space<hbm>> -> memref<1x16x157x128xi32, #tpu.memory_space<hbm>>
      %dma_wait3A_51 = tpu.memref_squeeze %dma_wait3A_50 : memref<1x16x157x128xi32, #tpu.memory_space<hbm>> -> memref<16x157x128xi32, #tpu.memory_space<hbm>>
      %dma_wait3A_52 = arith.constant 0 : i32
      %dma_wait3A_53 = arith.constant 0 : i32
      %dma_wait3A_54 = tpu.memref_slice %dma_wait3A_51[%arg1, %dma_wait3A_52, %dma_wait3A_53] : memref<16x157x128xi32, #tpu.memory_space<hbm>> -> memref<1x157x128xi32, #tpu.memory_space<hbm>>
      %dma_wait3A_55 = tpu.memref_squeeze %dma_wait3A_54 : memref<1x157x128xi32, #tpu.memory_space<hbm>> -> memref<157x128xi32, #tpu.memory_space<hbm>>
      tpu.wait_dma2 semaphore(%run_scoped3A : memref<!tpu.dma_semaphore, #tpu.memory_space<semaphore_mem>>) src(%dma_wait3A_55 : memref<157x128xi32, #tpu.memory_space<hbm>>) dst(%arg8 : memref<157x128xi32, #tpu.memory_space<vmem>>)
      tpu.yield
    }) : () -> ()
    "tpu.region"() ({
      %run_scoped3A = tpu.sem_alloc : memref<!tpu.dma_semaphore, #tpu.memory_space<semaphore_mem>>
      tpu.enqueue_dma source(%arg5 : memref<128x128xf32, #tpu.memory_space<hbm>>) target(%arg10 : memref<128x128xf32, #tpu.memory_space<vmem>>) target_semaphore(%run_scoped3A : memref<!tpu.dma_semaphore, #tpu.memory_space<semaphore_mem>>)
      tpu.wait_dma2 semaphore(%run_scoped3A : memref<!tpu.dma_semaphore, #tpu.memory_space<semaphore_mem>>) src(%arg5 : memref<128x128xf32, #tpu.memory_space<hbm>>) dst(%arg10 : memref<128x128xf32, #tpu.memory_space<vmem>>)
      tpu.yield
    }) : () -> ()
    %mul3A = arith.constant 320 : i32
    %mul3A_0 = arith.muli %arg1, %mul3A : i32
    "tpu.region"() ({
      %run_scoped3A = tpu.sem_alloc : memref<!tpu.dma_semaphore, #tpu.memory_space<semaphore_mem>>
      %dma_start3A = arith.constant 0 : i32
      %dma_start3A_22 = tpu.memref_slice %arg11[%mul3A_0, %dma_start3A] : memref<5120x128xf32, #tpu.memory_space<vmem_shared>> -> memref<128x128xf32, #tpu.memory_space<vmem_shared>>
      %dma_start3A_23 = arith.constant 0 : i32
      %dma_start3A_24 = tpu.memref_slice %arg11[%mul3A_0, %dma_start3A_23] : memref<5120x128xf32, #tpu.memory_space<vmem_shared>> -> memref<128x128xf32, #tpu.memory_space<vmem_shared>>
      tpu.enqueue_dma source(%arg10 : memref<128x128xf32, #tpu.memory_space<vmem>>) target(%dma_start3A_24 : memref<128x128xf32, #tpu.memory_space<vmem_shared>>) target_semaphore(%run_scoped3A : memref<!tpu.dma_semaphore, #tpu.memory_space<semaphore_mem>>)
      %dma_wait3A = arith.constant 0 : i32
      %dma_wait3A_25 = tpu.memref_slice %arg11[%mul3A_0, %dma_wait3A] : memref<5120x128xf32, #tpu.memory_space<vmem_shared>> -> memref<128x128xf32, #tpu.memory_space<vmem_shared>>
      %dma_wait3A_26 = arith.constant 0 : i32
      %dma_wait3A_27 = tpu.memref_slice %arg11[%mul3A_0, %dma_wait3A_26] : memref<5120x128xf32, #tpu.memory_space<vmem_shared>> -> memref<128x128xf32, #tpu.memory_space<vmem_shared>>
      tpu.wait_dma2 semaphore(%run_scoped3A : memref<!tpu.dma_semaphore, #tpu.memory_space<semaphore_mem>>) src(%arg10 : memref<128x128xf32, #tpu.memory_space<vmem>>) dst(%dma_wait3A_27 : memref<128x128xf32, #tpu.memory_space<vmem_shared>>)
      tpu.yield
    }) : () -> ()
    %add3A = arith.constant 128 : i32
    %add3A_1 = arith.addi %mul3A_0, %add3A : i32
    "tpu.region"() ({
      %run_scoped3A = tpu.sem_alloc : memref<!tpu.dma_semaphore, #tpu.memory_space<semaphore_mem>>
      %dma_start3A = arith.constant 0 : i32
      %dma_start3A_22 = tpu.memref_slice %arg11[%add3A_1, %dma_start3A] : memref<5120x128xf32, #tpu.memory_space<vmem_shared>> -> memref<128x128xf32, #tpu.memory_space<vmem_shared>>
      %dma_start3A_23 = arith.constant 0 : i32
      %dma_start3A_24 = tpu.memref_slice %arg11[%add3A_1, %dma_start3A_23] : memref<5120x128xf32, #tpu.memory_space<vmem_shared>> -> memref<128x128xf32, #tpu.memory_space<vmem_shared>>
      tpu.enqueue_dma source(%arg10 : memref<128x128xf32, #tpu.memory_space<vmem>>) target(%dma_start3A_24 : memref<128x128xf32, #tpu.memory_space<vmem_shared>>) target_semaphore(%run_scoped3A : memref<!tpu.dma_semaphore, #tpu.memory_space<semaphore_mem>>)
      %dma_wait3A = arith.constant 0 : i32
      %dma_wait3A_25 = tpu.memref_slice %arg11[%add3A_1, %dma_wait3A] : memref<5120x128xf32, #tpu.memory_space<vmem_shared>> -> memref<128x128xf32, #tpu.memory_space<vmem_shared>>
      %dma_wait3A_26 = arith.constant 0 : i32
      %dma_wait3A_27 = tpu.memref_slice %arg11[%add3A_1, %dma_wait3A_26] : memref<5120x128xf32, #tpu.memory_space<vmem_shared>> -> memref<128x128xf32, #tpu.memory_space<vmem_shared>>
      tpu.wait_dma2 semaphore(%run_scoped3A : memref<!tpu.dma_semaphore, #tpu.memory_space<semaphore_mem>>) src(%arg10 : memref<128x128xf32, #tpu.memory_space<vmem>>) dst(%dma_wait3A_27 : memref<128x128xf32, #tpu.memory_space<vmem_shared>>)
      tpu.yield
    }) : () -> ()
    %add3A_2 = arith.constant 256 : i32
    %add3A_3 = arith.addi %mul3A_0, %add3A_2 : i32
    "tpu.region"() ({
      %run_scoped3A = tpu.sem_alloc : memref<!tpu.dma_semaphore, #tpu.memory_space<semaphore_mem>>
      %dma_start3A = arith.constant 0 : i32
      %dma_start3A_22 = arith.constant 0 : i32
      %dma_start3A_23 = tpu.memref_slice %arg10[%dma_start3A, %dma_start3A_22] : memref<128x128xf32, #tpu.memory_space<vmem>> -> memref<64x128xf32, #tpu.memory_space<vmem>>
      %dma_start3A_24 = arith.constant 0 : i32
      %dma_start3A_25 = tpu.memref_slice %arg11[%add3A_3, %dma_start3A_24] : memref<5120x128xf32, #tpu.memory_space<vmem_shared>> -> memref<64x128xf32, #tpu.memory_space<vmem_shared>>
      %dma_start3A_26 = arith.constant 0 : i32
      %dma_start3A_27 = tpu.memref_slice %arg11[%add3A_3, %dma_start3A_26] : memref<5120x128xf32, #tpu.memory_space<vmem_shared>> -> memref<64x128xf32, #tpu.memory_space<vmem_shared>>
      %dma_start3A_28 = arith.constant 0 : i32
      %dma_start3A_29 = arith.constant 0 : i32
      %dma_start3A_30 = tpu.memref_slice %arg10[%dma_start3A_28, %dma_start3A_29] : memref<128x128xf32, #tpu.memory_space<vmem>> -> memref<64x128xf32, #tpu.memory_space<vmem>>
      tpu.enqueue_dma source(%dma_start3A_30 : memref<64x128xf32, #tpu.memory_space<vmem>>) target(%dma_start3A_27 : memref<64x128xf32, #tpu.memory_space<vmem_shared>>) target_semaphore(%run_scoped3A : memref<!tpu.dma_semaphore, #tpu.memory_space<semaphore_mem>>)
      %dma_wait3A = arith.constant 0 : i32
      %dma_wait3A_31 = arith.constant 0 : i32
      %dma_wait3A_32 = tpu.memref_slice %arg10[%dma_wait3A, %dma_wait3A_31] : memref<128x128xf32, #tpu.memory_space<vmem>> -> memref<64x128xf32, #tpu.memory_space<vmem>>
      %dma_wait3A_33 = arith.constant 0 : i32
      %dma_wait3A_34 = tpu.memref_slice %arg11[%add3A_3, %dma_wait3A_33] : memref<5120x128xf32, #tpu.memory_space<vmem_shared>> -> memref<64x128xf32, #tpu.memory_space<vmem_shared>>
      %dma_wait3A_35 = arith.constant 0 : i32
      %dma_wait3A_36 = tpu.memref_slice %arg11[%add3A_3, %dma_wait3A_35] : memref<5120x128xf32, #tpu.memory_space<vmem_shared>> -> memref<64x128xf32, #tpu.memory_space<vmem_shared>>
      %dma_wait3A_37 = arith.constant 0 : i32
      %dma_wait3A_38 = arith.constant 0 : i32
      %dma_wait3A_39 = tpu.memref_slice %arg10[%dma_wait3A_37, %dma_wait3A_38] : memref<128x128xf32, #tpu.memory_space<vmem>> -> memref<64x128xf32, #tpu.memory_space<vmem>>
      tpu.wait_dma2 semaphore(%run_scoped3A : memref<!tpu.dma_semaphore, #tpu.memory_space<semaphore_mem>>) src(%dma_wait3A_39 : memref<64x128xf32, #tpu.memory_space<vmem>>) dst(%dma_wait3A_36 : memref<64x128xf32, #tpu.memory_space<vmem_shared>>)
      tpu.yield
    }) : () -> ()
    %barrier3A = arith.constant 0 : index
    tpu.barrier barrier_id(%barrier3A)
    %scan3A = arith.constant 0 : i32
    %scan3A_4 = arith.constant 0 : i32
    %scan3A_5 = arith.constant 157 : i32
    %scan3A_6 = arith.addi %scan3A_4, %scan3A_5 : i32
    %scan3A_7 = arith.constant 1 : i32
    scf.for %scan3A_22 = %scan3A_4 to %scan3A_6 step %scan3A_7  : i32 {
      %dma_start3A = arith.constant 0 : i32
      %dma_start3A_23 = tpu.memref_slice %arg7[%scan3A_22, %dma_start3A] : memref<157x128xi32, #tpu.memory_space<vmem>> -> memref<1x128xi32, #tpu.memory_space<vmem>>
      %dma_start3A_24 = tpu.memref_squeeze %dma_start3A_23 : memref<1x128xi32, #tpu.memory_space<vmem>> -> memref<128xi32, #tpu.memory_space<vmem>>
      %dma_start3A_25 = arith.constant 0 : i32
      %dma_start3A_26 = arith.constant 0 : i32
      %dma_start3A_27 = tpu.memref_slice %arg2[%dma_start3A_25, %dma_start3A_26] : memref<10000x128xf32, #tpu.memory_space<hbm>> -> memref<10000x128xf32, #tpu.memory_space<hbm>>
      tpu.enqueue_indirect_dma source(%dma_start3A_27 : memref<10000x128xf32, #tpu.memory_space<hbm>>) target(%arg9 : memref<128x128xf32, #tpu.memory_space<vmem>>) offsets(%dma_start3A_24 : memref<128xi32, #tpu.memory_space<vmem>>) semaphore(%arg12 : memref<!tpu.dma_semaphore, #tpu.memory_space<semaphore_mem>>)
      %dma_wait3A = arith.constant 0 : i32
      %dma_wait3A_28 = tpu.memref_slice %arg7[%scan3A_22, %dma_wait3A] : memref<157x128xi32, #tpu.memory_space<vmem>> -> memref<1x128xi32, #tpu.memory_space<vmem>>
      %dma_wait3A_29 = tpu.memref_squeeze %dma_wait3A_28 : memref<1x128xi32, #tpu.memory_space<vmem>> -> memref<128xi32, #tpu.memory_space<vmem>>
      %dma_wait3A_30 = arith.constant 0 : i32
      %dma_wait3A_31 = arith.constant 0 : i32
      %dma_wait3A_32 = tpu.memref_slice %arg2[%dma_wait3A_30, %dma_wait3A_31] : memref<10000x128xf32, #tpu.memory_space<hbm>> -> memref<10000x128xf32, #tpu.memory_space<hbm>>
      tpu.wait_indirect_dma semaphore(%arg12 : memref<!tpu.dma_semaphore, #tpu.memory_space<semaphore_mem>>) src(%dma_wait3A_32 : memref<10000x128xf32, #tpu.memory_space<hbm>>) dst(%arg9 : memref<128x128xf32, #tpu.memory_space<vmem>>)
      "tpu.region"() ({
        %run_scoped3A = tpu.sem_alloc : memref<!tpu.dma_semaphore, #tpu.memory_space<semaphore_mem>>
        %dma_start3A_33 = arith.constant 0 : i32
        %dma_start3A_34 = tpu.memref_slice %arg8[%scan3A_22, %dma_start3A_33] : memref<157x128xi32, #tpu.memory_space<vmem>> -> memref<1x128xi32, #tpu.memory_space<vmem>>
        %dma_start3A_35 = tpu.memref_squeeze %dma_start3A_34 : memref<1x128xi32, #tpu.memory_space<vmem>> -> memref<128xi32, #tpu.memory_space<vmem>>
        %dma_start3A_36 = arith.constant 0 : i32
        %dma_start3A_37 = arith.constant 0 : i32
        %dma_start3A_38 = tpu.memref_slice %arg11[%dma_start3A_36, %dma_start3A_37] : memref<5120x128xf32, #tpu.memory_space<vmem_shared>> -> memref<5120x128xf32, #tpu.memory_space<vmem_shared>>
        tpu.enqueue_indirect_dma source(%arg9 : memref<128x128xf32, #tpu.memory_space<vmem>>) target(%dma_start3A_38 : memref<5120x128xf32, #tpu.memory_space<vmem_shared>>) offsets(%dma_start3A_35 : memref<128xi32, #tpu.memory_space<vmem>>) semaphore(%run_scoped3A : memref<!tpu.dma_semaphore, #tpu.memory_space<semaphore_mem>>) {add = true}
        %dma_wait3A_39 = arith.constant 0 : i32
        %dma_wait3A_40 = tpu.memref_slice %arg8[%scan3A_22, %dma_wait3A_39] : memref<157x128xi32, #tpu.memory_space<vmem>> -> memref<1x128xi32, #tpu.memory_space<vmem>>
        %dma_wait3A_41 = tpu.memref_squeeze %dma_wait3A_40 : memref<1x128xi32, #tpu.memory_space<vmem>> -> memref<128xi32, #tpu.memory_space<vmem>>
        %dma_wait3A_42 = arith.constant 0 : i32
        %dma_wait3A_43 = arith.constant 0 : i32
        %dma_wait3A_44 = tpu.memref_slice %arg11[%dma_wait3A_42, %dma_wait3A_43] : memref<5120x128xf32, #tpu.memory_space<vmem_shared>> -> memref<5120x128xf32, #tpu.memory_space<vmem_shared>>
        tpu.wait_indirect_dma semaphore(%run_scoped3A : memref<!tpu.dma_semaphore, #tpu.memory_space<semaphore_mem>>) src(%arg9 : memref<128x128xf32, #tpu.memory_space<vmem>>) dst(%dma_wait3A_44 : memref<5120x128xf32, #tpu.memory_space<vmem_shared>>)
        tpu.yield
      }) : () -> ()
    }
    %scan3A_8 = arith.constant 157 : i32
    %barrier3A_9 = arith.constant 0 : index
    tpu.barrier barrier_id(%barrier3A_9)
    %add3A_10 = arith.constant 0 : i32
    %add3A_11 = arith.addi %mul3A_0, %add3A_10 : i32
    "tpu.region"() ({
      %run_scoped3A = tpu.sem_alloc : memref<!tpu.dma_semaphore, #tpu.memory_space<semaphore_mem>>
      %dma_start3A = arith.constant 0 : i32
      %dma_start3A_22 = arith.constant 0 : i32
      %dma_start3A_23 = tpu.memref_slice %arg10[%dma_start3A, %dma_start3A_22] : memref<128x128xf32, #tpu.memory_space<vmem>> -> memref<128x128xf32, #tpu.memory_space<vmem>>
      %dma_start3A_24 = arith.constant 0 : i32
      %dma_start3A_25 = tpu.memref_slice %arg11[%add3A_11, %dma_start3A_24] : memref<5120x128xf32, #tpu.memory_space<vmem_shared>> -> memref<128x128xf32, #tpu.memory_space<vmem_shared>>
      %dma_start3A_26 = arith.constant 0 : i32
      %dma_start3A_27 = arith.constant 0 : i32
      %dma_start3A_28 = tpu.memref_slice %arg10[%dma_start3A_26, %dma_start3A_27] : memref<128x128xf32, #tpu.memory_space<vmem>> -> memref<128x128xf32, #tpu.memory_space<vmem>>
      %dma_start3A_29 = arith.constant 0 : i32
      %dma_start3A_30 = tpu.memref_slice %arg11[%add3A_11, %dma_start3A_29] : memref<5120x128xf32, #tpu.memory_space<vmem_shared>> -> memref<128x128xf32, #tpu.memory_space<vmem_shared>>
      tpu.enqueue_dma source(%dma_start3A_30 : memref<128x128xf32, #tpu.memory_space<vmem_shared>>) target(%dma_start3A_28 : memref<128x128xf32, #tpu.memory_space<vmem>>) target_semaphore(%run_scoped3A : memref<!tpu.dma_semaphore, #tpu.memory_space<semaphore_mem>>)
      %dma_wait3A = arith.constant 0 : i32
      %dma_wait3A_31 = arith.constant 0 : i32
      %dma_wait3A_32 = tpu.memref_slice %arg10[%dma_wait3A, %dma_wait3A_31] : memref<128x128xf32, #tpu.memory_space<vmem>> -> memref<128x128xf32, #tpu.memory_space<vmem>>
      %dma_wait3A_33 = arith.constant 0 : i32
      %dma_wait3A_34 = tpu.memref_slice %arg11[%add3A_11, %dma_wait3A_33] : memref<5120x128xf32, #tpu.memory_space<vmem_shared>> -> memref<128x128xf32, #tpu.memory_space<vmem_shared>>
      %dma_wait3A_35 = arith.constant 0 : i32
      %dma_wait3A_36 = arith.constant 0 : i32
      %dma_wait3A_37 = tpu.memref_slice %arg10[%dma_wait3A_35, %dma_wait3A_36] : memref<128x128xf32, #tpu.memory_space<vmem>> -> memref<128x128xf32, #tpu.memory_space<vmem>>
      %dma_wait3A_38 = arith.constant 0 : i32
      %dma_wait3A_39 = tpu.memref_slice %arg11[%add3A_11, %dma_wait3A_38] : memref<5120x128xf32, #tpu.memory_space<vmem_shared>> -> memref<128x128xf32, #tpu.memory_space<vmem_shared>>
      tpu.wait_dma2 semaphore(%run_scoped3A : memref<!tpu.dma_semaphore, #tpu.memory_space<semaphore_mem>>) src(%dma_wait3A_39 : memref<128x128xf32, #tpu.memory_space<vmem_shared>>) dst(%dma_wait3A_37 : memref<128x128xf32, #tpu.memory_space<vmem>>)
      tpu.yield
    }) : () -> ()
    %add3A_12 = arith.constant 0 : i32
    %add3A_13 = arith.addi %mul3A_0, %add3A_12 : i32
    "tpu.region"() ({
      %run_scoped3A = tpu.sem_alloc : memref<!tpu.dma_semaphore, #tpu.memory_space<semaphore_mem>>
      %dma_start3A = arith.constant 0 : i32
      %dma_start3A_22 = arith.constant 0 : i32
      %dma_start3A_23 = tpu.memref_slice %arg10[%dma_start3A, %dma_start3A_22] : memref<128x128xf32, #tpu.memory_space<vmem>> -> memref<128x128xf32, #tpu.memory_space<vmem>>
      %dma_start3A_24 = arith.constant 0 : i32
      %dma_start3A_25 = arith.constant 0 : i32
      %dma_start3A_26 = tpu.memref_slice %arg6[%arg0, %dma_start3A_24, %dma_start3A_25] : memref<2x5120x128xf32, #tpu.memory_space<hbm>> -> memref<1x5120x128xf32, #tpu.memory_space<hbm>>
      %dma_start3A_27 = tpu.memref_squeeze %dma_start3A_26 : memref<1x5120x128xf32, #tpu.memory_space<hbm>> -> memref<5120x128xf32, #tpu.memory_space<hbm>>
      %dma_start3A_28 = arith.constant 0 : i32
      %dma_start3A_29 = tpu.memref_slice %dma_start3A_27[%add3A_13, %dma_start3A_28] : memref<5120x128xf32, #tpu.memory_space<hbm>> -> memref<128x128xf32, #tpu.memory_space<hbm>>
      %dma_start3A_30 = arith.constant 0 : i32
      %dma_start3A_31 = arith.constant 0 : i32
      %dma_start3A_32 = tpu.memref_slice %arg6[%arg0, %dma_start3A_30, %dma_start3A_31] : memref<2x5120x128xf32, #tpu.memory_space<hbm>> -> memref<1x5120x128xf32, #tpu.memory_space<hbm>>
      %dma_start3A_33 = tpu.memref_squeeze %dma_start3A_32 : memref<1x5120x128xf32, #tpu.memory_space<hbm>> -> memref<5120x128xf32, #tpu.memory_space<hbm>>
      %dma_start3A_34 = arith.constant 0 : i32
      %dma_start3A_35 = tpu.memref_slice %dma_start3A_33[%add3A_13, %dma_start3A_34] : memref<5120x128xf32, #tpu.memory_space<hbm>> -> memref<128x128xf32, #tpu.memory_space<hbm>>
      %dma_start3A_36 = arith.constant 0 : i32
      %dma_start3A_37 = arith.constant 0 : i32
      %dma_start3A_38 = tpu.memref_slice %arg10[%dma_start3A_36, %dma_start3A_37] : memref<128x128xf32, #tpu.memory_space<vmem>> -> memref<128x128xf32, #tpu.memory_space<vmem>>
      tpu.enqueue_dma source(%dma_start3A_38 : memref<128x128xf32, #tpu.memory_space<vmem>>) target(%dma_start3A_35 : memref<128x128xf32, #tpu.memory_space<hbm>>) target_semaphore(%run_scoped3A : memref<!tpu.dma_semaphore, #tpu.memory_space<semaphore_mem>>)
      %dma_wait3A = arith.constant 0 : i32
      %dma_wait3A_39 = arith.constant 0 : i32
      %dma_wait3A_40 = tpu.memref_slice %arg10[%dma_wait3A, %dma_wait3A_39] : memref<128x128xf32, #tpu.memory_space<vmem>> -> memref<128x128xf32, #tpu.memory_space<vmem>>
      %dma_wait3A_41 = arith.constant 0 : i32
      %dma_wait3A_42 = arith.constant 0 : i32
      %dma_wait3A_43 = tpu.memref_slice %arg6[%arg0, %dma_wait3A_41, %dma_wait3A_42] : memref<2x5120x128xf32, #tpu.memory_space<hbm>> -> memref<1x5120x128xf32, #tpu.memory_space<hbm>>
      %dma_wait3A_44 = tpu.memref_squeeze %dma_wait3A_43 : memref<1x5120x128xf32, #tpu.memory_space<hbm>> -> memref<5120x128xf32, #tpu.memory_space<hbm>>
      %dma_wait3A_45 = arith.constant 0 : i32
      %dma_wait3A_46 = tpu.memref_slice %dma_wait3A_44[%add3A_13, %dma_wait3A_45] : memref<5120x128xf32, #tpu.memory_space<hbm>> -> memref<128x128xf32, #tpu.memory_space<hbm>>
      %dma_wait3A_47 = arith.constant 0 : i32
      %dma_wait3A_48 = arith.constant 0 : i32
      %dma_wait3A_49 = tpu.memref_slice %arg6[%arg0, %dma_wait3A_47, %dma_wait3A_48] : memref<2x5120x128xf32, #tpu.memory_space<hbm>> -> memref<1x5120x128xf32, #tpu.memory_space<hbm>>
      %dma_wait3A_50 = tpu.memref_squeeze %dma_wait3A_49 : memref<1x5120x128xf32, #tpu.memory_space<hbm>> -> memref<5120x128xf32, #tpu.memory_space<hbm>>
      %dma_wait3A_51 = arith.constant 0 : i32
      %dma_wait3A_52 = tpu.memref_slice %dma_wait3A_50[%add3A_13, %dma_wait3A_51] : memref<5120x128xf32, #tpu.memory_space<hbm>> -> memref<128x128xf32, #tpu.memory_space<hbm>>
      %dma_wait3A_53 = arith.constant 0 : i32
      %dma_wait3A_54 = arith.constant 0 : i32
      %dma_wait3A_55 = tpu.memref_slice %arg10[%dma_wait3A_53, %dma_wait3A_54] : memref<128x128xf32, #tpu.memory_space<vmem>> -> memref<128x128xf32, #tpu.memory_space<vmem>>
      tpu.wait_dma2 semaphore(%run_scoped3A : memref<!tpu.dma_semaphore, #tpu.memory_space<semaphore_mem>>) src(%dma_wait3A_55 : memref<128x128xf32, #tpu.memory_space<vmem>>) dst(%dma_wait3A_52 : memref<128x128xf32, #tpu.memory_space<hbm>>)
      tpu.yield
    }) : () -> ()
    %add3A_14 = arith.constant 128 : i32
    %add3A_15 = arith.addi %mul3A_0, %add3A_14 : i32
    "tpu.region"() ({
      %run_scoped3A = tpu.sem_alloc : memref<!tpu.dma_semaphore, #tpu.memory_space<semaphore_mem>>
      %dma_start3A = arith.constant 0 : i32
      %dma_start3A_22 = arith.constant 0 : i32
      %dma_start3A_23 = tpu.memref_slice %arg10[%dma_start3A, %dma_start3A_22] : memref<128x128xf32, #tpu.memory_space<vmem>> -> memref<128x128xf32, #tpu.memory_space<vmem>>
      %dma_start3A_24 = arith.constant 0 : i32
      %dma_start3A_25 = tpu.memref_slice %arg11[%add3A_15, %dma_start3A_24] : memref<5120x128xf32, #tpu.memory_space<vmem_shared>> -> memref<128x128xf32, #tpu.memory_space<vmem_shared>>
      %dma_start3A_26 = arith.constant 0 : i32
      %dma_start3A_27 = arith.constant 0 : i32
      %dma_start3A_28 = tpu.memref_slice %arg10[%dma_start3A_26, %dma_start3A_27] : memref<128x128xf32, #tpu.memory_space<vmem>> -> memref<128x128xf32, #tpu.memory_space<vmem>>
      %dma_start3A_29 = arith.constant 0 : i32
      %dma_start3A_30 = tpu.memref_slice %arg11[%add3A_15, %dma_start3A_29] : memref<5120x128xf32, #tpu.memory_space<vmem_shared>> -> memref<128x128xf32, #tpu.memory_space<vmem_shared>>
      tpu.enqueue_dma source(%dma_start3A_30 : memref<128x128xf32, #tpu.memory_space<vmem_shared>>) target(%dma_start3A_28 : memref<128x128xf32, #tpu.memory_space<vmem>>) target_semaphore(%run_scoped3A : memref<!tpu.dma_semaphore, #tpu.memory_space<semaphore_mem>>)
      %dma_wait3A = arith.constant 0 : i32
      %dma_wait3A_31 = arith.constant 0 : i32
      %dma_wait3A_32 = tpu.memref_slice %arg10[%dma_wait3A, %dma_wait3A_31] : memref<128x128xf32, #tpu.memory_space<vmem>> -> memref<128x128xf32, #tpu.memory_space<vmem>>
      %dma_wait3A_33 = arith.constant 0 : i32
      %dma_wait3A_34 = tpu.memref_slice %arg11[%add3A_15, %dma_wait3A_33] : memref<5120x128xf32, #tpu.memory_space<vmem_shared>> -> memref<128x128xf32, #tpu.memory_space<vmem_shared>>
      %dma_wait3A_35 = arith.constant 0 : i32
      %dma_wait3A_36 = arith.constant 0 : i32
      %dma_wait3A_37 = tpu.memref_slice %arg10[%dma_wait3A_35, %dma_wait3A_36] : memref<128x128xf32, #tpu.memory_space<vmem>> -> memref<128x128xf32, #tpu.memory_space<vmem>>
      %dma_wait3A_38 = arith.constant 0 : i32
      %dma_wait3A_39 = tpu.memref_slice %arg11[%add3A_15, %dma_wait3A_38] : memref<5120x128xf32, #tpu.memory_space<vmem_shared>> -> memref<128x128xf32, #tpu.memory_space<vmem_shared>>
      tpu.wait_dma2 semaphore(%run_scoped3A : memref<!tpu.dma_semaphore, #tpu.memory_space<semaphore_mem>>) src(%dma_wait3A_39 : memref<128x128xf32, #tpu.memory_space<vmem_shared>>) dst(%dma_wait3A_37 : memref<128x128xf32, #tpu.memory_space<vmem>>)
      tpu.yield
    }) : () -> ()
    %add3A_16 = arith.constant 128 : i32
    %add3A_17 = arith.addi %mul3A_0, %add3A_16 : i32
    "tpu.region"() ({
      %run_scoped3A = tpu.sem_alloc : memref<!tpu.dma_semaphore, #tpu.memory_space<semaphore_mem>>
      %dma_start3A = arith.constant 0 : i32
      %dma_start3A_22 = arith.constant 0 : i32
      %dma_start3A_23 = tpu.memref_slice %arg10[%dma_start3A, %dma_start3A_22] : memref<128x128xf32, #tpu.memory_space<vmem>> -> memref<128x128xf32, #tpu.memory_space<vmem>>
      %dma_start3A_24 = arith.constant 0 : i32
      %dma_start3A_25 = arith.constant 0 : i32
      %dma_start3A_26 = tpu.memref_slice %arg6[%arg0, %dma_start3A_24, %dma_start3A_25] : memref<2x5120x128xf32, #tpu.memory_space<hbm>> -> memref<1x5120x128xf32, #tpu.memory_space<hbm>>
      %dma_start3A_27 = tpu.memref_squeeze %dma_start3A_26 : memref<1x5120x128xf32, #tpu.memory_space<hbm>> -> memref<5120x128xf32, #tpu.memory_space<hbm>>
      %dma_start3A_28 = arith.constant 0 : i32
      %dma_start3A_29 = tpu.memref_slice %dma_start3A_27[%add3A_17, %dma_start3A_28] : memref<5120x128xf32, #tpu.memory_space<hbm>> -> memref<128x128xf32, #tpu.memory_space<hbm>>
      %dma_start3A_30 = arith.constant 0 : i32
      %dma_start3A_31 = arith.constant 0 : i32
      %dma_start3A_32 = tpu.memref_slice %arg6[%arg0, %dma_start3A_30, %dma_start3A_31] : memref<2x5120x128xf32, #tpu.memory_space<hbm>> -> memref<1x5120x128xf32, #tpu.memory_space<hbm>>
      %dma_start3A_33 = tpu.memref_squeeze %dma_start3A_32 : memref<1x5120x128xf32, #tpu.memory_space<hbm>> -> memref<5120x128xf32, #tpu.memory_space<hbm>>
      %dma_start3A_34 = arith.constant 0 : i32
      %dma_start3A_35 = tpu.memref_slice %dma_start3A_33[%add3A_17, %dma_start3A_34] : memref<5120x128xf32, #tpu.memory_space<hbm>> -> memref<128x128xf32, #tpu.memory_space<hbm>>
      %dma_start3A_36 = arith.constant 0 : i32
      %dma_start3A_37 = arith.constant 0 : i32
      %dma_start3A_38 = tpu.memref_slice %arg10[%dma_start3A_36, %dma_start3A_37] : memref<128x128xf32, #tpu.memory_space<vmem>> -> memref<128x128xf32, #tpu.memory_space<vmem>>
      tpu.enqueue_dma source(%dma_start3A_38 : memref<128x128xf32, #tpu.memory_space<vmem>>) target(%dma_start3A_35 : memref<128x128xf32, #tpu.memory_space<hbm>>) target_semaphore(%run_scoped3A : memref<!tpu.dma_semaphore, #tpu.memory_space<semaphore_mem>>)
      %dma_wait3A = arith.constant 0 : i32
      %dma_wait3A_39 = arith.constant 0 : i32
      %dma_wait3A_40 = tpu.memref_slice %arg10[%dma_wait3A, %dma_wait3A_39] : memref<128x128xf32, #tpu.memory_space<vmem>> -> memref<128x128xf32, #tpu.memory_space<vmem>>
      %dma_wait3A_41 = arith.constant 0 : i32
      %dma_wait3A_42 = arith.constant 0 : i32
      %dma_wait3A_43 = tpu.memref_slice %arg6[%arg0, %dma_wait3A_41, %dma_wait3A_42] : memref<2x5120x128xf32, #tpu.memory_space<hbm>> -> memref<1x5120x128xf32, #tpu.memory_space<hbm>>
      %dma_wait3A_44 = tpu.memref_squeeze %dma_wait3A_43 : memref<1x5120x128xf32, #tpu.memory_space<hbm>> -> memref<5120x128xf32, #tpu.memory_space<hbm>>
      %dma_wait3A_45 = arith.constant 0 : i32
      %dma_wait3A_46 = tpu.memref_slice %dma_wait3A_44[%add3A_17, %dma_wait3A_45] : memref<5120x128xf32, #tpu.memory_space<hbm>> -> memref<128x128xf32, #tpu.memory_space<hbm>>
      %dma_wait3A_47 = arith.constant 0 : i32
      %dma_wait3A_48 = arith.constant 0 : i32
      %dma_wait3A_49 = tpu.memref_slice %arg6[%arg0, %dma_wait3A_47, %dma_wait3A_48] : memref<2x5120x128xf32, #tpu.memory_space<hbm>> -> memref<1x5120x128xf32, #tpu.memory_space<hbm>>
      %dma_wait3A_50 = tpu.memref_squeeze %dma_wait3A_49 : memref<1x5120x128xf32, #tpu.memory_space<hbm>> -> memref<5120x128xf32, #tpu.memory_space<hbm>>
      %dma_wait3A_51 = arith.constant 0 : i32
      %dma_wait3A_52 = tpu.memref_slice %dma_wait3A_50[%add3A_17, %dma_wait3A_51] : memref<5120x128xf32, #tpu.memory_space<hbm>> -> memref<128x128xf32, #tpu.memory_space<hbm>>
      %dma_wait3A_53 = arith.constant 0 : i32
      %dma_wait3A_54 = arith.constant 0 : i32
      %dma_wait3A_55 = tpu.memref_slice %arg10[%dma_wait3A_53, %dma_wait3A_54] : memref<128x128xf32, #tpu.memory_space<vmem>> -> memref<128x128xf32, #tpu.memory_space<vmem>>
      tpu.wait_dma2 semaphore(%run_scoped3A : memref<!tpu.dma_semaphore, #tpu.memory_space<semaphore_mem>>) src(%dma_wait3A_55 : memref<128x128xf32, #tpu.memory_space<vmem>>) dst(%dma_wait3A_52 : memref<128x128xf32, #tpu.memory_space<hbm>>)
      tpu.yield
    }) : () -> ()
    %add3A_18 = arith.constant 256 : i32
    %add3A_19 = arith.addi %mul3A_0, %add3A_18 : i32
    "tpu.region"() ({
      %run_scoped3A = tpu.sem_alloc : memref<!tpu.dma_semaphore, #tpu.memory_space<semaphore_mem>>
      %dma_start3A = arith.constant 0 : i32
      %dma_start3A_22 = arith.constant 0 : i32
      %dma_start3A_23 = tpu.memref_slice %arg10[%dma_start3A, %dma_start3A_22] : memref<128x128xf32, #tpu.memory_space<vmem>> -> memref<64x128xf32, #tpu.memory_space<vmem>>
      %dma_start3A_24 = arith.constant 0 : i32
      %dma_start3A_25 = tpu.memref_slice %arg11[%add3A_19, %dma_start3A_24] : memref<5120x128xf32, #tpu.memory_space<vmem_shared>> -> memref<64x128xf32, #tpu.memory_space<vmem_shared>>
      %dma_start3A_26 = arith.constant 0 : i32
      %dma_start3A_27 = arith.constant 0 : i32
      %dma_start3A_28 = tpu.memref_slice %arg10[%dma_start3A_26, %dma_start3A_27] : memref<128x128xf32, #tpu.memory_space<vmem>> -> memref<64x128xf32, #tpu.memory_space<vmem>>
      %dma_start3A_29 = arith.constant 0 : i32
      %dma_start3A_30 = tpu.memref_slice %arg11[%add3A_19, %dma_start3A_29] : memref<5120x128xf32, #tpu.memory_space<vmem_shared>> -> memref<64x128xf32, #tpu.memory_space<vmem_shared>>
      tpu.enqueue_dma source(%dma_start3A_30 : memref<64x128xf32, #tpu.memory_space<vmem_shared>>) target(%dma_start3A_28 : memref<64x128xf32, #tpu.memory_space<vmem>>) target_semaphore(%run_scoped3A : memref<!tpu.dma_semaphore, #tpu.memory_space<semaphore_mem>>)
      %dma_wait3A = arith.constant 0 : i32
      %dma_wait3A_31 = arith.constant 0 : i32
      %dma_wait3A_32 = tpu.memref_slice %arg10[%dma_wait3A, %dma_wait3A_31] : memref<128x128xf32, #tpu.memory_space<vmem>> -> memref<64x128xf32, #tpu.memory_space<vmem>>
      %dma_wait3A_33 = arith.constant 0 : i32
      %dma_wait3A_34 = tpu.memref_slice %arg11[%add3A_19, %dma_wait3A_33] : memref<5120x128xf32, #tpu.memory_space<vmem_shared>> -> memref<64x128xf32, #tpu.memory_space<vmem_shared>>
      %dma_wait3A_35 = arith.constant 0 : i32
      %dma_wait3A_36 = arith.constant 0 : i32
      %dma_wait3A_37 = tpu.memref_slice %arg10[%dma_wait3A_35, %dma_wait3A_36] : memref<128x128xf32, #tpu.memory_space<vmem>> -> memref<64x128xf32, #tpu.memory_space<vmem>>
      %dma_wait3A_38 = arith.constant 0 : i32
      %dma_wait3A_39 = tpu.memref_slice %arg11[%add3A_19, %dma_wait3A_38] : memref<5120x128xf32, #tpu.memory_space<vmem_shared>> -> memref<64x128xf32, #tpu.memory_space<vmem_shared>>
      tpu.wait_dma2 semaphore(%run_scoped3A : memref<!tpu.dma_semaphore, #tpu.memory_space<semaphore_mem>>) src(%dma_wait3A_39 : memref<64x128xf32, #tpu.memory_space<vmem_shared>>) dst(%dma_wait3A_37 : memref<64x128xf32, #tpu.memory_space<vmem>>)
      tpu.yield
    }) : () -> ()
    %add3A_20 = arith.constant 256 : i32
    %add3A_21 = arith.addi %mul3A_0, %add3A_20 : i32
    "tpu.region"() ({
      %run_scoped3A = tpu.sem_alloc : memref<!tpu.dma_semaphore, #tpu.memory_space<semaphore_mem>>
      %dma_start3A = arith.constant 0 : i32
      %dma_start3A_22 = arith.constant 0 : i32
      %dma_start3A_23 = tpu.memref_slice %arg10[%dma_start3A, %dma_start3A_22] : memref<128x128xf32, #tpu.memory_space<vmem>> -> memref<64x128xf32, #tpu.memory_space<vmem>>
      %dma_start3A_24 = arith.constant 0 : i32
      %dma_start3A_25 = arith.constant 0 : i32
      %dma_start3A_26 = tpu.memref_slice %arg6[%arg0, %dma_start3A_24, %dma_start3A_25] : memref<2x5120x128xf32, #tpu.memory_space<hbm>> -> memref<1x5120x128xf32, #tpu.memory_space<hbm>>
      %dma_start3A_27 = tpu.memref_squeeze %dma_start3A_26 : memref<1x5120x128xf32, #tpu.memory_space<hbm>> -> memref<5120x128xf32, #tpu.memory_space<hbm>>
      %dma_start3A_28 = arith.constant 0 : i32
      %dma_start3A_29 = tpu.memref_slice %dma_start3A_27[%add3A_21, %dma_start3A_28] : memref<5120x128xf32, #tpu.memory_space<hbm>> -> memref<64x128xf32, #tpu.memory_space<hbm>>
      %dma_start3A_30 = arith.constant 0 : i32
      %dma_start3A_31 = arith.constant 0 : i32
      %dma_start3A_32 = tpu.memref_slice %arg6[%arg0, %dma_start3A_30, %dma_start3A_31] : memref<2x5120x128xf32, #tpu.memory_space<hbm>> -> memref<1x5120x128xf32, #tpu.memory_space<hbm>>
      %dma_start3A_33 = tpu.memref_squeeze %dma_start3A_32 : memref<1x5120x128xf32, #tpu.memory_space<hbm>> -> memref<5120x128xf32, #tpu.memory_space<hbm>>
      %dma_start3A_34 = arith.constant 0 : i32
      %dma_start3A_35 = tpu.memref_slice %dma_start3A_33[%add3A_21, %dma_start3A_34] : memref<5120x128xf32, #tpu.memory_space<hbm>> -> memref<64x128xf32, #tpu.memory_space<hbm>>
      %dma_start3A_36 = arith.constant 0 : i32
      %dma_start3A_37 = arith.constant 0 : i32
      %dma_start3A_38 = tpu.memref_slice %arg10[%dma_start3A_36, %dma_start3A_37] : memref<128x128xf32, #tpu.memory_space<vmem>> -> memref<64x128xf32, #tpu.memory_space<vmem>>
      tpu.enqueue_dma source(%dma_start3A_38 : memref<64x128xf32, #tpu.memory_space<vmem>>) target(%dma_start3A_35 : memref<64x128xf32, #tpu.memory_space<hbm>>) target_semaphore(%run_scoped3A : memref<!tpu.dma_semaphore, #tpu.memory_space<semaphore_mem>>)
      %dma_wait3A = arith.constant 0 : i32
      %dma_wait3A_39 = arith.constant 0 : i32
      %dma_wait3A_40 = tpu.memref_slice %arg10[%dma_wait3A, %dma_wait3A_39] : memref<128x128xf32, #tpu.memory_space<vmem>> -> memref<64x128xf32, #tpu.memory_space<vmem>>
      %dma_wait3A_41 = arith.constant 0 : i32
      %dma_wait3A_42 = arith.constant 0 : i32
      %dma_wait3A_43 = tpu.memref_slice %arg6[%arg0, %dma_wait3A_41, %dma_wait3A_42] : memref<2x5120x128xf32, #tpu.memory_space<hbm>> -> memref<1x5120x128xf32, #tpu.memory_space<hbm>>
      %dma_wait3A_44 = tpu.memref_squeeze %dma_wait3A_43 : memref<1x5120x128xf32, #tpu.memory_space<hbm>> -> memref<5120x128xf32, #tpu.memory_space<hbm>>
      %dma_wait3A_45 = arith.constant 0 : i32
      %dma_wait3A_46 = tpu.memref_slice %dma_wait3A_44[%add3A_21, %dma_wait3A_45] : memref<5120x128xf32, #tpu.memory_space<hbm>> -> memref<64x128xf32, #tpu.memory_space<hbm>>
      %dma_wait3A_47 = arith.constant 0 : i32
      %dma_wait3A_48 = arith.constant 0 : i32
      %dma_wait3A_49 = tpu.memref_slice %arg6[%arg0, %dma_wait3A_47, %dma_wait3A_48] : memref<2x5120x128xf32, #tpu.memory_space<hbm>> -> memref<1x5120x128xf32, #tpu.memory_space<hbm>>
      %dma_wait3A_50 = tpu.memref_squeeze %dma_wait3A_49 : memref<1x5120x128xf32, #tpu.memory_space<hbm>> -> memref<5120x128xf32, #tpu.memory_space<hbm>>
      %dma_wait3A_51 = arith.constant 0 : i32
      %dma_wait3A_52 = tpu.memref_slice %dma_wait3A_50[%add3A_21, %dma_wait3A_51] : memref<5120x128xf32, #tpu.memory_space<hbm>> -> memref<64x128xf32, #tpu.memory_space<hbm>>
      %dma_wait3A_53 = arith.constant 0 : i32
      %dma_wait3A_54 = arith.constant 0 : i32
      %dma_wait3A_55 = tpu.memref_slice %arg10[%dma_wait3A_53, %dma_wait3A_54] : memref<128x128xf32, #tpu.memory_space<vmem>> -> memref<64x128xf32, #tpu.memory_space<vmem>>
      tpu.wait_dma2 semaphore(%run_scoped3A : memref<!tpu.dma_semaphore, #tpu.memory_space<semaphore_mem>>) src(%dma_wait3A_55 : memref<64x128xf32, #tpu.memory_space<vmem>>) dst(%dma_wait3A_52 : memref<64x128xf32, #tpu.memory_space<hbm>>)
      tpu.yield
    }) : () -> ()
    return
  }
}

#map = affine_map<(d0, d1) -> (0, 0)>
#map1 = affine_map<(d0, d1) -> (0, 0, 0)>
#map2 = affine_map<(d0, d1) -> (0, 0, 0, 0)>
module attributes {stable_mosaic.version = 14 : i64} {
  func.func @_sc_scatter(%arg0: i32, %arg1: i32, %arg2: memref<10000x128xf32, #tpu.memory_space<hbm>>, %arg3: memref<16x157x128xi32, #tpu.memory_space<hbm>>, %arg4: memref<2x16x157x128xi32, #tpu.memory_space<hbm>>, %arg5: memref<128x128xf32, #tpu.memory_space<hbm>>, %arg6: memref<2x5120x128xf32, #tpu.memory_space<hbm>>, %arg7: memref<157x128xi32, #tpu.memory_space<vmem>>, %arg8: memref<157x128xi32, #tpu.memory_space<vmem>>, %arg9: memref<128x128xf32, #tpu.memory_space<vmem>>, %arg10: memref<128x128xf32, #tpu.memory_space<vmem>>, %arg11: memref<5120x128xf32, #tpu.memory_space<vmem_shared>>, %arg12: memref<!tpu.dma_semaphore, #tpu.memory_space<semaphore_mem>>) attributes {dimension_semantics = [#tpu.dimension_semantics<core_parallel>, #tpu.dimension_semantics<subcore_parallel>], iteration_bounds = array<i64: 2, 16>, scalar_prefetch = 0 : i64, scratch_operands = 6 : i64, tpu.core_type = #tpu.core_type<sc_vector_subcore>, window_params = [{transform_indices = #map}, {transform_indices = #map1}, {transform_indices = #map2}, {transform_indices = #map}, {transform_indices = #map1}]} {
    "tpu.region"() ({
      %run_scoped3A = tpu.sem_alloc : memref<!tpu.dma_semaphore, #tpu.memory_space<semaphore_mem>>
      %dma_start3A = arith.constant 0 : i32
      %dma_start3A_22 = arith.constant 0 : i32
      %dma_start3A_23 = tpu.memref_slice %arg3[%arg1, %dma_start3A, %dma_start3A_22] : memref<16x157x128xi32, #tpu.memory_space<hbm>> -> memref<1x157x128xi32, #tpu.memory_space<hbm>>
      %dma_start3A_24 = tpu.memref_squeeze %dma_start3A_23 : memref<1x157x128xi32, #tpu.memory_space<hbm>> -> memref<157x128xi32, #tpu.memory_space<hbm>>
      %dma_start3A_25 = arith.constant 0 : i32
      %dma_start3A_26 = arith.constant 0 : i32
      %dma_start3A_27 = tpu.memref_slice %arg3[%arg1, %dma_start3A_25, %dma_start3A_26] : memref<16x157x128xi32, #tpu.memory_space<hbm>> -> memref<1x157x128xi32, #tpu.memory_space<hbm>>
      %dma_start3A_28 = tpu.memref_squeeze %dma_start3A_27 : memref<1x157x128xi32, #tpu.memory_space<hbm>> -> memref<157x128xi32, #tpu.memory_space<hbm>>
      tpu.enqueue_dma source(%dma_start3A_28 : memref<157x128xi32, #tpu.memory_space<hbm>>) target(%arg7 : memref<157x128xi32, #tpu.memory_space<vmem>>) target_semaphore(%run_scoped3A : memref<!tpu.dma_semaphore, #tpu.memory_space<semaphore_mem>>)
      %dma_wait3A = arith.constant 0 : i32
      %dma_wait3A_29 = arith.constant 0 : i32
      %dma_wait3A_30 = tpu.memref_slice %arg3[%arg1, %dma_wait3A, %dma_wait3A_29] : memref<16x157x128xi32, #tpu.memory_space<hbm>> -> memref<1x157x128xi32, #tpu.memory_space<hbm>>
      %dma_wait3A_31 = tpu.memref_squeeze %dma_wait3A_30 : memref<1x157x128xi32, #tpu.memory_space<hbm>> -> memref<157x128xi32, #tpu.memory_space<hbm>>
      %dma_wait3A_32 = arith.constant 0 : i32
      %dma_wait3A_33 = arith.constant 0 : i32
      %dma_wait3A_34 = tpu.memref_slice %arg3[%arg1, %dma_wait3A_32, %dma_wait3A_33] : memref<16x157x128xi32, #tpu.memory_space<hbm>> -> memref<1x157x128xi32, #tpu.memory_space<hbm>>
      %dma_wait3A_35 = tpu.memref_squeeze %dma_wait3A_34 : memref<1x157x128xi32, #tpu.memory_space<hbm>> -> memref<157x128xi32, #tpu.memory_space<hbm>>
      tpu.wait_dma2 semaphore(%run_scoped3A : memref<!tpu.dma_semaphore, #tpu.memory_space<semaphore_mem>>) src(%dma_wait3A_35 : memref<157x128xi32, #tpu.memory_space<hbm>>) dst(%arg7 : memref<157x128xi32, #tpu.memory_space<vmem>>)
      tpu.yield
    }) : () -> ()
    "tpu.region"() ({
      %run_scoped3A = tpu.sem_alloc : memref<!tpu.dma_semaphore, #tpu.memory_space<semaphore_mem>>
      %dma_start3A = arith.constant 0 : i32
      %dma_start3A_22 = arith.constant 0 : i32
      %dma_start3A_23 = arith.constant 0 : i32
      %dma_start3A_24 = tpu.memref_slice %arg4[%arg0, %dma_start3A, %dma_start3A_22, %dma_start3A_23] : memref<2x16x157x128xi32, #tpu.memory_space<hbm>> -> memref<1x16x157x128xi32, #tpu.memory_space<hbm>>
      %dma_start3A_25 = tpu.memref_squeeze %dma_start3A_24 : memref<1x16x157x128xi32, #tpu.memory_space<hbm>> -> memref<16x157x128xi32, #tpu.memory_space<hbm>>
      %dma_start3A_26 = arith.constant 0 : i32
      %dma_start3A_27 = arith.constant 0 : i32
      %dma_start3A_28 = tpu.memref_slice %dma_start3A_25[%arg1, %dma_start3A_26, %dma_start3A_27] : memref<16x157x128xi32, #tpu.memory_space<hbm>> -> memref<1x157x128xi32, #tpu.memory_space<hbm>>
      %dma_start3A_29 = tpu.memref_squeeze %dma_start3A_28 : memref<1x157x128xi32, #tpu.memory_space<hbm>> -> memref<157x128xi32, #tpu.memory_space<hbm>>
      %dma_start3A_30 = arith.constant 0 : i32
      %dma_start3A_31 = arith.constant 0 : i32
      %dma_start3A_32 = arith.constant 0 : i32
      %dma_start3A_33 = tpu.memref_slice %arg4[%arg0, %dma_start3A_30, %dma_start3A_31, %dma_start3A_32] : memref<2x16x157x128xi32, #tpu.memory_space<hbm>> -> memref<1x16x157x128xi32, #tpu.memory_space<hbm>>
      %dma_start3A_34 = tpu.memref_squeeze %dma_start3A_33 : memref<1x16x157x128xi32, #tpu.memory_space<hbm>> -> memref<16x157x128xi32, #tpu.memory_space<hbm>>
      %dma_start3A_35 = arith.constant 0 : i32
      %dma_start3A_36 = arith.constant 0 : i32
      %dma_start3A_37 = tpu.memref_slice %dma_start3A_34[%arg1, %dma_start3A_35, %dma_start3A_36] : memref<16x157x128xi32, #tpu.memory_space<hbm>> -> memref<1x157x128xi32, #tpu.memory_space<hbm>>
      %dma_start3A_38 = tpu.memref_squeeze %dma_start3A_37 : memref<1x157x128xi32, #tpu.memory_space<hbm>> -> memref<157x128xi32, #tpu.memory_space<hbm>>
      tpu.enqueue_dma source(%dma_start3A_38 : memref<157x128xi32, #tpu.memory_space<hbm>>) target(%arg8 : memref<157x128xi32, #tpu.memory_space<vmem>>) target_semaphore(%run_scoped3A : memref<!tpu.dma_semaphore, #tpu.memory_space<semaphore_mem>>)
      %dma_wait3A = arith.constant 0 : i32
      %dma_wait3A_39 = arith.constant 0 : i32
      %dma_wait3A_40 = arith.constant 0 : i32
      %dma_wait3A_41 = tpu.memref_slice %arg4[%arg0, %dma_wait3A, %dma_wait3A_39, %dma_wait3A_40] : memref<2x16x157x128xi32, #tpu.memory_space<hbm>> -> memref<1x16x157x128xi32, #tpu.memory_space<hbm>>
      %dma_wait3A_42 = tpu.memref_squeeze %dma_wait3A_41 : memref<1x16x157x128xi32, #tpu.memory_space<hbm>> -> memref<16x157x128xi32, #tpu.memory_space<hbm>>
      %dma_wait3A_43 = arith.constant 0 : i32
      %dma_wait3A_44 = arith.constant 0 : i32
      %dma_wait3A_45 = tpu.memref_slice %dma_wait3A_42[%arg1, %dma_wait3A_43, %dma_wait3A_44] : memref<16x157x128xi32, #tpu.memory_space<hbm>> -> memref<1x157x128xi32, #tpu.memory_space<hbm>>
      %dma_wait3A_46 = tpu.memref_squeeze %dma_wait3A_45 : memref<1x157x128xi32, #tpu.memory_space<hbm>> -> memref<157x128xi32, #tpu.memory_space<hbm>>
      %dma_wait3A_47 = arith.constant 0 : i32
      %dma_wait3A_48 = arith.constant 0 : i32
      %dma_wait3A_49 = arith.constant 0 : i32
      %dma_wait3A_50 = tpu.memref_slice %arg4[%arg0, %dma_wait3A_47, %dma_wait3A_48, %dma_wait3A_49] : memref<2x16x157x128xi32, #tpu.memory_space<hbm>> -> memref<1x16x157x128xi32, #tpu.memory_space<hbm>>
      %dma_wait3A_51 = tpu.memref_squeeze %dma_wait3A_50 : memref<1x16x157x128xi32, #tpu.memory_space<hbm>> -> memref<16x157x128xi32, #tpu.memory_space<hbm>>
      %dma_wait3A_52 = arith.constant 0 : i32
      %dma_wait3A_53 = arith.constant 0 : i32
      %dma_wait3A_54 = tpu.memref_slice %dma_wait3A_51[%arg1, %dma_wait3A_52, %dma_wait3A_53] : memref<16x157x128xi32, #tpu.memory_space<hbm>> -> memref<1x157x128xi32, #tpu.memory_space<hbm>>
      %dma_wait3A_55 = tpu.memref_squeeze %dma_wait3A_54 : memref<1x157x128xi32, #tpu.memory_space<hbm>> -> memref<157x128xi32, #tpu.memory_space<hbm>>
      tpu.wait_dma2 semaphore(%run_scoped3A : memref<!tpu.dma_semaphore, #tpu.memory_space<semaphore_mem>>) src(%dma_wait3A_55 : memref<157x128xi32, #tpu.memory_space<hbm>>) dst(%arg8 : memref<157x128xi32, #tpu.memory_space<vmem>>)
      tpu.yield
    }) : () -> ()
    "tpu.region"() ({
      %run_scoped3A = tpu.sem_alloc : memref<!tpu.dma_semaphore, #tpu.memory_space<semaphore_mem>>
      tpu.enqueue_dma source(%arg5 : memref<128x128xf32, #tpu.memory_space<hbm>>) target(%arg10 : memref<128x128xf32, #tpu.memory_space<vmem>>) target_semaphore(%run_scoped3A : memref<!tpu.dma_semaphore, #tpu.memory_space<semaphore_mem>>)
      tpu.wait_dma2 semaphore(%run_scoped3A : memref<!tpu.dma_semaphore, #tpu.memory_space<semaphore_mem>>) src(%arg5 : memref<128x128xf32, #tpu.memory_space<hbm>>) dst(%arg10 : memref<128x128xf32, #tpu.memory_space<vmem>>)
      tpu.yield
    }) : () -> ()
    %mul3A = arith.constant 320 : i32
    %mul3A_0 = arith.muli %arg1, %mul3A : i32
    "tpu.region"() ({
      %run_scoped3A = tpu.sem_alloc : memref<!tpu.dma_semaphore, #tpu.memory_space<semaphore_mem>>
      %dma_start3A = arith.constant 0 : i32
      %dma_start3A_22 = tpu.memref_slice %arg11[%mul3A_0, %dma_start3A] : memref<5120x128xf32, #tpu.memory_space<vmem_shared>> -> memref<128x128xf32, #tpu.memory_space<vmem_shared>>
      %dma_start3A_23 = arith.constant 0 : i32
      %dma_start3A_24 = tpu.memref_slice %arg11[%mul3A_0, %dma_start3A_23] : memref<5120x128xf32, #tpu.memory_space<vmem_shared>> -> memref<128x128xf32, #tpu.memory_space<vmem_shared>>
      tpu.enqueue_dma source(%arg10 : memref<128x128xf32, #tpu.memory_space<vmem>>) target(%dma_start3A_24 : memref<128x128xf32, #tpu.memory_space<vmem_shared>>) target_semaphore(%run_scoped3A : memref<!tpu.dma_semaphore, #tpu.memory_space<semaphore_mem>>)
      %dma_wait3A = arith.constant 0 : i32
      %dma_wait3A_25 = tpu.memref_slice %arg11[%mul3A_0, %dma_wait3A] : memref<5120x128xf32, #tpu.memory_space<vmem_shared>> -> memref<128x128xf32, #tpu.memory_space<vmem_shared>>
      %dma_wait3A_26 = arith.constant 0 : i32
      %dma_wait3A_27 = tpu.memref_slice %arg11[%mul3A_0, %dma_wait3A_26] : memref<5120x128xf32, #tpu.memory_space<vmem_shared>> -> memref<128x128xf32, #tpu.memory_space<vmem_shared>>
      tpu.wait_dma2 semaphore(%run_scoped3A : memref<!tpu.dma_semaphore, #tpu.memory_space<semaphore_mem>>) src(%arg10 : memref<128x128xf32, #tpu.memory_space<vmem>>) dst(%dma_wait3A_27 : memref<128x128xf32, #tpu.memory_space<vmem_shared>>)
      tpu.yield
    }) : () -> ()
    %add3A = arith.constant 128 : i32
    %add3A_1 = arith.addi %mul3A_0, %add3A : i32
    "tpu.region"() ({
      %run_scoped3A = tpu.sem_alloc : memref<!tpu.dma_semaphore, #tpu.memory_space<semaphore_mem>>
      %dma_start3A = arith.constant 0 : i32
      %dma_start3A_22 = tpu.memref_slice %arg11[%add3A_1, %dma_start3A] : memref<5120x128xf32, #tpu.memory_space<vmem_shared>> -> memref<128x128xf32, #tpu.memory_space<vmem_shared>>
      %dma_start3A_23 = arith.constant 0 : i32
      %dma_start3A_24 = tpu.memref_slice %arg11[%add3A_1, %dma_start3A_23] : memref<5120x128xf32, #tpu.memory_space<vmem_shared>> -> memref<128x128xf32, #tpu.memory_space<vmem_shared>>
      tpu.enqueue_dma source(%arg10 : memref<128x128xf32, #tpu.memory_space<vmem>>) target(%dma_start3A_24 : memref<128x128xf32, #tpu.memory_space<vmem_shared>>) target_semaphore(%run_scoped3A : memref<!tpu.dma_semaphore, #tpu.memory_space<semaphore_mem>>)
      %dma_wait3A = arith.constant 0 : i32
      %dma_wait3A_25 = tpu.memref_slice %arg11[%add3A_1, %dma_wait3A] : memref<5120x128xf32, #tpu.memory_space<vmem_shared>> -> memref<128x128xf32, #tpu.memory_space<vmem_shared>>
      %dma_wait3A_26 = arith.constant 0 : i32
      %dma_wait3A_27 = tpu.memref_slice %arg11[%add3A_1, %dma_wait3A_26] : memref<5120x128xf32, #tpu.memory_space<vmem_shared>> -> memref<128x128xf32, #tpu.memory_space<vmem_shared>>
      tpu.wait_dma2 semaphore(%run_scoped3A : memref<!tpu.dma_semaphore, #tpu.memory_space<semaphore_mem>>) src(%arg10 : memref<128x128xf32, #tpu.memory_space<vmem>>) dst(%dma_wait3A_27 : memref<128x128xf32, #tpu.memory_space<vmem_shared>>)
      tpu.yield
    }) : () -> ()
    %add3A_2 = arith.constant 256 : i32
    %add3A_3 = arith.addi %mul3A_0, %add3A_2 : i32
    "tpu.region"() ({
      %run_scoped3A = tpu.sem_alloc : memref<!tpu.dma_semaphore, #tpu.memory_space<semaphore_mem>>
      %dma_start3A = arith.constant 0 : i32
      %dma_start3A_22 = arith.constant 0 : i32
      %dma_start3A_23 = tpu.memref_slice %arg10[%dma_start3A, %dma_start3A_22] : memref<128x128xf32, #tpu.memory_space<vmem>> -> memref<64x128xf32, #tpu.memory_space<vmem>>
      %dma_start3A_24 = arith.constant 0 : i32
      %dma_start3A_25 = tpu.memref_slice %arg11[%add3A_3, %dma_start3A_24] : memref<5120x128xf32, #tpu.memory_space<vmem_shared>> -> memref<64x128xf32, #tpu.memory_space<vmem_shared>>
      %dma_start3A_26 = arith.constant 0 : i32
      %dma_start3A_27 = tpu.memref_slice %arg11[%add3A_3, %dma_start3A_26] : memref<5120x128xf32, #tpu.memory_space<vmem_shared>> -> memref<64x128xf32, #tpu.memory_space<vmem_shared>>
      %dma_start3A_28 = arith.constant 0 : i32
      %dma_start3A_29 = arith.constant 0 : i32
      %dma_start3A_30 = tpu.memref_slice %arg10[%dma_start3A_28, %dma_start3A_29] : memref<128x128xf32, #tpu.memory_space<vmem>> -> memref<64x128xf32, #tpu.memory_space<vmem>>
      tpu.enqueue_dma source(%dma_start3A_30 : memref<64x128xf32, #tpu.memory_space<vmem>>) target(%dma_start3A_27 : memref<64x128xf32, #tpu.memory_space<vmem_shared>>) target_semaphore(%run_scoped3A : memref<!tpu.dma_semaphore, #tpu.memory_space<semaphore_mem>>)
      %dma_wait3A = arith.constant 0 : i32
      %dma_wait3A_31 = arith.constant 0 : i32
      %dma_wait3A_32 = tpu.memref_slice %arg10[%dma_wait3A, %dma_wait3A_31] : memref<128x128xf32, #tpu.memory_space<vmem>> -> memref<64x128xf32, #tpu.memory_space<vmem>>
      %dma_wait3A_33 = arith.constant 0 : i32
      %dma_wait3A_34 = tpu.memref_slice %arg11[%add3A_3, %dma_wait3A_33] : memref<5120x128xf32, #tpu.memory_space<vmem_shared>> -> memref<64x128xf32, #tpu.memory_space<vmem_shared>>
      %dma_wait3A_35 = arith.constant 0 : i32
      %dma_wait3A_36 = tpu.memref_slice %arg11[%add3A_3, %dma_wait3A_35] : memref<5120x128xf32, #tpu.memory_space<vmem_shared>> -> memref<64x128xf32, #tpu.memory_space<vmem_shared>>
      %dma_wait3A_37 = arith.constant 0 : i32
      %dma_wait3A_38 = arith.constant 0 : i32
      %dma_wait3A_39 = tpu.memref_slice %arg10[%dma_wait3A_37, %dma_wait3A_38] : memref<128x128xf32, #tpu.memory_space<vmem>> -> memref<64x128xf32, #tpu.memory_space<vmem>>
      tpu.wait_dma2 semaphore(%run_scoped3A : memref<!tpu.dma_semaphore, #tpu.memory_space<semaphore_mem>>) src(%dma_wait3A_39 : memref<64x128xf32, #tpu.memory_space<vmem>>) dst(%dma_wait3A_36 : memref<64x128xf32, #tpu.memory_space<vmem_shared>>)
      tpu.yield
    }) : () -> ()
    %barrier3A = arith.constant 0 : index
    tpu.barrier barrier_id(%barrier3A)
    %scan3A = arith.constant 0 : i32
    %scan3A_4 = arith.constant 0 : i32
    %scan3A_5 = arith.constant 157 : i32
    %scan3A_6 = arith.addi %scan3A_4, %scan3A_5 : i32
    %scan3A_7 = arith.constant 1 : i32
    scf.for %scan3A_22 = %scan3A_4 to %scan3A_6 step %scan3A_7  : i32 {
      %dma_start3A = arith.constant 0 : i32
      %dma_start3A_23 = tpu.memref_slice %arg7[%scan3A_22, %dma_start3A] : memref<157x128xi32, #tpu.memory_space<vmem>> -> memref<1x128xi32, #tpu.memory_space<vmem>>
      %dma_start3A_24 = tpu.memref_squeeze %dma_start3A_23 : memref<1x128xi32, #tpu.memory_space<vmem>> -> memref<128xi32, #tpu.memory_space<vmem>>
      %dma_start3A_25 = arith.constant 0 : i32
      %dma_start3A_26 = arith.constant 0 : i32
      %dma_start3A_27 = tpu.memref_slice %arg2[%dma_start3A_25, %dma_start3A_26] : memref<10000x128xf32, #tpu.memory_space<hbm>> -> memref<10000x128xf32, #tpu.memory_space<hbm>>
      tpu.enqueue_indirect_dma source(%dma_start3A_27 : memref<10000x128xf32, #tpu.memory_space<hbm>>) target(%arg9 : memref<128x128xf32, #tpu.memory_space<vmem>>) offsets(%dma_start3A_24 : memref<128xi32, #tpu.memory_space<vmem>>) semaphore(%arg12 : memref<!tpu.dma_semaphore, #tpu.memory_space<semaphore_mem>>)
      %dma_wait3A = arith.constant 0 : i32
      %dma_wait3A_28 = tpu.memref_slice %arg7[%scan3A_22, %dma_wait3A] : memref<157x128xi32, #tpu.memory_space<vmem>> -> memref<1x128xi32, #tpu.memory_space<vmem>>
      %dma_wait3A_29 = tpu.memref_squeeze %dma_wait3A_28 : memref<1x128xi32, #tpu.memory_space<vmem>> -> memref<128xi32, #tpu.memory_space<vmem>>
      %dma_wait3A_30 = arith.constant 0 : i32
      %dma_wait3A_31 = arith.constant 0 : i32
      %dma_wait3A_32 = tpu.memref_slice %arg2[%dma_wait3A_30, %dma_wait3A_31] : memref<10000x128xf32, #tpu.memory_space<hbm>> -> memref<10000x128xf32, #tpu.memory_space<hbm>>
      tpu.wait_indirect_dma semaphore(%arg12 : memref<!tpu.dma_semaphore, #tpu.memory_space<semaphore_mem>>) src(%dma_wait3A_32 : memref<10000x128xf32, #tpu.memory_space<hbm>>) dst(%arg9 : memref<128x128xf32, #tpu.memory_space<vmem>>)
      "tpu.region"() ({
        %run_scoped3A = tpu.sem_alloc : memref<!tpu.dma_semaphore, #tpu.memory_space<semaphore_mem>>
        %dma_start3A_33 = arith.constant 0 : i32
        %dma_start3A_34 = tpu.memref_slice %arg8[%scan3A_22, %dma_start3A_33] : memref<157x128xi32, #tpu.memory_space<vmem>> -> memref<1x128xi32, #tpu.memory_space<vmem>>
        %dma_start3A_35 = tpu.memref_squeeze %dma_start3A_34 : memref<1x128xi32, #tpu.memory_space<vmem>> -> memref<128xi32, #tpu.memory_space<vmem>>
        %dma_start3A_36 = arith.constant 0 : i32
        %dma_start3A_37 = arith.constant 0 : i32
        %dma_start3A_38 = tpu.memref_slice %arg11[%dma_start3A_36, %dma_start3A_37] : memref<5120x128xf32, #tpu.memory_space<vmem_shared>> -> memref<5120x128xf32, #tpu.memory_space<vmem_shared>>
        tpu.enqueue_indirect_dma source(%arg9 : memref<128x128xf32, #tpu.memory_space<vmem>>) target(%dma_start3A_38 : memref<5120x128xf32, #tpu.memory_space<vmem_shared>>) offsets(%dma_start3A_35 : memref<128xi32, #tpu.memory_space<vmem>>) semaphore(%run_scoped3A : memref<!tpu.dma_semaphore, #tpu.memory_space<semaphore_mem>>) {add = true}
        %dma_wait3A_39 = arith.constant 0 : i32
        %dma_wait3A_40 = tpu.memref_slice %arg8[%scan3A_22, %dma_wait3A_39] : memref<157x128xi32, #tpu.memory_space<vmem>> -> memref<1x128xi32, #tpu.memory_space<vmem>>
        %dma_wait3A_41 = tpu.memref_squeeze %dma_wait3A_40 : memref<1x128xi32, #tpu.memory_space<vmem>> -> memref<128xi32, #tpu.memory_space<vmem>>
        %dma_wait3A_42 = arith.constant 0 : i32
        %dma_wait3A_43 = arith.constant 0 : i32
        %dma_wait3A_44 = tpu.memref_slice %arg11[%dma_wait3A_42, %dma_wait3A_43] : memref<5120x128xf32, #tpu.memory_space<vmem_shared>> -> memref<5120x128xf32, #tpu.memory_space<vmem_shared>>
        tpu.wait_indirect_dma semaphore(%run_scoped3A : memref<!tpu.dma_semaphore, #tpu.memory_space<semaphore_mem>>) src(%arg9 : memref<128x128xf32, #tpu.memory_space<vmem>>) dst(%dma_wait3A_44 : memref<5120x128xf32, #tpu.memory_space<vmem_shared>>)
        tpu.yield
      }) : () -> ()
    }
    %scan3A_8 = arith.constant 157 : i32
    %barrier3A_9 = arith.constant 0 : index
    tpu.barrier barrier_id(%barrier3A_9)
    %add3A_10 = arith.constant 0 : i32
    %add3A_11 = arith.addi %mul3A_0, %add3A_10 : i32
    "tpu.region"() ({
      %run_scoped3A = tpu.sem_alloc : memref<!tpu.dma_semaphore, #tpu.memory_space<semaphore_mem>>
      %dma_start3A = arith.constant 0 : i32
      %dma_start3A_22 = arith.constant 0 : i32
      %dma_start3A_23 = tpu.memref_slice %arg10[%dma_start3A, %dma_start3A_22] : memref<128x128xf32, #tpu.memory_space<vmem>> -> memref<128x128xf32, #tpu.memory_space<vmem>>
      %dma_start3A_24 = arith.constant 0 : i32
      %dma_start3A_25 = tpu.memref_slice %arg11[%add3A_11, %dma_start3A_24] : memref<5120x128xf32, #tpu.memory_space<vmem_shared>> -> memref<128x128xf32, #tpu.memory_space<vmem_shared>>
      %dma_start3A_26 = arith.constant 0 : i32
      %dma_start3A_27 = arith.constant 0 : i32
      %dma_start3A_28 = tpu.memref_slice %arg10[%dma_start3A_26, %dma_start3A_27] : memref<128x128xf32, #tpu.memory_space<vmem>> -> memref<128x128xf32, #tpu.memory_space<vmem>>
      %dma_start3A_29 = arith.constant 0 : i32
      %dma_start3A_30 = tpu.memref_slice %arg11[%add3A_11, %dma_start3A_29] : memref<5120x128xf32, #tpu.memory_space<vmem_shared>> -> memref<128x128xf32, #tpu.memory_space<vmem_shared>>
      tpu.enqueue_dma source(%dma_start3A_30 : memref<128x128xf32, #tpu.memory_space<vmem_shared>>) target(%dma_start3A_28 : memref<128x128xf32, #tpu.memory_space<vmem>>) target_semaphore(%run_scoped3A : memref<!tpu.dma_semaphore, #tpu.memory_space<semaphore_mem>>)
      %dma_wait3A = arith.constant 0 : i32
      %dma_wait3A_31 = arith.constant 0 : i32
      %dma_wait3A_32 = tpu.memref_slice %arg10[%dma_wait3A, %dma_wait3A_31] : memref<128x128xf32, #tpu.memory_space<vmem>> -> memref<128x128xf32, #tpu.memory_space<vmem>>
      %dma_wait3A_33 = arith.constant 0 : i32
      %dma_wait3A_34 = tpu.memref_slice %arg11[%add3A_11, %dma_wait3A_33] : memref<5120x128xf32, #tpu.memory_space<vmem_shared>> -> memref<128x128xf32, #tpu.memory_space<vmem_shared>>
      %dma_wait3A_35 = arith.constant 0 : i32
      %dma_wait3A_36 = arith.constant 0 : i32
      %dma_wait3A_37 = tpu.memref_slice %arg10[%dma_wait3A_35, %dma_wait3A_36] : memref<128x128xf32, #tpu.memory_space<vmem>> -> memref<128x128xf32, #tpu.memory_space<vmem>>
      %dma_wait3A_38 = arith.constant 0 : i32
      %dma_wait3A_39 = tpu.memref_slice %arg11[%add3A_11, %dma_wait3A_38] : memref<5120x128xf32, #tpu.memory_space<vmem_shared>> -> memref<128x128xf32, #tpu.memory_space<vmem_shared>>
      tpu.wait_dma2 semaphore(%run_scoped3A : memref<!tpu.dma_semaphore, #tpu.memory_space<semaphore_mem>>) src(%dma_wait3A_39 : memref<128x128xf32, #tpu.memory_space<vmem_shared>>) dst(%dma_wait3A_37 : memref<128x128xf32, #tpu.memory_space<vmem>>)
      tpu.yield
    }) : () -> ()
    %add3A_12 = arith.constant 0 : i32
    %add3A_13 = arith.addi %mul3A_0, %add3A_12 : i32
    "tpu.region"() ({
      %run_scoped3A = tpu.sem_alloc : memref<!tpu.dma_semaphore, #tpu.memory_space<semaphore_mem>>
      %dma_start3A = arith.constant 0 : i32
      %dma_start3A_22 = arith.constant 0 : i32
      %dma_start3A_23 = tpu.memref_slice %arg10[%dma_start3A, %dma_start3A_22] : memref<128x128xf32, #tpu.memory_space<vmem>> -> memref<128x128xf32, #tpu.memory_space<vmem>>
      %dma_start3A_24 = arith.constant 0 : i32
      %dma_start3A_25 = arith.constant 0 : i32
      %dma_start3A_26 = tpu.memref_slice %arg6[%arg0, %dma_start3A_24, %dma_start3A_25] : memref<2x5120x128xf32, #tpu.memory_space<hbm>> -> memref<1x5120x128xf32, #tpu.memory_space<hbm>>
      %dma_start3A_27 = tpu.memref_squeeze %dma_start3A_26 : memref<1x5120x128xf32, #tpu.memory_space<hbm>> -> memref<5120x128xf32, #tpu.memory_space<hbm>>
      %dma_start3A_28 = arith.constant 0 : i32
      %dma_start3A_29 = tpu.memref_slice %dma_start3A_27[%add3A_13, %dma_start3A_28] : memref<5120x128xf32, #tpu.memory_space<hbm>> -> memref<128x128xf32, #tpu.memory_space<hbm>>
      %dma_start3A_30 = arith.constant 0 : i32
      %dma_start3A_31 = arith.constant 0 : i32
      %dma_start3A_32 = tpu.memref_slice %arg6[%arg0, %dma_start3A_30, %dma_start3A_31] : memref<2x5120x128xf32, #tpu.memory_space<hbm>> -> memref<1x5120x128xf32, #tpu.memory_space<hbm>>
      %dma_start3A_33 = tpu.memref_squeeze %dma_start3A_32 : memref<1x5120x128xf32, #tpu.memory_space<hbm>> -> memref<5120x128xf32, #tpu.memory_space<hbm>>
      %dma_start3A_34 = arith.constant 0 : i32
      %dma_start3A_35 = tpu.memref_slice %dma_start3A_33[%add3A_13, %dma_start3A_34] : memref<5120x128xf32, #tpu.memory_space<hbm>> -> memref<128x128xf32, #tpu.memory_space<hbm>>
      %dma_start3A_36 = arith.constant 0 : i32
      %dma_start3A_37 = arith.constant 0 : i32
      %dma_start3A_38 = tpu.memref_slice %arg10[%dma_start3A_36, %dma_start3A_37] : memref<128x128xf32, #tpu.memory_space<vmem>> -> memref<128x128xf32, #tpu.memory_space<vmem>>
      tpu.enqueue_dma source(%dma_start3A_38 : memref<128x128xf32, #tpu.memory_space<vmem>>) target(%dma_start3A_35 : memref<128x128xf32, #tpu.memory_space<hbm>>) target_semaphore(%run_scoped3A : memref<!tpu.dma_semaphore, #tpu.memory_space<semaphore_mem>>)
      %dma_wait3A = arith.constant 0 : i32
      %dma_wait3A_39 = arith.constant 0 : i32
      %dma_wait3A_40 = tpu.memref_slice %arg10[%dma_wait3A, %dma_wait3A_39] : memref<128x128xf32, #tpu.memory_space<vmem>> -> memref<128x128xf32, #tpu.memory_space<vmem>>
      %dma_wait3A_41 = arith.constant 0 : i32
      %dma_wait3A_42 = arith.constant 0 : i32
      %dma_wait3A_43 = tpu.memref_slice %arg6[%arg0, %dma_wait3A_41, %dma_wait3A_42] : memref<2x5120x128xf32, #tpu.memory_space<hbm>> -> memref<1x5120x128xf32, #tpu.memory_space<hbm>>
      %dma_wait3A_44 = tpu.memref_squeeze %dma_wait3A_43 : memref<1x5120x128xf32, #tpu.memory_space<hbm>> -> memref<5120x128xf32, #tpu.memory_space<hbm>>
      %dma_wait3A_45 = arith.constant 0 : i32
      %dma_wait3A_46 = tpu.memref_slice %dma_wait3A_44[%add3A_13, %dma_wait3A_45] : memref<5120x128xf32, #tpu.memory_space<hbm>> -> memref<128x128xf32, #tpu.memory_space<hbm>>
      %dma_wait3A_47 = arith.constant 0 : i32
      %dma_wait3A_48 = arith.constant 0 : i32
      %dma_wait3A_49 = tpu.memref_slice %arg6[%arg0, %dma_wait3A_47, %dma_wait3A_48] : memref<2x5120x128xf32, #tpu.memory_space<hbm>> -> memref<1x5120x128xf32, #tpu.memory_space<hbm>>
      %dma_wait3A_50 = tpu.memref_squeeze %dma_wait3A_49 : memref<1x5120x128xf32, #tpu.memory_space<hbm>> -> memref<5120x128xf32, #tpu.memory_space<hbm>>
      %dma_wait3A_51 = arith.constant 0 : i32
      %dma_wait3A_52 = tpu.memref_slice %dma_wait3A_50[%add3A_13, %dma_wait3A_51] : memref<5120x128xf32, #tpu.memory_space<hbm>> -> memref<128x128xf32, #tpu.memory_space<hbm>>
      %dma_wait3A_53 = arith.constant 0 : i32
      %dma_wait3A_54 = arith.constant 0 : i32
      %dma_wait3A_55 = tpu.memref_slice %arg10[%dma_wait3A_53, %dma_wait3A_54] : memref<128x128xf32, #tpu.memory_space<vmem>> -> memref<128x128xf32, #tpu.memory_space<vmem>>
      tpu.wait_dma2 semaphore(%run_scoped3A : memref<!tpu.dma_semaphore, #tpu.memory_space<semaphore_mem>>) src(%dma_wait3A_55 : memref<128x128xf32, #tpu.memory_space<vmem>>) dst(%dma_wait3A_52 : memref<128x128xf32, #tpu.memory_space<hbm>>)
      tpu.yield
    }) : () -> ()
    %add3A_14 = arith.constant 128 : i32
    %add3A_15 = arith.addi %mul3A_0, %add3A_14 : i32
    "tpu.region"() ({
      %run_scoped3A = tpu.sem_alloc : memref<!tpu.dma_semaphore, #tpu.memory_space<semaphore_mem>>
      %dma_start3A = arith.constant 0 : i32
      %dma_start3A_22 = arith.constant 0 : i32
      %dma_start3A_23 = tpu.memref_slice %arg10[%dma_start3A, %dma_start3A_22] : memref<128x128xf32, #tpu.memory_space<vmem>> -> memref<128x128xf32, #tpu.memory_space<vmem>>
      %dma_start3A_24 = arith.constant 0 : i32
      %dma_start3A_25 = tpu.memref_slice %arg11[%add3A_15, %dma_start3A_24] : memref<5120x128xf32, #tpu.memory_space<vmem_shared>> -> memref<128x128xf32, #tpu.memory_space<vmem_shared>>
      %dma_start3A_26 = arith.constant 0 : i32
      %dma_start3A_27 = arith.constant 0 : i32
      %dma_start3A_28 = tpu.memref_slice %arg10[%dma_start3A_26, %dma_start3A_27] : memref<128x128xf32, #tpu.memory_space<vmem>> -> memref<128x128xf32, #tpu.memory_space<vmem>>
      %dma_start3A_29 = arith.constant 0 : i32
      %dma_start3A_30 = tpu.memref_slice %arg11[%add3A_15, %dma_start3A_29] : memref<5120x128xf32, #tpu.memory_space<vmem_shared>> -> memref<128x128xf32, #tpu.memory_space<vmem_shared>>
      tpu.enqueue_dma source(%dma_start3A_30 : memref<128x128xf32, #tpu.memory_space<vmem_shared>>) target(%dma_start3A_28 : memref<128x128xf32, #tpu.memory_space<vmem>>) target_semaphore(%run_scoped3A : memref<!tpu.dma_semaphore, #tpu.memory_space<semaphore_mem>>)
      %dma_wait3A = arith.constant 0 : i32
      %dma_wait3A_31 = arith.constant 0 : i32
      %dma_wait3A_32 = tpu.memref_slice %arg10[%dma_wait3A, %dma_wait3A_31] : memref<128x128xf32, #tpu.memory_space<vmem>> -> memref<128x128xf32, #tpu.memory_space<vmem>>
      %dma_wait3A_33 = arith.constant 0 : i32
      %dma_wait3A_34 = tpu.memref_slice %arg11[%add3A_15, %dma_wait3A_33] : memref<5120x128xf32, #tpu.memory_space<vmem_shared>> -> memref<128x128xf32, #tpu.memory_space<vmem_shared>>
      %dma_wait3A_35 = arith.constant 0 : i32
      %dma_wait3A_36 = arith.constant 0 : i32
      %dma_wait3A_37 = tpu.memref_slice %arg10[%dma_wait3A_35, %dma_wait3A_36] : memref<128x128xf32, #tpu.memory_space<vmem>> -> memref<128x128xf32, #tpu.memory_space<vmem>>
      %dma_wait3A_38 = arith.constant 0 : i32
      %dma_wait3A_39 = tpu.memref_slice %arg11[%add3A_15, %dma_wait3A_38] : memref<5120x128xf32, #tpu.memory_space<vmem_shared>> -> memref<128x128xf32, #tpu.memory_space<vmem_shared>>
      tpu.wait_dma2 semaphore(%run_scoped3A : memref<!tpu.dma_semaphore, #tpu.memory_space<semaphore_mem>>) src(%dma_wait3A_39 : memref<128x128xf32, #tpu.memory_space<vmem_shared>>) dst(%dma_wait3A_37 : memref<128x128xf32, #tpu.memory_space<vmem>>)
      tpu.yield
    }) : () -> ()
    %add3A_16 = arith.constant 128 : i32
    %add3A_17 = arith.addi %mul3A_0, %add3A_16 : i32
    "tpu.region"() ({
      %run_scoped3A = tpu.sem_alloc : memref<!tpu.dma_semaphore, #tpu.memory_space<semaphore_mem>>
      %dma_start3A = arith.constant 0 : i32
      %dma_start3A_22 = arith.constant 0 : i32
      %dma_start3A_23 = tpu.memref_slice %arg10[%dma_start3A, %dma_start3A_22] : memref<128x128xf32, #tpu.memory_space<vmem>> -> memref<128x128xf32, #tpu.memory_space<vmem>>
      %dma_start3A_24 = arith.constant 0 : i32
      %dma_start3A_25 = arith.constant 0 : i32
      %dma_start3A_26 = tpu.memref_slice %arg6[%arg0, %dma_start3A_24, %dma_start3A_25] : memref<2x5120x128xf32, #tpu.memory_space<hbm>> -> memref<1x5120x128xf32, #tpu.memory_space<hbm>>
      %dma_start3A_27 = tpu.memref_squeeze %dma_start3A_26 : memref<1x5120x128xf32, #tpu.memory_space<hbm>> -> memref<5120x128xf32, #tpu.memory_space<hbm>>
      %dma_start3A_28 = arith.constant 0 : i32
      %dma_start3A_29 = tpu.memref_slice %dma_start3A_27[%add3A_17, %dma_start3A_28] : memref<5120x128xf32, #tpu.memory_space<hbm>> -> memref<128x128xf32, #tpu.memory_space<hbm>>
      %dma_start3A_30 = arith.constant 0 : i32
      %dma_start3A_31 = arith.constant 0 : i32
      %dma_start3A_32 = tpu.memref_slice %arg6[%arg0, %dma_start3A_30, %dma_start3A_31] : memref<2x5120x128xf32, #tpu.memory_space<hbm>> -> memref<1x5120x128xf32, #tpu.memory_space<hbm>>
      %dma_start3A_33 = tpu.memref_squeeze %dma_start3A_32 : memref<1x5120x128xf32, #tpu.memory_space<hbm>> -> memref<5120x128xf32, #tpu.memory_space<hbm>>
      %dma_start3A_34 = arith.constant 0 : i32
      %dma_start3A_35 = tpu.memref_slice %dma_start3A_33[%add3A_17, %dma_start3A_34] : memref<5120x128xf32, #tpu.memory_space<hbm>> -> memref<128x128xf32, #tpu.memory_space<hbm>>
      %dma_start3A_36 = arith.constant 0 : i32
      %dma_start3A_37 = arith.constant 0 : i32
      %dma_start3A_38 = tpu.memref_slice %arg10[%dma_start3A_36, %dma_start3A_37] : memref<128x128xf32, #tpu.memory_space<vmem>> -> memref<128x128xf32, #tpu.memory_space<vmem>>
      tpu.enqueue_dma source(%dma_start3A_38 : memref<128x128xf32, #tpu.memory_space<vmem>>) target(%dma_start3A_35 : memref<128x128xf32, #tpu.memory_space<hbm>>) target_semaphore(%run_scoped3A : memref<!tpu.dma_semaphore, #tpu.memory_space<semaphore_mem>>)
      %dma_wait3A = arith.constant 0 : i32
      %dma_wait3A_39 = arith.constant 0 : i32
      %dma_wait3A_40 = tpu.memref_slice %arg10[%dma_wait3A, %dma_wait3A_39] : memref<128x128xf32, #tpu.memory_space<vmem>> -> memref<128x128xf32, #tpu.memory_space<vmem>>
      %dma_wait3A_41 = arith.constant 0 : i32
      %dma_wait3A_42 = arith.constant 0 : i32
      %dma_wait3A_43 = tpu.memref_slice %arg6[%arg0, %dma_wait3A_41, %dma_wait3A_42] : memref<2x5120x128xf32, #tpu.memory_space<hbm>> -> memref<1x5120x128xf32, #tpu.memory_space<hbm>>
      %dma_wait3A_44 = tpu.memref_squeeze %dma_wait3A_43 : memref<1x5120x128xf32, #tpu.memory_space<hbm>> -> memref<5120x128xf32, #tpu.memory_space<hbm>>
      %dma_wait3A_45 = arith.constant 0 : i32
      %dma_wait3A_46 = tpu.memref_slice %dma_wait3A_44[%add3A_17, %dma_wait3A_45] : memref<5120x128xf32, #tpu.memory_space<hbm>> -> memref<128x128xf32, #tpu.memory_space<hbm>>
      %dma_wait3A_47 = arith.constant 0 : i32
      %dma_wait3A_48 = arith.constant 0 : i32
      %dma_wait3A_49 = tpu.memref_slice %arg6[%arg0, %dma_wait3A_47, %dma_wait3A_48] : memref<2x5120x128xf32, #tpu.memory_space<hbm>> -> memref<1x5120x128xf32, #tpu.memory_space<hbm>>
      %dma_wait3A_50 = tpu.memref_squeeze %dma_wait3A_49 : memref<1x5120x128xf32, #tpu.memory_space<hbm>> -> memref<5120x128xf32, #tpu.memory_space<hbm>>
      %dma_wait3A_51 = arith.constant 0 : i32
      %dma_wait3A_52 = tpu.memref_slice %dma_wait3A_50[%add3A_17, %dma_wait3A_51] : memref<5120x128xf32, #tpu.memory_space<hbm>> -> memref<128x128xf32, #tpu.memory_space<hbm>>
      %dma_wait3A_53 = arith.constant 0 : i32
      %dma_wait3A_54 = arith.constant 0 : i32
      %dma_wait3A_55 = tpu.memref_slice %arg10[%dma_wait3A_53, %dma_wait3A_54] : memref<128x128xf32, #tpu.memory_space<vmem>> -> memref<128x128xf32, #tpu.memory_space<vmem>>
      tpu.wait_dma2 semaphore(%run_scoped3A : memref<!tpu.dma_semaphore, #tpu.memory_space<semaphore_mem>>) src(%dma_wait3A_55 : memref<128x128xf32, #tpu.memory_space<vmem>>) dst(%dma_wait3A_52 : memref<128x128xf32, #tpu.memory_space<hbm>>)
      tpu.yield
    }) : () -> ()
    %add3A_18 = arith.constant 256 : i32
    %add3A_19 = arith.addi %mul3A_0, %add3A_18 : i32
    "tpu.region"() ({
      %run_scoped3A = tpu.sem_alloc : memref<!tpu.dma_semaphore, #tpu.memory_space<semaphore_mem>>
      %dma_start3A = arith.constant 0 : i32
      %dma_start3A_22 = arith.constant 0 : i32
      %dma_start3A_23 = tpu.memref_slice %arg10[%dma_start3A, %dma_start3A_22] : memref<128x128xf32, #tpu.memory_space<vmem>> -> memref<64x128xf32, #tpu.memory_space<vmem>>
      %dma_start3A_24 = arith.constant 0 : i32
      %dma_start3A_25 = tpu.memref_slice %arg11[%add3A_19, %dma_start3A_24] : memref<5120x128xf32, #tpu.memory_space<vmem_shared>> -> memref<64x128xf32, #tpu.memory_space<vmem_shared>>
      %dma_start3A_26 = arith.constant 0 : i32
      %dma_start3A_27 = arith.constant 0 : i32
      %dma_start3A_28 = tpu.memref_slice %arg10[%dma_start3A_26, %dma_start3A_27] : memref<128x128xf32, #tpu.memory_space<vmem>> -> memref<64x128xf32, #tpu.memory_space<vmem>>
      %dma_start3A_29 = arith.constant 0 : i32
      %dma_start3A_30 = tpu.memref_slice %arg11[%add3A_19, %dma_start3A_29] : memref<5120x128xf32, #tpu.memory_space<vmem_shared>> -> memref<64x128xf32, #tpu.memory_space<vmem_shared>>
      tpu.enqueue_dma source(%dma_start3A_30 : memref<64x128xf32, #tpu.memory_space<vmem_shared>>) target(%dma_start3A_28 : memref<64x128xf32, #tpu.memory_space<vmem>>) target_semaphore(%run_scoped3A : memref<!tpu.dma_semaphore, #tpu.memory_space<semaphore_mem>>)
      %dma_wait3A = arith.constant 0 : i32
      %dma_wait3A_31 = arith.constant 0 : i32
      %dma_wait3A_32 = tpu.memref_slice %arg10[%dma_wait3A, %dma_wait3A_31] : memref<128x128xf32, #tpu.memory_space<vmem>> -> memref<64x128xf32, #tpu.memory_space<vmem>>
      %dma_wait3A_33 = arith.constant 0 : i32
      %dma_wait3A_34 = tpu.memref_slice %arg11[%add3A_19, %dma_wait3A_33] : memref<5120x128xf32, #tpu.memory_space<vmem_shared>> -> memref<64x128xf32, #tpu.memory_space<vmem_shared>>
      %dma_wait3A_35 = arith.constant 0 : i32
      %dma_wait3A_36 = arith.constant 0 : i32
      %dma_wait3A_37 = tpu.memref_slice %arg10[%dma_wait3A_35, %dma_wait3A_36] : memref<128x128xf32, #tpu.memory_space<vmem>> -> memref<64x128xf32, #tpu.memory_space<vmem>>
      %dma_wait3A_38 = arith.constant 0 : i32
      %dma_wait3A_39 = tpu.memref_slice %arg11[%add3A_19, %dma_wait3A_38] : memref<5120x128xf32, #tpu.memory_space<vmem_shared>> -> memref<64x128xf32, #tpu.memory_space<vmem_shared>>
      tpu.wait_dma2 semaphore(%run_scoped3A : memref<!tpu.dma_semaphore, #tpu.memory_space<semaphore_mem>>) src(%dma_wait3A_39 : memref<64x128xf32, #tpu.memory_space<vmem_shared>>) dst(%dma_wait3A_37 : memref<64x128xf32, #tpu.memory_space<vmem>>)
      tpu.yield
    }) : () -> ()
    %add3A_20 = arith.constant 256 : i32
    %add3A_21 = arith.addi %mul3A_0, %add3A_20 : i32
    "tpu.region"() ({
      %run_scoped3A = tpu.sem_alloc : memref<!tpu.dma_semaphore, #tpu.memory_space<semaphore_mem>>
      %dma_start3A = arith.constant 0 : i32
      %dma_start3A_22 = arith.constant 0 : i32
      %dma_start3A_23 = tpu.memref_slice %arg10[%dma_start3A, %dma_start3A_22] : memref<128x128xf32, #tpu.memory_space<vmem>> -> memref<64x128xf32, #tpu.memory_space<vmem>>
      %dma_start3A_24 = arith.constant 0 : i32
      %dma_start3A_25 = arith.constant 0 : i32
      %dma_start3A_26 = tpu.memref_slice %arg6[%arg0, %dma_start3A_24, %dma_start3A_25] : memref<2x5120x128xf32, #tpu.memory_space<hbm>> -> memref<1x5120x128xf32, #tpu.memory_space<hbm>>
      %dma_start3A_27 = tpu.memref_squeeze %dma_start3A_26 : memref<1x5120x128xf32, #tpu.memory_space<hbm>> -> memref<5120x128xf32, #tpu.memory_space<hbm>>
      %dma_start3A_28 = arith.constant 0 : i32
      %dma_start3A_29 = tpu.memref_slice %dma_start3A_27[%add3A_21, %dma_start3A_28] : memref<5120x128xf32, #tpu.memory_space<hbm>> -> memref<64x128xf32, #tpu.memory_space<hbm>>
      %dma_start3A_30 = arith.constant 0 : i32
      %dma_start3A_31 = arith.constant 0 : i32
      %dma_start3A_32 = tpu.memref_slice %arg6[%arg0, %dma_start3A_30, %dma_start3A_31] : memref<2x5120x128xf32, #tpu.memory_space<hbm>> -> memref<1x5120x128xf32, #tpu.memory_space<hbm>>
      %dma_start3A_33 = tpu.memref_squeeze %dma_start3A_32 : memref<1x5120x128xf32, #tpu.memory_space<hbm>> -> memref<5120x128xf32, #tpu.memory_space<hbm>>
      %dma_start3A_34 = arith.constant 0 : i32
      %dma_start3A_35 = tpu.memref_slice %dma_start3A_33[%add3A_21, %dma_start3A_34] : memref<5120x128xf32, #tpu.memory_space<hbm>> -> memref<64x128xf32, #tpu.memory_space<hbm>>
      %dma_start3A_36 = arith.constant 0 : i32
      %dma_start3A_37 = arith.constant 0 : i32
      %dma_start3A_38 = tpu.memref_slice %arg10[%dma_start3A_36, %dma_start3A_37] : memref<128x128xf32, #tpu.memory_space<vmem>> -> memref<64x128xf32, #tpu.memory_space<vmem>>
      tpu.enqueue_dma source(%dma_start3A_38 : memref<64x128xf32, #tpu.memory_space<vmem>>) target(%dma_start3A_35 : memref<64x128xf32, #tpu.memory_space<hbm>>) target_semaphore(%run_scoped3A : memref<!tpu.dma_semaphore, #tpu.memory_space<semaphore_mem>>)
      %dma_wait3A = arith.constant 0 : i32
      %dma_wait3A_39 = arith.constant 0 : i32
      %dma_wait3A_40 = tpu.memref_slice %arg10[%dma_wait3A, %dma_wait3A_39] : memref<128x128xf32, #tpu.memory_space<vmem>> -> memref<64x128xf32, #tpu.memory_space<vmem>>
      %dma_wait3A_41 = arith.constant 0 : i32
      %dma_wait3A_42 = arith.constant 0 : i32
      %dma_wait3A_43 = tpu.memref_slice %arg6[%arg0, %dma_wait3A_41, %dma_wait3A_42] : memref<2x5120x128xf32, #tpu.memory_space<hbm>> -> memref<1x5120x128xf32, #tpu.memory_space<hbm>>
      %dma_wait3A_44 = tpu.memref_squeeze %dma_wait3A_43 : memref<1x5120x128xf32, #tpu.memory_space<hbm>> -> memref<5120x128xf32, #tpu.memory_space<hbm>>
      %dma_wait3A_45 = arith.constant 0 : i32
      %dma_wait3A_46 = tpu.memref_slice %dma_wait3A_44[%add3A_21, %dma_wait3A_45] : memref<5120x128xf32, #tpu.memory_space<hbm>> -> memref<64x128xf32, #tpu.memory_space<hbm>>
      %dma_wait3A_47 = arith.constant 0 : i32
      %dma_wait3A_48 = arith.constant 0 : i32
      %dma_wait3A_49 = tpu.memref_slice %arg6[%arg0, %dma_wait3A_47, %dma_wait3A_48] : memref<2x5120x128xf32, #tpu.memory_space<hbm>> -> memref<1x5120x128xf32, #tpu.memory_space<hbm>>
      %dma_wait3A_50 = tpu.memref_squeeze %dma_wait3A_49 : memref<1x5120x128xf32, #tpu.memory_space<hbm>> -> memref<5120x128xf32, #tpu.memory_space<hbm>>
      %dma_wait3A_51 = arith.constant 0 : i32
      %dma_wait3A_52 = tpu.memref_slice %dma_wait3A_50[%add3A_21, %dma_wait3A_51] : memref<5120x128xf32, #tpu.memory_space<hbm>> -> memref<64x128xf32, #tpu.memory_space<hbm>>
      %dma_wait3A_53 = arith.constant 0 : i32
      %dma_wait3A_54 = arith.constant 0 : i32
      %dma_wait3A_55 = tpu.memref_slice %arg10[%dma_wait3A_53, %dma_wait3A_54] : memref<128x128xf32, #tpu.memory_space<vmem>> -> memref<64x128xf32, #tpu.memory_space<vmem>>
      tpu.wait_dma2 semaphore(%run_scoped3A : memref<!tpu.dma_semaphore, #tpu.memory_space<semaphore_mem>>) src(%dma_wait3A_55 : memref<64x128xf32, #tpu.memory_space<vmem>>) dst(%dma_wait3A_52 : memref<64x128xf32, #tpu.memory_space<hbm>>)
      tpu.yield
    }) : () -> ()
    return
  }
}

module attributes {stable_mosaic.version = 14 : i64} {
  func.func @_tc_first_body(%arg0: i32, %arg1: memref<200x1xf32, #tpu.memory_space<vmem>>, %arg2: memref<200x128xf32, #tpu.memory_space<vmem>>, %arg3: memref<128x128xf32, #tpu.memory_space<vmem>>, %arg4: memref<200x128xf32, #tpu.memory_space<vmem>>) attributes {dimension_semantics = [#tpu.dimension_semantics<arbitrary>], iteration_bounds = array<i64: 50>, scalar_prefetch = 0 : i64, scratch_operands = 0 : i64, tpu.core_type = #tpu.core_type<tc>, window_params = [{transform_indices = @transform_0, window_bounds = array<i64: 200, 1>}, {transform_indices = @transform_1, window_bounds = array<i64: 200, 128>}, {pipeline_mode = #tpu.pipeline_mode<synchronous>, transform_indices = @transform_2, window_bounds = array<i64: 128, 128>}, {transform_indices = @transform_3, window_bounds = array<i64: 200, 128>}]} {
    %get3A = arith.constant 0 : index
    %get3A_0 = arith.constant 0 : index
    %get3A_1 = vector.load %arg1[%get3A, %get3A_0] : memref<200x1xf32, #tpu.memory_space<vmem>>, vector<200x1xf32>
    %add3A = arith.constant 1.000000e+00 : f32
    %add3A_2 = vector.broadcast %add3A : f32 to vector<200x1xf32>
    %add3A_3 = arith.addf %get3A_1, %add3A_2 : vector<200x1xf32>
    %rsqrt3A = math.rsqrt %add3A_3 : vector<200x1xf32>
    %get3A_4 = arith.constant 0 : index
    %get3A_5 = arith.constant 0 : index
    %get3A_6 = vector.load %arg2[%get3A_4, %get3A_5] : memref<200x128xf32, #tpu.memory_space<vmem>>, vector<200x128xf32>
    %get3A_7 = arith.constant 0 : index
    %get3A_8 = arith.constant 0 : index
    %get3A_9 = vector.load %arg3[%get3A_7, %get3A_8] : memref<128x128xf32, #tpu.memory_space<vmem>>, vector<128x128xf32>
    %dot_general3A = arith.constant dense<0.000000e+00> : vector<200x128xf32>
    %dot_general3A_10 = tpu.matmul %get3A_6, %get3A_9, %dot_general3A {dimension_numbers = #tpu.dot_dimension_numbers<[1], [0], [0], [1], [0, 0, 1, 1], [], []>, transpose_lhs_hint = false} : vector<200x128xf32>, vector<128x128xf32>, vector<200x128xf32> -> vector<200x128xf32>
    %mul3A = vector.broadcast %rsqrt3A : vector<200x1xf32> to vector<200x128xf32>
    %mul3A_11 = arith.mulf %dot_general3A_10, %mul3A : vector<200x128xf32>
    %swap3A = arith.constant 0 : index
    %swap3A_12 = arith.constant 0 : index
    %swap3A_13 = vector.load %arg4[%swap3A, %swap3A_12] : memref<200x128xf32, #tpu.memory_space<vmem>>, vector<200x128xf32>
    tpu.vector_store %arg4[%swap3A, %swap3A_12], %mul3A_11 {strides = array<i32>} : memref<200x128xf32, #tpu.memory_space<vmem>>, vector<200x128xf32>,
    return
  }
  func.func @transform_0(%arg0: i32) -> (i32, i32) {
    %c0_i32 = arith.constant 0 : i32
    %c0_i32_0 = arith.constant 0 : i32
    return %arg0, %c0_i32 : i32, i32
  }
  func.func @transform_1(%arg0: i32) -> (i32, i32) {
    %c0_i32 = arith.constant 0 : i32
    %c0_i32_0 = arith.constant 0 : i32
    return %arg0, %c0_i32 : i32, i32
  }
  func.func @transform_2(%arg0: i32) -> (i32, i32) {
    %c0_i32 = arith.constant 0 : i32
    %c0_i32_0 = arith.constant 0 : i32
    %c0_i32_1 = arith.constant 0 : i32
    return %c0_i32, %c0_i32_0 : i32, i32
  }
  func.func @transform_3(%arg0: i32) -> (i32, i32) {
    %c0_i32 = arith.constant 0 : i32
    %c0_i32_0 = arith.constant 0 : i32
    return %arg0, %c0_i32 : i32, i32
  }
}

module attributes {stable_mosaic.version = 14 : i64} {
  func.func @_tc_mid_body(%arg0: i32, %arg1: memref<1x200x128xf32, #tpu.memory_space<vmem>>, %arg2: memref<200x128xf32, #tpu.memory_space<vmem>>, %arg3: memref<200x1xf32, #tpu.memory_space<vmem>>, %arg4: memref<1x128xf32, #tpu.memory_space<vmem>>, %arg5: memref<128x128xf32, #tpu.memory_space<vmem>>, %arg6: memref<200x128xf32, #tpu.memory_space<vmem>>) attributes {dimension_semantics = [#tpu.dimension_semantics<arbitrary>], iteration_bounds = array<i64: 50>, scalar_prefetch = 0 : i64, scratch_operands = 0 : i64, tpu.core_type = #tpu.core_type<tc>, window_params = [{transform_indices = @transform_0, window_bounds = array<i64: 1, 200, 128>}, {transform_indices = @transform_1, window_bounds = array<i64: 200, 128>}, {transform_indices = @transform_2, window_bounds = array<i64: 200, 1>}, {pipeline_mode = #tpu.pipeline_mode<synchronous>, transform_indices = @transform_3, window_bounds = array<i64: 1, 128>}, {pipeline_mode = #tpu.pipeline_mode<synchronous>, transform_indices = @transform_4, window_bounds = array<i64: 128, 128>}, {transform_indices = @transform_5, window_bounds = array<i64: 200, 128>}]} {
    %get3A = arith.constant 0 : index
    %get3A_0 = arith.constant 0 : index
    %get3A_1 = vector.load %arg3[%get3A, %get3A_0] : memref<200x1xf32, #tpu.memory_space<vmem>>, vector<200x1xf32>
    %add3A = arith.constant 1.000000e+00 : f32
    %add3A_2 = vector.broadcast %add3A : f32 to vector<200x1xf32>
    %add3A_3 = arith.addf %get3A_1, %add3A_2 : vector<200x1xf32>
    %rsqrt3A = math.rsqrt %add3A_3 : vector<200x1xf32>
    %get3A_4 = arith.constant 0 : index
    %get3A_5 = arith.constant 0 : index
    %get3A_6 = arith.constant 0 : index
    %get3A_7 = vector.load %arg1[%get3A_4, %get3A_5, %get3A_6] : memref<1x200x128xf32, #tpu.memory_space<vmem>>, vector<1x200x128xf32>
    %get3A_8 = vector.shape_cast %get3A_7 : vector<1x200x128xf32> to vector<200x128xf32>
    %get3A_9 = arith.constant 0 : index
    %get3A_10 = arith.constant 0 : index
    %get3A_11 = vector.load %arg2[%get3A_9, %get3A_10] : memref<200x128xf32, #tpu.memory_space<vmem>>, vector<200x128xf32>
    %add3A_12 = arith.addf %get3A_8, %get3A_11 : vector<200x128xf32>
    %mul3A = vector.broadcast %rsqrt3A : vector<200x1xf32> to vector<200x128xf32>
    %mul3A_13 = arith.mulf %add3A_12, %mul3A : vector<200x128xf32>
    %get3A_14 = arith.constant 0 : index
    %get3A_15 = arith.constant 0 : index
    %get3A_16 = vector.load %arg4[%get3A_14, %get3A_15] : memref<1x128xf32, #tpu.memory_space<vmem>>, vector<1x128xf32>
    %add3A_17 = vector.broadcast %get3A_16 : vector<1x128xf32> to vector<200x128xf32>
    %add3A_18 = arith.addf %mul3A_13, %add3A_17 : vector<200x128xf32>
    %max3A = arith.constant 0.000000e+00 : f32
    %max3A_19 = vector.broadcast %max3A : f32 to vector<200x128xf32>
    %max3A_20 = arith.maximumf %add3A_18, %max3A_19 : vector<200x128xf32>
    %get3A_21 = arith.constant 0 : index
    %get3A_22 = arith.constant 0 : index
    %get3A_23 = vector.load %arg5[%get3A_21, %get3A_22] : memref<128x128xf32, #tpu.memory_space<vmem>>, vector<128x128xf32>
    %dot_general3A = arith.constant dense<0.000000e+00> : vector<200x128xf32>
    %dot_general3A_24 = tpu.matmul %max3A_20, %get3A_23, %dot_general3A {dimension_numbers = #tpu.dot_dimension_numbers<[1], [0], [0], [1], [0, 0, 1, 1], [], []>, transpose_lhs_hint = false} : vector<200x128xf32>, vector<128x128xf32>, vector<200x128xf32> -> vector<200x128xf32>
    %mul3A_25 = vector.broadcast %rsqrt3A : vector<200x1xf32> to vector<200x128xf32>
    %mul3A_26 = arith.mulf %dot_general3A_24, %mul3A_25 : vector<200x128xf32>
    %swap3A = arith.constant 0 : index
    %swap3A_27 = arith.constant 0 : index
    %swap3A_28 = vector.load %arg6[%swap3A, %swap3A_27] : memref<200x128xf32, #tpu.memory_space<vmem>>, vector<200x128xf32>
    tpu.vector_store %arg6[%swap3A, %swap3A_27], %mul3A_26 {strides = array<i32>} : memref<200x128xf32, #tpu.memory_space<vmem>>, vector<200x128xf32>,
    return
  }
  func.func @transform_0(%arg0: i32) -> (i32, i32, i32) {
    %jit3A = arith.constant 25 : i32
    %div3A = arith.divsi %arg0, %jit3A : i32
    %sign3A = arith.constant 0 : i32
    %sign3A_0 = arith.cmpi sgt, %arg0, %sign3A : i32
    %sign3A_1 = arith.extui %sign3A_0 : i1 to i32
    %sign3A_2 = arith.constant 0 : i32
    %sign3A_3 = arith.cmpi slt, %arg0, %sign3A_2 : i32
    %sign3A_4 = arith.extui %sign3A_3 : i1 to i32
    %sign3A_5 = arith.subi %sign3A_1, %sign3A_4 : i32
    %sign3A_6 = arith.constant 0 : i32
    %sign3A_7 = arith.cmpi sgt, %jit3A, %sign3A_6 : i32
    %sign3A_8 = arith.extui %sign3A_7 : i1 to i32
    %sign3A_9 = arith.constant 0 : i32
    %sign3A_10 = arith.cmpi slt, %jit3A, %sign3A_9 : i32
    %sign3A_11 = arith.extui %sign3A_10 : i1 to i32
    %sign3A_12 = arith.subi %sign3A_8, %sign3A_11 : i32
    %ne3A = arith.cmpi ne, %sign3A_5, %sign3A_12 : i32
    %rem3A = arith.remsi %arg0, %jit3A : i32
    %ne3A_13 = arith.constant 0 : i32
    %ne3A_14 = arith.cmpi ne, %rem3A, %ne3A_13 : i32
    %and3A = arith.andi %ne3A, %ne3A_14 : i1
    %sub3A = arith.constant 1 : i32
    %sub3A_15 = arith.subi %div3A, %sub3A : i32
    %select_n3A = arith.select %and3A, %sub3A_15, %div3A : i32
    %jit3A_16 = arith.constant 25 : i32
    %eq3A = arith.constant 0 : i32
    %eq3A_17 = arith.cmpi eq, %jit3A_16, %eq3A : i32
    %jit3A_18 = arith.constant 1 : i32
    %select_n3A_19 = arith.select %eq3A_17, %jit3A_18, %jit3A_16 : i32
    %rem3A_20 = arith.remsi %arg0, %select_n3A_19 : i32
    %ne3A_21 = arith.constant 0 : i32
    %ne3A_22 = arith.cmpi ne, %rem3A_20, %ne3A_21 : i32
    %lt3A = arith.constant 0 : i32
    %lt3A_23 = arith.cmpi slt, %rem3A_20, %lt3A : i32
    %lt3A_24 = arith.constant 0 : i32
    %lt3A_25 = arith.cmpi slt, %select_n3A_19, %lt3A_24 : i32
    %ne3A_26 = arith.xori %lt3A_23, %lt3A_25 : i1
    %and3A_27 = arith.andi %ne3A_26, %ne3A_22 : i1
    %add3A = arith.addi %rem3A_20, %select_n3A_19 : i32
    %select_n3A_28 = arith.select %and3A_27, %add3A, %rem3A_20 : i32
    %c0_i32 = arith.constant 0 : i32
    %c0_i32_29 = arith.constant 0 : i32
    return %select_n3A, %select_n3A_28, %c0_i32 : i32, i32, i32
  }
  func.func @transform_1(%arg0: i32) -> (i32, i32) {
    %c0_i32 = arith.constant 0 : i32
    %c0_i32_0 = arith.constant 0 : i32
    return %arg0, %c0_i32 : i32, i32
  }
  func.func @transform_2(%arg0: i32) -> (i32, i32) {
    %c0_i32 = arith.constant 0 : i32
    %c0_i32_0 = arith.constant 0 : i32
    return %arg0, %c0_i32 : i32, i32
  }
  func.func @transform_3(%arg0: i32) -> (i32, i32) {
    %c0_i32 = arith.constant 0 : i32
    %c0_i32_0 = arith.constant 0 : i32
    %c0_i32_1 = arith.constant 0 : i32
    return %c0_i32, %c0_i32_0 : i32, i32
  }
  func.func @transform_4(%arg0: i32) -> (i32, i32) {
    %c0_i32 = arith.constant 0 : i32
    %c0_i32_0 = arith.constant 0 : i32
    %c0_i32_1 = arith.constant 0 : i32
    return %c0_i32, %c0_i32_0 : i32, i32
  }
  func.func @transform_5(%arg0: i32) -> (i32, i32) {
    %c0_i32 = arith.constant 0 : i32
    %c0_i32_0 = arith.constant 0 : i32
    return %arg0, %c0_i32 : i32, i32
  }
}

module attributes {stable_mosaic.version = 14 : i64} {
  func.func @_tc_final_body(%arg0: i32, %arg1: memref<1x200x128xf32, #tpu.memory_space<vmem>>, %arg2: memref<200x128xf32, #tpu.memory_space<vmem>>, %arg3: memref<200x1xf32, #tpu.memory_space<vmem>>, %arg4: memref<1x128xf32, #tpu.memory_space<vmem>>, %arg5: memref<200x1xi32, #tpu.memory_space<vmem>>, %arg6: memref<128x128xf32, #tpu.memory_space<vmem>>, %arg7: memref<1x128xf32, #tpu.memory_space<vmem>>, %arg8: memref<128x1xf32, #tpu.memory_space<vmem>>, %arg9: memref<1x1xf32, #tpu.memory_space<vmem>>, %arg10: memref<64x1xf32, #tpu.memory_space<vmem>>, %arg11: memref<64x128xf32, #tpu.memory_space<vmem>>, %arg12: memref<64x1xf32, #tpu.memory_space<vmem>>) attributes {dimension_semantics = [#tpu.dimension_semantics<arbitrary>], iteration_bounds = array<i64: 50>, scalar_prefetch = 0 : i64, scratch_operands = 2 : i64, tpu.core_type = #tpu.core_type<tc>, window_params = [{transform_indices = @transform_0, window_bounds = array<i64: 1, 200, 128>}, {transform_indices = @transform_1, window_bounds = array<i64: 200, 128>}, {transform_indices = @transform_2, window_bounds = array<i64: 200, 1>}, {pipeline_mode = #tpu.pipeline_mode<synchronous>, transform_indices = @transform_3, window_bounds = array<i64: 1, 128>}, {transform_indices = @transform_4, window_bounds = array<i64: 200, 1>}, {pipeline_mode = #tpu.pipeline_mode<synchronous>, transform_indices = @transform_5, window_bounds = array<i64: 128, 128>}, {pipeline_mode = #tpu.pipeline_mode<synchronous>, transform_indices = @transform_6, window_bounds = array<i64: 1, 128>}, {pipeline_mode = #tpu.pipeline_mode<synchronous>, transform_indices = @transform_7, window_bounds = array<i64: 128, 1>}, {pipeline_mode = #tpu.pipeline_mode<synchronous>, transform_indices = @transform_8, window_bounds = array<i64: 1, 1>}, {pipeline_mode = #tpu.pipeline_mode<synchronous>, transform_indices = @transform_9, window_bounds = array<i64: 64, 1>}]} {
    %eq3A = arith.constant 0 : i32
    %eq3A_0 = arith.cmpi eq, %arg0, %eq3A : i32
    %convert_element_type3A = arith.extui %eq3A_0 : i1 to i32
    %cond3A = arith.constant 0 : i32
    %cond3A_1 = arith.cmpi ne, %convert_element_type3A, %cond3A : i32
    scf.if %cond3A_1 {
      %broadcast_in_dim3A_51 = arith.constant 0.000000e+00 : f32
      %broadcast_in_dim3A_52 = vector.broadcast %broadcast_in_dim3A_51 : f32 to vector<64x128xf32>
      %swap3A_53 = arith.constant 0 : index
      %swap3A_54 = arith.constant 0 : index
      %swap3A_55 = vector.load %arg11[%swap3A_53, %swap3A_54] : memref<64x128xf32, #tpu.memory_space<vmem>>, vector<64x128xf32>
      tpu.vector_store %arg11[%swap3A_53, %swap3A_54], %broadcast_in_dim3A_52 {strides = array<i32>} : memref<64x128xf32, #tpu.memory_space<vmem>>, vector<64x128xf32>,
      %broadcast_in_dim3A_56 = arith.constant 0.000000e+00 : f32
      %broadcast_in_dim3A_57 = vector.broadcast %broadcast_in_dim3A_56 : f32 to vector<64x1xf32>
      %swap3A_58 = arith.constant 0 : index
      %swap3A_59 = arith.constant 0 : index
      %swap3A_60 = vector.load %arg12[%swap3A_58, %swap3A_59] : memref<64x1xf32, #tpu.memory_space<vmem>>, vector<64x1xf32>
      tpu.vector_store %arg12[%swap3A_58, %swap3A_59], %broadcast_in_dim3A_57 {strides = array<i32>} : memref<64x1xf32, #tpu.memory_space<vmem>>, vector<64x1xf32>,
    } else {
    }
    %get3A = arith.constant 0 : index
    %get3A_2 = arith.constant 0 : index
    %get3A_3 = vector.load %arg3[%get3A, %get3A_2] : memref<200x1xf32, #tpu.memory_space<vmem>>, vector<200x1xf32>
    %add3A = arith.constant 1.000000e+00 : f32
    %add3A_4 = vector.broadcast %add3A : f32 to vector<200x1xf32>
    %add3A_5 = arith.addf %get3A_3, %add3A_4 : vector<200x1xf32>
    %rsqrt3A = math.rsqrt %add3A_5 : vector<200x1xf32>
    %get3A_6 = arith.constant 0 : index
    %get3A_7 = arith.constant 0 : index
    %get3A_8 = arith.constant 0 : index
    %get3A_9 = vector.load %arg1[%get3A_6, %get3A_7, %get3A_8] : memref<1x200x128xf32, #tpu.memory_space<vmem>>, vector<1x200x128xf32>
    %get3A_10 = vector.shape_cast %get3A_9 : vector<1x200x128xf32> to vector<200x128xf32>
    %get3A_11 = arith.constant 0 : index
    %get3A_12 = arith.constant 0 : index
    %get3A_13 = vector.load %arg2[%get3A_11, %get3A_12] : memref<200x128xf32, #tpu.memory_space<vmem>>, vector<200x128xf32>
    %add3A_14 = arith.addf %get3A_10, %get3A_13 : vector<200x128xf32>
    %mul3A = vector.broadcast %rsqrt3A : vector<200x1xf32> to vector<200x128xf32>
    %mul3A_15 = arith.mulf %add3A_14, %mul3A : vector<200x128xf32>
    %get3A_16 = arith.constant 0 : index
    %get3A_17 = arith.constant 0 : index
    %get3A_18 = vector.load %arg4[%get3A_16, %get3A_17] : memref<1x128xf32, #tpu.memory_space<vmem>>, vector<1x128xf32>
    %add3A_19 = vector.broadcast %get3A_18 : vector<1x128xf32> to vector<200x128xf32>
    %add3A_20 = arith.addf %mul3A_15, %add3A_19 : vector<200x128xf32>
    %max3A = arith.constant 0.000000e+00 : f32
    %max3A_21 = vector.broadcast %max3A : f32 to vector<200x128xf32>
    %max3A_22 = arith.maximumf %add3A_20, %max3A_21 : vector<200x128xf32>
    %get3A_23 = arith.constant 0 : index
    %get3A_24 = arith.constant 0 : index
    %get3A_25 = vector.load %arg5[%get3A_23, %get3A_24] : memref<200x1xi32, #tpu.memory_space<vmem>>, vector<200x1xi32>
    %iota3A = tpu.iota {dimensions = array<i32: 1>} : vector<1x64xi32>
    %eq3A_26 = vector.broadcast %get3A_25 : vector<200x1xi32> to vector<200x64xi32>
    %eq3A_27 = vector.broadcast %iota3A : vector<1x64xi32> to vector<200x64xi32>
    %eq3A_28 = arith.cmpi eq, %eq3A_26, %eq3A_27 : vector<200x64xi32>
    %convert_element_type3A_29 = arith.extui %eq3A_28 : vector<200x64xi1> to vector<200x64xi32>
    %convert_element_type3A_30 = arith.sitofp %convert_element_type3A_29 : vector<200x64xi32> to vector<200x64xf32>
    %get3A_31 = arith.constant 0 : index
    %get3A_32 = arith.constant 0 : index
    %get3A_33 = vector.load %arg11[%get3A_31, %get3A_32] : memref<64x128xf32, #tpu.memory_space<vmem>>, vector<64x128xf32>
    %dot_general3A = arith.constant dense<0.000000e+00> : vector<64x128xf32>
    %dot_general3A_34 = tpu.matmul %convert_element_type3A_30, %max3A_22, %dot_general3A {dimension_numbers = #tpu.dot_dimension_numbers<[0], [0], [1], [1], [0, 1, 1, 1], [], []>, transpose_lhs_hint = false} : vector<200x64xf32>, vector<200x128xf32>, vector<64x128xf32> -> vector<64x128xf32>
    %add3A_35 = arith.addf %get3A_33, %dot_general3A_34 : vector<64x128xf32>
    %swap3A = arith.constant 0 : index
    %swap3A_36 = arith.constant 0 : index
    %swap3A_37 = vector.load %arg11[%swap3A, %swap3A_36] : memref<64x128xf32, #tpu.memory_space<vmem>>, vector<64x128xf32>
    tpu.vector_store %arg11[%swap3A, %swap3A_36], %add3A_35 {strides = array<i32>} : memref<64x128xf32, #tpu.memory_space<vmem>>, vector<64x128xf32>,
    %get3A_38 = arith.constant 0 : index
    %get3A_39 = arith.constant 0 : index
    %get3A_40 = vector.load %arg12[%get3A_38, %get3A_39] : memref<64x1xf32, #tpu.memory_space<vmem>>, vector<64x1xf32>
    %reduce_sum3A = arith.constant dense<0.000000e+00> : vector<64xf32>
    %reduce_sum3A_41 = vector.multi_reduction <add>, %convert_element_type3A_30, %reduce_sum3A [0] : vector<200x64xf32> to vector<64xf32>
    %broadcast_in_dim3A = vector.shape_cast %reduce_sum3A_41 : vector<64xf32> to vector<64x1xf32>
    %add3A_42 = arith.addf %get3A_40, %broadcast_in_dim3A : vector<64x1xf32>
    %swap3A_43 = arith.constant 0 : index
    %swap3A_44 = arith.constant 0 : index
    %swap3A_45 = vector.load %arg12[%swap3A_43, %swap3A_44] : memref<64x1xf32, #tpu.memory_space<vmem>>, vector<64x1xf32>
    tpu.vector_store %arg12[%swap3A_43, %swap3A_44], %add3A_42 {strides = array<i32>} : memref<64x1xf32, #tpu.memory_space<vmem>>, vector<64x1xf32>,
    %eq3A_46 = arith.constant 49 : i32
    %eq3A_47 = arith.cmpi eq, %arg0, %eq3A_46 : i32
    %convert_element_type3A_48 = arith.extui %eq3A_47 : i1 to i32
    %cond3A_49 = arith.constant 0 : i32
    %cond3A_50 = arith.cmpi ne, %convert_element_type3A_48, %cond3A_49 : i32
    scf.if %cond3A_50 {
      %get3A_51 = arith.constant 0 : index
      %get3A_52 = arith.constant 0 : index
      %get3A_53 = vector.load %arg11[%get3A_51, %get3A_52] : memref<64x128xf32, #tpu.memory_space<vmem>>, vector<64x128xf32>
      %get3A_54 = arith.constant 0 : index
      %get3A_55 = arith.constant 0 : index
      %get3A_56 = vector.load %arg12[%get3A_54, %get3A_55] : memref<64x1xf32, #tpu.memory_space<vmem>>, vector<64x1xf32>
      %max3A_57 = arith.constant 1.000000e+00 : f32
      %max3A_58 = vector.broadcast %max3A_57 : f32 to vector<64x1xf32>
      %max3A_59 = arith.maximumf %get3A_56, %max3A_58 : vector<64x1xf32>
      %div3A = vector.broadcast %max3A_59 : vector<64x1xf32> to vector<64x128xf32>
      %div3A_60 = arith.divf %get3A_53, %div3A : vector<64x128xf32>
      %get3A_61 = arith.constant 0 : index
      %get3A_62 = arith.constant 0 : index
      %get3A_63 = vector.load %arg6[%get3A_61, %get3A_62] : memref<128x128xf32, #tpu.memory_space<vmem>>, vector<128x128xf32>
      %dot_general3A_64 = arith.constant dense<0.000000e+00> : vector<64x128xf32>
      %dot_general3A_65 = tpu.matmul %div3A_60, %get3A_63, %dot_general3A_64 {dimension_numbers = #tpu.dot_dimension_numbers<[1], [0], [0], [1], [0, 0, 1, 1], [], []>, transpose_lhs_hint = false} : vector<64x128xf32>, vector<128x128xf32>, vector<64x128xf32> -> vector<64x128xf32>
      %get3A_66 = arith.constant 0 : index
      %get3A_67 = arith.constant 0 : index
      %get3A_68 = vector.load %arg7[%get3A_66, %get3A_67] : memref<1x128xf32, #tpu.memory_space<vmem>>, vector<1x128xf32>
      %add3A_69 = vector.broadcast %get3A_68 : vector<1x128xf32> to vector<64x128xf32>
      %add3A_70 = arith.addf %dot_general3A_65, %add3A_69 : vector<64x128xf32>
      %max3A_71 = arith.constant 0.000000e+00 : f32
      %max3A_72 = vector.broadcast %max3A_71 : f32 to vector<64x128xf32>
      %max3A_73 = arith.maximumf %add3A_70, %max3A_72 : vector<64x128xf32>
      %get3A_74 = arith.constant 0 : index
      %get3A_75 = arith.constant 0 : index
      %get3A_76 = vector.load %arg8[%get3A_74, %get3A_75] : memref<128x1xf32, #tpu.memory_space<vmem>>, vector<128x1xf32>
      %dot_general3A_77 = arith.constant dense<0.000000e+00> : vector<64x1xf32>
      %dot_general3A_78 = tpu.matmul %max3A_73, %get3A_76, %dot_general3A_77 {dimension_numbers = #tpu.dot_dimension_numbers<[1], [0], [0], [1], [0, 0, 1, 1], [], []>, transpose_lhs_hint = false} : vector<64x128xf32>, vector<128x1xf32>, vector<64x1xf32> -> vector<64x1xf32>
      %get3A_79 = arith.constant 0 : index
      %get3A_80 = arith.constant 0 : index
      %get3A_81 = vector.load %arg9[%get3A_79, %get3A_80] : memref<1x1xf32, #tpu.memory_space<vmem>>, vector<1x1xf32>
      %add3A_82 = vector.broadcast %get3A_81 : vector<1x1xf32> to vector<64x1xf32>
      %add3A_83 = arith.addf %dot_general3A_78, %add3A_82 : vector<64x1xf32>
      %swap3A_84 = arith.constant 0 : index
      %swap3A_85 = arith.constant 0 : index
      %swap3A_86 = vector.load %arg10[%swap3A_84, %swap3A_85] : memref<64x1xf32, #tpu.memory_space<vmem>>, vector<64x1xf32>
      tpu.vector_store %arg10[%swap3A_84, %swap3A_85], %add3A_83 {strides = array<i32>} : memref<64x1xf32, #tpu.memory_space<vmem>>, vector<64x1xf32>,
    } else {
    }
    return
  }
  func.func @transform_0(%arg0: i32) -> (i32, i32, i32) {
    %jit3A = arith.constant 25 : i32
    %div3A = arith.divsi %arg0, %jit3A : i32
    %sign3A = arith.constant 0 : i32
    %sign3A_0 = arith.cmpi sgt, %arg0, %sign3A : i32
    %sign3A_1 = arith.extui %sign3A_0 : i1 to i32
    %sign3A_2 = arith.constant 0 : i32
    %sign3A_3 = arith.cmpi slt, %arg0, %sign3A_2 : i32
    %sign3A_4 = arith.extui %sign3A_3 : i1 to i32
    %sign3A_5 = arith.subi %sign3A_1, %sign3A_4 : i32
    %sign3A_6 = arith.constant 0 : i32
    %sign3A_7 = arith.cmpi sgt, %jit3A, %sign3A_6 : i32
    %sign3A_8 = arith.extui %sign3A_7 : i1 to i32
    %sign3A_9 = arith.constant 0 : i32
    %sign3A_10 = arith.cmpi slt, %jit3A, %sign3A_9 : i32
    %sign3A_11 = arith.extui %sign3A_10 : i1 to i32
    %sign3A_12 = arith.subi %sign3A_8, %sign3A_11 : i32
    %ne3A = arith.cmpi ne, %sign3A_5, %sign3A_12 : i32
    %rem3A = arith.remsi %arg0, %jit3A : i32
    %ne3A_13 = arith.constant 0 : i32
    %ne3A_14 = arith.cmpi ne, %rem3A, %ne3A_13 : i32
    %and3A = arith.andi %ne3A, %ne3A_14 : i1
    %sub3A = arith.constant 1 : i32
    %sub3A_15 = arith.subi %div3A, %sub3A : i32
    %select_n3A = arith.select %and3A, %sub3A_15, %div3A : i32
    %jit3A_16 = arith.constant 25 : i32
    %eq3A = arith.constant 0 : i32
    %eq3A_17 = arith.cmpi eq, %jit3A_16, %eq3A : i32
    %jit3A_18 = arith.constant 1 : i32
    %select_n3A_19 = arith.select %eq3A_17, %jit3A_18, %jit3A_16 : i32
    %rem3A_20 = arith.remsi %arg0, %select_n3A_19 : i32
    %ne3A_21 = arith.constant 0 : i32
    %ne3A_22 = arith.cmpi ne, %rem3A_20, %ne3A_21 : i32
    %lt3A = arith.constant 0 : i32
    %lt3A_23 = arith.cmpi slt, %rem3A_20, %lt3A : i32
    %lt3A_24 = arith.constant 0 : i32
    %lt3A_25 = arith.cmpi slt, %select_n3A_19, %lt3A_24 : i32
    %ne3A_26 = arith.xori %lt3A_23, %lt3A_25 : i1
    %and3A_27 = arith.andi %ne3A_26, %ne3A_22 : i1
    %add3A = arith.addi %rem3A_20, %select_n3A_19 : i32
    %select_n3A_28 = arith.select %and3A_27, %add3A, %rem3A_20 : i32
    %c0_i32 = arith.constant 0 : i32
    %c0_i32_29 = arith.constant 0 : i32
    return %select_n3A, %select_n3A_28, %c0_i32 : i32, i32, i32
  }
  func.func @transform_1(%arg0: i32) -> (i32, i32) {
    %c0_i32 = arith.constant 0 : i32
    %c0_i32_0 = arith.constant 0 : i32
    return %arg0, %c0_i32 : i32, i32
  }
  func.func @transform_2(%arg0: i32) -> (i32, i32) {
    %c0_i32 = arith.constant 0 : i32
    %c0_i32_0 = arith.constant 0 : i32
    return %arg0, %c0_i32 : i32, i32
  }
  func.func @transform_3(%arg0: i32) -> (i32, i32) {
    %c0_i32 = arith.constant 0 : i32
    %c0_i32_0 = arith.constant 0 : i32
    %c0_i32_1 = arith.constant 0 : i32
    return %c0_i32, %c0_i32_0 : i32, i32
  }
  func.func @transform_4(%arg0: i32) -> (i32, i32) {
    %c0_i32 = arith.constant 0 : i32
    %c0_i32_0 = arith.constant 0 : i32
    return %arg0, %c0_i32 : i32, i32
  }
  func.func @transform_5(%arg0: i32) -> (i32, i32) {
    %c0_i32 = arith.constant 0 : i32
    %c0_i32_0 = arith.constant 0 : i32
    %c0_i32_1 = arith.constant 0 : i32
    return %c0_i32, %c0_i32_0 : i32, i32
  }
  func.func @transform_6(%arg0: i32) -> (i32, i32) {
    %c0_i32 = arith.constant 0 : i32
    %c0_i32_0 = arith.constant 0 : i32
    %c0_i32_1 = arith.constant 0 : i32
    return %c0_i32, %c0_i32_0 : i32, i32
  }
  func.func @transform_7(%arg0: i32) -> (i32, i32) {
    %c0_i32 = arith.constant 0 : i32
    %c0_i32_0 = arith.constant 0 : i32
    %c0_i32_1 = arith.constant 0 : i32
    return %c0_i32, %c0_i32_0 : i32, i32
  }
  func.func @transform_8(%arg0: i32) -> (i32, i32) {
    %c0_i32 = arith.constant 0 : i32
    %c0_i32_0 = arith.constant 0 : i32
    %c0_i32_1 = arith.constant 0 : i32
    return %c0_i32, %c0_i32_0 : i32, i32
  }
  func.func @transform_9(%arg0: i32) -> (i32, i32) {
    %c0_i32 = arith.constant 0 : i32
    %c0_i32_0 = arith.constant 0 : i32
    %c0_i32_1 = arith.constant 0 : i32
    return %c0_i32, %c0_i32_0 : i32, i32
  }
}

</mosaic_0001>

<sc_bundles>
// kernel: kernel.12.cloned.1.call-start
scs
__scs_entry_jumppad:
0x0: {  	(pc) =	sbr.rel $0x88, $3  }
0x1: {  	(tag) =	ssettag $0x0;
	lr =	simm.s32 $0x1  }
0x2: {  	[smem:$0x3F92] =	sst lr;
	_ =	strace $0xD0000000  }
0x3: {  	_ = 	snop  }
0x4: {  	_ = 	snop  }
0x5: {  	_ = 	snop  }
0x6: {  	_ = 	snop  }
0x7: {  	_ = 	snop  }
__scs_overlays_trampoline_lowered:
0x8: {  	[smem:$0x3FA1] =	sst s0  }
0x9: {  	[smem:$0x3FA2] =	sst s1  }
0xa: {  	[smem:$0x3FA3] =	sst s2  }
0xb: {  	[smem:$0x3FA4] =	sst s3  }
0xc: {  	[smem:$0x3FA5] =	sst s4  }
0xd: {  	[smem:$0x3FA6] =	sst s5  }
0xe: {  	[smem:$0x3FA7] =	sst s6  }
0xf: {  	[smem:$0x3FA8] =	sst s7  }
0x10: {  	[smem:$0x3FA9] =	sst s8  }
0x11: {  	[smem:$0x3FAA] =	sst s9;
	s0 =	simm.s32 @!p0 $0x0  }
0x12: {  	s1 =	sld [smem:$0x3F90];
	s0 =	simm.s32 @p0 $0x1  }
0x13: {  	[smem:$0x3FAB] =	sst s0;
	s0 =	simm.s32 @!p1 $0x0  }
0x14: {  	s2 =	sld [smem:$0x3F8F];
	s0 =	simm.s32 @p1 $0x1  }
0x15: {  	[smem:$0x3FAC] =	sst s0;
	s0 =	simm.s32 @!p2 $0x0  }
0x16: {  	s3 =	sld [smem:$0x3FDB];
	s0 =	simm.s32 @p2 $0x1  }
0x17: {  	s4 =	simm.s32 $0x1BF5;
	[smem:$0x3FAE] =	sst s0  }
0x18: {  	s0 =	sld [smem:$0x3F91];
	_ =	swait.ge [sflag:s4], $0x0  }
0x19: {  	s7 =	sld [smem:$0x3F92]  }
0x1a: {  	s8 =	sadd.s32 $0xFFFFE003, lr  }
0x1b: {  	s9 =	sadd.s32 $0xFFFFFEF7, lr;
	s5 =	simm.s32 $0xFFFFFFFF;
	p2 =	slt.u32 s8, $0xFFFFF086  }
0x1c: {  	p1 =	slt.u32 s9, $0xF7A;
	s5 =	simm.s32 @!p2 $0x0  }
0x1d: {  	s5 =	simm.s32 @p1 $0x1;
	p0 =	seq.s32 s7, s2  }
0x1e: {  	s7 =	smul.u32 @!p0 $0xF7A, s2;
	p2 =	seq.s32 @!p0 s5, $0x0  }
0x1f: {  	s9 =	smul.u32 $0xF7A, s1;
	s8 =	simm.s32 @!p0 $0x1BF5;
	p2 =	por !p2, p0  }
0x20: {  	[sflag:s8] =	ssyncset.s32 @!p0 $0xFFFFF086;
	s6 =	sadd.s32 @!p0 s3, s7;
	s7 =	simm.s32 @!p0 $0x108  }
0x21: {  	s3 =	sadd.s32 s3, s9;
	s6 =	sadd.s32 @!p0 $0x88, s6;
	s7 =	simm.s32 @p2 $0x1082  }
0x22: {  	[simem:s7], [sflag:s8] =	dma.local @!p0 [hbm:s6], $0xF7A  }
0x23: {  	s9 =	sor.u32 $0xD0000000, s2;
	s6 =	simm.s32 $0x108;
	_ =	swait.ge @!p0 [sflag:s8], $0x0  }
0x24: {  	s3 =	sadd.s32 $0x88, s3;
	s6 =	simm.s32 @!p1 $0x1082;
	[sflag:s4] =	ssyncset.s32 $0xFFFFF086  }
0x25: {  	[simem:s6], [sflag:s4] =	dma.local [hbm:s3], $0xF7A  }
0x26: {  	[smem:$0x3F92] =	sst s1;
	(tag) =	ssettag s2;
	_ =	strace s9  }
0x27: {  	s1 =	sld [smem:$0x3FA2]  }
0x28: {  	s2 =	sld [smem:$0x3FA3]  }
0x29: {  	s4 =	sld [smem:$0x3FA5]  }
0x2a: {  	p0 =	seq.s32 s5, $0x0;
	s5 =	sld [smem:$0x3FA6]  }
0x2b: {  	s6 =	sld [smem:$0x3FA7]  }
0x2c: {  	s7 =	sld [smem:$0x3FA8]  }
0x2d: {  	s3 =	simm.s32 $0x108;
	s8 =	sld [smem:$0x3FA9]  }
0x2e: {  	s3 =	simm.s32 @!p0 $0x1082;
	s9 =	sld [smem:$0x3FAA]  }
0x2f: {  	lr =	sadd.s32 s0, s3;
	s0 =	sld [smem:$0x3FA1]  }
0x30: {  	s3 =	sld [smem:$0x3FA4]  }
0x31: {  	[smem:$0x3FAD] =	sst s10  }
0x32: {  	s10 =	sld [smem:$0x3FAB];
	_ =	sdelay $0x3  }
0x33: {  	p0 =	seq.s32 s10, $0x1;
	s10 =	sld [smem:$0x3FAD];
	_ =	sdelay $0x3  }
0x34: {  	[smem:$0x3FAD] =	sst s10  }
0x35: {  	s10 =	sld [smem:$0x3FAC];
	_ =	sdelay $0x3  }
0x36: {  	p1 =	seq.s32 s10, $0x1;
	s10 =	sld [smem:$0x3FAD];
	_ =	sdelay $0x3  }
0x37: {  	[smem:$0x3FAD] =	sst s10  }
0x38: {  	s10 =	sld [smem:$0x3FAE]  }
0x39: {  	_ = 	snop;
	(pc) =	sbr.ind lr, $3  }
0x3a: {  	_ = 	snop  }
0x3b: {  	_ = 	snop  }
0x3c: {  	p2 =	seq.s32 s10, $0x1;
	s10 =	sld [smem:$0x3FAD]  }
0x3d: {  	_ =	shalt  }
0x3e: {  	_ =	shalt  }
0x3f: {  	_ =	shalt  }
0x40: {  	_ =	shalt  }
0x41: {  	_ =	shalt  }
0x42: {  	_ =	shalt  }
0x43: {  	_ =	shalt  }
0x44: {  	_ =	shalt  }
0x45: {  	_ =	shalt  }
0x46: {  	_ =	shalt  }
0x47: {  	_ =	shalt  }
0x48: {  	_ =	shalt  }
0x49: {  	_ =	shalt  }
0x4a: {  	_ =	shalt  }
0x4b: {  	_ =	shalt  }
0x4c: {  	_ =	shalt  }
0x4d: {  	_ =	shalt  }
0x4e: {  	_ =	shalt  }
0x4f: {  	_ =	shalt  }
0x50: {  	_ =	shalt  }
0x51: {  	_ =	shalt  }
0x52: {  	_ =	shalt  }
0x53: {  	_ =	shalt  }
0x54: {  	_ =	shalt  }
0x55: {  	_ =	shalt  }
0x56: {  	_ =	shalt  }
0x57: {  	_ =	shalt  }
0x58: {  	_ =	shalt  }
0x59: {  	_ =	shalt  }
0x5a: {  	_ =	shalt  }
0x5b: {  	_ =	shalt  }
0x5c: {  	_ =	shalt  }
0x5d: {  	_ =	shalt  }
0x5e: {  	_ =	shalt  }
0x5f: {  	_ =	shalt  }
0x60: {  	_ =	shalt  }
0x61: {  	_ =	shalt  }
0x62: {  	_ =	shalt  }
0x63: {  	_ =	shalt  }
0x64: {  	_ =	shalt  }
0x65: {  	_ =	shalt  }
0x66: {  	_ =	shalt  }
0x67: {  	_ =	shalt  }
0x68: {  	_ =	shalt  }
0x69: {  	_ =	shalt  }
0x6a: {  	_ =	shalt  }
0x6b: {  	_ =	shalt  }
0x6c: {  	_ =	shalt  }
0x6d: {  	_ =	shalt  }
0x6e: {  	_ =	shalt  }
0x6f: {  	_ =	shalt  }
0x70: {  	_ =	shalt  }
0x71: {  	_ =	shalt  }
0x72: {  	_ =	shalt  }
0x73: {  	_ =	shalt  }
0x74: {  	_ =	shalt  }
0x75: {  	_ =	shalt  }
0x76: {  	_ =	shalt  }
0x77: {  	_ =	shalt  }
0x78: {  	_ =	shalt  }
0x79: {  	_ =	shalt  }
0x7a: {  	_ =	shalt  }
0x7b: {  	_ =	shalt  }
0x7c: {  	_ =	shalt  }
0x7d: {  	_ =	shalt  }
0x7e: {  	_ =	shalt  }
0x7f: {  	_ =	shalt  }
0x80: {  	_ =	shalt  }
0x81: {  	_ =	shalt  }
0x82: {  	_ =	shalt  }
0x83: {  	_ =	shalt  }
0x84: {  	_ =	shalt  }
0x85: {  	_ =	shalt  }
0x86: {  	_ =	shalt  }
0x87: {  	_ =	shalt  }
.Lfunc_end0:
.L_simem_size_0:
called_computation_lowered:
.L_overlay_start_0:
0x88: {  	s2 =	sld [smem:$0x3FD9]  }
0x89: {  	s3 =	sld [smem:$0x3FFE];
	_ =	sdelay $0x1  }
0x8a: {  	s1 =	srdreg.scid  }
0x8b: {  	s0 =	sand.u32 $0x1, s1  }
0x8c: {  	s16 =	sshll.u32 s0, $0xA;
	s2 =	sadd.s32 s3, s2  }
0x8d: {  	s2 =	sadd.s32 s2, s16  }
0x8e: {  	[smem:$0x3FB9] =	sst s2  }
0x8f: {  	_ = 	snop  }
0x90: {  	(tm) =	ssettm $0x1  }
0x91: {  	s17 =	sld [smem:$0x3FFB];
	_ =	sdelay $0x3  }
0x92: {  	_ =	strace s17  }
0x93: {  	s2 =	sld [smem:$0x3FFC];
	_ =	sdelay $0x3  }
0x94: {  	_ =	strace s2  }
0x95: {  	s2 =	sld [smem:$0x3FFD];
	_ =	sdelay $0x3  }
0x96: {  	_ =	strace s2  }
0x97: {  	_ =	strace $0x8FFFFFFF  }
0x98: {  	s18 =	sld [smem:$0x3FDB];
	_ =	sdelay $0x1  }
0x99: {  	s19 =	simm.s32 $_scs_section_size  }
0x9a: {  	s4 =	simm.s32 $_size__tile_overlayer_lowered;
	s5 =	simm.s32 $_tile_overlayer_lowered  }
0x9b: {  	s22 =	simm.s32 $0x1BFF;
	s21 =	sshll.u32 s5, $0x1;
	s2 =	sadd.s32 s19, s18  }
0x9c: {  	s6 =	simm.s32 $0x0;
	s20 =	sshll.u32 s4, $0x1;
	s4 =	sadd.s32 s21, s2  }
0x9d: {  	[timem:s6], [sflag:s22] =	dma.local [hbm:s4], s20  }
0x9e: {  	_ =	swait.ge [sflag:s22], s20  }
0x9f: {  	s3 =	ssub.s32 $0x0, s20;
	[sflag:s22] =	ssyncset.done $0x0  }
0xa0: {  	[sflag:s22] =	ssyncadd.s32 s3;
	_ =	sdelay $0x1  }
0xa1: {  	s23 =	simm.s32 $0x1B8B  }
0xa2: {  	_ =	swait.ge [sflag:s23], $0x1  }
0xa3: {  	[sflag:s23] =	ssyncset.done $0x0  }
0xa4: {  	s25 =	simm.s32 $0x1B8E;
	s24 =	sld [smem:$0x3FFE];
	[sflag:s23] =	ssyncadd.s32 $0xFFFFFFFF  }
0xa5: {  	s26 =	simm.s32 $execute0_lowered;
	[smem:$0x3FD2] =	sst s25  }
0xa6: {  	s4 =	sshll.u32 s26, $0x1;
	_ =	strace $0x80000046;
	[dreg:$0x1] =	wrdreg $0xFFFFFFFF  }
0xa7: {  	s28 =	simm.s32 $_size_execute0_lowered;
	s2 =	sadd.s32 s2, s4;
	[dreg:$0x0] =	wrdreg $0x0  }
0xa8: {  	s4 =	sshll.u32 s28, $0x1;
	[dreg:$0x2] =	wrdreg s2  }
0xa9: {  	[dreg:$0x3] =	wrdreg s4  }
0xaa: {  	[dreg:$0x4] =	wrdreg $0xC0  }
0xab: {  	_ =	task [dreg:s6], $0x5FFFF  }
0xac: {  	[dreg:$0x1] =	wrdreg $0xFFFFFFFF  }
0xad: {  	[dreg:$0x0] =	wrdreg $0x60  }
0xae: {  	[dreg:$0x2] =	wrdreg s24  }
0xaf: {  	[dreg:$0x3] =	wrdreg $0x58800  }
0xb0: {  	[dreg:$0x4] =	wrdreg $0x9  }
0xb1: {  	_ =	task.clear_ibuf [dreg:s6], $0x5FFFF;
	_ =	strace $0x90000046  }
0xb2: {  	s29 =	simm.s32 $0x9;
	_ =	strace $0x80000048  }
0xb3: {  	_ =	swait.ge [sflag:s29], $0x1  }
0xb4: {  	[sflag:s29] =	ssyncadd.s32 $0xFFFFFFFF  }
0xb5: {  	_ =	strace $0x90000048  }
0xb6: {  	_ =	sfence  }
0xb7: {  	s30 =	sld [smem:$0x0];
	_ =	sdelay $0x2  }
0xb8: {  	s31 =	sshll.u32 s1, $0xD;
	s1 =	sshrl.u32 s1, $0x2  }
0xb9: {  	s3 =	sand.u32 $0x4000, s31;
	s1 =	sadd.s32 s1, s30  }
0xba: {  	s0 =	sor.u32 s3, s0;
	s1 =	sshll.u32 s1, $0x11  }
0xbb: {  	s0 =	sor.u32 s1, s0  }
0xbc: {  	s0 =	sadd.s32 $0x8F2B, s0  }
0xbd: {  	[sflag:s0] =	ssyncadd.remote.s32 $0x1  }
0xbe: {  	_ =	sfence.sel $0xFFFF  }
0xbf: {  	[dreg:$0x0] =	wrdreg $0xFFFFFFFF;
	(pc) =	sbr.abs _section_cstart, $3  }
0xc0: {  	[dreg:$0x1] =	wrdreg $0xFFFFFFFF  }
0xc1: {  	_ =	task.clear_ibuf [dreg:s6], $0x2FFFF;
	_ =	strace $0x9FFFFFFF  }
0xc2: {  	(tm) =	ssettm $0x7FFFFFFF  }
0xc3: {  	_ =	shalt  }
tec
execute0_lowered:
.L_overlay_start_1:
0x0: {  	(tag) =	ssettag $0x1  }
0x1: {  	s4 =	rddreg [dreg:$0x0]  }
0x2: {  	s2 =	rddreg [dreg:$0x1]  }
0x3: {  	s0 =	rddreg [dreg:$0x2];
	s3 =	simm.s32 $0x0;
	s1 =	stileid.u32  }
0x4: {  	s6 =	srdreg.scid;
	s9 =	simm.s32 $0x5080;
	s10 =	simm.s32 $0x80  }
0x5: {  	s11 =	simm.s32 $0x5000;
	s13 =	simm.s32 $0x0;
	[smem:$0x7FF] =	sst s3  }
0x6: {  	s5 =	smul.u32 $0xA00, s1;
	s12 =	sand.u32 $0x1, s6;
	s30 =	sshll.u32 s1, $0x7  }
.Ltmp0:
0x7: {  	s8 =	sshll.u32 s1, $0xA;
	_ =	strace $0x80000047;
	(pc) =	sbr.rel .LBB2_1-.Ltmp0, $4  }
0x8: {  	s7 =	ssub.s32 $0x2, s12;
	s6 =	sadd.s32 s30, s4;
	p0 =	sne.s32 s12, $0x0  }
0x9: {  	s12 =	simm.s32 $0x5480;
	s5 =	sadd.s32 s5, s4;
	s31 =	sshrl.u32 s7, $0x1  }
0xa: {  	s6 =	sadd.s32 $0xEE00, s6;
	s7 =	ssub.s32 s7, s31;
	s4 =	sadd.s32 $0x4E00, s5  }
0xb: {  	v0 =	vimm.f32 $1.000000000e+00;
	v1 =	vimm.f32 $0.0e+00;
	s5 =	sadd.s32 s8, s2;
	s8 =	simm.s32 $0x1;
	s7 =	smax.u32 s7, $0x1  }
.LBB2_5:
0xc: {  	s13 =	sadd.s32 $0x1, s13  }
0xd: {  	p1 =	sne.s32 s13, s7  }
.Ltmp1:
0xe: {  	_ = 	snop;
	(pc) =	sbr.rel @!p1 .LBB2_6-.Ltmp1, $1  }
0xf: {  	_ =	sdelay $0x3  }
.LBB2_1:
0x10: {  	[tilespmem:s3], [sflag:$0x1] =	stream.linear.gather [hbm4b:s4+s3], $0x4E80, $0x38;
	[tilespmem:$0x5C80] =	vst v63  }
0x11: {  	_ =	swait.ge [sflag:s8], $0x4E80  }
0x12: {  	[sflag:s8] =	ssyncset.done $0x0  }
0x13: {  	[sflag:s8] =	ssyncadd.s32 $0xFFFFB180  }
0x14: {  	[tilespmem:$0x5000] =	vst v0  }
0x15: {  	[tilespmem:$0x5010] =	vst v0  }
0x16: {  	[tilespmem:$0x5020] =	vst v0  }
0x17: {  	[tilespmem:$0x5030] =	vst v0  }
0x18: {  	[tilespmem:$0x5040] =	vst v0  }
0x19: {  	[tilespmem:$0x5050] =	vst v0  }
0x1a: {  	[tilespmem:$0x5060] =	vst v0  }
0x1b: {  	[tilespmem:$0x5070] =	vst v0  }
0x1c: {  	[tilespmem:$0x5080] =	vst v1  }
0x1d: {  	[tilespmem:$0x5090] =	vst v1  }
0x1e: {  	[tilespmem:$0x50A0] =	vst v1  }
0x1f: {  	[tilespmem:$0x50B0] =	vst v1  }
0x20: {  	[tilespmem:$0x50C0] =	vst v1  }
0x21: {  	[tilespmem:$0x50D0] =	vst v1  }
0x22: {  	[tilespmem:$0x50E0] =	vst v1  }
0x23: {  	[tilespmem:$0x50F0] =	vst v1  }
0x24: {  	[tilespmem:$0x5100] =	vst v1  }
0x25: {  	[tilespmem:$0x5110] =	vst v1  }
0x26: {  	[tilespmem:$0x5120] =	vst v1  }
0x27: {  	[tilespmem:$0x5130] =	vst v1  }
0x28: {  	[tilespmem:$0x5140] =	vst v1  }
0x29: {  	[tilespmem:$0x5150] =	vst v1  }
0x2a: {  	[tilespmem:$0x5160] =	vst v1  }
0x2b: {  	[tilespmem:$0x5170] =	vst v1  }
0x2c: {  	[tilespmem:$0x5180] =	vst v1  }
0x2d: {  	[tilespmem:$0x5190] =	vst v1  }
0x2e: {  	[tilespmem:$0x51A0] =	vst v1  }
0x2f: {  	[tilespmem:$0x51B0] =	vst v1  }
0x30: {  	[tilespmem:$0x51C0] =	vst v1  }
0x31: {  	[tilespmem:$0x51D0] =	vst v1  }
0x32: {  	[tilespmem:$0x51E0] =	vst v1  }
0x33: {  	[tilespmem:$0x51F0] =	vst v1  }
0x34: {  	[tilespmem:$0x5200] =	vst v1  }
0x35: {  	[tilespmem:$0x5210] =	vst v1  }
0x36: {  	[tilespmem:$0x5220] =	vst v1  }
0x37: {  	[tilespmem:$0x5230] =	vst v1  }
0x38: {  	[tilespmem:$0x5240] =	vst v1  }
0x39: {  	[tilespmem:$0x5250] =	vst v1  }
0x3a: {  	[tilespmem:$0x5260] =	vst v1  }
0x3b: {  	[tilespmem:$0x5270] =	vst v1  }
0x3c: {  	[tilespmem:$0x5280] =	vst v1  }
0x3d: {  	[tilespmem:$0x5290] =	vst v1  }
0x3e: {  	[tilespmem:$0x52A0] =	vst v1  }
0x3f: {  	[tilespmem:$0x52B0] =	vst v1  }
0x40: {  	[tilespmem:$0x52C0] =	vst v1  }
0x41: {  	[tilespmem:$0x52D0] =	vst v1  }
0x42: {  	[tilespmem:$0x52E0] =	vst v1  }
0x43: {  	[tilespmem:$0x52F0] =	vst v1  }
0x44: {  	[tilespmem:$0x5300] =	vst v1  }
0x45: {  	[tilespmem:$0x5310] =	vst v1  }
0x46: {  	[tilespmem:$0x5320] =	vst v1  }
0x47: {  	[tilespmem:$0x5330] =	vst v1  }
0x48: {  	[tilespmem:$0x5340] =	vst v1  }
0x49: {  	[tilespmem:$0x5350] =	vst v1  }
0x4a: {  	[tilespmem:$0x5360] =	vst v1  }
0x4b: {  	[tilespmem:$0x5370] =	vst v1  }
0x4c: {  	[tilespmem:$0x5380] =	vst v1  }
0x4d: {  	[tilespmem:$0x5390] =	vst v1  }
0x4e: {  	[tilespmem:$0x53A0] =	vst v1  }
0x4f: {  	[tilespmem:$0x53B0] =	vst v1  }
0x50: {  	[tilespmem:$0x53C0] =	vst v1  }
0x51: {  	[tilespmem:$0x53D0] =	vst v1  }
0x52: {  	[tilespmem:$0x53E0] =	vst v1  }
0x53: {  	[tilespmem:$0x53F0] =	vst v1  }
0x54: {  	[tilespmem:$0x5400] =	vst v1  }
0x55: {  	[tilespmem:$0x5410] =	vst v1  }
0x56: {  	[tilespmem:$0x5420] =	vst v1  }
0x57: {  	[tilespmem:$0x5430] =	vst v1  }
0x58: {  	[tilespmem:$0x5440] =	vst v1  }
0x59: {  	[tilespmem:$0x5450] =	vst v1  }
0x5a: {  	[tilespmem:$0x5460] =	vst v1  }
0x5b: {  	[tilespmem:$0x5470] =	vst v1  }
0x5c: {  	[spmem:s5] =	stream.linear.scatter [tilespmem:s9], [sflag:$0x1], $0x400, $0x38;
	[tilespmem:$0x5C80] =	vst v63  }
0x5d: {  	_ =	swait.ge [sflag:s8], $0x400  }
0x5e: {  	[sflag:s8] =	ssyncset.done $0x0  }
0x5f: {  	[sflag:s8] =	ssyncadd.s32 $0xFFFFFC00  }
0x60: {  	s14 =	simm.s32 $0x0;
	[bflag:$0x0] =	sbarrier.arrive $0xFFFF  }
0x61: {  	[spmem:s2] =	stream.indirect.scatter.add.f32 [tilespmem:s11], [sflag:$0x1], $0x1, s14, s10, $0xb8;
	[tilespmem:$0x5C80] =	vst v63  }
0x62: {  	_ =	swait.ge [sflag:s8], $0x80  }
0x63: {  	s14 =	simm.s32 $0x200;
	[sflag:s8] =	ssyncset.done $0x0  }
.LBB2_2:
0x64: {  	s15 =	sshra.s32 s14, $0x2;
	[sflag:s8] =	ssyncadd.s32 $0xFFFFFF80;
	p1 =	sne.s32 s14, $0x13800  }
0x65: {  	[spmem:s2] =	stream.indirect.scatter.add.f32 [tilespmem:s11], [sflag:$0x1], $0x1, s15, s10, $0xb8;
	[tilespmem:$0x5C80] =	vst v63  }
.Ltmp2:
0x66: {  	_ = 	snop;
	(pc) =	sbr.rel @p1 .LBB2_2-.Ltmp2, $4  }
0x67: {  	_ = 	snop  }
0x68: {  	s14 =	sadd.s32 $0x200, s14  }
0x69: {  	_ =	swait.ge [sflag:s8], $0x80  }
0x6a: {  	[sflag:s8] =	ssyncset.done $0x0  }
.Ltmp3:
0x6b: {  	(pc) =	sbr.rel @p0 .LBB2_5-.Ltmp3, $3  }
0x6c: {  	_ = 	snop  }
0x6d: {  	[sflag:s8] =	ssyncadd.s32 $0xFFFFFF80  }
0x6e: {  	[bflag:$0x0] =	sbarrier.arrive $0xFFFF;
	_ =	sdelay $0x1  }
0x6f: {  	[tilespmem:s9], [sflag:$0x1] =	stream.linear.gather [spmem:s5], $0x400, $0x38;
	[tilespmem:$0x5C80] =	vst v63  }
0x70: {  	_ =	swait.ge [sflag:s8], $0x400  }
0x71: {  	[sflag:s8] =	ssyncset.done $0x0  }
0x72: {  	[sflag:s8] =	ssyncadd.s32 $0xFFFFFC00  }
0x73: {  	v2 =	vld [tilespmem:$0x5080]  }
0x74: {  	v3 =	vld [tilespmem:$0x5090]  }
0x75: {  	v4 =	vld [tilespmem:$0x50A0]  }
0x76: {  	v5 =	vld [tilespmem:$0x50B0]  }
0x77: {  	v6 =	vld [tilespmem:$0x50C0]  }
0x78: {  	v29 =	vld [tilespmem:$0x50F0];
	[tilespmem:$0x5480] =	vst v2  }
0x79: {  	v30 =	vld [tilespmem:$0x5100];
	[tilespmem:$0x5490] =	vst v3  }
0x7a: {  	v2 =	vld [tilespmem:$0x50D0];
	[tilespmem:$0x54A0] =	vst v4  }
0x7b: {  	v3 =	vld [tilespmem:$0x50E0];
	[tilespmem:$0x54B0] =	vst v5  }
0x7c: {  	v31 =	vld [tilespmem:$0x5110];
	[tilespmem:$0x54C0] =	vst v6  }
0x7d: {  	v32 =	vld [tilespmem:$0x5140];
	[tilespmem:$0x54F0] =	vst v29  }
0x7e: {  	v33 =	vld [tilespmem:$0x5150];
	[tilespmem:$0x5500] =	vst v30  }
0x7f: {  	[tilespmem:$0x54D0] =	vst v2;
	v2 =	vld [tilespmem:$0x5120]  }
0x80: {  	[tilespmem:$0x54E0] =	vst v3;
	v3 =	vld [tilespmem:$0x5130]  }
0x81: {  	v34 =	vld [tilespmem:$0x5160];
	[tilespmem:$0x5510] =	vst v31  }
0x82: {  	v35 =	vld [tilespmem:$0x5190];
	[tilespmem:$0x5540] =	vst v32  }
0x83: {  	v36 =	vld [tilespmem:$0x51A0];
	[tilespmem:$0x5550] =	vst v33  }
0x84: {  	[tilespmem:$0x5520] =	vst v2;
	v2 =	vld [tilespmem:$0x5170]  }
0x85: {  	[tilespmem:$0x5530] =	vst v3;
	v3 =	vld [tilespmem:$0x5180]  }
0x86: {  	v37 =	vld [tilespmem:$0x51B0];
	[tilespmem:$0x5560] =	vst v34  }
0x87: {  	v38 =	vld [tilespmem:$0x51E0];
	[tilespmem:$0x5590] =	vst v35  }
0x88: {  	v39 =	vld [tilespmem:$0x51F0];
	[tilespmem:$0x55A0] =	vst v36  }
0x89: {  	[tilespmem:$0x5570] =	vst v2;
	v2 =	vld [tilespmem:$0x51C0]  }
0x8a: {  	[tilespmem:$0x5580] =	vst v3;
	v3 =	vld [tilespmem:$0x51D0]  }
0x8b: {  	v40 =	vld [tilespmem:$0x5200];
	[tilespmem:$0x55B0] =	vst v37  }
0x8c: {  	v41 =	vld [tilespmem:$0x5230];
	[tilespmem:$0x55E0] =	vst v38  }
0x8d: {  	v42 =	vld [tilespmem:$0x5240];
	[tilespmem:$0x55F0] =	vst v39  }
0x8e: {  	[tilespmem:$0x55C0] =	vst v2;
	v2 =	vld [tilespmem:$0x5210]  }
0x8f: {  	[tilespmem:$0x55D0] =	vst v3;
	v3 =	vld [tilespmem:$0x5220]  }
0x90: {  	v43 =	vld [tilespmem:$0x5250];
	[tilespmem:$0x5600] =	vst v40  }
0x91: {  	v44 =	vld [tilespmem:$0x5280];
	[tilespmem:$0x5630] =	vst v41  }
0x92: {  	v45 =	vld [tilespmem:$0x5290];
	[tilespmem:$0x5640] =	vst v42  }
0x93: {  	[tilespmem:$0x5610] =	vst v2;
	v2 =	vld [tilespmem:$0x5260]  }
0x94: {  	[tilespmem:$0x5620] =	vst v3;
	v3 =	vld [tilespmem:$0x5270]  }
0x95: {  	v46 =	vld [tilespmem:$0x52A0];
	[tilespmem:$0x5650] =	vst v43  }
0x96: {  	v47 =	vld [tilespmem:$0x52D0];
	[tilespmem:$0x5680] =	vst v44  }
0x97: {  	v48 =	vld [tilespmem:$0x52E0];
	[tilespmem:$0x5690] =	vst v45  }
0x98: {  	[tilespmem:$0x5660] =	vst v2;
	v2 =	vld [tilespmem:$0x52B0]  }
0x99: {  	[tilespmem:$0x5670] =	vst v3;
	v3 =	vld [tilespmem:$0x52C0]  }
0x9a: {  	v49 =	vld [tilespmem:$0x52F0];
	[tilespmem:$0x56A0] =	vst v46  }
0x9b: {  	v50 =	vld [tilespmem:$0x5320];
	[tilespmem:$0x56D0] =	vst v47  }
0x9c: {  	v51 =	vld [tilespmem:$0x5330];
	[tilespmem:$0x56E0] =	vst v48  }
0x9d: {  	[tilespmem:$0x56B0] =	vst v2;
	v2 =	vld [tilespmem:$0x5300]  }
0x9e: {  	[tilespmem:$0x56C0] =	vst v3;
	v3 =	vld [tilespmem:$0x5310]  }
0x9f: {  	v52 =	vld [tilespmem:$0x5340];
	[tilespmem:$0x56F0] =	vst v49  }
0xa0: {  	v53 =	vld [tilespmem:$0x5370];
	[tilespmem:$0x5720] =	vst v50  }
0xa1: {  	v54 =	vld [tilespmem:$0x5380];
	[tilespmem:$0x5730] =	vst v51  }
0xa2: {  	[tilespmem:$0x5700] =	vst v2;
	v2 =	vld [tilespmem:$0x5350]  }
0xa3: {  	[tilespmem:$0x5710] =	vst v3;
	v3 =	vld [tilespmem:$0x5360]  }
0xa4: {  	v55 =	vld [tilespmem:$0x5390];
	[tilespmem:$0x5740] =	vst v52  }
0xa5: {  	v56 =	vld [tilespmem:$0x53C0];
	[tilespmem:$0x5770] =	vst v53  }
0xa6: {  	v57 =	vld [tilespmem:$0x53D0];
	[tilespmem:$0x5780] =	vst v54  }
0xa7: {  	[tilespmem:$0x5750] =	vst v2;
	v2 =	vld [tilespmem:$0x53A0]  }
0xa8: {  	[tilespmem:$0x5760] =	vst v3;
	v3 =	vld [tilespmem:$0x53B0]  }
0xa9: {  	v58 =	vld [tilespmem:$0x53E0];
	[tilespmem:$0x5790] =	vst v55  }
0xaa: {  	v59 =	vld [tilespmem:$0x5410];
	[tilespmem:$0x57C0] =	vst v56  }
0xab: {  	v60 =	vld [tilespmem:$0x5420];
	[tilespmem:$0x57D0] =	vst v57  }
0xac: {  	[tilespmem:$0x57A0] =	vst v2;
	v2 =	vld [tilespmem:$0x53F0]  }
0xad: {  	[tilespmem:$0x57B0] =	vst v3;
	v3 =	vld [tilespmem:$0x5400]  }
0xae: {  	v61 =	vld [tilespmem:$0x5430];
	[tilespmem:$0x57E0] =	vst v58  }
0xaf: {  	v62 =	vld [tilespmem:$0x5460];
	[tilespmem:$0x5810] =	vst v59  }
0xb0: {  	v63 =	vld [tilespmem:$0x5470];
	[tilespmem:$0x5820] =	vst v60  }
0xb1: {  	[tilespmem:$0x57F0] =	vst v2;
	v2 =	vld [tilespmem:$0x5440]  }
0xb2: {  	[tilespmem:$0x5800] =	vst v3;
	v3 =	vld [tilespmem:$0x5450]  }
0xb3: {  	[tilespmem:$0x5830] =	vst v61  }
0xb4: {  	[tilespmem:$0x5860] =	vst v62  }
0xb5: {  	[tilespmem:$0x5870] =	vst v63  }
0xb6: {  	[tilespmem:$0x5840] =	vst v2  }
.Ltmp4:
0xb7: {  	[tilespmem:$0x5850] =	vst v3;
	(pc) =	sbr.rel .LBB2_5-.Ltmp4, $4  }
0xb8: {  	[hbm4b:s6+s3] =	stream.linear.scatter [tilespmem:s12], [sflag:$0x1], $0x400, $0x38;
	[tilespmem:$0x5C80] =	vst v63  }
0xb9: {  	_ =	swait.ge [sflag:s8], $0x400  }
0xba: {  	[sflag:s8] =	ssyncset.done $0x0  }
0xbb: {  	[sflag:s8] =	ssyncadd.s32 $0xFFFFFC00  }
.LBB2_6:
0xbc: {  	_ =	sfence.sel $0x180000  }
0xbd: {  	[bflag:$0x0] =	sbarrier.arrive $0xFFFF  }
0xbe: {  	p0 =	sne.s32 s1, $0x0;
	_ =	strace $0x90000047  }
0xbf: {  	s0 =	sadd.s32 @!p0 $0x100000, s0;
	[bflag:$0x2] =	sbarrier.arrive $0xFFFF  }
0xc0: {  	[sflag:s0] =	ssyncadd.tile.s32 @!p0 $0x1;
	_ =	shalt  }
.Lfunc_end2:
_tile_overlayer_lowered:
.L_overlay_start_2:
0xc1: {  	(tag) =	ssettag $0x2  }
0xc2: {  	s0 =	rddreg [dreg:$0x0];
	s2 =	stileid.u32  }
0xc3: {  	s1 =	rddreg [dreg:$0x1];
	p0 =	sne.s32 s2, $0x0  }
0xc4: {  	s3 =	rddreg [dreg:$0x2];
	[bflag:$0x3] =	sbarrier.arrive $0xFFFF;
	s2 =	simm.s32 @!p0 $0x1C01  }
0xc5: {  	[timem:s3], [sflag:s2] =	dma.local @!p0 [hbm:s0], s1  }
0xc6: {  	s0 =	simm.s32 @!p0 $0x1  }
0xc7: {  	_ =	swait.ge @!p0 [sflag:s0], s1  }
0xc8: {  	s1 =	ssub.s32 @!p0 $0x0, s1;
	[sflag:s0] =	ssyncset.done @!p0 $0x0  }
0xc9: {  	[sflag:s0] =	ssyncadd.s32 @!p0 s1  }
0xca: {  	[bflag:$0x3] =	sbarrier.arrive $0xFFFF  }
0xcb: {  	_ =	shalt  }

// kernel: kernel.15.cloned.1.call-start
scs
__scs_entry_jumppad:
0x0: {  	(pc) =	sbr.rel $0x88, $3  }
0x1: {  	(tag) =	ssettag $0x0;
	lr =	simm.s32 $0x1  }
0x2: {  	[smem:$0x3F92] =	sst lr;
	_ =	strace $0xD0000000  }
0x3: {  	_ = 	snop  }
0x4: {  	_ = 	snop  }
0x5: {  	_ = 	snop  }
0x6: {  	_ = 	snop  }
0x7: {  	_ = 	snop  }
__scs_overlays_trampoline_lowered:
0x8: {  	[smem:$0x3FA1] =	sst s0  }
0x9: {  	[smem:$0x3FA2] =	sst s1  }
0xa: {  	[smem:$0x3FA3] =	sst s2  }
0xb: {  	[smem:$0x3FA4] =	sst s3  }
0xc: {  	[smem:$0x3FA5] =	sst s4  }
0xd: {  	[smem:$0x3FA6] =	sst s5  }
0xe: {  	[smem:$0x3FA7] =	sst s6  }
0xf: {  	[smem:$0x3FA8] =	sst s7  }
0x10: {  	[smem:$0x3FA9] =	sst s8  }
0x11: {  	[smem:$0x3FAA] =	sst s9;
	s0 =	simm.s32 @!p0 $0x0  }
0x12: {  	s1 =	sld [smem:$0x3F90];
	s0 =	simm.s32 @p0 $0x1  }
0x13: {  	[smem:$0x3FAB] =	sst s0;
	s0 =	simm.s32 @!p1 $0x0  }
0x14: {  	s2 =	sld [smem:$0x3F8F];
	s0 =	simm.s32 @p1 $0x1  }
0x15: {  	[smem:$0x3FAC] =	sst s0;
	s0 =	simm.s32 @!p2 $0x0  }
0x16: {  	s3 =	sld [smem:$0x3FDB];
	s0 =	simm.s32 @p2 $0x1  }
0x17: {  	s4 =	simm.s32 $0x1BF5;
	[smem:$0x3FAE] =	sst s0  }
0x18: {  	s0 =	sld [smem:$0x3F91];
	_ =	swait.ge [sflag:s4], $0x0  }
0x19: {  	s7 =	sld [smem:$0x3F92]  }
0x1a: {  	s8 =	sadd.s32 $0xFFFFE003, lr  }
0x1b: {  	s9 =	sadd.s32 $0xFFFFFEF7, lr;
	s5 =	simm.s32 $0xFFFFFFFF;
	p2 =	slt.u32 s8, $0xFFFFF086  }
0x1c: {  	p1 =	slt.u32 s9, $0xF7A;
	s5 =	simm.s32 @!p2 $0x0  }
0x1d: {  	s5 =	simm.s32 @p1 $0x1;
	p0 =	seq.s32 s7, s2  }
0x1e: {  	s7 =	smul.u32 @!p0 $0xF7A, s2;
	p2 =	seq.s32 @!p0 s5, $0x0  }
0x1f: {  	s9 =	smul.u32 $0xF7A, s1;
	s8 =	simm.s32 @!p0 $0x1BF5;
	p2 =	por !p2, p0  }
0x20: {  	[sflag:s8] =	ssyncset.s32 @!p0 $0xFFFFF086;
	s6 =	sadd.s32 @!p0 s3, s7;
	s7 =	simm.s32 @!p0 $0x108  }
0x21: {  	s3 =	sadd.s32 s3, s9;
	s6 =	sadd.s32 @!p0 $0x88, s6;
	s7 =	simm.s32 @p2 $0x1082  }
0x22: {  	[simem:s7], [sflag:s8] =	dma.local @!p0 [hbm:s6], $0xF7A  }
0x23: {  	s9 =	sor.u32 $0xD0000000, s2;
	s6 =	simm.s32 $0x108;
	_ =	swait.ge @!p0 [sflag:s8], $0x0  }
0x24: {  	s3 =	sadd.s32 $0x88, s3;
	s6 =	simm.s32 @!p1 $0x1082;
	[sflag:s4] =	ssyncset.s32 $0xFFFFF086  }
0x25: {  	[simem:s6], [sflag:s4] =	dma.local [hbm:s3], $0xF7A  }
0x26: {  	[smem:$0x3F92] =	sst s1;
	(tag) =	ssettag s2;
	_ =	strace s9  }
0x27: {  	s1 =	sld [smem:$0x3FA2]  }
0x28: {  	s2 =	sld [smem:$0x3FA3]  }
0x29: {  	s4 =	sld [smem:$0x3FA5]  }
0x2a: {  	p0 =	seq.s32 s5, $0x0;
	s5 =	sld [smem:$0x3FA6]  }
0x2b: {  	s6 =	sld [smem:$0x3FA7]  }
0x2c: {  	s7 =	sld [smem:$0x3FA8]  }
0x2d: {  	s3 =	simm.s32 $0x108;
	s8 =	sld [smem:$0x3FA9]  }
0x2e: {  	s3 =	simm.s32 @!p0 $0x1082;
	s9 =	sld [smem:$0x3FAA]  }
0x2f: {  	lr =	sadd.s32 s0, s3;
	s0 =	sld [smem:$0x3FA1]  }
0x30: {  	s3 =	sld [smem:$0x3FA4]  }
0x31: {  	[smem:$0x3FAD] =	sst s10  }
0x32: {  	s10 =	sld [smem:$0x3FAB];
	_ =	sdelay $0x3  }
0x33: {  	p0 =	seq.s32 s10, $0x1;
	s10 =	sld [smem:$0x3FAD];
	_ =	sdelay $0x3  }
0x34: {  	[smem:$0x3FAD] =	sst s10  }
0x35: {  	s10 =	sld [smem:$0x3FAC];
	_ =	sdelay $0x3  }
0x36: {  	p1 =	seq.s32 s10, $0x1;
	s10 =	sld [smem:$0x3FAD];
	_ =	sdelay $0x3  }
0x37: {  	[smem:$0x3FAD] =	sst s10  }
0x38: {  	s10 =	sld [smem:$0x3FAE]  }
0x39: {  	_ = 	snop;
	(pc) =	sbr.ind lr, $3  }
0x3a: {  	_ = 	snop  }
0x3b: {  	_ = 	snop  }
0x3c: {  	p2 =	seq.s32 s10, $0x1;
	s10 =	sld [smem:$0x3FAD]  }
0x3d: {  	_ =	shalt  }
0x3e: {  	_ =	shalt  }
0x3f: {  	_ =	shalt  }
0x40: {  	_ =	shalt  }
0x41: {  	_ =	shalt  }
0x42: {  	_ =	shalt  }
0x43: {  	_ =	shalt  }
0x44: {  	_ =	shalt  }
0x45: {  	_ =	shalt  }
0x46: {  	_ =	shalt  }
0x47: {  	_ =	shalt  }
0x48: {  	_ =	shalt  }
0x49: {  	_ =	shalt  }
0x4a: {  	_ =	shalt  }
0x4b: {  	_ =	shalt  }
0x4c: {  	_ =	shalt  }
0x4d: {  	_ =	shalt  }
0x4e: {  	_ =	shalt  }
0x4f: {  	_ =	shalt  }
0x50: {  	_ =	shalt  }
0x51: {  	_ =	shalt  }
0x52: {  	_ =	shalt  }
0x53: {  	_ =	shalt  }
0x54: {  	_ =	shalt  }
0x55: {  	_ =	shalt  }
0x56: {  	_ =	shalt  }
0x57: {  	_ =	shalt  }
0x58: {  	_ =	shalt  }
0x59: {  	_ =	shalt  }
0x5a: {  	_ =	shalt  }
0x5b: {  	_ =	shalt  }
0x5c: {  	_ =	shalt  }
0x5d: {  	_ =	shalt  }
0x5e: {  	_ =	shalt  }
0x5f: {  	_ =	shalt  }
0x60: {  	_ =	shalt  }
0x61: {  	_ =	shalt  }
0x62: {  	_ =	shalt  }
0x63: {  	_ =	shalt  }
0x64: {  	_ =	shalt  }
0x65: {  	_ =	shalt  }
0x66: {  	_ =	shalt  }
0x67: {  	_ =	shalt  }
0x68: {  	_ =	shalt  }
0x69: {  	_ =	shalt  }
0x6a: {  	_ =	shalt  }
0x6b: {  	_ =	shalt  }
0x6c: {  	_ =	shalt  }
0x6d: {  	_ =	shalt  }
0x6e: {  	_ =	shalt  }
0x6f: {  	_ =	shalt  }
0x70: {  	_ =	shalt  }
0x71: {  	_ =	shalt  }
0x72: {  	_ =	shalt  }
0x73: {  	_ =	shalt  }
0x74: {  	_ =	shalt  }
0x75: {  	_ =	shalt  }
0x76: {  	_ =	shalt  }
0x77: {  	_ =	shalt  }
0x78: {  	_ =	shalt  }
0x79: {  	_ =	shalt  }
0x7a: {  	_ =	shalt  }
0x7b: {  	_ =	shalt  }
0x7c: {  	_ =	shalt  }
0x7d: {  	_ =	shalt  }
0x7e: {  	_ =	shalt  }
0x7f: {  	_ =	shalt  }
0x80: {  	_ =	shalt  }
0x81: {  	_ =	shalt  }
0x82: {  	_ =	shalt  }
0x83: {  	_ =	shalt  }
0x84: {  	_ =	shalt  }
0x85: {  	_ =	shalt  }
0x86: {  	_ =	shalt  }
0x87: {  	_ =	shalt  }
.Lfunc_end0:
.L_simem_size_0:
called_computation.1_lowered:
.L_overlay_start_0:
0x88: {  	s2 =	sld [smem:$0x3FD9]  }
0x89: {  	s3 =	sld [smem:$0x3FFE];
	_ =	sdelay $0x1  }
0x8a: {  	s1 =	srdreg.scid  }
0x8b: {  	s0 =	sand.u32 $0x1, s1  }
0x8c: {  	s16 =	sshll.u32 s0, $0xA;
	s2 =	sadd.s32 s3, s2  }
0x8d: {  	s2 =	sadd.s32 s2, s16  }
0x8e: {  	[smem:$0x3FB9] =	sst s2  }
0x8f: {  	_ = 	snop  }
0x90: {  	(tm) =	ssettm $0x1  }
0x91: {  	s17 =	sld [smem:$0x3FFB];
	_ =	sdelay $0x3  }
0x92: {  	_ =	strace s17  }
0x93: {  	s2 =	sld [smem:$0x3FFC];
	_ =	sdelay $0x3  }
0x94: {  	_ =	strace s2  }
0x95: {  	s2 =	sld [smem:$0x3FFD];
	_ =	sdelay $0x3  }
0x96: {  	_ =	strace s2  }
0x97: {  	_ =	strace $0x8FFFFFFF  }
0x98: {  	s18 =	sld [smem:$0x3FDB];
	_ =	sdelay $0x1  }
0x99: {  	s19 =	simm.s32 $_scs_section_size  }
0x9a: {  	s4 =	simm.s32 $_size__tile_overlayer_lowered;
	s5 =	simm.s32 $_tile_overlayer_lowered  }
0x9b: {  	s22 =	simm.s32 $0x1BFF;
	s21 =	sshll.u32 s5, $0x1;
	s2 =	sadd.s32 s19, s18  }
0x9c: {  	s6 =	simm.s32 $0x0;
	s20 =	sshll.u32 s4, $0x1;
	s4 =	sadd.s32 s21, s2  }
0x9d: {  	[timem:s6], [sflag:s22] =	dma.local [hbm:s4], s20  }
0x9e: {  	_ =	swait.ge [sflag:s22], s20  }
0x9f: {  	s3 =	ssub.s32 $0x0, s20;
	[sflag:s22] =	ssyncset.done $0x0  }
0xa0: {  	[sflag:s22] =	ssyncadd.s32 s3;
	_ =	sdelay $0x1  }
0xa1: {  	s23 =	simm.s32 $0x1B8B  }
0xa2: {  	_ =	swait.ge [sflag:s23], $0x1  }
0xa3: {  	[sflag:s23] =	ssyncset.done $0x0  }
0xa4: {  	s25 =	simm.s32 $0x1B8E;
	s24 =	sld [smem:$0x3FFE];
	[sflag:s23] =	ssyncadd.s32 $0xFFFFFFFF  }
0xa5: {  	s26 =	simm.s32 $execute0_lowered;
	[smem:$0x3FD2] =	sst s25  }
0xa6: {  	s4 =	sshll.u32 s26, $0x1;
	_ =	strace $0x80000049;
	[dreg:$0x1] =	wrdreg $0xFFFFFFFF  }
0xa7: {  	s28 =	simm.s32 $_size_execute0_lowered;
	s2 =	sadd.s32 s2, s4;
	[dreg:$0x0] =	wrdreg $0x0  }
0xa8: {  	s4 =	sshll.u32 s28, $0x1;
	[dreg:$0x2] =	wrdreg s2  }
0xa9: {  	[dreg:$0x3] =	wrdreg s4  }
0xaa: {  	[dreg:$0x4] =	wrdreg $0xC0  }
0xab: {  	_ =	task [dreg:s6], $0x5FFFF  }
0xac: {  	[dreg:$0x1] =	wrdreg $0xFFFFFFFF  }
0xad: {  	[dreg:$0x0] =	wrdreg $0x60  }
0xae: {  	[dreg:$0x2] =	wrdreg s24  }
0xaf: {  	[dreg:$0x3] =	wrdreg $0x120000  }
0xb0: {  	[dreg:$0x4] =	wrdreg $0x9  }
0xb1: {  	_ =	task.clear_ibuf [dreg:s6], $0x5FFFF;
	_ =	strace $0x90000049  }
0xb2: {  	s29 =	simm.s32 $0x9;
	_ =	strace $0x8000004B  }
0xb3: {  	_ =	swait.ge [sflag:s29], $0x1  }
0xb4: {  	[sflag:s29] =	ssyncadd.s32 $0xFFFFFFFF  }
0xb5: {  	_ =	strace $0x9000004B  }
0xb6: {  	_ =	sfence  }
0xb7: {  	s30 =	sld [smem:$0x0];
	_ =	sdelay $0x2  }
0xb8: {  	s31 =	sshll.u32 s1, $0xD;
	s1 =	sshrl.u32 s1, $0x2  }
0xb9: {  	s3 =	sand.u32 $0x4000, s31;
	s1 =	sadd.s32 s1, s30  }
0xba: {  	s0 =	sor.u32 s3, s0;
	s1 =	sshll.u32 s1, $0x11  }
0xbb: {  	s0 =	sor.u32 s1, s0  }
0xbc: {  	s0 =	sadd.s32 $0x8F2B, s0  }
0xbd: {  	[sflag:s0] =	ssyncadd.remote.s32 $0x1  }
0xbe: {  	_ =	sfence.sel $0xFFFF  }
0xbf: {  	[dreg:$0x0] =	wrdreg $0xFFFFFFFF;
	(pc) =	sbr.abs _section_cstart, $3  }
0xc0: {  	[dreg:$0x1] =	wrdreg $0xFFFFFFFF  }
0xc1: {  	_ =	task.clear_ibuf [dreg:s6], $0x2FFFF;
	_ =	strace $0x9FFFFFFF  }
0xc2: {  	(tm) =	ssettm $0x7FFFFFFF  }
0xc3: {  	_ =	shalt  }
tec
execute0_lowered:
.L_overlay_start_1:
0x0: {  	(tag) =	ssettag $0x1  }
0x1: {  	s6 =	rddreg [dreg:$0x0];
	s1 =	stileid.u32  }
0x2: {  	s2 =	rddreg [dreg:$0x1];
	s12 =	smul.u32 $0xA00, s1  }
0x3: {  	s0 =	rddreg [dreg:$0x2];
	s11 =	smul.u32 $0x140, s1  }
0x4: {  	s4 =	srdreg.scid;
	s3 =	simm.s32 $0x0;
	s13 =	smul.u32 $0x28000, s1  }
0x5: {  	s16 =	simm.s32 $0xA000;
	s7 =	sand.u32 $0x1, s4;
	s18 =	smul.u32 $0x1400, s1  }
0x6: {  	s17 =	simm.s32 $0x1;
	[smem:$0x7FF] =	sst s3;
	s5 =	smul.u32 $0xA000, s7  }
0x7: {  	s4 =	sadd.s32 $0x2D600, s6;
	s10 =	smul.u32 $0x14000, s7;
	s7 =	ssub.s32 $0x2, s7  }
0x8: {  	_ =	strace $0x8000004A;
	s8 =	sadd.s32 s12, s6;
	s26 =	sshrl.u32 s7, $0x1  }
0x9: {  	s28 =	sshrl.u32 s13, $0x2;
	s29 =	sadd.s32 $0x80, s11;
	s11 =	sadd.s32 $0x100, s11  }
0xa: {  	s13 =	simm.s32 $0x5000;
	s9 =	sadd.s32 s5, s6;
	s5 =	sadd.s32 $0x4E00, s6  }
0xb: {  	s10 =	sadd.s32 s10, s6;
	s14 =	ssub.s32 s7, s26;
	s6 =	sadd.s32 $0xF600, s8  }
0xc: {  	s7 =	sadd.s32 s28, s2;
	s30 =	sshll.u32 s29, $0x7;
	s31 =	sshll.u32 s11, $0x7  }
0xd: {  	s19 =	sshll.u32 s29, $0x4;
	s21 =	sshll.u32 s11, $0x4;
	s11 =	simm.s32 $0x2  }
0xe: {  	s15 =	sadd.s32 $0x19600, s9;
	s8 =	sadd.s32 s30, s2;
	s9 =	sadd.s32 s31, s2  }
0xf: {  	s20 =	sadd.s32 $0x54800, s10;
	s10 =	smax.u32 s14, $0x1;
	s14 =	simm.s32 $0xE000  }
0x10: {  	s12 =	sadd.s32 s12, s15;
	s15 =	simm.s32 $0x80;
	s18 =	sadd.s32 s18, s20  }
0x11: {  	s19 =	sadd.s32 s19, s20;
	s20 =	sadd.s32 s21, s20;
	s21 =	simm.s32 $0x0  }
.LBB2_1:
0x12: {  	[tilespmem:s3], [sflag:$0x2] =	stream.linear.gather [hbm4b:s6+s3], $0x4E80, $0x38;
	[tilespmem:$0x1C000] =	vst v63  }
0x13: {  	_ =	swait.ge [sflag:s11], $0x4E80  }
0x14: {  	[sflag:s11] =	ssyncset.done $0x0  }
0x15: {  	[sflag:s11] =	ssyncadd.s32 $0xFFFFB180  }
0x16: {  	[tilespmem:s13], [sflag:$0x2] =	stream.linear.gather [hbm4b:s12+s3], $0x4E80, $0x38;
	[tilespmem:$0x1C000] =	vst v63  }
0x17: {  	_ =	swait.ge [sflag:s11], $0x4E80  }
0x18: {  	[sflag:s11] =	ssyncset.done $0x0  }
0x19: {  	[sflag:s11] =	ssyncadd.s32 $0xFFFFB180  }
0x1a: {  	[tilespmem:s14], [sflag:$0x2] =	stream.linear.gather [hbm4b:s5+s3], $0x4000, $0x38;
	[tilespmem:$0x1C000] =	vst v63  }
0x1b: {  	_ =	swait.ge [sflag:s11], $0x4000  }
0x1c: {  	[sflag:s11] =	ssyncset.done $0x0  }
0x1d: {  	[sflag:s11] =	ssyncadd.s32 $0xFFFFC000  }
0x1e: {  	[spmem:s7] =	stream.linear.scatter [tilespmem:s14], [sflag:$0x2], $0x4000, $0x38;
	[tilespmem:$0x1C000] =	vst v63  }
0x1f: {  	_ =	swait.ge [sflag:s11], $0x4000  }
0x20: {  	[sflag:s11] =	ssyncset.done $0x0  }
0x21: {  	[sflag:s11] =	ssyncadd.s32 $0xFFFFC000  }
0x22: {  	[spmem:s8] =	stream.linear.scatter [tilespmem:s14], [sflag:$0x2], $0x4000, $0x38;
	[tilespmem:$0x1C000] =	vst v63  }
0x23: {  	_ =	swait.ge [sflag:s11], $0x4000  }
0x24: {  	[sflag:s11] =	ssyncset.done $0x0  }
0x25: {  	[sflag:s11] =	ssyncadd.s32 $0xFFFFC000  }
0x26: {  	[spmem:s9] =	stream.linear.scatter [tilespmem:s14], [sflag:$0x2], $0x2000, $0x38;
	[tilespmem:$0x1C000] =	vst v63  }
0x27: {  	_ =	swait.ge [sflag:s11], $0x2000  }
0x28: {  	[sflag:s11] =	ssyncset.done $0x0  }
0x29: {  	[sflag:s11] =	ssyncadd.s32 $0xFFFFE000  }
0x2a: {  	s22 =	simm.s32 $0x0;
	[bflag:$0x0] =	sbarrier.arrive $0xFFFF  }
0x2b: {  	[tilespmem:s16], [sflag:$0x1] =	stream.indirect.gather [hbm4b:s4+s15], $0x80, s22, s15, $0xb8;
	[tilespmem:$0x1C000] =	vst v63  }
0x2c: {  	_ =	swait.ge [sflag:s17], $0x4000  }
0x2d: {  	[sflag:s17] =	ssyncset.done $0x0  }
0x2e: {  	s31 =	simm.s32 $0x5000;
	[sflag:s17] =	ssyncadd.s32 $0xFFFFC000  }
0x2f: {  	[spmem:s2] =	stream.indirect.scatter.add.f32 [tilespmem:s16], [sflag:$0x2], $0x80, s31, s15, $0xb8;
	[tilespmem:$0x1C000] =	vst v63  }
0x30: {  	_ =	swait.ge [sflag:s11], $0x4000  }
0x31: {  	s23 =	simm.s32 $0x400;
	s22 =	simm.s32 $0x200;
	[sflag:s11] =	ssyncset.done $0x0  }
.LBB2_2:
0x32: {  	s24 =	sshra.s32 s22, $0x2  }
0x33: {  	[sflag:s11] =	ssyncadd.s32 $0xFFFFC000;
	s22 =	smov.u32 s23;
	s25 =	sadd.s32 $0x200, s23  }
0x34: {  	[tilespmem:s16], [sflag:$0x1] =	stream.indirect.gather [hbm4b:s4+s15], $0x80, s24, s15, $0xb8;
	[tilespmem:$0x1C000] =	vst v63  }
0x35: {  	p0 =	sne.s32 s23, $0x13800;
	_ =	swait.ge [sflag:s17], $0x4000  }
.Ltmp0:
0x36: {  	[sflag:s17] =	ssyncset.done $0x0;
	(pc) =	sbr.rel @p0 .LBB2_2-.Ltmp0, $4  }
0x37: {  	s23 =	sadd.s32 $0x5000, s24;
	[sflag:s17] =	ssyncadd.s32 $0xFFFFC000  }
0x38: {  	[spmem:s2] =	stream.indirect.scatter.add.f32 [tilespmem:s16], [sflag:$0x2], $0x80, s23, s15, $0xb8;
	[tilespmem:$0x1C000] =	vst v63  }
0x39: {  	_ =	swait.ge [sflag:s11], $0x4000  }
0x3a: {  	s23 =	smov.u32 s25;
	[sflag:s11] =	ssyncset.done $0x0  }
0x3b: {  	s22 =	sshra.s32 s22, $0x2;
	[sflag:s11] =	ssyncadd.s32 $0xFFFFC000  }
0x3c: {  	[tilespmem:s16], [sflag:$0x1] =	stream.indirect.gather [hbm4b:s4+s15], $0x80, s22, s15, $0xb8;
	[tilespmem:$0x1C000] =	vst v63  }
0x3d: {  	_ =	swait.ge [sflag:s17], $0x4000  }
0x3e: {  	[sflag:s17] =	ssyncset.done $0x0  }
0x3f: {  	s22 =	sadd.s32 $0x5000, s22;
	[sflag:s17] =	ssyncadd.s32 $0xFFFFC000  }
0x40: {  	[spmem:s2] =	stream.indirect.scatter.add.f32 [tilespmem:s16], [sflag:$0x2], $0x80, s22, s15, $0xb8;
	[tilespmem:$0x1C000] =	vst v63  }
0x41: {  	_ =	swait.ge [sflag:s11], $0x4000  }
0x42: {  	[sflag:s11] =	ssyncset.done $0x0  }
0x43: {  	[sflag:s11] =	ssyncadd.s32 $0xFFFFC000  }
0x44: {  	[bflag:$0x0] =	sbarrier.arrive $0xFFFF  }
0x45: {  	[tilespmem:s14], [sflag:$0x2] =	stream.linear.gather [spmem:s7], $0x4000, $0x38;
	[tilespmem:$0x1C000] =	vst v63  }
0x46: {  	_ =	swait.ge [sflag:s11], $0x4000  }
0x47: {  	[sflag:s11] =	ssyncset.done $0x0  }
0x48: {  	[sflag:s11] =	ssyncadd.s32 $0xFFFFC000  }
0x49: {  	[hbm4b:s18+s3] =	stream.linear.scatter [tilespmem:s14], [sflag:$0x2], $0x4000, $0x38;
	[tilespmem:$0x1C000] =	vst v63  }
0x4a: {  	_ =	swait.ge [sflag:s11], $0x4000  }
0x4b: {  	[sflag:s11] =	ssyncset.done $0x0  }
0x4c: {  	[sflag:s11] =	ssyncadd.s32 $0xFFFFC000  }
0x4d: {  	[tilespmem:s14], [sflag:$0x2] =	stream.linear.gather [spmem:s8], $0x4000, $0x38;
	[tilespmem:$0x1C000] =	vst v63  }
0x4e: {  	_ =	swait.ge [sflag:s11], $0x4000  }
0x4f: {  	[sflag:s11] =	ssyncset.done $0x0  }
0x50: {  	[sflag:s11] =	ssyncadd.s32 $0xFFFFC000  }
0x51: {  	[hbm4b:s19+s3] =	stream.linear.scatter [tilespmem:s14], [sflag:$0x2], $0x4000, $0x38;
	[tilespmem:$0x1C000] =	vst v63  }
0x52: {  	_ =	swait.ge [sflag:s11], $0x4000  }
0x53: {  	[sflag:s11] =	ssyncset.done $0x0  }
0x54: {  	[sflag:s11] =	ssyncadd.s32 $0xFFFFC000  }
0x55: {  	[tilespmem:s14], [sflag:$0x2] =	stream.linear.gather [spmem:s9], $0x2000, $0x38;
	[tilespmem:$0x1C000] =	vst v63  }
0x56: {  	s21 =	sadd.s32 $0x1, s21;
	_ =	swait.ge [sflag:s11], $0x2000  }
0x57: {  	p0 =	sne.s32 s21, s10;
	[sflag:s11] =	ssyncset.done $0x0  }
.Ltmp1:
0x58: {  	[sflag:s11] =	ssyncadd.s32 $0xFFFFE000;
	(pc) =	sbr.rel @p0 .LBB2_1-.Ltmp1, $4  }
0x59: {  	[hbm4b:s20+s3] =	stream.linear.scatter [tilespmem:s14], [sflag:$0x2], $0x2000, $0x38;
	[tilespmem:$0x1C000] =	vst v63  }
0x5a: {  	_ =	swait.ge [sflag:s11], $0x2000  }
0x5b: {  	[sflag:s11] =	ssyncset.done $0x0  }
0x5c: {  	[sflag:s11] =	ssyncadd.s32 $0xFFFFE000  }
0x5d: {  	_ =	sfence.sel $0x180000  }
0x5e: {  	[bflag:$0x0] =	sbarrier.arrive $0xFFFF  }
0x5f: {  	p0 =	sne.s32 s1, $0x0;
	_ =	strace $0x9000004A  }
0x60: {  	s0 =	sadd.s32 @!p0 $0x100000, s0;
	[bflag:$0x2] =	sbarrier.arrive $0xFFFF  }
0x61: {  	[sflag:s0] =	ssyncadd.tile.s32 @!p0 $0x1;
	_ =	shalt  }
.Lfunc_end2:
_tile_overlayer_lowered:
.L_overlay_start_2:
0x62: {  	(tag) =	ssettag $0x2  }
0x63: {  	s0 =	rddreg [dreg:$0x0];
	s2 =	stileid.u32  }
0x64: {  	s1 =	rddreg [dreg:$0x1];
	p0 =	sne.s32 s2, $0x0  }
0x65: {  	s3 =	rddreg [dreg:$0x2];
	[bflag:$0x3] =	sbarrier.arrive $0xFFFF;
	s2 =	simm.s32 @!p0 $0x1C02  }
0x66: {  	[timem:s3], [sflag:s2] =	dma.local @!p0 [hbm:s0], s1  }
0x67: {  	s0 =	simm.s32 @!p0 $0x2  }
0x68: {  	_ =	swait.ge @!p0 [sflag:s0], s1  }
0x69: {  	s1 =	ssub.s32 @!p0 $0x0, s1;
	[sflag:s0] =	ssyncset.done @!p0 $0x0  }
0x6a: {  	[sflag:s0] =	ssyncadd.s32 @!p0 s1  }
0x6b: {  	[bflag:$0x3] =	sbarrier.arrive $0xFFFF  }
0x6c: {  	_ =	shalt  }

// kernel: kernel.18.cloned.1.call-start
scs
__scs_entry_jumppad:
0x0: {  	(pc) =	sbr.rel $0x88, $3  }
0x1: {  	(tag) =	ssettag $0x0;
	lr =	simm.s32 $0x1  }
0x2: {  	[smem:$0x3F92] =	sst lr;
	_ =	strace $0xD0000000  }
0x3: {  	_ = 	snop  }
0x4: {  	_ = 	snop  }
0x5: {  	_ = 	snop  }
0x6: {  	_ = 	snop  }
0x7: {  	_ = 	snop  }
__scs_overlays_trampoline_lowered:
0x8: {  	[smem:$0x3FA1] =	sst s0  }
0x9: {  	[smem:$0x3FA2] =	sst s1  }
0xa: {  	[smem:$0x3FA3] =	sst s2  }
0xb: {  	[smem:$0x3FA4] =	sst s3  }
0xc: {  	[smem:$0x3FA5] =	sst s4  }
0xd: {  	[smem:$0x3FA6] =	sst s5  }
0xe: {  	[smem:$0x3FA7] =	sst s6  }
0xf: {  	[smem:$0x3FA8] =	sst s7  }
0x10: {  	[smem:$0x3FA9] =	sst s8  }
0x11: {  	[smem:$0x3FAA] =	sst s9;
	s0 =	simm.s32 @!p0 $0x0  }
0x12: {  	s1 =	sld [smem:$0x3F90];
	s0 =	simm.s32 @p0 $0x1  }
0x13: {  	[smem:$0x3FAB] =	sst s0;
	s0 =	simm.s32 @!p1 $0x0  }
0x14: {  	s2 =	sld [smem:$0x3F8F];
	s0 =	simm.s32 @p1 $0x1  }
0x15: {  	[smem:$0x3FAC] =	sst s0;
	s0 =	simm.s32 @!p2 $0x0  }
0x16: {  	s3 =	sld [smem:$0x3FDB];
	s0 =	simm.s32 @p2 $0x1  }
0x17: {  	s4 =	simm.s32 $0x1BF5;
	[smem:$0x3FAE] =	sst s0  }
0x18: {  	s0 =	sld [smem:$0x3F91];
	_ =	swait.ge [sflag:s4], $0x0  }
0x19: {  	s7 =	sld [smem:$0x3F92]  }
0x1a: {  	s8 =	sadd.s32 $0xFFFFE003, lr  }
0x1b: {  	s9 =	sadd.s32 $0xFFFFFEF7, lr;
	s5 =	simm.s32 $0xFFFFFFFF;
	p2 =	slt.u32 s8, $0xFFFFF086  }
0x1c: {  	p1 =	slt.u32 s9, $0xF7A;
	s5 =	simm.s32 @!p2 $0x0  }
0x1d: {  	s5 =	simm.s32 @p1 $0x1;
	p0 =	seq.s32 s7, s2  }
0x1e: {  	s7 =	smul.u32 @!p0 $0xF7A, s2;
	p2 =	seq.s32 @!p0 s5, $0x0  }
0x1f: {  	s9 =	smul.u32 $0xF7A, s1;
	s8 =	simm.s32 @!p0 $0x1BF5;
	p2 =	por !p2, p0  }
0x20: {  	[sflag:s8] =	ssyncset.s32 @!p0 $0xFFFFF086;
	s6 =	sadd.s32 @!p0 s3, s7;
	s7 =	simm.s32 @!p0 $0x108  }
0x21: {  	s3 =	sadd.s32 s3, s9;
	s6 =	sadd.s32 @!p0 $0x88, s6;
	s7 =	simm.s32 @p2 $0x1082  }
0x22: {  	[simem:s7], [sflag:s8] =	dma.local @!p0 [hbm:s6], $0xF7A  }
0x23: {  	s9 =	sor.u32 $0xD0000000, s2;
	s6 =	simm.s32 $0x108;
	_ =	swait.ge @!p0 [sflag:s8], $0x0  }
0x24: {  	s3 =	sadd.s32 $0x88, s3;
	s6 =	simm.s32 @!p1 $0x1082;
	[sflag:s4] =	ssyncset.s32 $0xFFFFF086  }
0x25: {  	[simem:s6], [sflag:s4] =	dma.local [hbm:s3], $0xF7A  }
0x26: {  	[smem:$0x3F92] =	sst s1;
	(tag) =	ssettag s2;
	_ =	strace s9  }
0x27: {  	s1 =	sld [smem:$0x3FA2]  }
0x28: {  	s2 =	sld [smem:$0x3FA3]  }
0x29: {  	s4 =	sld [smem:$0x3FA5]  }
0x2a: {  	p0 =	seq.s32 s5, $0x0;
	s5 =	sld [smem:$0x3FA6]  }
0x2b: {  	s6 =	sld [smem:$0x3FA7]  }
0x2c: {  	s7 =	sld [smem:$0x3FA8]  }
0x2d: {  	s3 =	simm.s32 $0x108;
	s8 =	sld [smem:$0x3FA9]  }
0x2e: {  	s3 =	simm.s32 @!p0 $0x1082;
	s9 =	sld [smem:$0x3FAA]  }
0x2f: {  	lr =	sadd.s32 s0, s3;
	s0 =	sld [smem:$0x3FA1]  }
0x30: {  	s3 =	sld [smem:$0x3FA4]  }
0x31: {  	[smem:$0x3FAD] =	sst s10  }
0x32: {  	s10 =	sld [smem:$0x3FAB];
	_ =	sdelay $0x3  }
0x33: {  	p0 =	seq.s32 s10, $0x1;
	s10 =	sld [smem:$0x3FAD];
	_ =	sdelay $0x3  }
0x34: {  	[smem:$0x3FAD] =	sst s10  }
0x35: {  	s10 =	sld [smem:$0x3FAC];
	_ =	sdelay $0x3  }
0x36: {  	p1 =	seq.s32 s10, $0x1;
	s10 =	sld [smem:$0x3FAD];
	_ =	sdelay $0x3  }
0x37: {  	[smem:$0x3FAD] =	sst s10  }
0x38: {  	s10 =	sld [smem:$0x3FAE]  }
0x39: {  	_ = 	snop;
	(pc) =	sbr.ind lr, $3  }
0x3a: {  	_ = 	snop  }
0x3b: {  	_ = 	snop  }
0x3c: {  	p2 =	seq.s32 s10, $0x1;
	s10 =	sld [smem:$0x3FAD]  }
0x3d: {  	_ =	shalt  }
0x3e: {  	_ =	shalt  }
0x3f: {  	_ =	shalt  }
0x40: {  	_ =	shalt  }
0x41: {  	_ =	shalt  }
0x42: {  	_ =	shalt  }
0x43: {  	_ =	shalt  }
0x44: {  	_ =	shalt  }
0x45: {  	_ =	shalt  }
0x46: {  	_ =	shalt  }
0x47: {  	_ =	shalt  }
0x48: {  	_ =	shalt  }
0x49: {  	_ =	shalt  }
0x4a: {  	_ =	shalt  }
0x4b: {  	_ =	shalt  }
0x4c: {  	_ =	shalt  }
0x4d: {  	_ =	shalt  }
0x4e: {  	_ =	shalt  }
0x4f: {  	_ =	shalt  }
0x50: {  	_ =	shalt  }
0x51: {  	_ =	shalt  }
0x52: {  	_ =	shalt  }
0x53: {  	_ =	shalt  }
0x54: {  	_ =	shalt  }
0x55: {  	_ =	shalt  }
0x56: {  	_ =	shalt  }
0x57: {  	_ =	shalt  }
0x58: {  	_ =	shalt  }
0x59: {  	_ =	shalt  }
0x5a: {  	_ =	shalt  }
0x5b: {  	_ =	shalt  }
0x5c: {  	_ =	shalt  }
0x5d: {  	_ =	shalt  }
0x5e: {  	_ =	shalt  }
0x5f: {  	_ =	shalt  }
0x60: {  	_ =	shalt  }
0x61: {  	_ =	shalt  }
0x62: {  	_ =	shalt  }
0x63: {  	_ =	shalt  }
0x64: {  	_ =	shalt  }
0x65: {  	_ =	shalt  }
0x66: {  	_ =	shalt  }
0x67: {  	_ =	shalt  }
0x68: {  	_ =	shalt  }
0x69: {  	_ =	shalt  }
0x6a: {  	_ =	shalt  }
0x6b: {  	_ =	shalt  }
0x6c: {  	_ =	shalt  }
0x6d: {  	_ =	shalt  }
0x6e: {  	_ =	shalt  }
0x6f: {  	_ =	shalt  }
0x70: {  	_ =	shalt  }
0x71: {  	_ =	shalt  }
0x72: {  	_ =	shalt  }
0x73: {  	_ =	shalt  }
0x74: {  	_ =	shalt  }
0x75: {  	_ =	shalt  }
0x76: {  	_ =	shalt  }
0x77: {  	_ =	shalt  }
0x78: {  	_ =	shalt  }
0x79: {  	_ =	shalt  }
0x7a: {  	_ =	shalt  }
0x7b: {  	_ =	shalt  }
0x7c: {  	_ =	shalt  }
0x7d: {  	_ =	shalt  }
0x7e: {  	_ =	shalt  }
0x7f: {  	_ =	shalt  }
0x80: {  	_ =	shalt  }
0x81: {  	_ =	shalt  }
0x82: {  	_ =	shalt  }
0x83: {  	_ =	shalt  }
0x84: {  	_ =	shalt  }
0x85: {  	_ =	shalt  }
0x86: {  	_ =	shalt  }
0x87: {  	_ =	shalt  }
.Lfunc_end0:
.L_simem_size_0:
called_computation.2_lowered:
.L_overlay_start_0:
0x88: {  	s2 =	sld [smem:$0x3FD9]  }
0x89: {  	s3 =	sld [smem:$0x3FFE];
	_ =	sdelay $0x1  }
0x8a: {  	s1 =	srdreg.scid  }
0x8b: {  	s0 =	sand.u32 $0x1, s1  }
0x8c: {  	s16 =	sshll.u32 s0, $0xA;
	s2 =	sadd.s32 s3, s2  }
0x8d: {  	s2 =	sadd.s32 s2, s16  }
0x8e: {  	[smem:$0x3FB9] =	sst s2  }
0x8f: {  	_ = 	snop  }
0x90: {  	(tm) =	ssettm $0x1  }
0x91: {  	s17 =	sld [smem:$0x3FFB];
	_ =	sdelay $0x3  }
0x92: {  	_ =	strace s17  }
0x93: {  	s2 =	sld [smem:$0x3FFC];
	_ =	sdelay $0x3  }
0x94: {  	_ =	strace s2  }
0x95: {  	s2 =	sld [smem:$0x3FFD];
	_ =	sdelay $0x3  }
0x96: {  	_ =	strace s2  }
0x97: {  	_ =	strace $0x8FFFFFFF  }
0x98: {  	s18 =	sld [smem:$0x3FDB];
	_ =	sdelay $0x1  }
0x99: {  	s19 =	simm.s32 $_scs_section_size  }
0x9a: {  	s4 =	simm.s32 $_size__tile_overlayer_lowered;
	s5 =	simm.s32 $_tile_overlayer_lowered  }
0x9b: {  	s22 =	simm.s32 $0x1BFF;
	s21 =	sshll.u32 s5, $0x1;
	s2 =	sadd.s32 s19, s18  }
0x9c: {  	s6 =	simm.s32 $0x0;
	s20 =	sshll.u32 s4, $0x1;
	s4 =	sadd.s32 s21, s2  }
0x9d: {  	[timem:s6], [sflag:s22] =	dma.local [hbm:s4], s20  }
0x9e: {  	_ =	swait.ge [sflag:s22], s20  }
0x9f: {  	s3 =	ssub.s32 $0x0, s20;
	[sflag:s22] =	ssyncset.done $0x0  }
0xa0: {  	[sflag:s22] =	ssyncadd.s32 s3;
	_ =	sdelay $0x1  }
0xa1: {  	s23 =	simm.s32 $0x1B8B  }
0xa2: {  	_ =	swait.ge [sflag:s23], $0x1  }
0xa3: {  	[sflag:s23] =	ssyncset.done $0x0  }
0xa4: {  	s25 =	simm.s32 $0x1B8E;
	s24 =	sld [smem:$0x3FFE];
	[sflag:s23] =	ssyncadd.s32 $0xFFFFFFFF  }
0xa5: {  	s26 =	simm.s32 $execute0_lowered;
	[smem:$0x3FD2] =	sst s25  }
0xa6: {  	s4 =	sshll.u32 s26, $0x1;
	_ =	strace $0x8000004C;
	[dreg:$0x1] =	wrdreg $0xFFFFFFFF  }
0xa7: {  	s28 =	simm.s32 $_size_execute0_lowered;
	s2 =	sadd.s32 s2, s4;
	[dreg:$0x0] =	wrdreg $0x0  }
0xa8: {  	s4 =	sshll.u32 s28, $0x1;
	[dreg:$0x2] =	wrdreg s2  }
0xa9: {  	[dreg:$0x3] =	wrdreg s4  }
0xaa: {  	[dreg:$0x4] =	wrdreg $0xC0  }
0xab: {  	_ =	task [dreg:s6], $0x5FFFF  }
0xac: {  	[dreg:$0x1] =	wrdreg $0xFFFFFFFF  }
0xad: {  	[dreg:$0x0] =	wrdreg $0x60  }
0xae: {  	[dreg:$0x2] =	wrdreg s24  }
0xaf: {  	[dreg:$0x3] =	wrdreg $0x120000  }
0xb0: {  	[dreg:$0x4] =	wrdreg $0x9  }
0xb1: {  	_ =	task.clear_ibuf [dreg:s6], $0x5FFFF;
	_ =	strace $0x9000004C  }
0xb2: {  	s29 =	simm.s32 $0x9;
	_ =	strace $0x8000004E  }
0xb3: {  	_ =	swait.ge [sflag:s29], $0x1  }
0xb4: {  	[sflag:s29] =	ssyncadd.s32 $0xFFFFFFFF  }
0xb5: {  	_ =	strace $0x9000004E  }
0xb6: {  	_ =	sfence  }
0xb7: {  	s30 =	sld [smem:$0x0];
	_ =	sdelay $0x2  }
0xb8: {  	s31 =	sshll.u32 s1, $0xD;
	s1 =	sshrl.u32 s1, $0x2  }
0xb9: {  	s3 =	sand.u32 $0x4000, s31;
	s1 =	sadd.s32 s1, s30  }
0xba: {  	s0 =	sor.u32 s3, s0;
	s1 =	sshll.u32 s1, $0x11  }
0xbb: {  	s0 =	sor.u32 s1, s0  }
0xbc: {  	s0 =	sadd.s32 $0x8F2B, s0  }
0xbd: {  	[sflag:s0] =	ssyncadd.remote.s32 $0x1  }
0xbe: {  	_ =	sfence.sel $0xFFFF  }
0xbf: {  	[dreg:$0x0] =	wrdreg $0xFFFFFFFF;
	(pc) =	sbr.abs _section_cstart, $3  }
0xc0: {  	[dreg:$0x1] =	wrdreg $0xFFFFFFFF  }
0xc1: {  	_ =	task.clear_ibuf [dreg:s6], $0x2FFFF;
	_ =	strace $0x9FFFFFFF  }
0xc2: {  	(tm) =	ssettm $0x7FFFFFFF  }
0xc3: {  	_ =	shalt  }
tec
execute0_lowered:
.L_overlay_start_1:
0x0: {  	(tag) =	ssettag $0x1  }
0x1: {  	s6 =	rddreg [dreg:$0x0];
	s1 =	stileid.u32  }
0x2: {  	s2 =	rddreg [dreg:$0x1];
	s12 =	smul.u32 $0xA00, s1  }
0x3: {  	s0 =	rddreg [dreg:$0x2];
	s11 =	smul.u32 $0x140, s1  }
0x4: {  	s4 =	srdreg.scid;
	s3 =	simm.s32 $0x0;
	s13 =	smul.u32 $0x28000, s1  }
0x5: {  	s16 =	simm.s32 $0xA000;
	s7 =	sand.u32 $0x1, s4;
	s18 =	smul.u32 $0x1400, s1  }
0x6: {  	s17 =	simm.s32 $0x1;
	[smem:$0x7FF] =	sst s3;
	s5 =	smul.u32 $0xA000, s7  }
0x7: {  	s4 =	sadd.s32 $0x2D600, s6;
	s10 =	smul.u32 $0x14000, s7;
	s7 =	ssub.s32 $0x2, s7  }
0x8: {  	_ =	strace $0x8000004D;
	s8 =	sadd.s32 s12, s6;
	s26 =	sshrl.u32 s7, $0x1  }
0x9: {  	s28 =	sshrl.u32 s13, $0x2;
	s29 =	sadd.s32 $0x80, s11;
	s11 =	sadd.s32 $0x100, s11  }
0xa: {  	s13 =	simm.s32 $0x5000;
	s9 =	sadd.s32 s5, s6;
	s5 =	sadd.s32 $0x4E00, s6  }
0xb: {  	s10 =	sadd.s32 s10, s6;
	s14 =	ssub.s32 s7, s26;
	s6 =	sadd.s32 $0xF600, s8  }
0xc: {  	s7 =	sadd.s32 s28, s2;
	s30 =	sshll.u32 s29, $0x7;
	s31 =	sshll.u32 s11, $0x7  }
0xd: {  	s19 =	sshll.u32 s29, $0x4;
	s21 =	sshll.u32 s11, $0x4;
	s11 =	simm.s32 $0x2  }
0xe: {  	s15 =	sadd.s32 $0x19600, s9;
	s8 =	sadd.s32 s30, s2;
	s9 =	sadd.s32 s31, s2  }
0xf: {  	s20 =	sadd.s32 $0x54800, s10;
	s10 =	smax.u32 s14, $0x1;
	s14 =	simm.s32 $0xE000  }
0x10: {  	s12 =	sadd.s32 s12, s15;
	s15 =	simm.s32 $0x80;
	s18 =	sadd.s32 s18, s20  }
0x11: {  	s19 =	sadd.s32 s19, s20;
	s20 =	sadd.s32 s21, s20;
	s21 =	simm.s32 $0x0  }
.LBB2_1:
0x12: {  	[tilespmem:s3], [sflag:$0x2] =	stream.linear.gather [hbm4b:s6+s3], $0x4E80, $0x38;
	[tilespmem:$0x1C000] =	vst v63  }
0x13: {  	_ =	swait.ge [sflag:s11], $0x4E80  }
0x14: {  	[sflag:s11] =	ssyncset.done $0x0  }
0x15: {  	[sflag:s11] =	ssyncadd.s32 $0xFFFFB180  }
0x16: {  	[tilespmem:s13], [sflag:$0x2] =	stream.linear.gather [hbm4b:s12+s3], $0x4E80, $0x38;
	[tilespmem:$0x1C000] =	vst v63  }
0x17: {  	_ =	swait.ge [sflag:s11], $0x4E80  }
0x18: {  	[sflag:s11] =	ssyncset.done $0x0  }
0x19: {  	[sflag:s11] =	ssyncadd.s32 $0xFFFFB180  }
0x1a: {  	[tilespmem:s14], [sflag:$0x2] =	stream.linear.gather [hbm4b:s5+s3], $0x4000, $0x38;
	[tilespmem:$0x1C000] =	vst v63  }
0x1b: {  	_ =	swait.ge [sflag:s11], $0x4000  }
0x1c: {  	[sflag:s11] =	ssyncset.done $0x0  }
0x1d: {  	[sflag:s11] =	ssyncadd.s32 $0xFFFFC000  }
0x1e: {  	[spmem:s7] =	stream.linear.scatter [tilespmem:s14], [sflag:$0x2], $0x4000, $0x38;
	[tilespmem:$0x1C000] =	vst v63  }
0x1f: {  	_ =	swait.ge [sflag:s11], $0x4000  }
0x20: {  	[sflag:s11] =	ssyncset.done $0x0  }
0x21: {  	[sflag:s11] =	ssyncadd.s32 $0xFFFFC000  }
0x22: {  	[spmem:s8] =	stream.linear.scatter [tilespmem:s14], [sflag:$0x2], $0x4000, $0x38;
	[tilespmem:$0x1C000] =	vst v63  }
0x23: {  	_ =	swait.ge [sflag:s11], $0x4000  }
0x24: {  	[sflag:s11] =	ssyncset.done $0x0  }
0x25: {  	[sflag:s11] =	ssyncadd.s32 $0xFFFFC000  }
0x26: {  	[spmem:s9] =	stream.linear.scatter [tilespmem:s14], [sflag:$0x2], $0x2000, $0x38;
	[tilespmem:$0x1C000] =	vst v63  }
0x27: {  	_ =	swait.ge [sflag:s11], $0x2000  }
0x28: {  	[sflag:s11] =	ssyncset.done $0x0  }
0x29: {  	[sflag:s11] =	ssyncadd.s32 $0xFFFFE000  }
0x2a: {  	s22 =	simm.s32 $0x0;
	[bflag:$0x0] =	sbarrier.arrive $0xFFFF  }
0x2b: {  	[tilespmem:s16], [sflag:$0x1] =	stream.indirect.gather [hbm4b:s4+s15], $0x80, s22, s15, $0xb8;
	[tilespmem:$0x1C000] =	vst v63  }
0x2c: {  	_ =	swait.ge [sflag:s17], $0x4000  }
0x2d: {  	[sflag:s17] =	ssyncset.done $0x0  }
0x2e: {  	s31 =	simm.s32 $0x5000;
	[sflag:s17] =	ssyncadd.s32 $0xFFFFC000  }
0x2f: {  	[spmem:s2] =	stream.indirect.scatter.add.f32 [tilespmem:s16], [sflag:$0x2], $0x80, s31, s15, $0xb8;
	[tilespmem:$0x1C000] =	vst v63  }
0x30: {  	_ =	swait.ge [sflag:s11], $0x4000  }
0x31: {  	s23 =	simm.s32 $0x400;
	s22 =	simm.s32 $0x200;
	[sflag:s11] =	ssyncset.done $0x0  }
.LBB2_2:
0x32: {  	s24 =	sshra.s32 s22, $0x2  }
0x33: {  	[sflag:s11] =	ssyncadd.s32 $0xFFFFC000;
	s22 =	smov.u32 s23;
	s25 =	sadd.s32 $0x200, s23  }
0x34: {  	[tilespmem:s16], [sflag:$0x1] =	stream.indirect.gather [hbm4b:s4+s15], $0x80, s24, s15, $0xb8;
	[tilespmem:$0x1C000] =	vst v63  }
0x35: {  	p0 =	sne.s32 s23, $0x13800;
	_ =	swait.ge [sflag:s17], $0x4000  }
.Ltmp0:
0x36: {  	[sflag:s17] =	ssyncset.done $0x0;
	(pc) =	sbr.rel @p0 .LBB2_2-.Ltmp0, $4  }
0x37: {  	s23 =	sadd.s32 $0x5000, s24;
	[sflag:s17] =	ssyncadd.s32 $0xFFFFC000  }
0x38: {  	[spmem:s2] =	stream.indirect.scatter.add.f32 [tilespmem:s16], [sflag:$0x2], $0x80, s23, s15, $0xb8;
	[tilespmem:$0x1C000] =	vst v63  }
0x39: {  	_ =	swait.ge [sflag:s11], $0x4000  }
0x3a: {  	s23 =	smov.u32 s25;
	[sflag:s11] =	ssyncset.done $0x0  }
0x3b: {  	s22 =	sshra.s32 s22, $0x2;
	[sflag:s11] =	ssyncadd.s32 $0xFFFFC000  }
0x3c: {  	[tilespmem:s16], [sflag:$0x1] =	stream.indirect.gather [hbm4b:s4+s15], $0x80, s22, s15, $0xb8;
	[tilespmem:$0x1C000] =	vst v63  }
0x3d: {  	_ =	swait.ge [sflag:s17], $0x4000  }
0x3e: {  	[sflag:s17] =	ssyncset.done $0x0  }
0x3f: {  	s22 =	sadd.s32 $0x5000, s22;
	[sflag:s17] =	ssyncadd.s32 $0xFFFFC000  }
0x40: {  	[spmem:s2] =	stream.indirect.scatter.add.f32 [tilespmem:s16], [sflag:$0x2], $0x80, s22, s15, $0xb8;
	[tilespmem:$0x1C000] =	vst v63  }
0x41: {  	_ =	swait.ge [sflag:s11], $0x4000  }
0x42: {  	[sflag:s11] =	ssyncset.done $0x0  }
0x43: {  	[sflag:s11] =	ssyncadd.s32 $0xFFFFC000  }
0x44: {  	[bflag:$0x0] =	sbarrier.arrive $0xFFFF  }
0x45: {  	[tilespmem:s14], [sflag:$0x2] =	stream.linear.gather [spmem:s7], $0x4000, $0x38;
	[tilespmem:$0x1C000] =	vst v63  }
0x46: {  	_ =	swait.ge [sflag:s11], $0x4000  }
0x47: {  	[sflag:s11] =	ssyncset.done $0x0  }
0x48: {  	[sflag:s11] =	ssyncadd.s32 $0xFFFFC000  }
0x49: {  	[hbm4b:s18+s3] =	stream.linear.scatter [tilespmem:s14], [sflag:$0x2], $0x4000, $0x38;
	[tilespmem:$0x1C000] =	vst v63  }
0x4a: {  	_ =	swait.ge [sflag:s11], $0x4000  }
0x4b: {  	[sflag:s11] =	ssyncset.done $0x0  }
0x4c: {  	[sflag:s11] =	ssyncadd.s32 $0xFFFFC000  }
0x4d: {  	[tilespmem:s14], [sflag:$0x2] =	stream.linear.gather [spmem:s8], $0x4000, $0x38;
	[tilespmem:$0x1C000] =	vst v63  }
0x4e: {  	_ =	swait.ge [sflag:s11], $0x4000  }
0x4f: {  	[sflag:s11] =	ssyncset.done $0x0  }
0x50: {  	[sflag:s11] =	ssyncadd.s32 $0xFFFFC000  }
0x51: {  	[hbm4b:s19+s3] =	stream.linear.scatter [tilespmem:s14], [sflag:$0x2], $0x4000, $0x38;
	[tilespmem:$0x1C000] =	vst v63  }
0x52: {  	_ =	swait.ge [sflag:s11], $0x4000  }
0x53: {  	[sflag:s11] =	ssyncset.done $0x0  }
0x54: {  	[sflag:s11] =	ssyncadd.s32 $0xFFFFC000  }
0x55: {  	[tilespmem:s14], [sflag:$0x2] =	stream.linear.gather [spmem:s9], $0x2000, $0x38;
	[tilespmem:$0x1C000] =	vst v63  }
0x56: {  	s21 =	sadd.s32 $0x1, s21;
	_ =	swait.ge [sflag:s11], $0x2000  }
0x57: {  	p0 =	sne.s32 s21, s10;
	[sflag:s11] =	ssyncset.done $0x0  }
.Ltmp1:
0x58: {  	[sflag:s11] =	ssyncadd.s32 $0xFFFFE000;
	(pc) =	sbr.rel @p0 .LBB2_1-.Ltmp1, $4  }
0x59: {  	[hbm4b:s20+s3] =	stream.linear.scatter [tilespmem:s14], [sflag:$0x2], $0x2000, $0x38;
	[tilespmem:$0x1C000] =	vst v63  }
0x5a: {  	_ =	swait.ge [sflag:s11], $0x2000  }
0x5b: {  	[sflag:s11] =	ssyncset.done $0x0  }
0x5c: {  	[sflag:s11] =	ssyncadd.s32 $0xFFFFE000  }
0x5d: {  	_ =	sfence.sel $0x180000  }
0x5e: {  	[bflag:$0x0] =	sbarrier.arrive $0xFFFF  }
0x5f: {  	p0 =	sne.s32 s1, $0x0;
	_ =	strace $0x9000004D  }
0x60: {  	s0 =	sadd.s32 @!p0 $0x100000, s0;
	[bflag:$0x2] =	sbarrier.arrive $0xFFFF  }
0x61: {  	[sflag:s0] =	ssyncadd.tile.s32 @!p0 $0x1;
	_ =	shalt  }
.Lfunc_end2:
_tile_overlayer_lowered:
.L_overlay_start_2:
0x62: {  	(tag) =	ssettag $0x2  }
0x63: {  	s0 =	rddreg [dreg:$0x0];
	s2 =	stileid.u32  }
0x64: {  	s1 =	rddreg [dreg:$0x1];
	p0 =	sne.s32 s2, $0x0  }
0x65: {  	s3 =	rddreg [dreg:$0x2];
	[bflag:$0x3] =	sbarrier.arrive $0xFFFF;
	s2 =	simm.s32 @!p0 $0x1C02  }
0x66: {  	[timem:s3], [sflag:s2] =	dma.local @!p0 [hbm:s0], s1  }
0x67: {  	s0 =	simm.s32 @!p0 $0x2  }
0x68: {  	_ =	swait.ge @!p0 [sflag:s0], s1  }
0x69: {  	s1 =	ssub.s32 @!p0 $0x0, s1;
	[sflag:s0] =	ssyncset.done @!p0 $0x0  }
0x6a: {  	[sflag:s0] =	ssyncadd.s32 @!p0 s1  }
0x6b: {  	[bflag:$0x3] =	sbarrier.arrive $0xFFFF  }
0x6c: {  	_ =	shalt  }

// kernel: kernel.21.cloned.1.call-start
scs
__scs_entry_jumppad:
0x0: {  	(pc) =	sbr.rel $0x88, $3  }
0x1: {  	(tag) =	ssettag $0x0;
	lr =	simm.s32 $0x1  }
0x2: {  	[smem:$0x3F92] =	sst lr;
	_ =	strace $0xD0000000  }
0x3: {  	_ = 	snop  }
0x4: {  	_ = 	snop  }
0x5: {  	_ = 	snop  }
0x6: {  	_ = 	snop  }
0x7: {  	_ = 	snop  }
__scs_overlays_trampoline_lowered:
0x8: {  	[smem:$0x3FA1] =	sst s0  }
0x9: {  	[smem:$0x3FA2] =	sst s1  }
0xa: {  	[smem:$0x3FA3] =	sst s2  }
0xb: {  	[smem:$0x3FA4] =	sst s3  }
0xc: {  	[smem:$0x3FA5] =	sst s4  }
0xd: {  	[smem:$0x3FA6] =	sst s5  }
0xe: {  	[smem:$0x3FA7] =	sst s6  }
0xf: {  	[smem:$0x3FA8] =	sst s7  }
0x10: {  	[smem:$0x3FA9] =	sst s8  }
0x11: {  	[smem:$0x3FAA] =	sst s9;
	s0 =	simm.s32 @!p0 $0x0  }
0x12: {  	s1 =	sld [smem:$0x3F90];
	s0 =	simm.s32 @p0 $0x1  }
0x13: {  	[smem:$0x3FAB] =	sst s0;
	s0 =	simm.s32 @!p1 $0x0  }
0x14: {  	s2 =	sld [smem:$0x3F8F];
	s0 =	simm.s32 @p1 $0x1  }
0x15: {  	[smem:$0x3FAC] =	sst s0;
	s0 =	simm.s32 @!p2 $0x0  }
0x16: {  	s3 =	sld [smem:$0x3FDB];
	s0 =	simm.s32 @p2 $0x1  }
0x17: {  	s4 =	simm.s32 $0x1BF5;
	[smem:$0x3FAE] =	sst s0  }
0x18: {  	s0 =	sld [smem:$0x3F91];
	_ =	swait.ge [sflag:s4], $0x0  }
0x19: {  	s7 =	sld [smem:$0x3F92]  }
0x1a: {  	s8 =	sadd.s32 $0xFFFFE003, lr  }
0x1b: {  	s9 =	sadd.s32 $0xFFFFFEF7, lr;
	s5 =	simm.s32 $0xFFFFFFFF;
	p2 =	slt.u32 s8, $0xFFFFF086  }
0x1c: {  	p1 =	slt.u32 s9, $0xF7A;
	s5 =	simm.s32 @!p2 $0x0  }
0x1d: {  	s5 =	simm.s32 @p1 $0x1;
	p0 =	seq.s32 s7, s2  }
0x1e: {  	s7 =	smul.u32 @!p0 $0xF7A, s2;
	p2 =	seq.s32 @!p0 s5, $0x0  }
0x1f: {  	s9 =	smul.u32 $0xF7A, s1;
	s8 =	simm.s32 @!p0 $0x1BF5;
	p2 =	por !p2, p0  }
0x20: {  	[sflag:s8] =	ssyncset.s32 @!p0 $0xFFFFF086;
	s6 =	sadd.s32 @!p0 s3, s7;
	s7 =	simm.s32 @!p0 $0x108  }
0x21: {  	s3 =	sadd.s32 s3, s9;
	s6 =	sadd.s32 @!p0 $0x88, s6;
	s7 =	simm.s32 @p2 $0x1082  }
0x22: {  	[simem:s7], [sflag:s8] =	dma.local @!p0 [hbm:s6], $0xF7A  }
0x23: {  	s9 =	sor.u32 $0xD0000000, s2;
	s6 =	simm.s32 $0x108;
	_ =	swait.ge @!p0 [sflag:s8], $0x0  }
0x24: {  	s3 =	sadd.s32 $0x88, s3;
	s6 =	simm.s32 @!p1 $0x1082;
	[sflag:s4] =	ssyncset.s32 $0xFFFFF086  }
0x25: {  	[simem:s6], [sflag:s4] =	dma.local [hbm:s3], $0xF7A  }
0x26: {  	[smem:$0x3F92] =	sst s1;
	(tag) =	ssettag s2;
	_ =	strace s9  }
0x27: {  	s1 =	sld [smem:$0x3FA2]  }
0x28: {  	s2 =	sld [smem:$0x3FA3]  }
0x29: {  	s4 =	sld [smem:$0x3FA5]  }
0x2a: {  	p0 =	seq.s32 s5, $0x0;
	s5 =	sld [smem:$0x3FA6]  }
0x2b: {  	s6 =	sld [smem:$0x3FA7]  }
0x2c: {  	s7 =	sld [smem:$0x3FA8]  }
0x2d: {  	s3 =	simm.s32 $0x108;
	s8 =	sld [smem:$0x3FA9]  }
0x2e: {  	s3 =	simm.s32 @!p0 $0x1082;
	s9 =	sld [smem:$0x3FAA]  }
0x2f: {  	lr =	sadd.s32 s0, s3;
	s0 =	sld [smem:$0x3FA1]  }
0x30: {  	s3 =	sld [smem:$0x3FA4]  }
0x31: {  	[smem:$0x3FAD] =	sst s10  }
0x32: {  	s10 =	sld [smem:$0x3FAB];
	_ =	sdelay $0x3  }
0x33: {  	p0 =	seq.s32 s10, $0x1;
	s10 =	sld [smem:$0x3FAD];
	_ =	sdelay $0x3  }
0x34: {  	[smem:$0x3FAD] =	sst s10  }
0x35: {  	s10 =	sld [smem:$0x3FAC];
	_ =	sdelay $0x3  }
0x36: {  	p1 =	seq.s32 s10, $0x1;
	s10 =	sld [smem:$0x3FAD];
	_ =	sdelay $0x3  }
0x37: {  	[smem:$0x3FAD] =	sst s10  }
0x38: {  	s10 =	sld [smem:$0x3FAE]  }
0x39: {  	_ = 	snop;
	(pc) =	sbr.ind lr, $3  }
0x3a: {  	_ = 	snop  }
0x3b: {  	_ = 	snop  }
0x3c: {  	p2 =	seq.s32 s10, $0x1;
	s10 =	sld [smem:$0x3FAD]  }
0x3d: {  	_ =	shalt  }
0x3e: {  	_ =	shalt  }
0x3f: {  	_ =	shalt  }
0x40: {  	_ =	shalt  }
0x41: {  	_ =	shalt  }
0x42: {  	_ =	shalt  }
0x43: {  	_ =	shalt  }
0x44: {  	_ =	shalt  }
0x45: {  	_ =	shalt  }
0x46: {  	_ =	shalt  }
0x47: {  	_ =	shalt  }
0x48: {  	_ =	shalt  }
0x49: {  	_ =	shalt  }
0x4a: {  	_ =	shalt  }
0x4b: {  	_ =	shalt  }
0x4c: {  	_ =	shalt  }
0x4d: {  	_ =	shalt  }
0x4e: {  	_ =	shalt  }
0x4f: {  	_ =	shalt  }
0x50: {  	_ =	shalt  }
0x51: {  	_ =	shalt  }
0x52: {  	_ =	shalt  }
0x53: {  	_ =	shalt  }
0x54: {  	_ =	shalt  }
0x55: {  	_ =	shalt  }
0x56: {  	_ =	shalt  }
0x57: {  	_ =	shalt  }
0x58: {  	_ =	shalt  }
0x59: {  	_ =	shalt  }
0x5a: {  	_ =	shalt  }
0x5b: {  	_ =	shalt  }
0x5c: {  	_ =	shalt  }
0x5d: {  	_ =	shalt  }
0x5e: {  	_ =	shalt  }
0x5f: {  	_ =	shalt  }
0x60: {  	_ =	shalt  }
0x61: {  	_ =	shalt  }
0x62: {  	_ =	shalt  }
0x63: {  	_ =	shalt  }
0x64: {  	_ =	shalt  }
0x65: {  	_ =	shalt  }
0x66: {  	_ =	shalt  }
0x67: {  	_ =	shalt  }
0x68: {  	_ =	shalt  }
0x69: {  	_ =	shalt  }
0x6a: {  	_ =	shalt  }
0x6b: {  	_ =	shalt  }
0x6c: {  	_ =	shalt  }
0x6d: {  	_ =	shalt  }
0x6e: {  	_ =	shalt  }
0x6f: {  	_ =	shalt  }
0x70: {  	_ =	shalt  }
0x71: {  	_ =	shalt  }
0x72: {  	_ =	shalt  }
0x73: {  	_ =	shalt  }
0x74: {  	_ =	shalt  }
0x75: {  	_ =	shalt  }
0x76: {  	_ =	shalt  }
0x77: {  	_ =	shalt  }
0x78: {  	_ =	shalt  }
0x79: {  	_ =	shalt  }
0x7a: {  	_ =	shalt  }
0x7b: {  	_ =	shalt  }
0x7c: {  	_ =	shalt  }
0x7d: {  	_ =	shalt  }
0x7e: {  	_ =	shalt  }
0x7f: {  	_ =	shalt  }
0x80: {  	_ =	shalt  }
0x81: {  	_ =	shalt  }
0x82: {  	_ =	shalt  }
0x83: {  	_ =	shalt  }
0x84: {  	_ =	shalt  }
0x85: {  	_ =	shalt  }
0x86: {  	_ =	shalt  }
0x87: {  	_ =	shalt  }
.Lfunc_end0:
.L_simem_size_0:
called_computation.3_lowered:
.L_overlay_start_0:
0x88: {  	s2 =	sld [smem:$0x3FD9]  }
0x89: {  	s3 =	sld [smem:$0x3FFE];
	_ =	sdelay $0x1  }
0x8a: {  	s1 =	srdreg.scid  }
0x8b: {  	s0 =	sand.u32 $0x1, s1  }
0x8c: {  	s16 =	sshll.u32 s0, $0xA;
	s2 =	sadd.s32 s3, s2  }
0x8d: {  	s2 =	sadd.s32 s2, s16  }
0x8e: {  	[smem:$0x3FB9] =	sst s2  }
0x8f: {  	_ = 	snop  }
0x90: {  	(tm) =	ssettm $0x1  }
0x91: {  	s17 =	sld [smem:$0x3FFB];
	_ =	sdelay $0x3  }
0x92: {  	_ =	strace s17  }
0x93: {  	s2 =	sld [smem:$0x3FFC];
	_ =	sdelay $0x3  }
0x94: {  	_ =	strace s2  }
0x95: {  	s2 =	sld [smem:$0x3FFD];
	_ =	sdelay $0x3  }
0x96: {  	_ =	strace s2  }
0x97: {  	_ =	strace $0x8FFFFFFF  }
0x98: {  	s18 =	sld [smem:$0x3FDB];
	_ =	sdelay $0x1  }
0x99: {  	s19 =	simm.s32 $_scs_section_size  }
0x9a: {  	s4 =	simm.s32 $_size__tile_overlayer_lowered;
	s5 =	simm.s32 $_tile_overlayer_lowered  }
0x9b: {  	s22 =	simm.s32 $0x1BFF;
	s21 =	sshll.u32 s5, $0x1;
	s2 =	sadd.s32 s19, s18  }
0x9c: {  	s6 =	simm.s32 $0x0;
	s20 =	sshll.u32 s4, $0x1;
	s4 =	sadd.s32 s21, s2  }
0x9d: {  	[timem:s6], [sflag:s22] =	dma.local [hbm:s4], s20  }
0x9e: {  	_ =	swait.ge [sflag:s22], s20  }
0x9f: {  	s3 =	ssub.s32 $0x0, s20;
	[sflag:s22] =	ssyncset.done $0x0  }
0xa0: {  	[sflag:s22] =	ssyncadd.s32 s3;
	_ =	sdelay $0x1  }
0xa1: {  	s23 =	simm.s32 $0x1B8B  }
0xa2: {  	_ =	swait.ge [sflag:s23], $0x1  }
0xa3: {  	[sflag:s23] =	ssyncset.done $0x0  }
0xa4: {  	s25 =	simm.s32 $0x1B8E;
	s24 =	sld [smem:$0x3FFE];
	[sflag:s23] =	ssyncadd.s32 $0xFFFFFFFF  }
0xa5: {  	s26 =	simm.s32 $execute0_lowered;
	[smem:$0x3FD2] =	sst s25  }
0xa6: {  	s4 =	sshll.u32 s26, $0x1;
	_ =	strace $0x8000004F;
	[dreg:$0x1] =	wrdreg $0xFFFFFFFF  }
0xa7: {  	s28 =	simm.s32 $_size_execute0_lowered;
	s2 =	sadd.s32 s2, s4;
	[dreg:$0x0] =	wrdreg $0x0  }
0xa8: {  	s4 =	sshll.u32 s28, $0x1;
	[dreg:$0x2] =	wrdreg s2  }
0xa9: {  	[dreg:$0x3] =	wrdreg s4  }
0xaa: {  	[dreg:$0x4] =	wrdreg $0xC0  }
0xab: {  	_ =	task [dreg:s6], $0x5FFFF  }
0xac: {  	[dreg:$0x1] =	wrdreg $0xFFFFFFFF  }
0xad: {  	[dreg:$0x0] =	wrdreg $0x60  }
0xae: {  	[dreg:$0x2] =	wrdreg s24  }
0xaf: {  	[dreg:$0x3] =	wrdreg $0x120000  }
0xb0: {  	[dreg:$0x4] =	wrdreg $0x9  }
0xb1: {  	_ =	task.clear_ibuf [dreg:s6], $0x5FFFF;
	_ =	strace $0x9000004F  }
0xb2: {  	s29 =	simm.s32 $0x9;
	_ =	strace $0x80000051  }
0xb3: {  	_ =	swait.ge [sflag:s29], $0x1  }
0xb4: {  	[sflag:s29] =	ssyncadd.s32 $0xFFFFFFFF  }
0xb5: {  	_ =	strace $0x90000051  }
0xb6: {  	_ =	sfence  }
0xb7: {  	s30 =	sld [smem:$0x0];
	_ =	sdelay $0x2  }
0xb8: {  	s31 =	sshll.u32 s1, $0xD;
	s1 =	sshrl.u32 s1, $0x2  }
0xb9: {  	s3 =	sand.u32 $0x4000, s31;
	s1 =	sadd.s32 s1, s30  }
0xba: {  	s0 =	sor.u32 s3, s0;
	s1 =	sshll.u32 s1, $0x11  }
0xbb: {  	s0 =	sor.u32 s1, s0  }
0xbc: {  	s0 =	sadd.s32 $0x8F2B, s0  }
0xbd: {  	[sflag:s0] =	ssyncadd.remote.s32 $0x1  }
0xbe: {  	_ =	sfence.sel $0xFFFF  }
0xbf: {  	[dreg:$0x0] =	wrdreg $0xFFFFFFFF;
	(pc) =	sbr.abs _section_cstart, $3  }
0xc0: {  	[dreg:$0x1] =	wrdreg $0xFFFFFFFF  }
0xc1: {  	_ =	task.clear_ibuf [dreg:s6], $0x2FFFF;
	_ =	strace $0x9FFFFFFF  }
0xc2: {  	(tm) =	ssettm $0x7FFFFFFF  }
0xc3: {  	_ =	shalt  }
tec
execute0_lowered:
.L_overlay_start_1:
0x0: {  	(tag) =	ssettag $0x1  }
0x1: {  	s6 =	rddreg [dreg:$0x0];
	s1 =	stileid.u32  }
0x2: {  	s2 =	rddreg [dreg:$0x1];
	s12 =	smul.u32 $0xA00, s1  }
0x3: {  	s0 =	rddreg [dreg:$0x2];
	s11 =	smul.u32 $0x140, s1  }
0x4: {  	s4 =	srdreg.scid;
	s3 =	simm.s32 $0x0;
	s13 =	smul.u32 $0x28000, s1  }
0x5: {  	s16 =	simm.s32 $0xA000;
	s7 =	sand.u32 $0x1, s4;
	s18 =	smul.u32 $0x1400, s1  }
0x6: {  	s17 =	simm.s32 $0x1;
	[smem:$0x7FF] =	sst s3;
	s5 =	smul.u32 $0xA000, s7  }
0x7: {  	s4 =	sadd.s32 $0x2D600, s6;
	s10 =	smul.u32 $0x14000, s7;
	s7 =	ssub.s32 $0x2, s7  }
0x8: {  	_ =	strace $0x80000050;
	s8 =	sadd.s32 s12, s6;
	s26 =	sshrl.u32 s7, $0x1  }
0x9: {  	s28 =	sshrl.u32 s13, $0x2;
	s29 =	sadd.s32 $0x80, s11;
	s11 =	sadd.s32 $0x100, s11  }
0xa: {  	s13 =	simm.s32 $0x5000;
	s9 =	sadd.s32 s5, s6;
	s5 =	sadd.s32 $0x4E00, s6  }
0xb: {  	s10 =	sadd.s32 s10, s6;
	s14 =	ssub.s32 s7, s26;
	s6 =	sadd.s32 $0xF600, s8  }
0xc: {  	s7 =	sadd.s32 s28, s2;
	s30 =	sshll.u32 s29, $0x7;
	s31 =	sshll.u32 s11, $0x7  }
0xd: {  	s19 =	sshll.u32 s29, $0x4;
	s21 =	sshll.u32 s11, $0x4;
	s11 =	simm.s32 $0x2  }
0xe: {  	s15 =	sadd.s32 $0x19600, s9;
	s8 =	sadd.s32 s30, s2;
	s9 =	sadd.s32 s31, s2  }
0xf: {  	s20 =	sadd.s32 $0x54800, s10;
	s10 =	smax.u32 s14, $0x1;
	s14 =	simm.s32 $0xE000  }
0x10: {  	s12 =	sadd.s32 s12, s15;
	s15 =	simm.s32 $0x80;
	s18 =	sadd.s32 s18, s20  }
0x11: {  	s19 =	sadd.s32 s19, s20;
	s20 =	sadd.s32 s21, s20;
	s21 =	simm.s32 $0x0  }
.LBB2_1:
0x12: {  	[tilespmem:s3], [sflag:$0x2] =	stream.linear.gather [hbm4b:s6+s3], $0x4E80, $0x38;
	[tilespmem:$0x1C000] =	vst v63  }
0x13: {  	_ =	swait.ge [sflag:s11], $0x4E80  }
0x14: {  	[sflag:s11] =	ssyncset.done $0x0  }
0x15: {  	[sflag:s11] =	ssyncadd.s32 $0xFFFFB180  }
0x16: {  	[tilespmem:s13], [sflag:$0x2] =	stream.linear.gather [hbm4b:s12+s3], $0x4E80, $0x38;
	[tilespmem:$0x1C000] =	vst v63  }
0x17: {  	_ =	swait.ge [sflag:s11], $0x4E80  }
0x18: {  	[sflag:s11] =	ssyncset.done $0x0  }
0x19: {  	[sflag:s11] =	ssyncadd.s32 $0xFFFFB180  }
0x1a: {  	[tilespmem:s14], [sflag:$0x2] =	stream.linear.gather [hbm4b:s5+s3], $0x4000, $0x38;
	[tilespmem:$0x1C000] =	vst v63  }
0x1b: {  	_ =	swait.ge [sflag:s11], $0x4000  }
0x1c: {  	[sflag:s11] =	ssyncset.done $0x0  }
0x1d: {  	[sflag:s11] =	ssyncadd.s32 $0xFFFFC000  }
0x1e: {  	[spmem:s7] =	stream.linear.scatter [tilespmem:s14], [sflag:$0x2], $0x4000, $0x38;
	[tilespmem:$0x1C000] =	vst v63  }
0x1f: {  	_ =	swait.ge [sflag:s11], $0x4000  }
0x20: {  	[sflag:s11] =	ssyncset.done $0x0  }
0x21: {  	[sflag:s11] =	ssyncadd.s32 $0xFFFFC000  }
0x22: {  	[spmem:s8] =	stream.linear.scatter [tilespmem:s14], [sflag:$0x2], $0x4000, $0x38;
	[tilespmem:$0x1C000] =	vst v63  }
0x23: {  	_ =	swait.ge [sflag:s11], $0x4000  }
0x24: {  	[sflag:s11] =	ssyncset.done $0x0  }
0x25: {  	[sflag:s11] =	ssyncadd.s32 $0xFFFFC000  }
0x26: {  	[spmem:s9] =	stream.linear.scatter [tilespmem:s14], [sflag:$0x2], $0x2000, $0x38;
	[tilespmem:$0x1C000] =	vst v63  }
0x27: {  	_ =	swait.ge [sflag:s11], $0x2000  }
0x28: {  	[sflag:s11] =	ssyncset.done $0x0  }
0x29: {  	[sflag:s11] =	ssyncadd.s32 $0xFFFFE000  }
0x2a: {  	s22 =	simm.s32 $0x0;
	[bflag:$0x0] =	sbarrier.arrive $0xFFFF  }
0x2b: {  	[tilespmem:s16], [sflag:$0x1] =	stream.indirect.gather [hbm4b:s4+s15], $0x80, s22, s15, $0xb8;
	[tilespmem:$0x1C000] =	vst v63  }
0x2c: {  	_ =	swait.ge [sflag:s17], $0x4000  }
0x2d: {  	[sflag:s17] =	ssyncset.done $0x0  }
0x2e: {  	s31 =	simm.s32 $0x5000;
	[sflag:s17] =	ssyncadd.s32 $0xFFFFC000  }
0x2f: {  	[spmem:s2] =	stream.indirect.scatter.add.f32 [tilespmem:s16], [sflag:$0x2], $0x80, s31, s15, $0xb8;
	[tilespmem:$0x1C000] =	vst v63  }
0x30: {  	_ =	swait.ge [sflag:s11], $0x4000  }
0x31: {  	s23 =	simm.s32 $0x400;
	s22 =	simm.s32 $0x200;
	[sflag:s11] =	ssyncset.done $0x0  }
.LBB2_2:
0x32: {  	s24 =	sshra.s32 s22, $0x2  }
0x33: {  	[sflag:s11] =	ssyncadd.s32 $0xFFFFC000;
	s22 =	smov.u32 s23;
	s25 =	sadd.s32 $0x200, s23  }
0x34: {  	[tilespmem:s16], [sflag:$0x1] =	stream.indirect.gather [hbm4b:s4+s15], $0x80, s24, s15, $0xb8;
	[tilespmem:$0x1C000] =	vst v63  }
0x35: {  	p0 =	sne.s32 s23, $0x13800;
	_ =	swait.ge [sflag:s17], $0x4000  }
.Ltmp0:
0x36: {  	[sflag:s17] =	ssyncset.done $0x0;
	(pc) =	sbr.rel @p0 .LBB2_2-.Ltmp0, $4  }
0x37: {  	s23 =	sadd.s32 $0x5000, s24;
	[sflag:s17] =	ssyncadd.s32 $0xFFFFC000  }
0x38: {  	[spmem:s2] =	stream.indirect.scatter.add.f32 [tilespmem:s16], [sflag:$0x2], $0x80, s23, s15, $0xb8;
	[tilespmem:$0x1C000] =	vst v63  }
0x39: {  	_ =	swait.ge [sflag:s11], $0x4000  }
0x3a: {  	s23 =	smov.u32 s25;
	[sflag:s11] =	ssyncset.done $0x0  }
0x3b: {  	s22 =	sshra.s32 s22, $0x2;
	[sflag:s11] =	ssyncadd.s32 $0xFFFFC000  }
0x3c: {  	[tilespmem:s16], [sflag:$0x1] =	stream.indirect.gather [hbm4b:s4+s15], $0x80, s22, s15, $0xb8;
	[tilespmem:$0x1C000] =	vst v63  }
0x3d: {  	_ =	swait.ge [sflag:s17], $0x4000  }
0x3e: {  	[sflag:s17] =	ssyncset.done $0x0  }
0x3f: {  	s22 =	sadd.s32 $0x5000, s22;
	[sflag:s17] =	ssyncadd.s32 $0xFFFFC000  }
0x40: {  	[spmem:s2] =	stream.indirect.scatter.add.f32 [tilespmem:s16], [sflag:$0x2], $0x80, s22, s15, $0xb8;
	[tilespmem:$0x1C000] =	vst v63  }
0x41: {  	_ =	swait.ge [sflag:s11], $0x4000  }
0x42: {  	[sflag:s11] =	ssyncset.done $0x0  }
0x43: {  	[sflag:s11] =	ssyncadd.s32 $0xFFFFC000  }
0x44: {  	[bflag:$0x0] =	sbarrier.arrive $0xFFFF  }
0x45: {  	[tilespmem:s14], [sflag:$0x2] =	stream.linear.gather [spmem:s7], $0x4000, $0x38;
	[tilespmem:$0x1C000] =	vst v63  }
0x46: {  	_ =	swait.ge [sflag:s11], $0x4000  }
0x47: {  	[sflag:s11] =	ssyncset.done $0x0  }
0x48: {  	[sflag:s11] =	ssyncadd.s32 $0xFFFFC000  }
0x49: {  	[hbm4b:s18+s3] =	stream.linear.scatter [tilespmem:s14], [sflag:$0x2], $0x4000, $0x38;
	[tilespmem:$0x1C000] =	vst v63  }
0x4a: {  	_ =	swait.ge [sflag:s11], $0x4000  }
0x4b: {  	[sflag:s11] =	ssyncset.done $0x0  }
0x4c: {  	[sflag:s11] =	ssyncadd.s32 $0xFFFFC000  }
0x4d: {  	[tilespmem:s14], [sflag:$0x2] =	stream.linear.gather [spmem:s8], $0x4000, $0x38;
	[tilespmem:$0x1C000] =	vst v63  }
0x4e: {  	_ =	swait.ge [sflag:s11], $0x4000  }
0x4f: {  	[sflag:s11] =	ssyncset.done $0x0  }
0x50: {  	[sflag:s11] =	ssyncadd.s32 $0xFFFFC000  }
0x51: {  	[hbm4b:s19+s3] =	stream.linear.scatter [tilespmem:s14], [sflag:$0x2], $0x4000, $0x38;
	[tilespmem:$0x1C000] =	vst v63  }
0x52: {  	_ =	swait.ge [sflag:s11], $0x4000  }
0x53: {  	[sflag:s11] =	ssyncset.done $0x0  }
0x54: {  	[sflag:s11] =	ssyncadd.s32 $0xFFFFC000  }
0x55: {  	[tilespmem:s14], [sflag:$0x2] =	stream.linear.gather [spmem:s9], $0x2000, $0x38;
	[tilespmem:$0x1C000] =	vst v63  }
0x56: {  	s21 =	sadd.s32 $0x1, s21;
	_ =	swait.ge [sflag:s11], $0x2000  }
0x57: {  	p0 =	sne.s32 s21, s10;
	[sflag:s11] =	ssyncset.done $0x0  }
.Ltmp1:
0x58: {  	[sflag:s11] =	ssyncadd.s32 $0xFFFFE000;
	(pc) =	sbr.rel @p0 .LBB2_1-.Ltmp1, $4  }
0x59: {  	[hbm4b:s20+s3] =	stream.linear.scatter [tilespmem:s14], [sflag:$0x2], $0x2000, $0x38;
	[tilespmem:$0x1C000] =	vst v63  }
0x5a: {  	_ =	swait.ge [sflag:s11], $0x2000  }
0x5b: {  	[sflag:s11] =	ssyncset.done $0x0  }
0x5c: {  	[sflag:s11] =	ssyncadd.s32 $0xFFFFE000  }
0x5d: {  	_ =	sfence.sel $0x180000  }
0x5e: {  	[bflag:$0x0] =	sbarrier.arrive $0xFFFF  }
0x5f: {  	p0 =	sne.s32 s1, $0x0;
	_ =	strace $0x90000050  }
0x60: {  	s0 =	sadd.s32 @!p0 $0x100000, s0;
	[bflag:$0x2] =	sbarrier.arrive $0xFFFF  }
0x61: {  	[sflag:s0] =	ssyncadd.tile.s32 @!p0 $0x1;
	_ =	shalt  }
.Lfunc_end2:
_tile_overlayer_lowered:
.L_overlay_start_2:
0x62: {  	(tag) =	ssettag $0x2  }
0x63: {  	s0 =	rddreg [dreg:$0x0];
	s2 =	stileid.u32  }
0x64: {  	s1 =	rddreg [dreg:$0x1];
	p0 =	sne.s32 s2, $0x0  }
0x65: {  	s3 =	rddreg [dreg:$0x2];
	[bflag:$0x3] =	sbarrier.arrive $0xFFFF;
	s2 =	simm.s32 @!p0 $0x1C02  }
0x66: {  	[timem:s3], [sflag:s2] =	dma.local @!p0 [hbm:s0], s1  }
0x67: {  	s0 =	simm.s32 @!p0 $0x2  }
0x68: {  	_ =	swait.ge @!p0 [sflag:s0], s1  }
0x69: {  	s1 =	ssub.s32 @!p0 $0x0, s1;
	[sflag:s0] =	ssyncset.done @!p0 $0x0  }
0x6a: {  	[sflag:s0] =	ssyncadd.s32 @!p0 s1  }
0x6b: {  	[bflag:$0x3] =	sbarrier.arrive $0xFFFF  }
0x6c: {  	_ =	shalt  }

// kernel: kernel.24.cloned.1.call-start
scs
__scs_entry_jumppad:
0x0: {  	(pc) =	sbr.rel $0x88, $3  }
0x1: {  	(tag) =	ssettag $0x0;
	lr =	simm.s32 $0x1  }
0x2: {  	[smem:$0x3F92] =	sst lr;
	_ =	strace $0xD0000000  }
0x3: {  	_ = 	snop  }
0x4: {  	_ = 	snop  }
0x5: {  	_ = 	snop  }
0x6: {  	_ = 	snop  }
0x7: {  	_ = 	snop  }
__scs_overlays_trampoline_lowered:
0x8: {  	[smem:$0x3FA1] =	sst s0  }
0x9: {  	[smem:$0x3FA2] =	sst s1  }
0xa: {  	[smem:$0x3FA3] =	sst s2  }
0xb: {  	[smem:$0x3FA4] =	sst s3  }
0xc: {  	[smem:$0x3FA5] =	sst s4  }
0xd: {  	[smem:$0x3FA6] =	sst s5  }
0xe: {  	[smem:$0x3FA7] =	sst s6  }
0xf: {  	[smem:$0x3FA8] =	sst s7  }
0x10: {  	[smem:$0x3FA9] =	sst s8  }
0x11: {  	[smem:$0x3FAA] =	sst s9;
	s0 =	simm.s32 @!p0 $0x0  }
0x12: {  	s1 =	sld [smem:$0x3F90];
	s0 =	simm.s32 @p0 $0x1  }
0x13: {  	[smem:$0x3FAB] =	sst s0;
	s0 =	simm.s32 @!p1 $0x0  }
0x14: {  	s2 =	sld [smem:$0x3F8F];
	s0 =	simm.s32 @p1 $0x1  }
0x15: {  	[smem:$0x3FAC] =	sst s0;
	s0 =	simm.s32 @!p2 $0x0  }
0x16: {  	s3 =	sld [smem:$0x3FDB];
	s0 =	simm.s32 @p2 $0x1  }
0x17: {  	s4 =	simm.s32 $0x1BF5;
	[smem:$0x3FAE] =	sst s0  }
0x18: {  	s0 =	sld [smem:$0x3F91];
	_ =	swait.ge [sflag:s4], $0x0  }
0x19: {  	s7 =	sld [smem:$0x3F92]  }
0x1a: {  	s8 =	sadd.s32 $0xFFFFE003, lr  }
0x1b: {  	s9 =	sadd.s32 $0xFFFFFEF7, lr;
	s5 =	simm.s32 $0xFFFFFFFF;
	p2 =	slt.u32 s8, $0xFFFFF086  }
0x1c: {  	p1 =	slt.u32 s9, $0xF7A;
	s5 =	simm.s32 @!p2 $0x0  }
0x1d: {  	s5 =	simm.s32 @p1 $0x1;
	p0 =	seq.s32 s7, s2  }
0x1e: {  	s7 =	smul.u32 @!p0 $0xF7A, s2;
	p2 =	seq.s32 @!p0 s5, $0x0  }
0x1f: {  	s9 =	smul.u32 $0xF7A, s1;
	s8 =	simm.s32 @!p0 $0x1BF5;
	p2 =	por !p2, p0  }
0x20: {  	[sflag:s8] =	ssyncset.s32 @!p0 $0xFFFFF086;
	s6 =	sadd.s32 @!p0 s3, s7;
	s7 =	simm.s32 @!p0 $0x108  }
0x21: {  	s3 =	sadd.s32 s3, s9;
	s6 =	sadd.s32 @!p0 $0x88, s6;
	s7 =	simm.s32 @p2 $0x1082  }
0x22: {  	[simem:s7], [sflag:s8] =	dma.local @!p0 [hbm:s6], $0xF7A  }
0x23: {  	s9 =	sor.u32 $0xD0000000, s2;
	s6 =	simm.s32 $0x108;
	_ =	swait.ge @!p0 [sflag:s8], $0x0  }
0x24: {  	s3 =	sadd.s32 $0x88, s3;
	s6 =	simm.s32 @!p1 $0x1082;
	[sflag:s4] =	ssyncset.s32 $0xFFFFF086  }
0x25: {  	[simem:s6], [sflag:s4] =	dma.local [hbm:s3], $0xF7A  }
0x26: {  	[smem:$0x3F92] =	sst s1;
	(tag) =	ssettag s2;
	_ =	strace s9  }
0x27: {  	s1 =	sld [smem:$0x3FA2]  }
0x28: {  	s2 =	sld [smem:$0x3FA3]  }
0x29: {  	s4 =	sld [smem:$0x3FA5]  }
0x2a: {  	p0 =	seq.s32 s5, $0x0;
	s5 =	sld [smem:$0x3FA6]  }
0x2b: {  	s6 =	sld [smem:$0x3FA7]  }
0x2c: {  	s7 =	sld [smem:$0x3FA8]  }
0x2d: {  	s3 =	simm.s32 $0x108;
	s8 =	sld [smem:$0x3FA9]  }
0x2e: {  	s3 =	simm.s32 @!p0 $0x1082;
	s9 =	sld [smem:$0x3FAA]  }
0x2f: {  	lr =	sadd.s32 s0, s3;
	s0 =	sld [smem:$0x3FA1]  }
0x30: {  	s3 =	sld [smem:$0x3FA4]  }
0x31: {  	[smem:$0x3FAD] =	sst s10  }
0x32: {  	s10 =	sld [smem:$0x3FAB];
	_ =	sdelay $0x3  }
0x33: {  	p0 =	seq.s32 s10, $0x1;
	s10 =	sld [smem:$0x3FAD];
	_ =	sdelay $0x3  }
0x34: {  	[smem:$0x3FAD] =	sst s10  }
0x35: {  	s10 =	sld [smem:$0x3FAC];
	_ =	sdelay $0x3  }
0x36: {  	p1 =	seq.s32 s10, $0x1;
	s10 =	sld [smem:$0x3FAD];
	_ =	sdelay $0x3  }
0x37: {  	[smem:$0x3FAD] =	sst s10  }
0x38: {  	s10 =	sld [smem:$0x3FAE]  }
0x39: {  	_ = 	snop;
	(pc) =	sbr.ind lr, $3  }
0x3a: {  	_ = 	snop  }
0x3b: {  	_ = 	snop  }
0x3c: {  	p2 =	seq.s32 s10, $0x1;
	s10 =	sld [smem:$0x3FAD]  }
0x3d: {  	_ =	shalt  }
0x3e: {  	_ =	shalt  }
0x3f: {  	_ =	shalt  }
0x40: {  	_ =	shalt  }
0x41: {  	_ =	shalt  }
0x42: {  	_ =	shalt  }
0x43: {  	_ =	shalt  }
0x44: {  	_ =	shalt  }
0x45: {  	_ =	shalt  }
0x46: {  	_ =	shalt  }
0x47: {  	_ =	shalt  }
0x48: {  	_ =	shalt  }
0x49: {  	_ =	shalt  }
0x4a: {  	_ =	shalt  }
0x4b: {  	_ =	shalt  }
0x4c: {  	_ =	shalt  }
0x4d: {  	_ =	shalt  }
0x4e: {  	_ =	shalt  }
0x4f: {  	_ =	shalt  }
0x50: {  	_ =	shalt  }
0x51: {  	_ =	shalt  }
0x52: {  	_ =	shalt  }
0x53: {  	_ =	shalt  }
0x54: {  	_ =	shalt  }
0x55: {  	_ =	shalt  }
0x56: {  	_ =	shalt  }
0x57: {  	_ =	shalt  }
0x58: {  	_ =	shalt  }
0x59: {  	_ =	shalt  }
0x5a: {  	_ =	shalt  }
0x5b: {  	_ =	shalt  }
0x5c: {  	_ =	shalt  }
0x5d: {  	_ =	shalt  }
0x5e: {  	_ =	shalt  }
0x5f: {  	_ =	shalt  }
0x60: {  	_ =	shalt  }
0x61: {  	_ =	shalt  }
0x62: {  	_ =	shalt  }
0x63: {  	_ =	shalt  }
0x64: {  	_ =	shalt  }
0x65: {  	_ =	shalt  }
0x66: {  	_ =	shalt  }
0x67: {  	_ =	shalt  }
0x68: {  	_ =	shalt  }
0x69: {  	_ =	shalt  }
0x6a: {  	_ =	shalt  }
0x6b: {  	_ =	shalt  }
0x6c: {  	_ =	shalt  }
0x6d: {  	_ =	shalt  }
0x6e: {  	_ =	shalt  }
0x6f: {  	_ =	shalt  }
0x70: {  	_ =	shalt  }
0x71: {  	_ =	shalt  }
0x72: {  	_ =	shalt  }
0x73: {  	_ =	shalt  }
0x74: {  	_ =	shalt  }
0x75: {  	_ =	shalt  }
0x76: {  	_ =	shalt  }
0x77: {  	_ =	shalt  }
0x78: {  	_ =	shalt  }
0x79: {  	_ =	shalt  }
0x7a: {  	_ =	shalt  }
0x7b: {  	_ =	shalt  }
0x7c: {  	_ =	shalt  }
0x7d: {  	_ =	shalt  }
0x7e: {  	_ =	shalt  }
0x7f: {  	_ =	shalt  }
0x80: {  	_ =	shalt  }
0x81: {  	_ =	shalt  }
0x82: {  	_ =	shalt  }
0x83: {  	_ =	shalt  }
0x84: {  	_ =	shalt  }
0x85: {  	_ =	shalt  }
0x86: {  	_ =	shalt  }
0x87: {  	_ =	shalt  }
.Lfunc_end0:
.L_simem_size_0:
called_computation.4_lowered:
.L_overlay_start_0:
0x88: {  	s2 =	sld [smem:$0x3FD9]  }
0x89: {  	s3 =	sld [smem:$0x3FFE];
	_ =	sdelay $0x1  }
0x8a: {  	s1 =	srdreg.scid  }
0x8b: {  	s0 =	sand.u32 $0x1, s1  }
0x8c: {  	s16 =	sshll.u32 s0, $0xA;
	s2 =	sadd.s32 s3, s2  }
0x8d: {  	s2 =	sadd.s32 s2, s16  }
0x8e: {  	[smem:$0x3FB9] =	sst s2  }
0x8f: {  	_ = 	snop  }
0x90: {  	(tm) =	ssettm $0x1  }
0x91: {  	s17 =	sld [smem:$0x3FFB];
	_ =	sdelay $0x3  }
0x92: {  	_ =	strace s17  }
0x93: {  	s2 =	sld [smem:$0x3FFC];
	_ =	sdelay $0x3  }
0x94: {  	_ =	strace s2  }
0x95: {  	s2 =	sld [smem:$0x3FFD];
	_ =	sdelay $0x3  }
0x96: {  	_ =	strace s2  }
0x97: {  	_ =	strace $0x8FFFFFFF  }
0x98: {  	s18 =	sld [smem:$0x3FDB];
	_ =	sdelay $0x1  }
0x99: {  	s19 =	simm.s32 $_scs_section_size  }
0x9a: {  	s4 =	simm.s32 $_size__tile_overlayer_lowered;
	s5 =	simm.s32 $_tile_overlayer_lowered  }
0x9b: {  	s22 =	simm.s32 $0x1BFF;
	s21 =	sshll.u32 s5, $0x1;
	s2 =	sadd.s32 s19, s18  }
0x9c: {  	s6 =	simm.s32 $0x0;
	s20 =	sshll.u32 s4, $0x1;
	s4 =	sadd.s32 s21, s2  }
0x9d: {  	[timem:s6], [sflag:s22] =	dma.local [hbm:s4], s20  }
0x9e: {  	_ =	swait.ge [sflag:s22], s20  }
0x9f: {  	s3 =	ssub.s32 $0x0, s20;
	[sflag:s22] =	ssyncset.done $0x0  }
0xa0: {  	[sflag:s22] =	ssyncadd.s32 s3;
	_ =	sdelay $0x1  }
0xa1: {  	s23 =	simm.s32 $0x1B8B  }
0xa2: {  	_ =	swait.ge [sflag:s23], $0x1  }
0xa3: {  	[sflag:s23] =	ssyncset.done $0x0  }
0xa4: {  	s25 =	simm.s32 $0x1B8E;
	s24 =	sld [smem:$0x3FFE];
	[sflag:s23] =	ssyncadd.s32 $0xFFFFFFFF  }
0xa5: {  	s26 =	simm.s32 $execute0_lowered;
	[smem:$0x3FD2] =	sst s25  }
0xa6: {  	s4 =	sshll.u32 s26, $0x1;
	_ =	strace $0x80000052;
	[dreg:$0x1] =	wrdreg $0xFFFFFFFF  }
0xa7: {  	s28 =	simm.s32 $_size_execute0_lowered;
	s2 =	sadd.s32 s2, s4;
	[dreg:$0x0] =	wrdreg $0x0  }
0xa8: {  	s4 =	sshll.u32 s28, $0x1;
	[dreg:$0x2] =	wrdreg s2  }
0xa9: {  	[dreg:$0x3] =	wrdreg s4  }
0xaa: {  	[dreg:$0x4] =	wrdreg $0xC0  }
0xab: {  	_ =	task [dreg:s6], $0x5FFFF  }
0xac: {  	[dreg:$0x1] =	wrdreg $0xFFFFFFFF  }
0xad: {  	[dreg:$0x0] =	wrdreg $0x60  }
0xae: {  	[dreg:$0x2] =	wrdreg s24  }
0xaf: {  	[dreg:$0x3] =	wrdreg $0x120000  }
0xb0: {  	[dreg:$0x4] =	wrdreg $0x9  }
0xb1: {  	_ =	task.clear_ibuf [dreg:s6], $0x5FFFF;
	_ =	strace $0x90000052  }
0xb2: {  	s29 =	simm.s32 $0x9;
	_ =	strace $0x80000054  }
0xb3: {  	_ =	swait.ge [sflag:s29], $0x1  }
0xb4: {  	[sflag:s29] =	ssyncadd.s32 $0xFFFFFFFF  }
0xb5: {  	_ =	strace $0x90000054  }
0xb6: {  	_ =	sfence  }
0xb7: {  	s30 =	sld [smem:$0x0];
	_ =	sdelay $0x2  }
0xb8: {  	s31 =	sshll.u32 s1, $0xD;
	s1 =	sshrl.u32 s1, $0x2  }
0xb9: {  	s3 =	sand.u32 $0x4000, s31;
	s1 =	sadd.s32 s1, s30  }
0xba: {  	s0 =	sor.u32 s3, s0;
	s1 =	sshll.u32 s1, $0x11  }
0xbb: {  	s0 =	sor.u32 s1, s0  }
0xbc: {  	s0 =	sadd.s32 $0x8F2B, s0  }
0xbd: {  	[sflag:s0] =	ssyncadd.remote.s32 $0x1  }
0xbe: {  	_ =	sfence.sel $0xFFFF  }
0xbf: {  	[dreg:$0x0] =	wrdreg $0xFFFFFFFF;
	(pc) =	sbr.abs _section_cstart, $3  }
0xc0: {  	[dreg:$0x1] =	wrdreg $0xFFFFFFFF  }
0xc1: {  	_ =	task.clear_ibuf [dreg:s6], $0x2FFFF;
	_ =	strace $0x9FFFFFFF  }
0xc2: {  	(tm) =	ssettm $0x7FFFFFFF  }
0xc3: {  	_ =	shalt  }
tec
execute0_lowered:
.L_overlay_start_1:
0x0: {  	(tag) =	ssettag $0x1  }
0x1: {  	s6 =	rddreg [dreg:$0x0];
	s1 =	stileid.u32  }
0x2: {  	s2 =	rddreg [dreg:$0x1];
	s12 =	smul.u32 $0xA00, s1  }
0x3: {  	s0 =	rddreg [dreg:$0x2];
	s11 =	smul.u32 $0x140, s1  }
0x4: {  	s4 =	srdreg.scid;
	s3 =	simm.s32 $0x0;
	s13 =	smul.u32 $0x28000, s1  }
0x5: {  	s16 =	simm.s32 $0xA000;
	s7 =	sand.u32 $0x1, s4;
	s18 =	smul.u32 $0x1400, s1  }
0x6: {  	s17 =	simm.s32 $0x1;
	[smem:$0x7FF] =	sst s3;
	s5 =	smul.u32 $0xA000, s7  }
0x7: {  	s4 =	sadd.s32 $0x2D600, s6;
	s10 =	smul.u32 $0x14000, s7;
	s7 =	ssub.s32 $0x2, s7  }
0x8: {  	_ =	strace $0x80000053;
	s8 =	sadd.s32 s12, s6;
	s26 =	sshrl.u32 s7, $0x1  }
0x9: {  	s28 =	sshrl.u32 s13, $0x2;
	s29 =	sadd.s32 $0x80, s11;
	s11 =	sadd.s32 $0x100, s11  }
0xa: {  	s13 =	simm.s32 $0x5000;
	s9 =	sadd.s32 s5, s6;
	s5 =	sadd.s32 $0x4E00, s6  }
0xb: {  	s10 =	sadd.s32 s10, s6;
	s14 =	ssub.s32 s7, s26;
	s6 =	sadd.s32 $0xF600, s8  }
0xc: {  	s7 =	sadd.s32 s28, s2;
	s30 =	sshll.u32 s29, $0x7;
	s31 =	sshll.u32 s11, $0x7  }
0xd: {  	s19 =	sshll.u32 s29, $0x4;
	s21 =	sshll.u32 s11, $0x4;
	s11 =	simm.s32 $0x2  }
0xe: {  	s15 =	sadd.s32 $0x19600, s9;
	s8 =	sadd.s32 s30, s2;
	s9 =	sadd.s32 s31, s2  }
0xf: {  	s20 =	sadd.s32 $0x54800, s10;
	s10 =	smax.u32 s14, $0x1;
	s14 =	simm.s32 $0xE000  }
0x10: {  	s12 =	sadd.s32 s12, s15;
	s15 =	simm.s32 $0x80;
	s18 =	sadd.s32 s18, s20  }
0x11: {  	s19 =	sadd.s32 s19, s20;
	s20 =	sadd.s32 s21, s20;
	s21 =	simm.s32 $0x0  }
.LBB2_1:
0x12: {  	[tilespmem:s3], [sflag:$0x2] =	stream.linear.gather [hbm4b:s6+s3], $0x4E80, $0x38;
	[tilespmem:$0x1C000] =	vst v63  }
0x13: {  	_ =	swait.ge [sflag:s11], $0x4E80  }
0x14: {  	[sflag:s11] =	ssyncset.done $0x0  }
0x15: {  	[sflag:s11] =	ssyncadd.s32 $0xFFFFB180  }
0x16: {  	[tilespmem:s13], [sflag:$0x2] =	stream.linear.gather [hbm4b:s12+s3], $0x4E80, $0x38;
	[tilespmem:$0x1C000] =	vst v63  }
0x17: {  	_ =	swait.ge [sflag:s11], $0x4E80  }
0x18: {  	[sflag:s11] =	ssyncset.done $0x0  }
0x19: {  	[sflag:s11] =	ssyncadd.s32 $0xFFFFB180  }
0x1a: {  	[tilespmem:s14], [sflag:$0x2] =	stream.linear.gather [hbm4b:s5+s3], $0x4000, $0x38;
	[tilespmem:$0x1C000] =	vst v63  }
0x1b: {  	_ =	swait.ge [sflag:s11], $0x4000  }
0x1c: {  	[sflag:s11] =	ssyncset.done $0x0  }
0x1d: {  	[sflag:s11] =	ssyncadd.s32 $0xFFFFC000  }
0x1e: {  	[spmem:s7] =	stream.linear.scatter [tilespmem:s14], [sflag:$0x2], $0x4000, $0x38;
	[tilespmem:$0x1C000] =	vst v63  }
0x1f: {  	_ =	swait.ge [sflag:s11], $0x4000  }
0x20: {  	[sflag:s11] =	ssyncset.done $0x0  }
0x21: {  	[sflag:s11] =	ssyncadd.s32 $0xFFFFC000  }
0x22: {  	[spmem:s8] =	stream.linear.scatter [tilespmem:s14], [sflag:$0x2], $0x4000, $0x38;
	[tilespmem:$0x1C000] =	vst v63  }
0x23: {  	_ =	swait.ge [sflag:s11], $0x4000  }
0x24: {  	[sflag:s11] =	ssyncset.done $0x0  }
0x25: {  	[sflag:s11] =	ssyncadd.s32 $0xFFFFC000  }
0x26: {  	[spmem:s9] =	stream.linear.scatter [tilespmem:s14], [sflag:$0x2], $0x2000, $0x38;
	[tilespmem:$0x1C000] =	vst v63  }
0x27: {  	_ =	swait.ge [sflag:s11], $0x2000  }
0x28: {  	[sflag:s11] =	ssyncset.done $0x0  }
0x29: {  	[sflag:s11] =	ssyncadd.s32 $0xFFFFE000  }
0x2a: {  	s22 =	simm.s32 $0x0;
	[bflag:$0x0] =	sbarrier.arrive $0xFFFF  }
0x2b: {  	[tilespmem:s16], [sflag:$0x1] =	stream.indirect.gather [hbm4b:s4+s15], $0x80, s22, s15, $0xb8;
	[tilespmem:$0x1C000] =	vst v63  }
0x2c: {  	_ =	swait.ge [sflag:s17], $0x4000  }
0x2d: {  	[sflag:s17] =	ssyncset.done $0x0  }
0x2e: {  	s31 =	simm.s32 $0x5000;
	[sflag:s17] =	ssyncadd.s32 $0xFFFFC000  }
0x2f: {  	[spmem:s2] =	stream.indirect.scatter.add.f32 [tilespmem:s16], [sflag:$0x2], $0x80, s31, s15, $0xb8;
	[tilespmem:$0x1C000] =	vst v63  }
0x30: {  	_ =	swait.ge [sflag:s11], $0x4000  }
0x31: {  	s23 =	simm.s32 $0x400;
	s22 =	simm.s32 $0x200;
	[sflag:s11] =	ssyncset.done $0x0  }
.LBB2_2:
0x32: {  	s24 =	sshra.s32 s22, $0x2  }
0x33: {  	[sflag:s11] =	ssyncadd.s32 $0xFFFFC000;
	s22 =	smov.u32 s23;
	s25 =	sadd.s32 $0x200, s23  }
0x34: {  	[tilespmem:s16], [sflag:$0x1] =	stream.indirect.gather [hbm4b:s4+s15], $0x80, s24, s15, $0xb8;
	[tilespmem:$0x1C000] =	vst v63  }
0x35: {  	p0 =	sne.s32 s23, $0x13800;
	_ =	swait.ge [sflag:s17], $0x4000  }
.Ltmp0:
0x36: {  	[sflag:s17] =	ssyncset.done $0x0;
	(pc) =	sbr.rel @p0 .LBB2_2-.Ltmp0, $4  }
0x37: {  	s23 =	sadd.s32 $0x5000, s24;
	[sflag:s17] =	ssyncadd.s32 $0xFFFFC000  }
0x38: {  	[spmem:s2] =	stream.indirect.scatter.add.f32 [tilespmem:s16], [sflag:$0x2], $0x80, s23, s15, $0xb8;
	[tilespmem:$0x1C000] =	vst v63  }
0x39: {  	_ =	swait.ge [sflag:s11], $0x4000  }
0x3a: {  	s23 =	smov.u32 s25;
	[sflag:s11] =	ssyncset.done $0x0  }
0x3b: {  	s22 =	sshra.s32 s22, $0x2;
	[sflag:s11] =	ssyncadd.s32 $0xFFFFC000  }
0x3c: {  	[tilespmem:s16], [sflag:$0x1] =	stream.indirect.gather [hbm4b:s4+s15], $0x80, s22, s15, $0xb8;
	[tilespmem:$0x1C000] =	vst v63  }
0x3d: {  	_ =	swait.ge [sflag:s17], $0x4000  }
0x3e: {  	[sflag:s17] =	ssyncset.done $0x0  }
0x3f: {  	s22 =	sadd.s32 $0x5000, s22;
	[sflag:s17] =	ssyncadd.s32 $0xFFFFC000  }
0x40: {  	[spmem:s2] =	stream.indirect.scatter.add.f32 [tilespmem:s16], [sflag:$0x2], $0x80, s22, s15, $0xb8;
	[tilespmem:$0x1C000] =	vst v63  }
0x41: {  	_ =	swait.ge [sflag:s11], $0x4000  }
0x42: {  	[sflag:s11] =	ssyncset.done $0x0  }
0x43: {  	[sflag:s11] =	ssyncadd.s32 $0xFFFFC000  }
0x44: {  	[bflag:$0x0] =	sbarrier.arrive $0xFFFF  }
0x45: {  	[tilespmem:s14], [sflag:$0x2] =	stream.linear.gather [spmem:s7], $0x4000, $0x38;
	[tilespmem:$0x1C000] =	vst v63  }
0x46: {  	_ =	swait.ge [sflag:s11], $0x4000  }
0x47: {  	[sflag:s11] =	ssyncset.done $0x0  }
0x48: {  	[sflag:s11] =	ssyncadd.s32 $0xFFFFC000  }
0x49: {  	[hbm4b:s18+s3] =	stream.linear.scatter [tilespmem:s14], [sflag:$0x2], $0x4000, $0x38;
	[tilespmem:$0x1C000] =	vst v63  }
0x4a: {  	_ =	swait.ge [sflag:s11], $0x4000  }
0x4b: {  	[sflag:s11] =	ssyncset.done $0x0  }
0x4c: {  	[sflag:s11] =	ssyncadd.s32 $0xFFFFC000  }
0x4d: {  	[tilespmem:s14], [sflag:$0x2] =	stream.linear.gather [spmem:s8], $0x4000, $0x38;
	[tilespmem:$0x1C000] =	vst v63  }
0x4e: {  	_ =	swait.ge [sflag:s11], $0x4000  }
0x4f: {  	[sflag:s11] =	ssyncset.done $0x0  }
0x50: {  	[sflag:s11] =	ssyncadd.s32 $0xFFFFC000  }
0x51: {  	[hbm4b:s19+s3] =	stream.linear.scatter [tilespmem:s14], [sflag:$0x2], $0x4000, $0x38;
	[tilespmem:$0x1C000] =	vst v63  }
0x52: {  	_ =	swait.ge [sflag:s11], $0x4000  }
0x53: {  	[sflag:s11] =	ssyncset.done $0x0  }
0x54: {  	[sflag:s11] =	ssyncadd.s32 $0xFFFFC000  }
0x55: {  	[tilespmem:s14], [sflag:$0x2] =	stream.linear.gather [spmem:s9], $0x2000, $0x38;
	[tilespmem:$0x1C000] =	vst v63  }
0x56: {  	s21 =	sadd.s32 $0x1, s21;
	_ =	swait.ge [sflag:s11], $0x2000  }
0x57: {  	p0 =	sne.s32 s21, s10;
	[sflag:s11] =	ssyncset.done $0x0  }
.Ltmp1:
0x58: {  	[sflag:s11] =	ssyncadd.s32 $0xFFFFE000;
	(pc) =	sbr.rel @p0 .LBB2_1-.Ltmp1, $4  }
0x59: {  	[hbm4b:s20+s3] =	stream.linear.scatter [tilespmem:s14], [sflag:$0x2], $0x2000, $0x38;
	[tilespmem:$0x1C000] =	vst v63  }
0x5a: {  	_ =	swait.ge [sflag:s11], $0x2000  }
0x5b: {  	[sflag:s11] =	ssyncset.done $0x0  }
0x5c: {  	[sflag:s11] =	ssyncadd.s32 $0xFFFFE000  }
0x5d: {  	_ =	sfence.sel $0x180000  }
0x5e: {  	[bflag:$0x0] =	sbarrier.arrive $0xFFFF  }
0x5f: {  	p0 =	sne.s32 s1, $0x0;
	_ =	strace $0x90000053  }
0x60: {  	s0 =	sadd.s32 @!p0 $0x100000, s0;
	[bflag:$0x2] =	sbarrier.arrive $0xFFFF  }
0x61: {  	[sflag:s0] =	ssyncadd.tile.s32 @!p0 $0x1;
	_ =	shalt  }
.Lfunc_end2:
_tile_overlayer_lowered:
.L_overlay_start_2:
0x62: {  	(tag) =	ssettag $0x2  }
0x63: {  	s0 =	rddreg [dreg:$0x0];
	s2 =	stileid.u32  }
0x64: {  	s1 =	rddreg [dreg:$0x1];
	p0 =	sne.s32 s2, $0x0  }
0x65: {  	s3 =	rddreg [dreg:$0x2];
	[bflag:$0x3] =	sbarrier.arrive $0xFFFF;
	s2 =	simm.s32 @!p0 $0x1C02  }
0x66: {  	[timem:s3], [sflag:s2] =	dma.local @!p0 [hbm:s0], s1  }
0x67: {  	s0 =	simm.s32 @!p0 $0x2  }
0x68: {  	_ =	swait.ge @!p0 [sflag:s0], s1  }
0x69: {  	s1 =	ssub.s32 @!p0 $0x0, s1;
	[sflag:s0] =	ssyncset.done @!p0 $0x0  }
0x6a: {  	[sflag:s0] =	ssyncadd.s32 @!p0 s1  }
0x6b: {  	[bflag:$0x3] =	sbarrier.arrive $0xFFFF  }
0x6c: {  	_ =	shalt  }

</sc_bundles>
